<compile_context>
chip_gen: v7x
topology: tpu7x:2x2x1
jax: 0.10.2.dev20260603
libtpu: 0.0.44.dev20260713+nightly
codegen_flags: <defaults>
</compile_context>

<pallas_src>
import functools

import jax
import jax.numpy as jnp
from jax import lax
from jax.experimental import pallas as pl
from jax.experimental.pallas import tpu as pltpu
from jax.experimental.pallas import tpu_sc as plsc

N, M, E, D = 10000, 2500, 320000, 128
NUM_LAYERS = 3

NCORES = 2
SUB = 16
NTILES = NCORES * SUB
CHUNK = 128
LANES = 16
PER_TILE = -(-E // (NTILES * CHUNK)) * CHUNK
E_PAD = PER_TILE * NTILES
CH_PER_TILE = PER_TILE // CHUNK
M_ACC = 2560
N_ACC = 10112
F32 = jnp.float32

_MESH = plsc.VectorSubcoreMesh(core_axis_name="c", subcore_axis_name="s")


def _copy_idx(staged, c, dst):
    for j in range(CHUNK // LANES):
        dst[pl.ds(j * LANES, LANES)] = staged[c, 0, pl.ds(j * LANES, LANES)]


def _make_seg_sum(s_acc):
    stripe = s_acc // SUB

    @functools.partial(
        pl.kernel,
        out_type=jax.ShapeDtypeStruct((NCORES, s_acc, D), F32),
        mesh=_MESH,
        scratch_types=[
            pltpu.VMEM((CH_PER_TILE, 1, CHUNK), jnp.int32),
            pltpu.VMEM((CH_PER_TILE, 1, CHUNK), jnp.int32),
            pltpu.VMEM((CHUNK,), jnp.int32),
            pltpu.VMEM((CHUNK,), jnp.int32),
            pltpu.VMEM((CHUNK, D), F32),
            pltpu.VMEM_SHARED((s_acc, D), F32),
            pltpu.SemaphoreType.DMA,
        ],
    )
    def seg_sum(table, src_idx, dst_idx, zeros, out_acc,
                srcv, dstv, sbuf, dbuf, rows, acc, sem):
        cid = lax.axis_index("c")
        sid = lax.axis_index("s")
        wid = sid * NCORES + cid
        r0 = sid * stripe
        pltpu.sync_copy(zeros.at[pl.ds(0, stripe)], acc.at[pl.ds(r0, stripe)])
        row0 = wid * CH_PER_TILE
        pltpu.sync_copy(src_idx.at[pl.ds(row0, CH_PER_TILE)], srcv)
        pltpu.sync_copy(dst_idx.at[pl.ds(row0, CH_PER_TILE)], dstv)
        plsc.subcore_barrier()

        def step(c, carry):
            _copy_idx(srcv, c, sbuf)
            _copy_idx(dstv, c, dbuf)
            pltpu.async_copy(table.at[sbuf], rows, sem).wait()
            pltpu.sync_copy(rows, acc.at[dbuf], add=True)
            return carry

        lax.fori_loop(0, CH_PER_TILE, step, 0)
        plsc.subcore_barrier()
        pltpu.sync_copy(acc.at[pl.ds(r0, stripe)],
                        out_acc.at[cid, pl.ds(r0, stripe)])

    return seg_sum


_seg_sum_edge = _make_seg_sum(M_ACC)
_seg_sum_node = _make_seg_sum(N_ACC)


def _make_seg_count(s_acc):
    stripe = s_acc // SUB

    @functools.partial(
        pl.kernel,
        out_type=jax.ShapeDtypeStruct((NCORES, s_acc, D), F32),
        mesh=_MESH,
        scratch_types=[
            pltpu.VMEM((CH_PER_TILE, 1, CHUNK), jnp.int32),
            pltpu.VMEM((CHUNK,), jnp.int32),
            pltpu.VMEM((CHUNK, D), F32),
            pltpu.VMEM_SHARED((s_acc, D), F32),
        ],
    )
    def seg_count(dst_idx, ones_hbm, zeros, out_cnt, dstv, dbuf, ones_v, acc):
        cid = lax.axis_index("c")
        sid = lax.axis_index("s")
        wid = sid * NCORES + cid
        r0 = sid * stripe
        pltpu.sync_copy(zeros.at[pl.ds(0, stripe)], acc.at[pl.ds(r0, stripe)])
        pltpu.sync_copy(ones_hbm, ones_v)
        pltpu.sync_copy(dst_idx.at[pl.ds(wid * CH_PER_TILE, CH_PER_TILE)],
                        dstv)
        plsc.subcore_barrier()

        def step(c, carry):
            _copy_idx(dstv, c, dbuf)
            pltpu.sync_copy(ones_v, acc.at[dbuf], add=True)
            return carry

        lax.fori_loop(0, CH_PER_TILE, step, 0)
        plsc.subcore_barrier()
        pltpu.sync_copy(acc.at[pl.ds(r0, stripe)],
                        out_cnt.at[cid, pl.ds(r0, stripe)])

    return seg_count


_cnt_edge = _make_seg_count(M_ACC)
_cnt_node = _make_seg_count(N_ACC)


def _dot(a, w):
    return lax.dot_general(a, w, (((1,), (0,)), ((), ())),
                           precision=lax.Precision.HIGHEST,
                           preferred_element_type=F32)


def _feat(x, w, b):
    def body(x_ref, w_ref, b_ref, o_ref):
        o_ref[...] = _dot(x_ref[...], w_ref[...]) + b_ref[...][None, :]

    return pl.pallas_call(
        body, out_shape=jax.ShapeDtypeStruct((N_ACC, D), F32))(x, w, b)


def _edge_mlp(acc, cnt, w, b):
    def body(a_ref, c_ref, w_ref, b_ref, o_ref):
        s = a_ref[0] + a_ref[1]
        c = jnp.maximum(c_ref[0] + c_ref[1], 1.0)
        o_ref[...] = jax.nn.gelu(_dot(s / c, w_ref[...]) + b_ref[...][None, :])

    return pl.pallas_call(
        body, out_shape=jax.ShapeDtypeStruct((M_ACC, D), F32))(acc, cnt, w, b)


_NBLK = N_ACC // 8


def _node_mlp(acc, cnt, w, b, h, hsum):
    def body(a_ref, c_ref, w_ref, b_ref, h_ref, s_ref, oh_ref, os_ref):
        s = a_ref[0] + a_ref[1]
        c = jnp.maximum(c_ref[0] + c_ref[1], 1.0)
        hn = jax.nn.gelu(_dot(s / c, w_ref[...]) + b_ref[...][None, :])
        hn = hn + h_ref[...]
        oh_ref[...] = hn
        os_ref[...] = s_ref[...] + hn

    row_spec = pl.BlockSpec((_NBLK, D), lambda i: (i, 0))
    return pl.pallas_call(
        body,
        grid=(N_ACC // _NBLK,),
        in_specs=[pl.BlockSpec((NCORES, _NBLK, D), lambda i: (0, i, 0)),
                  pl.BlockSpec((NCORES, _NBLK, D), lambda i: (0, i, 0)),
                  pl.BlockSpec((D, D), lambda i: (0, 0)),
                  pl.BlockSpec((D,), lambda i: (0,)),
                  row_spec, row_spec],
        out_specs=(row_spec, row_spec),
        out_shape=(jax.ShapeDtypeStruct((N_ACC, D), F32),
                   jax.ShapeDtypeStruct((N_ACC, D), F32)),
    )(acc, cnt, w, b, h, hsum)


def _final_mean(hsum):
    def body(s_ref, o_ref):
        o_ref[...] = jnp.sum(s_ref[0:N, :], axis=0, keepdims=True) * (1.0 / N)

    return pl.pallas_call(
        body, out_shape=jax.ShapeDtypeStruct((1, D), F32))(hsum)


def kernel(x, node_idx, edge_idx, W_feat, b_feat, W_edge, b_edge,
           W_node, b_node):
    pad = E_PAD - E
    ni = jnp.concatenate(
        [node_idx.astype(jnp.int32), jnp.full((pad,), N, jnp.int32)])
    ei = jnp.concatenate(
        [edge_idx.astype(jnp.int32), jnp.full((pad,), M, jnp.int32)])
    ni = ni.reshape(E_PAD // CHUNK, 1, CHUNK)
    ei = ei.reshape(E_PAD // CHUNK, 1, CHUNK)
    xp = jnp.pad(x, ((0, N_ACC - N), (0, 0)))
    zeros = jnp.zeros((N_ACC // SUB, D), F32)
    ones_r = jnp.ones((CHUNK, D), F32)

    cnt_e = _cnt_edge(ei, ones_r, zeros)
    cnt_n = _cnt_node(ni, ones_r, zeros)
    h = _feat(xp, W_feat, b_feat)
    hsum = jnp.zeros((N_ACC, D), F32)
    for _ in range(NUM_LAYERS):
        eacc = _seg_sum_edge(h, ni, ei, zeros)
        m = _edge_mlp(eacc, cnt_e, W_edge, b_edge)
        nacc = _seg_sum_node(m, ei, ni, zeros)
        h, hsum = _node_mlp(nacc, cnt_n, W_node, b_node, h, hsum)
    return _final_mean(hsum)

# --- scband reference (transcript-rebuilt; emitter-appended) ---
"""Pipeline reference for scband-hyper-graph-model-206158430616 (READ-ONLY COPY).

The authoritative reference and input builder live on the scoring server;
editing this copy changes nothing except your own understanding.
"""

import jax, jax.numpy as jnp
import numpy as np

N, M, E, D = 10000, 2500, 320000, 128
NUM_HGLAYERS = 3

def setup_inputs(seed: int = 0) -> dict:
    key = jax.random.key(seed)
    ks = jax.random.split(key, 10)
    x = jax.random.normal(ks[0], (N, D), dtype=jnp.float32)
    node_idx = jax.random.randint(ks[1], (E,), 0, N, dtype=jnp.int64)
    edge_idx = jax.random.randint(ks[2], (E,), 0, M, dtype=jnp.int64)
    W_feat = jax.random.normal(ks[3], (D, D), dtype=jnp.float32) * 0.05
    b_feat = jnp.zeros((D,), dtype=jnp.float32)
    W_edge = jax.random.normal(ks[4], (D, D), dtype=jnp.float32) * 0.05
    b_edge = jnp.zeros((D,), dtype=jnp.float32)
    W_node = jax.random.normal(ks[5], (D, D), dtype=jnp.float32) * 0.05
    b_node = jnp.zeros((D,), dtype=jnp.float32)
    return {"x": x, "node_idx": node_idx, "edge_idx": edge_idx,
            "W_feat": W_feat, "b_feat": b_feat,
            "W_edge": W_edge, "b_edge": b_edge,
            "W_node": W_node, "b_node": b_node}

def _segment_mean(data, ids, num_segments):
    s = jax.ops.segment_sum(data, ids, num_segments=num_segments)
    c = jax.ops.segment_sum(jnp.ones((data.shape[0],), dtype=data.dtype), ids, num_segments=num_segments)
    return s / jnp.clip(c, 1.0, None)[:, None]

def reference(x, node_idx, edge_idx, W_feat, b_feat, W_edge, b_edge, W_node, b_node):
    # HyperGraphFeaturizer: node feature projection
    h = x @ W_feat + b_feat
    outputs = []
    # HyperGraphLayer applied num_hglayers times with SHARED weights (same nn.Module reused)
    for _ in range(NUM_HGLAYERS):
        # node -> hyperedge aggregation (gather + segment mean)
        gathered = jnp.take(h, node_idx, axis=0)
        m = _segment_mean(gathered, edge_idx, M)
        m = jax.nn.gelu(m @ W_edge + b_edge)
        # hyperedge -> node aggregation (gather + segment mean)
        back = jnp.take(m, edge_idx, axis=0)
        agg = _segment_mean(back, node_idx, N)
        h = jax.nn.gelu(agg @ W_node + b_node) + h
        outputs.append(h)
    # parallel_output=True: sum the per-layer outputs
    out = jnp.sum(jnp.stack(outputs, axis=0), axis=0)
    # global_mean_pool with batch = zeros -> mean over all nodes, single graph
    out = jnp.mean(out, axis=0, keepdims=True)
    return out

if __name__ == "__main__":
    import jax
    _d = setup_inputs()
    print(jax.jit(kernel)(*tuple(_d.values())))

</pallas_src>

<mosaic_0001>
#map = affine_map<(d0, d1) -> (0, 0, 0)>
#map1 = affine_map<(d0, d1) -> (0, 0)>
module attributes {stable_mosaic.version = 14 : i64} {
  func.func @seg_count(%arg0: i32, %arg1: i32, %arg2: memref<2528x1x128xi32, #tpu.memory_space<hbm>>, %arg3: memref<128x128xf32, #tpu.memory_space<hbm>>, %arg4: memref<632x128xf32, #tpu.memory_space<hbm>>, %arg5: memref<2x2560x128xf32, #tpu.memory_space<hbm>>, %arg6: memref<79x1x128xi32, #tpu.memory_space<vmem>>, %arg7: memref<128xi32, #tpu.memory_space<vmem>>, %arg8: memref<128x128xf32, #tpu.memory_space<vmem>>, %arg9: memref<2560x128xf32, #tpu.memory_space<vmem_shared>>) attributes {dimension_semantics = [#tpu.dimension_semantics<core_parallel>, #tpu.dimension_semantics<subcore_parallel>], iteration_bounds = array<i64: 2, 16>, scalar_prefetch = 0 : i64, scratch_operands = 4 : i64, tpu.core_type = #tpu.core_type<sc_vector_subcore>, window_params = [{transform_indices = #map}, {transform_indices = #map1}, {transform_indices = #map1}, {transform_indices = #map}]} {
    %mul3A = arith.constant 2 : i32
    %mul3A_0 = arith.muli %arg1, %mul3A : i32
    %add3A = arith.addi %mul3A_0, %arg0 : i32
    %mul3A_1 = arith.constant 160 : i32
    %mul3A_2 = arith.muli %arg1, %mul3A_1 : i32
    "tpu.region"() ({
      %run_scoped3A = tpu.sem_alloc : memref<!tpu.dma_semaphore, #tpu.memory_space<semaphore_mem>>
      %dma_start3A = arith.constant 0 : i32
      %dma_start3A_11 = tpu.memref_slice %arg9[%mul3A_2, %dma_start3A] : memref<2560x128xf32, #tpu.memory_space<vmem_shared>> -> memref<160x128xf32, #tpu.memory_space<vmem_shared>>
      %dma_start3A_12 = arith.constant 0 : i32
      %dma_start3A_13 = arith.constant 0 : i32
      %dma_start3A_14 = tpu.memref_slice %arg4[%dma_start3A_12, %dma_start3A_13] : memref<632x128xf32, #tpu.memory_space<hbm>> -> memref<160x128xf32, #tpu.memory_space<hbm>>
      tpu.enqueue_dma source(%dma_start3A_14 : memref<160x128xf32, #tpu.memory_space<hbm>>) target(%dma_start3A_11 : memref<160x128xf32, #tpu.memory_space<vmem_shared>>) target_semaphore(%run_scoped3A : memref<!tpu.dma_semaphore, #tpu.memory_space<semaphore_mem>>)
      %dma_wait3A = arith.constant 0 : i32
      %dma_wait3A_15 = tpu.memref_slice %arg9[%mul3A_2, %dma_wait3A] : memref<2560x128xf32, #tpu.memory_space<vmem_shared>> -> memref<160x128xf32, #tpu.memory_space<vmem_shared>>
      %dma_wait3A_16 = arith.constant 0 : i32
      %dma_wait3A_17 = arith.constant 0 : i32
      %dma_wait3A_18 = tpu.memref_slice %arg4[%dma_wait3A_16, %dma_wait3A_17] : memref<632x128xf32, #tpu.memory_space<hbm>> -> memref<160x128xf32, #tpu.memory_space<hbm>>
      tpu.wait_dma2 semaphore(%run_scoped3A : memref<!tpu.dma_semaphore, #tpu.memory_space<semaphore_mem>>) src(%dma_wait3A_18 : memref<160x128xf32, #tpu.memory_space<hbm>>) dst(%dma_wait3A_15 : memref<160x128xf32, #tpu.memory_space<vmem_shared>>)
      tpu.yield
    }) : () -> ()
    "tpu.region"() ({
      %run_scoped3A = tpu.sem_alloc : memref<!tpu.dma_semaphore, #tpu.memory_space<semaphore_mem>>
      tpu.enqueue_dma source(%arg3 : memref<128x128xf32, #tpu.memory_space<hbm>>) target(%arg8 : memref<128x128xf32, #tpu.memory_space<vmem>>) target_semaphore(%run_scoped3A : memref<!tpu.dma_semaphore, #tpu.memory_space<semaphore_mem>>)
      tpu.wait_dma2 semaphore(%run_scoped3A : memref<!tpu.dma_semaphore, #tpu.memory_space<semaphore_mem>>) src(%arg3 : memref<128x128xf32, #tpu.memory_space<hbm>>) dst(%arg8 : memref<128x128xf32, #tpu.memory_space<vmem>>)
      tpu.yield
    }) : () -> ()
    %mul3A_3 = arith.constant 79 : i32
    %mul3A_4 = arith.muli %add3A, %mul3A_3 : i32
    "tpu.region"() ({
      %run_scoped3A = tpu.sem_alloc : memref<!tpu.dma_semaphore, #tpu.memory_space<semaphore_mem>>
      %dma_start3A = arith.constant 0 : i32
      %dma_start3A_11 = arith.constant 0 : i32
      %dma_start3A_12 = tpu.memref_slice %arg2[%mul3A_4, %dma_start3A, %dma_start3A_11] : memref<2528x1x128xi32, #tpu.memory_space<hbm>> -> memref<79x1x128xi32, #tpu.memory_space<hbm>>
      %dma_start3A_13 = arith.constant 0 : i32
      %dma_start3A_14 = arith.constant 0 : i32
      %dma_start3A_15 = tpu.memref_slice %arg2[%mul3A_4, %dma_start3A_13, %dma_start3A_14] : memref<2528x1x128xi32, #tpu.memory_space<hbm>> -> memref<79x1x128xi32, #tpu.memory_space<hbm>>
      tpu.enqueue_dma source(%dma_start3A_15 : memref<79x1x128xi32, #tpu.memory_space<hbm>>) target(%arg6 : memref<79x1x128xi32, #tpu.memory_space<vmem>>) target_semaphore(%run_scoped3A : memref<!tpu.dma_semaphore, #tpu.memory_space<semaphore_mem>>)
      %dma_wait3A = arith.constant 0 : i32
      %dma_wait3A_16 = arith.constant 0 : i32
      %dma_wait3A_17 = tpu.memref_slice %arg2[%mul3A_4, %dma_wait3A, %dma_wait3A_16] : memref<2528x1x128xi32, #tpu.memory_space<hbm>> -> memref<79x1x128xi32, #tpu.memory_space<hbm>>
      %dma_wait3A_18 = arith.constant 0 : i32
      %dma_wait3A_19 = arith.constant 0 : i32
      %dma_wait3A_20 = tpu.memref_slice %arg2[%mul3A_4, %dma_wait3A_18, %dma_wait3A_19] : memref<2528x1x128xi32, #tpu.memory_space<hbm>> -> memref<79x1x128xi32, #tpu.memory_space<hbm>>
      tpu.wait_dma2 semaphore(%run_scoped3A : memref<!tpu.dma_semaphore, #tpu.memory_space<semaphore_mem>>) src(%dma_wait3A_20 : memref<79x1x128xi32, #tpu.memory_space<hbm>>) dst(%arg6 : memref<79x1x128xi32, #tpu.memory_space<vmem>>)
      tpu.yield
    }) : () -> ()
    %barrier3A = arith.constant 0 : index
    tpu.barrier barrier_id(%barrier3A)
    %scan3A = arith.constant 0 : i32
    %scan3A_5 = arith.constant 0 : i32
    %scan3A_6 = arith.constant 79 : i32
    %scan3A_7 = arith.addi %scan3A_5, %scan3A_6 : i32
    %scan3A_8 = arith.constant 1 : i32
    scf.for %scan3A_11 = %scan3A_5 to %scan3A_7 step %scan3A_8  : i32 {
      %get3A = arith.constant 0 : i32
      %get3A_12 = arith.index_cast %scan3A_11 : i32 to index
      %get3A_13 = arith.index_cast %get3A : i32 to index
      %get3A_14 = arith.constant 0 : index
      %get3A_15 = tpu.vector_load %arg6[%get3A_12, %get3A_13, %get3A_14] {strides = array<i32>} : memref<79x1x128xi32, #tpu.memory_space<vmem>>, vector<1x1x16xi32>,
      %get3A_16 = vector.shape_cast %get3A_15 : vector<1x1x16xi32> to vector<16xi32>
      %swap3A = arith.constant 0 : index
      %swap3A_17 = tpu.vector_load %arg7[%swap3A] {strides = array<i32>} : memref<128xi32, #tpu.memory_space<vmem>>, vector<16xi32>,
      %swap3A_18 = vector.shape_cast %swap3A_17 : vector<16xi32> to vector<16xi32>
      %swap3A_19 = vector.shape_cast %get3A_16 : vector<16xi32> to vector<16xi32>
      tpu.vector_store %arg7[%swap3A], %swap3A_19 {strides = array<i32>} : memref<128xi32, #tpu.memory_space<vmem>>, vector<16xi32>,
      %get3A_20 = arith.constant 0 : i32
      %get3A_21 = arith.index_cast %scan3A_11 : i32 to index
      %get3A_22 = arith.index_cast %get3A_20 : i32 to index
      %get3A_23 = arith.constant 16 : index
      %get3A_24 = tpu.vector_load %arg6[%get3A_21, %get3A_22, %get3A_23] {strides = array<i32>} : memref<79x1x128xi32, #tpu.memory_space<vmem>>, vector<1x1x16xi32>,
      %get3A_25 = vector.shape_cast %get3A_24 : vector<1x1x16xi32> to vector<16xi32>
      %swap3A_26 = arith.constant 16 : index
      %swap3A_27 = tpu.vector_load %arg7[%swap3A_26] {strides = array<i32>} : memref<128xi32, #tpu.memory_space<vmem>>, vector<16xi32>,
      %swap3A_28 = vector.shape_cast %swap3A_27 : vector<16xi32> to vector<16xi32>
      %swap3A_29 = vector.shape_cast %get3A_25 : vector<16xi32> to vector<16xi32>
      tpu.vector_store %arg7[%swap3A_26], %swap3A_29 {strides = array<i32>} : memref<128xi32, #tpu.memory_space<vmem>>, vector<16xi32>,
      %get3A_30 = arith.constant 0 : i32
      %get3A_31 = arith.index_cast %scan3A_11 : i32 to index
      %get3A_32 = arith.index_cast %get3A_30 : i32 to index
      %get3A_33 = arith.constant 32 : index
      %get3A_34 = tpu.vector_load %arg6[%get3A_31, %get3A_32, %get3A_33] {strides = array<i32>} : memref<79x1x128xi32, #tpu.memory_space<vmem>>, vector<1x1x16xi32>,
      %get3A_35 = vector.shape_cast %get3A_34 : vector<1x1x16xi32> to vector<16xi32>
      %swap3A_36 = arith.constant 32 : index
      %swap3A_37 = tpu.vector_load %arg7[%swap3A_36] {strides = array<i32>} : memref<128xi32, #tpu.memory_space<vmem>>, vector<16xi32>,
      %swap3A_38 = vector.shape_cast %swap3A_37 : vector<16xi32> to vector<16xi32>
      %swap3A_39 = vector.shape_cast %get3A_35 : vector<16xi32> to vector<16xi32>
      tpu.vector_store %arg7[%swap3A_36], %swap3A_39 {strides = array<i32>} : memref<128xi32, #tpu.memory_space<vmem>>, vector<16xi32>,
      %get3A_40 = arith.constant 0 : i32
      %get3A_41 = arith.index_cast %scan3A_11 : i32 to index
      %get3A_42 = arith.index_cast %get3A_40 : i32 to index
      %get3A_43 = arith.constant 48 : index
      %get3A_44 = tpu.vector_load %arg6[%get3A_41, %get3A_42, %get3A_43] {strides = array<i32>} : memref<79x1x128xi32, #tpu.memory_space<vmem>>, vector<1x1x16xi32>,
      %get3A_45 = vector.shape_cast %get3A_44 : vector<1x1x16xi32> to vector<16xi32>
      %swap3A_46 = arith.constant 48 : index
      %swap3A_47 = tpu.vector_load %arg7[%swap3A_46] {strides = array<i32>} : memref<128xi32, #tpu.memory_space<vmem>>, vector<16xi32>,
      %swap3A_48 = vector.shape_cast %swap3A_47 : vector<16xi32> to vector<16xi32>
      %swap3A_49 = vector.shape_cast %get3A_45 : vector<16xi32> to vector<16xi32>
      tpu.vector_store %arg7[%swap3A_46], %swap3A_49 {strides = array<i32>} : memref<128xi32, #tpu.memory_space<vmem>>, vector<16xi32>,
      %get3A_50 = arith.constant 0 : i32
      %get3A_51 = arith.index_cast %scan3A_11 : i32 to index
      %get3A_52 = arith.index_cast %get3A_50 : i32 to index
      %get3A_53 = arith.constant 64 : index
      %get3A_54 = tpu.vector_load %arg6[%get3A_51, %get3A_52, %get3A_53] {strides = array<i32>} : memref<79x1x128xi32, #tpu.memory_space<vmem>>, vector<1x1x16xi32>,
      %get3A_55 = vector.shape_cast %get3A_54 : vector<1x1x16xi32> to vector<16xi32>
      %swap3A_56 = arith.constant 64 : index
      %swap3A_57 = tpu.vector_load %arg7[%swap3A_56] {strides = array<i32>} : memref<128xi32, #tpu.memory_space<vmem>>, vector<16xi32>,
      %swap3A_58 = vector.shape_cast %swap3A_57 : vector<16xi32> to vector<16xi32>
      %swap3A_59 = vector.shape_cast %get3A_55 : vector<16xi32> to vector<16xi32>
      tpu.vector_store %arg7[%swap3A_56], %swap3A_59 {strides = array<i32>} : memref<128xi32, #tpu.memory_space<vmem>>, vector<16xi32>,
      %get3A_60 = arith.constant 0 : i32
      %get3A_61 = arith.index_cast %scan3A_11 : i32 to index
      %get3A_62 = arith.index_cast %get3A_60 : i32 to index
      %get3A_63 = arith.constant 80 : index
      %get3A_64 = tpu.vector_load %arg6[%get3A_61, %get3A_62, %get3A_63] {strides = array<i32>} : memref<79x1x128xi32, #tpu.memory_space<vmem>>, vector<1x1x16xi32>,
      %get3A_65 = vector.shape_cast %get3A_64 : vector<1x1x16xi32> to vector<16xi32>
      %swap3A_66 = arith.constant 80 : index
      %swap3A_67 = tpu.vector_load %arg7[%swap3A_66] {strides = array<i32>} : memref<128xi32, #tpu.memory_space<vmem>>, vector<16xi32>,
      %swap3A_68 = vector.shape_cast %swap3A_67 : vector<16xi32> to vector<16xi32>
      %swap3A_69 = vector.shape_cast %get3A_65 : vector<16xi32> to vector<16xi32>
      tpu.vector_store %arg7[%swap3A_66], %swap3A_69 {strides = array<i32>} : memref<128xi32, #tpu.memory_space<vmem>>, vector<16xi32>,
      %get3A_70 = arith.constant 0 : i32
      %get3A_71 = arith.index_cast %scan3A_11 : i32 to index
      %get3A_72 = arith.index_cast %get3A_70 : i32 to index
      %get3A_73 = arith.constant 96 : index
      %get3A_74 = tpu.vector_load %arg6[%get3A_71, %get3A_72, %get3A_73] {strides = array<i32>} : memref<79x1x128xi32, #tpu.memory_space<vmem>>, vector<1x1x16xi32>,
      %get3A_75 = vector.shape_cast %get3A_74 : vector<1x1x16xi32> to vector<16xi32>
      %swap3A_76 = arith.constant 96 : index
      %swap3A_77 = tpu.vector_load %arg7[%swap3A_76] {strides = array<i32>} : memref<128xi32, #tpu.memory_space<vmem>>, vector<16xi32>,
      %swap3A_78 = vector.shape_cast %swap3A_77 : vector<16xi32> to vector<16xi32>
      %swap3A_79 = vector.shape_cast %get3A_75 : vector<16xi32> to vector<16xi32>
      tpu.vector_store %arg7[%swap3A_76], %swap3A_79 {strides = array<i32>} : memref<128xi32, #tpu.memory_space<vmem>>, vector<16xi32>,
      %get3A_80 = arith.constant 0 : i32
      %get3A_81 = arith.index_cast %scan3A_11 : i32 to index
      %get3A_82 = arith.index_cast %get3A_80 : i32 to index
      %get3A_83 = arith.constant 112 : index
      %get3A_84 = tpu.vector_load %arg6[%get3A_81, %get3A_82, %get3A_83] {strides = array<i32>} : memref<79x1x128xi32, #tpu.memory_space<vmem>>, vector<1x1x16xi32>,
      %get3A_85 = vector.shape_cast %get3A_84 : vector<1x1x16xi32> to vector<16xi32>
      %swap3A_86 = arith.constant 112 : index
      %swap3A_87 = tpu.vector_load %arg7[%swap3A_86] {strides = array<i32>} : memref<128xi32, #tpu.memory_space<vmem>>, vector<16xi32>,
      %swap3A_88 = vector.shape_cast %swap3A_87 : vector<16xi32> to vector<16xi32>
      %swap3A_89 = vector.shape_cast %get3A_85 : vector<16xi32> to vector<16xi32>
      tpu.vector_store %arg7[%swap3A_86], %swap3A_89 {strides = array<i32>} : memref<128xi32, #tpu.memory_space<vmem>>, vector<16xi32>,
      "tpu.region"() ({
        %run_scoped3A = tpu.sem_alloc : memref<!tpu.dma_semaphore, #tpu.memory_space<semaphore_mem>>
        %dma_start3A = arith.constant 0 : i32
        %dma_start3A_90 = arith.constant 0 : i32
        %dma_start3A_91 = tpu.memref_slice %arg9[%dma_start3A, %dma_start3A_90] : memref<2560x128xf32, #tpu.memory_space<vmem_shared>> -> memref<2560x128xf32, #tpu.memory_space<vmem_shared>>
        tpu.enqueue_indirect_dma source(%arg8 : memref<128x128xf32, #tpu.memory_space<vmem>>) target(%dma_start3A_91 : memref<2560x128xf32, #tpu.memory_space<vmem_shared>>) offsets(%arg7 : memref<128xi32, #tpu.memory_space<vmem>>) semaphore(%run_scoped3A : memref<!tpu.dma_semaphore, #tpu.memory_space<semaphore_mem>>) {add = true}
        %dma_wait3A = arith.constant 0 : i32
        %dma_wait3A_92 = arith.constant 0 : i32
        %dma_wait3A_93 = tpu.memref_slice %arg9[%dma_wait3A, %dma_wait3A_92] : memref<2560x128xf32, #tpu.memory_space<vmem_shared>> -> memref<2560x128xf32, #tpu.memory_space<vmem_shared>>
        tpu.wait_indirect_dma semaphore(%run_scoped3A : memref<!tpu.dma_semaphore, #tpu.memory_space<semaphore_mem>>) src(%arg8 : memref<128x128xf32, #tpu.memory_space<vmem>>) dst(%dma_wait3A_93 : memref<2560x128xf32, #tpu.memory_space<vmem_shared>>)
        tpu.yield
      }) : () -> ()
    }
    %scan3A_9 = arith.constant 79 : i32
    %barrier3A_10 = arith.constant 0 : index
    tpu.barrier barrier_id(%barrier3A_10)
    "tpu.region"() ({
      %run_scoped3A = tpu.sem_alloc : memref<!tpu.dma_semaphore, #tpu.memory_space<semaphore_mem>>
      %dma_start3A = arith.constant 0 : i32
      %dma_start3A_11 = tpu.memref_slice %arg5[%arg0, %mul3A_2, %dma_start3A] : memref<2x2560x128xf32, #tpu.memory_space<hbm>> -> memref<1x160x128xf32, #tpu.memory_space<hbm>>
      %dma_start3A_12 = tpu.memref_squeeze %dma_start3A_11 : memref<1x160x128xf32, #tpu.memory_space<hbm>> -> memref<160x128xf32, #tpu.memory_space<hbm>>
      %dma_start3A_13 = arith.constant 0 : i32
      %dma_start3A_14 = tpu.memref_slice %arg9[%mul3A_2, %dma_start3A_13] : memref<2560x128xf32, #tpu.memory_space<vmem_shared>> -> memref<160x128xf32, #tpu.memory_space<vmem_shared>>
      tpu.enqueue_dma source(%dma_start3A_14 : memref<160x128xf32, #tpu.memory_space<vmem_shared>>) target(%dma_start3A_12 : memref<160x128xf32, #tpu.memory_space<hbm>>) target_semaphore(%run_scoped3A : memref<!tpu.dma_semaphore, #tpu.memory_space<semaphore_mem>>)
      %dma_wait3A = arith.constant 0 : i32
      %dma_wait3A_15 = tpu.memref_slice %arg5[%arg0, %mul3A_2, %dma_wait3A] : memref<2x2560x128xf32, #tpu.memory_space<hbm>> -> memref<1x160x128xf32, #tpu.memory_space<hbm>>
      %dma_wait3A_16 = tpu.memref_squeeze %dma_wait3A_15 : memref<1x160x128xf32, #tpu.memory_space<hbm>> -> memref<160x128xf32, #tpu.memory_space<hbm>>
      %dma_wait3A_17 = arith.constant 0 : i32
      %dma_wait3A_18 = tpu.memref_slice %arg9[%mul3A_2, %dma_wait3A_17] : memref<2560x128xf32, #tpu.memory_space<vmem_shared>> -> memref<160x128xf32, #tpu.memory_space<vmem_shared>>
      tpu.wait_dma2 semaphore(%run_scoped3A : memref<!tpu.dma_semaphore, #tpu.memory_space<semaphore_mem>>) src(%dma_wait3A_18 : memref<160x128xf32, #tpu.memory_space<vmem_shared>>) dst(%dma_wait3A_16 : memref<160x128xf32, #tpu.memory_space<hbm>>)
      tpu.yield
    }) : () -> ()
    return
  }
}

#map = affine_map<(d0, d1) -> (0, 0)>
#map1 = affine_map<(d0, d1) -> (0, 0, 0)>
module attributes {stable_mosaic.version = 14 : i64} {
  func.func @seg_sum(%arg0: i32, %arg1: i32, %arg2: memref<2560x128xf32, #tpu.memory_space<hbm>>, %arg3: memref<2528x1x128xi32, #tpu.memory_space<hbm>>, %arg4: memref<2528x1x128xi32, #tpu.memory_space<hbm>>, %arg5: memref<632x128xf32, #tpu.memory_space<hbm>>, %arg6: memref<2x10112x128xf32, #tpu.memory_space<hbm>>, %arg7: memref<79x1x128xi32, #tpu.memory_space<vmem>>, %arg8: memref<79x1x128xi32, #tpu.memory_space<vmem>>, %arg9: memref<128xi32, #tpu.memory_space<vmem>>, %arg10: memref<128xi32, #tpu.memory_space<vmem>>, %arg11: memref<128x128xf32, #tpu.memory_space<vmem>>, %arg12: memref<10112x128xf32, #tpu.memory_space<vmem_shared>>, %arg13: memref<!tpu.dma_semaphore, #tpu.memory_space<semaphore_mem>>) attributes {dimension_semantics = [#tpu.dimension_semantics<core_parallel>, #tpu.dimension_semantics<subcore_parallel>], iteration_bounds = array<i64: 2, 16>, scalar_prefetch = 0 : i64, scratch_operands = 7 : i64, tpu.core_type = #tpu.core_type<sc_vector_subcore>, window_params = [{transform_indices = #map}, {transform_indices = #map1}, {transform_indices = #map1}, {transform_indices = #map}, {transform_indices = #map1}]} {
    %mul3A = arith.constant 2 : i32
    %mul3A_0 = arith.muli %arg1, %mul3A : i32
    %add3A = arith.addi %mul3A_0, %arg0 : i32
    %mul3A_1 = arith.constant 632 : i32
    %mul3A_2 = arith.muli %arg1, %mul3A_1 : i32
    "tpu.region"() ({
      %run_scoped3A = tpu.sem_alloc : memref<!tpu.dma_semaphore, #tpu.memory_space<semaphore_mem>>
      %dma_start3A = arith.constant 0 : i32
      %dma_start3A_11 = tpu.memref_slice %arg12[%mul3A_2, %dma_start3A] : memref<10112x128xf32, #tpu.memory_space<vmem_shared>> -> memref<632x128xf32, #tpu.memory_space<vmem_shared>>
      %dma_start3A_12 = arith.constant 0 : i32
      %dma_start3A_13 = arith.constant 0 : i32
      %dma_start3A_14 = tpu.memref_slice %arg5[%dma_start3A_12, %dma_start3A_13] : memref<632x128xf32, #tpu.memory_space<hbm>> -> memref<632x128xf32, #tpu.memory_space<hbm>>
      tpu.enqueue_dma source(%dma_start3A_14 : memref<632x128xf32, #tpu.memory_space<hbm>>) target(%dma_start3A_11 : memref<632x128xf32, #tpu.memory_space<vmem_shared>>) target_semaphore(%run_scoped3A : memref<!tpu.dma_semaphore, #tpu.memory_space<semaphore_mem>>)
      %dma_wait3A = arith.constant 0 : i32
      %dma_wait3A_15 = tpu.memref_slice %arg12[%mul3A_2, %dma_wait3A] : memref<10112x128xf32, #tpu.memory_space<vmem_shared>> -> memref<632x128xf32, #tpu.memory_space<vmem_shared>>
      %dma_wait3A_16 = arith.constant 0 : i32
      %dma_wait3A_17 = arith.constant 0 : i32
      %dma_wait3A_18 = tpu.memref_slice %arg5[%dma_wait3A_16, %dma_wait3A_17] : memref<632x128xf32, #tpu.memory_space<hbm>> -> memref<632x128xf32, #tpu.memory_space<hbm>>
      tpu.wait_dma2 semaphore(%run_scoped3A : memref<!tpu.dma_semaphore, #tpu.memory_space<semaphore_mem>>) src(%dma_wait3A_18 : memref<632x128xf32, #tpu.memory_space<hbm>>) dst(%dma_wait3A_15 : memref<632x128xf32, #tpu.memory_space<vmem_shared>>)
      tpu.yield
    }) : () -> ()
    %mul3A_3 = arith.constant 79 : i32
    %mul3A_4 = arith.muli %add3A, %mul3A_3 : i32
    "tpu.region"() ({
      %run_scoped3A = tpu.sem_alloc : memref<!tpu.dma_semaphore, #tpu.memory_space<semaphore_mem>>
      %dma_start3A = arith.constant 0 : i32
      %dma_start3A_11 = arith.constant 0 : i32
      %dma_start3A_12 = tpu.memref_slice %arg3[%mul3A_4, %dma_start3A, %dma_start3A_11] : memref<2528x1x128xi32, #tpu.memory_space<hbm>> -> memref<79x1x128xi32, #tpu.memory_space<hbm>>
      %dma_start3A_13 = arith.constant 0 : i32
      %dma_start3A_14 = arith.constant 0 : i32
      %dma_start3A_15 = tpu.memref_slice %arg3[%mul3A_4, %dma_start3A_13, %dma_start3A_14] : memref<2528x1x128xi32, #tpu.memory_space<hbm>> -> memref<79x1x128xi32, #tpu.memory_space<hbm>>
      tpu.enqueue_dma source(%dma_start3A_15 : memref<79x1x128xi32, #tpu.memory_space<hbm>>) target(%arg7 : memref<79x1x128xi32, #tpu.memory_space<vmem>>) target_semaphore(%run_scoped3A : memref<!tpu.dma_semaphore, #tpu.memory_space<semaphore_mem>>)
      %dma_wait3A = arith.constant 0 : i32
      %dma_wait3A_16 = arith.constant 0 : i32
      %dma_wait3A_17 = tpu.memref_slice %arg3[%mul3A_4, %dma_wait3A, %dma_wait3A_16] : memref<2528x1x128xi32, #tpu.memory_space<hbm>> -> memref<79x1x128xi32, #tpu.memory_space<hbm>>
      %dma_wait3A_18 = arith.constant 0 : i32
      %dma_wait3A_19 = arith.constant 0 : i32
      %dma_wait3A_20 = tpu.memref_slice %arg3[%mul3A_4, %dma_wait3A_18, %dma_wait3A_19] : memref<2528x1x128xi32, #tpu.memory_space<hbm>> -> memref<79x1x128xi32, #tpu.memory_space<hbm>>
      tpu.wait_dma2 semaphore(%run_scoped3A : memref<!tpu.dma_semaphore, #tpu.memory_space<semaphore_mem>>) src(%dma_wait3A_20 : memref<79x1x128xi32, #tpu.memory_space<hbm>>) dst(%arg7 : memref<79x1x128xi32, #tpu.memory_space<vmem>>)
      tpu.yield
    }) : () -> ()
    "tpu.region"() ({
      %run_scoped3A = tpu.sem_alloc : memref<!tpu.dma_semaphore, #tpu.memory_space<semaphore_mem>>
      %dma_start3A = arith.constant 0 : i32
      %dma_start3A_11 = arith.constant 0 : i32
      %dma_start3A_12 = tpu.memref_slice %arg4[%mul3A_4, %dma_start3A, %dma_start3A_11] : memref<2528x1x128xi32, #tpu.memory_space<hbm>> -> memref<79x1x128xi32, #tpu.memory_space<hbm>>
      %dma_start3A_13 = arith.constant 0 : i32
      %dma_start3A_14 = arith.constant 0 : i32
      %dma_start3A_15 = tpu.memref_slice %arg4[%mul3A_4, %dma_start3A_13, %dma_start3A_14] : memref<2528x1x128xi32, #tpu.memory_space<hbm>> -> memref<79x1x128xi32, #tpu.memory_space<hbm>>
      tpu.enqueue_dma source(%dma_start3A_15 : memref<79x1x128xi32, #tpu.memory_space<hbm>>) target(%arg8 : memref<79x1x128xi32, #tpu.memory_space<vmem>>) target_semaphore(%run_scoped3A : memref<!tpu.dma_semaphore, #tpu.memory_space<semaphore_mem>>)
      %dma_wait3A = arith.constant 0 : i32
      %dma_wait3A_16 = arith.constant 0 : i32
      %dma_wait3A_17 = tpu.memref_slice %arg4[%mul3A_4, %dma_wait3A, %dma_wait3A_16] : memref<2528x1x128xi32, #tpu.memory_space<hbm>> -> memref<79x1x128xi32, #tpu.memory_space<hbm>>
      %dma_wait3A_18 = arith.constant 0 : i32
      %dma_wait3A_19 = arith.constant 0 : i32
      %dma_wait3A_20 = tpu.memref_slice %arg4[%mul3A_4, %dma_wait3A_18, %dma_wait3A_19] : memref<2528x1x128xi32, #tpu.memory_space<hbm>> -> memref<79x1x128xi32, #tpu.memory_space<hbm>>
      tpu.wait_dma2 semaphore(%run_scoped3A : memref<!tpu.dma_semaphore, #tpu.memory_space<semaphore_mem>>) src(%dma_wait3A_20 : memref<79x1x128xi32, #tpu.memory_space<hbm>>) dst(%arg8 : memref<79x1x128xi32, #tpu.memory_space<vmem>>)
      tpu.yield
    }) : () -> ()
    %barrier3A = arith.constant 0 : index
    tpu.barrier barrier_id(%barrier3A)
    %scan3A = arith.constant 0 : i32
    %scan3A_5 = arith.constant 0 : i32
    %scan3A_6 = arith.constant 79 : i32
    %scan3A_7 = arith.addi %scan3A_5, %scan3A_6 : i32
    %scan3A_8 = arith.constant 1 : i32
    scf.for %scan3A_11 = %scan3A_5 to %scan3A_7 step %scan3A_8  : i32 {
      %get3A = arith.constant 0 : i32
      %get3A_12 = arith.index_cast %scan3A_11 : i32 to index
      %get3A_13 = arith.index_cast %get3A : i32 to index
      %get3A_14 = arith.constant 0 : index
      %get3A_15 = tpu.vector_load %arg7[%get3A_12, %get3A_13, %get3A_14] {strides = array<i32>} : memref<79x1x128xi32, #tpu.memory_space<vmem>>, vector<1x1x16xi32>,
      %get3A_16 = vector.shape_cast %get3A_15 : vector<1x1x16xi32> to vector<16xi32>
      %swap3A = arith.constant 0 : index
      %swap3A_17 = tpu.vector_load %arg9[%swap3A] {strides = array<i32>} : memref<128xi32, #tpu.memory_space<vmem>>, vector<16xi32>,
      %swap3A_18 = vector.shape_cast %swap3A_17 : vector<16xi32> to vector<16xi32>
      %swap3A_19 = vector.shape_cast %get3A_16 : vector<16xi32> to vector<16xi32>
      tpu.vector_store %arg9[%swap3A], %swap3A_19 {strides = array<i32>} : memref<128xi32, #tpu.memory_space<vmem>>, vector<16xi32>,
      %get3A_20 = arith.constant 0 : i32
      %get3A_21 = arith.index_cast %scan3A_11 : i32 to index
      %get3A_22 = arith.index_cast %get3A_20 : i32 to index
      %get3A_23 = arith.constant 16 : index
      %get3A_24 = tpu.vector_load %arg7[%get3A_21, %get3A_22, %get3A_23] {strides = array<i32>} : memref<79x1x128xi32, #tpu.memory_space<vmem>>, vector<1x1x16xi32>,
      %get3A_25 = vector.shape_cast %get3A_24 : vector<1x1x16xi32> to vector<16xi32>
      %swap3A_26 = arith.constant 16 : index
      %swap3A_27 = tpu.vector_load %arg9[%swap3A_26] {strides = array<i32>} : memref<128xi32, #tpu.memory_space<vmem>>, vector<16xi32>,
      %swap3A_28 = vector.shape_cast %swap3A_27 : vector<16xi32> to vector<16xi32>
      %swap3A_29 = vector.shape_cast %get3A_25 : vector<16xi32> to vector<16xi32>
      tpu.vector_store %arg9[%swap3A_26], %swap3A_29 {strides = array<i32>} : memref<128xi32, #tpu.memory_space<vmem>>, vector<16xi32>,
      %get3A_30 = arith.constant 0 : i32
      %get3A_31 = arith.index_cast %scan3A_11 : i32 to index
      %get3A_32 = arith.index_cast %get3A_30 : i32 to index
      %get3A_33 = arith.constant 32 : index
      %get3A_34 = tpu.vector_load %arg7[%get3A_31, %get3A_32, %get3A_33] {strides = array<i32>} : memref<79x1x128xi32, #tpu.memory_space<vmem>>, vector<1x1x16xi32>,
      %get3A_35 = vector.shape_cast %get3A_34 : vector<1x1x16xi32> to vector<16xi32>
      %swap3A_36 = arith.constant 32 : index
      %swap3A_37 = tpu.vector_load %arg9[%swap3A_36] {strides = array<i32>} : memref<128xi32, #tpu.memory_space<vmem>>, vector<16xi32>,
      %swap3A_38 = vector.shape_cast %swap3A_37 : vector<16xi32> to vector<16xi32>
      %swap3A_39 = vector.shape_cast %get3A_35 : vector<16xi32> to vector<16xi32>
      tpu.vector_store %arg9[%swap3A_36], %swap3A_39 {strides = array<i32>} : memref<128xi32, #tpu.memory_space<vmem>>, vector<16xi32>,
      %get3A_40 = arith.constant 0 : i32
      %get3A_41 = arith.index_cast %scan3A_11 : i32 to index
      %get3A_42 = arith.index_cast %get3A_40 : i32 to index
      %get3A_43 = arith.constant 48 : index
      %get3A_44 = tpu.vector_load %arg7[%get3A_41, %get3A_42, %get3A_43] {strides = array<i32>} : memref<79x1x128xi32, #tpu.memory_space<vmem>>, vector<1x1x16xi32>,
      %get3A_45 = vector.shape_cast %get3A_44 : vector<1x1x16xi32> to vector<16xi32>
      %swap3A_46 = arith.constant 48 : index
      %swap3A_47 = tpu.vector_load %arg9[%swap3A_46] {strides = array<i32>} : memref<128xi32, #tpu.memory_space<vmem>>, vector<16xi32>,
      %swap3A_48 = vector.shape_cast %swap3A_47 : vector<16xi32> to vector<16xi32>
      %swap3A_49 = vector.shape_cast %get3A_45 : vector<16xi32> to vector<16xi32>
      tpu.vector_store %arg9[%swap3A_46], %swap3A_49 {strides = array<i32>} : memref<128xi32, #tpu.memory_space<vmem>>, vector<16xi32>,
      %get3A_50 = arith.constant 0 : i32
      %get3A_51 = arith.index_cast %scan3A_11 : i32 to index
      %get3A_52 = arith.index_cast %get3A_50 : i32 to index
      %get3A_53 = arith.constant 64 : index
      %get3A_54 = tpu.vector_load %arg7[%get3A_51, %get3A_52, %get3A_53] {strides = array<i32>} : memref<79x1x128xi32, #tpu.memory_space<vmem>>, vector<1x1x16xi32>,
      %get3A_55 = vector.shape_cast %get3A_54 : vector<1x1x16xi32> to vector<16xi32>
      %swap3A_56 = arith.constant 64 : index
      %swap3A_57 = tpu.vector_load %arg9[%swap3A_56] {strides = array<i32>} : memref<128xi32, #tpu.memory_space<vmem>>, vector<16xi32>,
      %swap3A_58 = vector.shape_cast %swap3A_57 : vector<16xi32> to vector<16xi32>
      %swap3A_59 = vector.shape_cast %get3A_55 : vector<16xi32> to vector<16xi32>
      tpu.vector_store %arg9[%swap3A_56], %swap3A_59 {strides = array<i32>} : memref<128xi32, #tpu.memory_space<vmem>>, vector<16xi32>,
      %get3A_60 = arith.constant 0 : i32
      %get3A_61 = arith.index_cast %scan3A_11 : i32 to index
      %get3A_62 = arith.index_cast %get3A_60 : i32 to index
      %get3A_63 = arith.constant 80 : index
      %get3A_64 = tpu.vector_load %arg7[%get3A_61, %get3A_62, %get3A_63] {strides = array<i32>} : memref<79x1x128xi32, #tpu.memory_space<vmem>>, vector<1x1x16xi32>,
      %get3A_65 = vector.shape_cast %get3A_64 : vector<1x1x16xi32> to vector<16xi32>
      %swap3A_66 = arith.constant 80 : index
      %swap3A_67 = tpu.vector_load %arg9[%swap3A_66] {strides = array<i32>} : memref<128xi32, #tpu.memory_space<vmem>>, vector<16xi32>,
      %swap3A_68 = vector.shape_cast %swap3A_67 : vector<16xi32> to vector<16xi32>
      %swap3A_69 = vector.shape_cast %get3A_65 : vector<16xi32> to vector<16xi32>
      tpu.vector_store %arg9[%swap3A_66], %swap3A_69 {strides = array<i32>} : memref<128xi32, #tpu.memory_space<vmem>>, vector<16xi32>,
      %get3A_70 = arith.constant 0 : i32
      %get3A_71 = arith.index_cast %scan3A_11 : i32 to index
      %get3A_72 = arith.index_cast %get3A_70 : i32 to index
      %get3A_73 = arith.constant 96 : index
      %get3A_74 = tpu.vector_load %arg7[%get3A_71, %get3A_72, %get3A_73] {strides = array<i32>} : memref<79x1x128xi32, #tpu.memory_space<vmem>>, vector<1x1x16xi32>,
      %get3A_75 = vector.shape_cast %get3A_74 : vector<1x1x16xi32> to vector<16xi32>
      %swap3A_76 = arith.constant 96 : index
      %swap3A_77 = tpu.vector_load %arg9[%swap3A_76] {strides = array<i32>} : memref<128xi32, #tpu.memory_space<vmem>>, vector<16xi32>,
      %swap3A_78 = vector.shape_cast %swap3A_77 : vector<16xi32> to vector<16xi32>
      %swap3A_79 = vector.shape_cast %get3A_75 : vector<16xi32> to vector<16xi32>
      tpu.vector_store %arg9[%swap3A_76], %swap3A_79 {strides = array<i32>} : memref<128xi32, #tpu.memory_space<vmem>>, vector<16xi32>,
      %get3A_80 = arith.constant 0 : i32
      %get3A_81 = arith.index_cast %scan3A_11 : i32 to index
      %get3A_82 = arith.index_cast %get3A_80 : i32 to index
      %get3A_83 = arith.constant 112 : index
      %get3A_84 = tpu.vector_load %arg7[%get3A_81, %get3A_82, %get3A_83] {strides = array<i32>} : memref<79x1x128xi32, #tpu.memory_space<vmem>>, vector<1x1x16xi32>,
      %get3A_85 = vector.shape_cast %get3A_84 : vector<1x1x16xi32> to vector<16xi32>
      %swap3A_86 = arith.constant 112 : index
      %swap3A_87 = tpu.vector_load %arg9[%swap3A_86] {strides = array<i32>} : memref<128xi32, #tpu.memory_space<vmem>>, vector<16xi32>,
      %swap3A_88 = vector.shape_cast %swap3A_87 : vector<16xi32> to vector<16xi32>
      %swap3A_89 = vector.shape_cast %get3A_85 : vector<16xi32> to vector<16xi32>
      tpu.vector_store %arg9[%swap3A_86], %swap3A_89 {strides = array<i32>} : memref<128xi32, #tpu.memory_space<vmem>>, vector<16xi32>,
      %get3A_90 = arith.constant 0 : i32
      %get3A_91 = arith.index_cast %scan3A_11 : i32 to index
      %get3A_92 = arith.index_cast %get3A_90 : i32 to index
      %get3A_93 = arith.constant 0 : index
      %get3A_94 = tpu.vector_load %arg8[%get3A_91, %get3A_92, %get3A_93] {strides = array<i32>} : memref<79x1x128xi32, #tpu.memory_space<vmem>>, vector<1x1x16xi32>,
      %get3A_95 = vector.shape_cast %get3A_94 : vector<1x1x16xi32> to vector<16xi32>
      %swap3A_96 = arith.constant 0 : index
      %swap3A_97 = tpu.vector_load %arg10[%swap3A_96] {strides = array<i32>} : memref<128xi32, #tpu.memory_space<vmem>>, vector<16xi32>,
      %swap3A_98 = vector.shape_cast %swap3A_97 : vector<16xi32> to vector<16xi32>
      %swap3A_99 = vector.shape_cast %get3A_95 : vector<16xi32> to vector<16xi32>
      tpu.vector_store %arg10[%swap3A_96], %swap3A_99 {strides = array<i32>} : memref<128xi32, #tpu.memory_space<vmem>>, vector<16xi32>,
      %get3A_100 = arith.constant 0 : i32
      %get3A_101 = arith.index_cast %scan3A_11 : i32 to index
      %get3A_102 = arith.index_cast %get3A_100 : i32 to index
      %get3A_103 = arith.constant 16 : index
      %get3A_104 = tpu.vector_load %arg8[%get3A_101, %get3A_102, %get3A_103] {strides = array<i32>} : memref<79x1x128xi32, #tpu.memory_space<vmem>>, vector<1x1x16xi32>,
      %get3A_105 = vector.shape_cast %get3A_104 : vector<1x1x16xi32> to vector<16xi32>
      %swap3A_106 = arith.constant 16 : index
      %swap3A_107 = tpu.vector_load %arg10[%swap3A_106] {strides = array<i32>} : memref<128xi32, #tpu.memory_space<vmem>>, vector<16xi32>,
      %swap3A_108 = vector.shape_cast %swap3A_107 : vector<16xi32> to vector<16xi32>
      %swap3A_109 = vector.shape_cast %get3A_105 : vector<16xi32> to vector<16xi32>
      tpu.vector_store %arg10[%swap3A_106], %swap3A_109 {strides = array<i32>} : memref<128xi32, #tpu.memory_space<vmem>>, vector<16xi32>,
      %get3A_110 = arith.constant 0 : i32
      %get3A_111 = arith.index_cast %scan3A_11 : i32 to index
      %get3A_112 = arith.index_cast %get3A_110 : i32 to index
      %get3A_113 = arith.constant 32 : index
      %get3A_114 = tpu.vector_load %arg8[%get3A_111, %get3A_112, %get3A_113] {strides = array<i32>} : memref<79x1x128xi32, #tpu.memory_space<vmem>>, vector<1x1x16xi32>,
      %get3A_115 = vector.shape_cast %get3A_114 : vector<1x1x16xi32> to vector<16xi32>
      %swap3A_116 = arith.constant 32 : index
      %swap3A_117 = tpu.vector_load %arg10[%swap3A_116] {strides = array<i32>} : memref<128xi32, #tpu.memory_space<vmem>>, vector<16xi32>,
      %swap3A_118 = vector.shape_cast %swap3A_117 : vector<16xi32> to vector<16xi32>
      %swap3A_119 = vector.shape_cast %get3A_115 : vector<16xi32> to vector<16xi32>
      tpu.vector_store %arg10[%swap3A_116], %swap3A_119 {strides = array<i32>} : memref<128xi32, #tpu.memory_space<vmem>>, vector<16xi32>,
      %get3A_120 = arith.constant 0 : i32
      %get3A_121 = arith.index_cast %scan3A_11 : i32 to index
      %get3A_122 = arith.index_cast %get3A_120 : i32 to index
      %get3A_123 = arith.constant 48 : index
      %get3A_124 = tpu.vector_load %arg8[%get3A_121, %get3A_122, %get3A_123] {strides = array<i32>} : memref<79x1x128xi32, #tpu.memory_space<vmem>>, vector<1x1x16xi32>,
      %get3A_125 = vector.shape_cast %get3A_124 : vector<1x1x16xi32> to vector<16xi32>
      %swap3A_126 = arith.constant 48 : index
      %swap3A_127 = tpu.vector_load %arg10[%swap3A_126] {strides = array<i32>} : memref<128xi32, #tpu.memory_space<vmem>>, vector<16xi32>,
      %swap3A_128 = vector.shape_cast %swap3A_127 : vector<16xi32> to vector<16xi32>
      %swap3A_129 = vector.shape_cast %get3A_125 : vector<16xi32> to vector<16xi32>
      tpu.vector_store %arg10[%swap3A_126], %swap3A_129 {strides = array<i32>} : memref<128xi32, #tpu.memory_space<vmem>>, vector<16xi32>,
      %get3A_130 = arith.constant 0 : i32
      %get3A_131 = arith.index_cast %scan3A_11 : i32 to index
      %get3A_132 = arith.index_cast %get3A_130 : i32 to index
      %get3A_133 = arith.constant 64 : index
      %get3A_134 = tpu.vector_load %arg8[%get3A_131, %get3A_132, %get3A_133] {strides = array<i32>} : memref<79x1x128xi32, #tpu.memory_space<vmem>>, vector<1x1x16xi32>,
      %get3A_135 = vector.shape_cast %get3A_134 : vector<1x1x16xi32> to vector<16xi32>
      %swap3A_136 = arith.constant 64 : index
      %swap3A_137 = tpu.vector_load %arg10[%swap3A_136] {strides = array<i32>} : memref<128xi32, #tpu.memory_space<vmem>>, vector<16xi32>,
      %swap3A_138 = vector.shape_cast %swap3A_137 : vector<16xi32> to vector<16xi32>
      %swap3A_139 = vector.shape_cast %get3A_135 : vector<16xi32> to vector<16xi32>
      tpu.vector_store %arg10[%swap3A_136], %swap3A_139 {strides = array<i32>} : memref<128xi32, #tpu.memory_space<vmem>>, vector<16xi32>,
      %get3A_140 = arith.constant 0 : i32
      %get3A_141 = arith.index_cast %scan3A_11 : i32 to index
      %get3A_142 = arith.index_cast %get3A_140 : i32 to index
      %get3A_143 = arith.constant 80 : index
      %get3A_144 = tpu.vector_load %arg8[%get3A_141, %get3A_142, %get3A_143] {strides = array<i32>} : memref<79x1x128xi32, #tpu.memory_space<vmem>>, vector<1x1x16xi32>,
      %get3A_145 = vector.shape_cast %get3A_144 : vector<1x1x16xi32> to vector<16xi32>
      %swap3A_146 = arith.constant 80 : index
      %swap3A_147 = tpu.vector_load %arg10[%swap3A_146] {strides = array<i32>} : memref<128xi32, #tpu.memory_space<vmem>>, vector<16xi32>,
      %swap3A_148 = vector.shape_cast %swap3A_147 : vector<16xi32> to vector<16xi32>
      %swap3A_149 = vector.shape_cast %get3A_145 : vector<16xi32> to vector<16xi32>
      tpu.vector_store %arg10[%swap3A_146], %swap3A_149 {strides = array<i32>} : memref<128xi32, #tpu.memory_space<vmem>>, vector<16xi32>,
      %get3A_150 = arith.constant 0 : i32
      %get3A_151 = arith.index_cast %scan3A_11 : i32 to index
      %get3A_152 = arith.index_cast %get3A_150 : i32 to index
      %get3A_153 = arith.constant 96 : index
      %get3A_154 = tpu.vector_load %arg8[%get3A_151, %get3A_152, %get3A_153] {strides = array<i32>} : memref<79x1x128xi32, #tpu.memory_space<vmem>>, vector<1x1x16xi32>,
      %get3A_155 = vector.shape_cast %get3A_154 : vector<1x1x16xi32> to vector<16xi32>
      %swap3A_156 = arith.constant 96 : index
      %swap3A_157 = tpu.vector_load %arg10[%swap3A_156] {strides = array<i32>} : memref<128xi32, #tpu.memory_space<vmem>>, vector<16xi32>,
      %swap3A_158 = vector.shape_cast %swap3A_157 : vector<16xi32> to vector<16xi32>
      %swap3A_159 = vector.shape_cast %get3A_155 : vector<16xi32> to vector<16xi32>
      tpu.vector_store %arg10[%swap3A_156], %swap3A_159 {strides = array<i32>} : memref<128xi32, #tpu.memory_space<vmem>>, vector<16xi32>,
      %get3A_160 = arith.constant 0 : i32
      %get3A_161 = arith.index_cast %scan3A_11 : i32 to index
      %get3A_162 = arith.index_cast %get3A_160 : i32 to index
      %get3A_163 = arith.constant 112 : index
      %get3A_164 = tpu.vector_load %arg8[%get3A_161, %get3A_162, %get3A_163] {strides = array<i32>} : memref<79x1x128xi32, #tpu.memory_space<vmem>>, vector<1x1x16xi32>,
      %get3A_165 = vector.shape_cast %get3A_164 : vector<1x1x16xi32> to vector<16xi32>
      %swap3A_166 = arith.constant 112 : index
      %swap3A_167 = tpu.vector_load %arg10[%swap3A_166] {strides = array<i32>} : memref<128xi32, #tpu.memory_space<vmem>>, vector<16xi32>,
      %swap3A_168 = vector.shape_cast %swap3A_167 : vector<16xi32> to vector<16xi32>
      %swap3A_169 = vector.shape_cast %get3A_165 : vector<16xi32> to vector<16xi32>
      tpu.vector_store %arg10[%swap3A_166], %swap3A_169 {strides = array<i32>} : memref<128xi32, #tpu.memory_space<vmem>>, vector<16xi32>,
      %dma_start3A = arith.constant 0 : i32
      %dma_start3A_170 = arith.constant 0 : i32
      %dma_start3A_171 = tpu.memref_slice %arg2[%dma_start3A, %dma_start3A_170] : memref<2560x128xf32, #tpu.memory_space<hbm>> -> memref<2560x128xf32, #tpu.memory_space<hbm>>
      tpu.enqueue_indirect_dma source(%dma_start3A_171 : memref<2560x128xf32, #tpu.memory_space<hbm>>) target(%arg11 : memref<128x128xf32, #tpu.memory_space<vmem>>) offsets(%arg9 : memref<128xi32, #tpu.memory_space<vmem>>) semaphore(%arg13 : memref<!tpu.dma_semaphore, #tpu.memory_space<semaphore_mem>>)
      %dma_wait3A = arith.constant 0 : i32
      %dma_wait3A_172 = arith.constant 0 : i32
      %dma_wait3A_173 = tpu.memref_slice %arg2[%dma_wait3A, %dma_wait3A_172] : memref<2560x128xf32, #tpu.memory_space<hbm>> -> memref<2560x128xf32, #tpu.memory_space<hbm>>
      tpu.wait_indirect_dma semaphore(%arg13 : memref<!tpu.dma_semaphore, #tpu.memory_space<semaphore_mem>>) src(%dma_wait3A_173 : memref<2560x128xf32, #tpu.memory_space<hbm>>) dst(%arg11 : memref<128x128xf32, #tpu.memory_space<vmem>>)
      "tpu.region"() ({
        %run_scoped3A = tpu.sem_alloc : memref<!tpu.dma_semaphore, #tpu.memory_space<semaphore_mem>>
        %dma_start3A_174 = arith.constant 0 : i32
        %dma_start3A_175 = arith.constant 0 : i32
        %dma_start3A_176 = tpu.memref_slice %arg12[%dma_start3A_174, %dma_start3A_175] : memref<10112x128xf32, #tpu.memory_space<vmem_shared>> -> memref<10112x128xf32, #tpu.memory_space<vmem_shared>>
        tpu.enqueue_indirect_dma source(%arg11 : memref<128x128xf32, #tpu.memory_space<vmem>>) target(%dma_start3A_176 : memref<10112x128xf32, #tpu.memory_space<vmem_shared>>) offsets(%arg10 : memref<128xi32, #tpu.memory_space<vmem>>) semaphore(%run_scoped3A : memref<!tpu.dma_semaphore, #tpu.memory_space<semaphore_mem>>) {add = true}
        %dma_wait3A_177 = arith.constant 0 : i32
        %dma_wait3A_178 = arith.constant 0 : i32
        %dma_wait3A_179 = tpu.memref_slice %arg12[%dma_wait3A_177, %dma_wait3A_178] : memref<10112x128xf32, #tpu.memory_space<vmem_shared>> -> memref<10112x128xf32, #tpu.memory_space<vmem_shared>>
        tpu.wait_indirect_dma semaphore(%run_scoped3A : memref<!tpu.dma_semaphore, #tpu.memory_space<semaphore_mem>>) src(%arg11 : memref<128x128xf32, #tpu.memory_space<vmem>>) dst(%dma_wait3A_179 : memref<10112x128xf32, #tpu.memory_space<vmem_shared>>)
        tpu.yield
      }) : () -> ()
    }
    %scan3A_9 = arith.constant 79 : i32
    %barrier3A_10 = arith.constant 0 : index
    tpu.barrier barrier_id(%barrier3A_10)
    "tpu.region"() ({
      %run_scoped3A = tpu.sem_alloc : memref<!tpu.dma_semaphore, #tpu.memory_space<semaphore_mem>>
      %dma_start3A = arith.constant 0 : i32
      %dma_start3A_11 = tpu.memref_slice %arg6[%arg0, %mul3A_2, %dma_start3A] : memref<2x10112x128xf32, #tpu.memory_space<hbm>> -> memref<1x632x128xf32, #tpu.memory_space<hbm>>
      %dma_start3A_12 = tpu.memref_squeeze %dma_start3A_11 : memref<1x632x128xf32, #tpu.memory_space<hbm>> -> memref<632x128xf32, #tpu.memory_space<hbm>>
      %dma_start3A_13 = arith.constant 0 : i32
      %dma_start3A_14 = tpu.memref_slice %arg12[%mul3A_2, %dma_start3A_13] : memref<10112x128xf32, #tpu.memory_space<vmem_shared>> -> memref<632x128xf32, #tpu.memory_space<vmem_shared>>
      tpu.enqueue_dma source(%dma_start3A_14 : memref<632x128xf32, #tpu.memory_space<vmem_shared>>) target(%dma_start3A_12 : memref<632x128xf32, #tpu.memory_space<hbm>>) target_semaphore(%run_scoped3A : memref<!tpu.dma_semaphore, #tpu.memory_space<semaphore_mem>>)
      %dma_wait3A = arith.constant 0 : i32
      %dma_wait3A_15 = tpu.memref_slice %arg6[%arg0, %mul3A_2, %dma_wait3A] : memref<2x10112x128xf32, #tpu.memory_space<hbm>> -> memref<1x632x128xf32, #tpu.memory_space<hbm>>
      %dma_wait3A_16 = tpu.memref_squeeze %dma_wait3A_15 : memref<1x632x128xf32, #tpu.memory_space<hbm>> -> memref<632x128xf32, #tpu.memory_space<hbm>>
      %dma_wait3A_17 = arith.constant 0 : i32
      %dma_wait3A_18 = tpu.memref_slice %arg12[%mul3A_2, %dma_wait3A_17] : memref<10112x128xf32, #tpu.memory_space<vmem_shared>> -> memref<632x128xf32, #tpu.memory_space<vmem_shared>>
      tpu.wait_dma2 semaphore(%run_scoped3A : memref<!tpu.dma_semaphore, #tpu.memory_space<semaphore_mem>>) src(%dma_wait3A_18 : memref<632x128xf32, #tpu.memory_space<vmem_shared>>) dst(%dma_wait3A_16 : memref<632x128xf32, #tpu.memory_space<hbm>>)
      tpu.yield
    }) : () -> ()
    return
  }
}

#map = affine_map<(d0, d1) -> (0, 0, 0)>
#map1 = affine_map<(d0, d1) -> (0, 0)>
module attributes {stable_mosaic.version = 14 : i64} {
  func.func @seg_count(%arg0: i32, %arg1: i32, %arg2: memref<2528x1x128xi32, #tpu.memory_space<hbm>>, %arg3: memref<128x128xf32, #tpu.memory_space<hbm>>, %arg4: memref<632x128xf32, #tpu.memory_space<hbm>>, %arg5: memref<2x10112x128xf32, #tpu.memory_space<hbm>>, %arg6: memref<79x1x128xi32, #tpu.memory_space<vmem>>, %arg7: memref<128xi32, #tpu.memory_space<vmem>>, %arg8: memref<128x128xf32, #tpu.memory_space<vmem>>, %arg9: memref<10112x128xf32, #tpu.memory_space<vmem_shared>>) attributes {dimension_semantics = [#tpu.dimension_semantics<core_parallel>, #tpu.dimension_semantics<subcore_parallel>], iteration_bounds = array<i64: 2, 16>, scalar_prefetch = 0 : i64, scratch_operands = 4 : i64, tpu.core_type = #tpu.core_type<sc_vector_subcore>, window_params = [{transform_indices = #map}, {transform_indices = #map1}, {transform_indices = #map1}, {transform_indices = #map}]} {
    %mul3A = arith.constant 2 : i32
    %mul3A_0 = arith.muli %arg1, %mul3A : i32
    %add3A = arith.addi %mul3A_0, %arg0 : i32
    %mul3A_1 = arith.constant 632 : i32
    %mul3A_2 = arith.muli %arg1, %mul3A_1 : i32
    "tpu.region"() ({
      %run_scoped3A = tpu.sem_alloc : memref<!tpu.dma_semaphore, #tpu.memory_space<semaphore_mem>>
      %dma_start3A = arith.constant 0 : i32
      %dma_start3A_11 = tpu.memref_slice %arg9[%mul3A_2, %dma_start3A] : memref<10112x128xf32, #tpu.memory_space<vmem_shared>> -> memref<632x128xf32, #tpu.memory_space<vmem_shared>>
      %dma_start3A_12 = arith.constant 0 : i32
      %dma_start3A_13 = arith.constant 0 : i32
      %dma_start3A_14 = tpu.memref_slice %arg4[%dma_start3A_12, %dma_start3A_13] : memref<632x128xf32, #tpu.memory_space<hbm>> -> memref<632x128xf32, #tpu.memory_space<hbm>>
      tpu.enqueue_dma source(%dma_start3A_14 : memref<632x128xf32, #tpu.memory_space<hbm>>) target(%dma_start3A_11 : memref<632x128xf32, #tpu.memory_space<vmem_shared>>) target_semaphore(%run_scoped3A : memref<!tpu.dma_semaphore, #tpu.memory_space<semaphore_mem>>)
      %dma_wait3A = arith.constant 0 : i32
      %dma_wait3A_15 = tpu.memref_slice %arg9[%mul3A_2, %dma_wait3A] : memref<10112x128xf32, #tpu.memory_space<vmem_shared>> -> memref<632x128xf32, #tpu.memory_space<vmem_shared>>
      %dma_wait3A_16 = arith.constant 0 : i32
      %dma_wait3A_17 = arith.constant 0 : i32
      %dma_wait3A_18 = tpu.memref_slice %arg4[%dma_wait3A_16, %dma_wait3A_17] : memref<632x128xf32, #tpu.memory_space<hbm>> -> memref<632x128xf32, #tpu.memory_space<hbm>>
      tpu.wait_dma2 semaphore(%run_scoped3A : memref<!tpu.dma_semaphore, #tpu.memory_space<semaphore_mem>>) src(%dma_wait3A_18 : memref<632x128xf32, #tpu.memory_space<hbm>>) dst(%dma_wait3A_15 : memref<632x128xf32, #tpu.memory_space<vmem_shared>>)
      tpu.yield
    }) : () -> ()
    "tpu.region"() ({
      %run_scoped3A = tpu.sem_alloc : memref<!tpu.dma_semaphore, #tpu.memory_space<semaphore_mem>>
      tpu.enqueue_dma source(%arg3 : memref<128x128xf32, #tpu.memory_space<hbm>>) target(%arg8 : memref<128x128xf32, #tpu.memory_space<vmem>>) target_semaphore(%run_scoped3A : memref<!tpu.dma_semaphore, #tpu.memory_space<semaphore_mem>>)
      tpu.wait_dma2 semaphore(%run_scoped3A : memref<!tpu.dma_semaphore, #tpu.memory_space<semaphore_mem>>) src(%arg3 : memref<128x128xf32, #tpu.memory_space<hbm>>) dst(%arg8 : memref<128x128xf32, #tpu.memory_space<vmem>>)
      tpu.yield
    }) : () -> ()
    %mul3A_3 = arith.constant 79 : i32
    %mul3A_4 = arith.muli %add3A, %mul3A_3 : i32
    "tpu.region"() ({
      %run_scoped3A = tpu.sem_alloc : memref<!tpu.dma_semaphore, #tpu.memory_space<semaphore_mem>>
      %dma_start3A = arith.constant 0 : i32
      %dma_start3A_11 = arith.constant 0 : i32
      %dma_start3A_12 = tpu.memref_slice %arg2[%mul3A_4, %dma_start3A, %dma_start3A_11] : memref<2528x1x128xi32, #tpu.memory_space<hbm>> -> memref<79x1x128xi32, #tpu.memory_space<hbm>>
      %dma_start3A_13 = arith.constant 0 : i32
      %dma_start3A_14 = arith.constant 0 : i32
      %dma_start3A_15 = tpu.memref_slice %arg2[%mul3A_4, %dma_start3A_13, %dma_start3A_14] : memref<2528x1x128xi32, #tpu.memory_space<hbm>> -> memref<79x1x128xi32, #tpu.memory_space<hbm>>
      tpu.enqueue_dma source(%dma_start3A_15 : memref<79x1x128xi32, #tpu.memory_space<hbm>>) target(%arg6 : memref<79x1x128xi32, #tpu.memory_space<vmem>>) target_semaphore(%run_scoped3A : memref<!tpu.dma_semaphore, #tpu.memory_space<semaphore_mem>>)
      %dma_wait3A = arith.constant 0 : i32
      %dma_wait3A_16 = arith.constant 0 : i32
      %dma_wait3A_17 = tpu.memref_slice %arg2[%mul3A_4, %dma_wait3A, %dma_wait3A_16] : memref<2528x1x128xi32, #tpu.memory_space<hbm>> -> memref<79x1x128xi32, #tpu.memory_space<hbm>>
      %dma_wait3A_18 = arith.constant 0 : i32
      %dma_wait3A_19 = arith.constant 0 : i32
      %dma_wait3A_20 = tpu.memref_slice %arg2[%mul3A_4, %dma_wait3A_18, %dma_wait3A_19] : memref<2528x1x128xi32, #tpu.memory_space<hbm>> -> memref<79x1x128xi32, #tpu.memory_space<hbm>>
      tpu.wait_dma2 semaphore(%run_scoped3A : memref<!tpu.dma_semaphore, #tpu.memory_space<semaphore_mem>>) src(%dma_wait3A_20 : memref<79x1x128xi32, #tpu.memory_space<hbm>>) dst(%arg6 : memref<79x1x128xi32, #tpu.memory_space<vmem>>)
      tpu.yield
    }) : () -> ()
    %barrier3A = arith.constant 0 : index
    tpu.barrier barrier_id(%barrier3A)
    %scan3A = arith.constant 0 : i32
    %scan3A_5 = arith.constant 0 : i32
    %scan3A_6 = arith.constant 79 : i32
    %scan3A_7 = arith.addi %scan3A_5, %scan3A_6 : i32
    %scan3A_8 = arith.constant 1 : i32
    scf.for %scan3A_11 = %scan3A_5 to %scan3A_7 step %scan3A_8  : i32 {
      %get3A = arith.constant 0 : i32
      %get3A_12 = arith.index_cast %scan3A_11 : i32 to index
      %get3A_13 = arith.index_cast %get3A : i32 to index
      %get3A_14 = arith.constant 0 : index
      %get3A_15 = tpu.vector_load %arg6[%get3A_12, %get3A_13, %get3A_14] {strides = array<i32>} : memref<79x1x128xi32, #tpu.memory_space<vmem>>, vector<1x1x16xi32>,
      %get3A_16 = vector.shape_cast %get3A_15 : vector<1x1x16xi32> to vector<16xi32>
      %swap3A = arith.constant 0 : index
      %swap3A_17 = tpu.vector_load %arg7[%swap3A] {strides = array<i32>} : memref<128xi32, #tpu.memory_space<vmem>>, vector<16xi32>,
      %swap3A_18 = vector.shape_cast %swap3A_17 : vector<16xi32> to vector<16xi32>
      %swap3A_19 = vector.shape_cast %get3A_16 : vector<16xi32> to vector<16xi32>
      tpu.vector_store %arg7[%swap3A], %swap3A_19 {strides = array<i32>} : memref<128xi32, #tpu.memory_space<vmem>>, vector<16xi32>,
      %get3A_20 = arith.constant 0 : i32
      %get3A_21 = arith.index_cast %scan3A_11 : i32 to index
      %get3A_22 = arith.index_cast %get3A_20 : i32 to index
      %get3A_23 = arith.constant 16 : index
      %get3A_24 = tpu.vector_load %arg6[%get3A_21, %get3A_22, %get3A_23] {strides = array<i32>} : memref<79x1x128xi32, #tpu.memory_space<vmem>>, vector<1x1x16xi32>,
      %get3A_25 = vector.shape_cast %get3A_24 : vector<1x1x16xi32> to vector<16xi32>
      %swap3A_26 = arith.constant 16 : index
      %swap3A_27 = tpu.vector_load %arg7[%swap3A_26] {strides = array<i32>} : memref<128xi32, #tpu.memory_space<vmem>>, vector<16xi32>,
      %swap3A_28 = vector.shape_cast %swap3A_27 : vector<16xi32> to vector<16xi32>
      %swap3A_29 = vector.shape_cast %get3A_25 : vector<16xi32> to vector<16xi32>
      tpu.vector_store %arg7[%swap3A_26], %swap3A_29 {strides = array<i32>} : memref<128xi32, #tpu.memory_space<vmem>>, vector<16xi32>,
      %get3A_30 = arith.constant 0 : i32
      %get3A_31 = arith.index_cast %scan3A_11 : i32 to index
      %get3A_32 = arith.index_cast %get3A_30 : i32 to index
      %get3A_33 = arith.constant 32 : index
      %get3A_34 = tpu.vector_load %arg6[%get3A_31, %get3A_32, %get3A_33] {strides = array<i32>} : memref<79x1x128xi32, #tpu.memory_space<vmem>>, vector<1x1x16xi32>,
      %get3A_35 = vector.shape_cast %get3A_34 : vector<1x1x16xi32> to vector<16xi32>
      %swap3A_36 = arith.constant 32 : index
      %swap3A_37 = tpu.vector_load %arg7[%swap3A_36] {strides = array<i32>} : memref<128xi32, #tpu.memory_space<vmem>>, vector<16xi32>,
      %swap3A_38 = vector.shape_cast %swap3A_37 : vector<16xi32> to vector<16xi32>
      %swap3A_39 = vector.shape_cast %get3A_35 : vector<16xi32> to vector<16xi32>
      tpu.vector_store %arg7[%swap3A_36], %swap3A_39 {strides = array<i32>} : memref<128xi32, #tpu.memory_space<vmem>>, vector<16xi32>,
      %get3A_40 = arith.constant 0 : i32
      %get3A_41 = arith.index_cast %scan3A_11 : i32 to index
      %get3A_42 = arith.index_cast %get3A_40 : i32 to index
      %get3A_43 = arith.constant 48 : index
      %get3A_44 = tpu.vector_load %arg6[%get3A_41, %get3A_42, %get3A_43] {strides = array<i32>} : memref<79x1x128xi32, #tpu.memory_space<vmem>>, vector<1x1x16xi32>,
      %get3A_45 = vector.shape_cast %get3A_44 : vector<1x1x16xi32> to vector<16xi32>
      %swap3A_46 = arith.constant 48 : index
      %swap3A_47 = tpu.vector_load %arg7[%swap3A_46] {strides = array<i32>} : memref<128xi32, #tpu.memory_space<vmem>>, vector<16xi32>,
      %swap3A_48 = vector.shape_cast %swap3A_47 : vector<16xi32> to vector<16xi32>
      %swap3A_49 = vector.shape_cast %get3A_45 : vector<16xi32> to vector<16xi32>
      tpu.vector_store %arg7[%swap3A_46], %swap3A_49 {strides = array<i32>} : memref<128xi32, #tpu.memory_space<vmem>>, vector<16xi32>,
      %get3A_50 = arith.constant 0 : i32
      %get3A_51 = arith.index_cast %scan3A_11 : i32 to index
      %get3A_52 = arith.index_cast %get3A_50 : i32 to index
      %get3A_53 = arith.constant 64 : index
      %get3A_54 = tpu.vector_load %arg6[%get3A_51, %get3A_52, %get3A_53] {strides = array<i32>} : memref<79x1x128xi32, #tpu.memory_space<vmem>>, vector<1x1x16xi32>,
      %get3A_55 = vector.shape_cast %get3A_54 : vector<1x1x16xi32> to vector<16xi32>
      %swap3A_56 = arith.constant 64 : index
      %swap3A_57 = tpu.vector_load %arg7[%swap3A_56] {strides = array<i32>} : memref<128xi32, #tpu.memory_space<vmem>>, vector<16xi32>,
      %swap3A_58 = vector.shape_cast %swap3A_57 : vector<16xi32> to vector<16xi32>
      %swap3A_59 = vector.shape_cast %get3A_55 : vector<16xi32> to vector<16xi32>
      tpu.vector_store %arg7[%swap3A_56], %swap3A_59 {strides = array<i32>} : memref<128xi32, #tpu.memory_space<vmem>>, vector<16xi32>,
      %get3A_60 = arith.constant 0 : i32
      %get3A_61 = arith.index_cast %scan3A_11 : i32 to index
      %get3A_62 = arith.index_cast %get3A_60 : i32 to index
      %get3A_63 = arith.constant 80 : index
      %get3A_64 = tpu.vector_load %arg6[%get3A_61, %get3A_62, %get3A_63] {strides = array<i32>} : memref<79x1x128xi32, #tpu.memory_space<vmem>>, vector<1x1x16xi32>,
      %get3A_65 = vector.shape_cast %get3A_64 : vector<1x1x16xi32> to vector<16xi32>
      %swap3A_66 = arith.constant 80 : index
      %swap3A_67 = tpu.vector_load %arg7[%swap3A_66] {strides = array<i32>} : memref<128xi32, #tpu.memory_space<vmem>>, vector<16xi32>,
      %swap3A_68 = vector.shape_cast %swap3A_67 : vector<16xi32> to vector<16xi32>
      %swap3A_69 = vector.shape_cast %get3A_65 : vector<16xi32> to vector<16xi32>
      tpu.vector_store %arg7[%swap3A_66], %swap3A_69 {strides = array<i32>} : memref<128xi32, #tpu.memory_space<vmem>>, vector<16xi32>,
      %get3A_70 = arith.constant 0 : i32
      %get3A_71 = arith.index_cast %scan3A_11 : i32 to index
      %get3A_72 = arith.index_cast %get3A_70 : i32 to index
      %get3A_73 = arith.constant 96 : index
      %get3A_74 = tpu.vector_load %arg6[%get3A_71, %get3A_72, %get3A_73] {strides = array<i32>} : memref<79x1x128xi32, #tpu.memory_space<vmem>>, vector<1x1x16xi32>,
      %get3A_75 = vector.shape_cast %get3A_74 : vector<1x1x16xi32> to vector<16xi32>
      %swap3A_76 = arith.constant 96 : index
      %swap3A_77 = tpu.vector_load %arg7[%swap3A_76] {strides = array<i32>} : memref<128xi32, #tpu.memory_space<vmem>>, vector<16xi32>,
      %swap3A_78 = vector.shape_cast %swap3A_77 : vector<16xi32> to vector<16xi32>
      %swap3A_79 = vector.shape_cast %get3A_75 : vector<16xi32> to vector<16xi32>
      tpu.vector_store %arg7[%swap3A_76], %swap3A_79 {strides = array<i32>} : memref<128xi32, #tpu.memory_space<vmem>>, vector<16xi32>,
      %get3A_80 = arith.constant 0 : i32
      %get3A_81 = arith.index_cast %scan3A_11 : i32 to index
      %get3A_82 = arith.index_cast %get3A_80 : i32 to index
      %get3A_83 = arith.constant 112 : index
      %get3A_84 = tpu.vector_load %arg6[%get3A_81, %get3A_82, %get3A_83] {strides = array<i32>} : memref<79x1x128xi32, #tpu.memory_space<vmem>>, vector<1x1x16xi32>,
      %get3A_85 = vector.shape_cast %get3A_84 : vector<1x1x16xi32> to vector<16xi32>
      %swap3A_86 = arith.constant 112 : index
      %swap3A_87 = tpu.vector_load %arg7[%swap3A_86] {strides = array<i32>} : memref<128xi32, #tpu.memory_space<vmem>>, vector<16xi32>,
      %swap3A_88 = vector.shape_cast %swap3A_87 : vector<16xi32> to vector<16xi32>
      %swap3A_89 = vector.shape_cast %get3A_85 : vector<16xi32> to vector<16xi32>
      tpu.vector_store %arg7[%swap3A_86], %swap3A_89 {strides = array<i32>} : memref<128xi32, #tpu.memory_space<vmem>>, vector<16xi32>,
      "tpu.region"() ({
        %run_scoped3A = tpu.sem_alloc : memref<!tpu.dma_semaphore, #tpu.memory_space<semaphore_mem>>
        %dma_start3A = arith.constant 0 : i32
        %dma_start3A_90 = arith.constant 0 : i32
        %dma_start3A_91 = tpu.memref_slice %arg9[%dma_start3A, %dma_start3A_90] : memref<10112x128xf32, #tpu.memory_space<vmem_shared>> -> memref<10112x128xf32, #tpu.memory_space<vmem_shared>>
        tpu.enqueue_indirect_dma source(%arg8 : memref<128x128xf32, #tpu.memory_space<vmem>>) target(%dma_start3A_91 : memref<10112x128xf32, #tpu.memory_space<vmem_shared>>) offsets(%arg7 : memref<128xi32, #tpu.memory_space<vmem>>) semaphore(%run_scoped3A : memref<!tpu.dma_semaphore, #tpu.memory_space<semaphore_mem>>) {add = true}
        %dma_wait3A = arith.constant 0 : i32
        %dma_wait3A_92 = arith.constant 0 : i32
        %dma_wait3A_93 = tpu.memref_slice %arg9[%dma_wait3A, %dma_wait3A_92] : memref<10112x128xf32, #tpu.memory_space<vmem_shared>> -> memref<10112x128xf32, #tpu.memory_space<vmem_shared>>
        tpu.wait_indirect_dma semaphore(%run_scoped3A : memref<!tpu.dma_semaphore, #tpu.memory_space<semaphore_mem>>) src(%arg8 : memref<128x128xf32, #tpu.memory_space<vmem>>) dst(%dma_wait3A_93 : memref<10112x128xf32, #tpu.memory_space<vmem_shared>>)
        tpu.yield
      }) : () -> ()
    }
    %scan3A_9 = arith.constant 79 : i32
    %barrier3A_10 = arith.constant 0 : index
    tpu.barrier barrier_id(%barrier3A_10)
    "tpu.region"() ({
      %run_scoped3A = tpu.sem_alloc : memref<!tpu.dma_semaphore, #tpu.memory_space<semaphore_mem>>
      %dma_start3A = arith.constant 0 : i32
      %dma_start3A_11 = tpu.memref_slice %arg5[%arg0, %mul3A_2, %dma_start3A] : memref<2x10112x128xf32, #tpu.memory_space<hbm>> -> memref<1x632x128xf32, #tpu.memory_space<hbm>>
      %dma_start3A_12 = tpu.memref_squeeze %dma_start3A_11 : memref<1x632x128xf32, #tpu.memory_space<hbm>> -> memref<632x128xf32, #tpu.memory_space<hbm>>
      %dma_start3A_13 = arith.constant 0 : i32
      %dma_start3A_14 = tpu.memref_slice %arg9[%mul3A_2, %dma_start3A_13] : memref<10112x128xf32, #tpu.memory_space<vmem_shared>> -> memref<632x128xf32, #tpu.memory_space<vmem_shared>>
      tpu.enqueue_dma source(%dma_start3A_14 : memref<632x128xf32, #tpu.memory_space<vmem_shared>>) target(%dma_start3A_12 : memref<632x128xf32, #tpu.memory_space<hbm>>) target_semaphore(%run_scoped3A : memref<!tpu.dma_semaphore, #tpu.memory_space<semaphore_mem>>)
      %dma_wait3A = arith.constant 0 : i32
      %dma_wait3A_15 = tpu.memref_slice %arg5[%arg0, %mul3A_2, %dma_wait3A] : memref<2x10112x128xf32, #tpu.memory_space<hbm>> -> memref<1x632x128xf32, #tpu.memory_space<hbm>>
      %dma_wait3A_16 = tpu.memref_squeeze %dma_wait3A_15 : memref<1x632x128xf32, #tpu.memory_space<hbm>> -> memref<632x128xf32, #tpu.memory_space<hbm>>
      %dma_wait3A_17 = arith.constant 0 : i32
      %dma_wait3A_18 = tpu.memref_slice %arg9[%mul3A_2, %dma_wait3A_17] : memref<10112x128xf32, #tpu.memory_space<vmem_shared>> -> memref<632x128xf32, #tpu.memory_space<vmem_shared>>
      tpu.wait_dma2 semaphore(%run_scoped3A : memref<!tpu.dma_semaphore, #tpu.memory_space<semaphore_mem>>) src(%dma_wait3A_18 : memref<632x128xf32, #tpu.memory_space<vmem_shared>>) dst(%dma_wait3A_16 : memref<632x128xf32, #tpu.memory_space<hbm>>)
      tpu.yield
    }) : () -> ()
    return
  }
}

#map = affine_map<(d0, d1) -> (0, 0)>
#map1 = affine_map<(d0, d1) -> (0, 0, 0)>
module attributes {stable_mosaic.version = 14 : i64} {
  func.func @seg_sum(%arg0: i32, %arg1: i32, %arg2: memref<10112x128xf32, #tpu.memory_space<hbm>>, %arg3: memref<2528x1x128xi32, #tpu.memory_space<hbm>>, %arg4: memref<2528x1x128xi32, #tpu.memory_space<hbm>>, %arg5: memref<632x128xf32, #tpu.memory_space<hbm>>, %arg6: memref<2x2560x128xf32, #tpu.memory_space<hbm>>, %arg7: memref<79x1x128xi32, #tpu.memory_space<vmem>>, %arg8: memref<79x1x128xi32, #tpu.memory_space<vmem>>, %arg9: memref<128xi32, #tpu.memory_space<vmem>>, %arg10: memref<128xi32, #tpu.memory_space<vmem>>, %arg11: memref<128x128xf32, #tpu.memory_space<vmem>>, %arg12: memref<2560x128xf32, #tpu.memory_space<vmem_shared>>, %arg13: memref<!tpu.dma_semaphore, #tpu.memory_space<semaphore_mem>>) attributes {dimension_semantics = [#tpu.dimension_semantics<core_parallel>, #tpu.dimension_semantics<subcore_parallel>], iteration_bounds = array<i64: 2, 16>, scalar_prefetch = 0 : i64, scratch_operands = 7 : i64, tpu.core_type = #tpu.core_type<sc_vector_subcore>, window_params = [{transform_indices = #map}, {transform_indices = #map1}, {transform_indices = #map1}, {transform_indices = #map}, {transform_indices = #map1}]} {
    %mul3A = arith.constant 2 : i32
    %mul3A_0 = arith.muli %arg1, %mul3A : i32
    %add3A = arith.addi %mul3A_0, %arg0 : i32
    %mul3A_1 = arith.constant 160 : i32
    %mul3A_2 = arith.muli %arg1, %mul3A_1 : i32
    "tpu.region"() ({
      %run_scoped3A = tpu.sem_alloc : memref<!tpu.dma_semaphore, #tpu.memory_space<semaphore_mem>>
      %dma_start3A = arith.constant 0 : i32
      %dma_start3A_11 = tpu.memref_slice %arg12[%mul3A_2, %dma_start3A] : memref<2560x128xf32, #tpu.memory_space<vmem_shared>> -> memref<160x128xf32, #tpu.memory_space<vmem_shared>>
      %dma_start3A_12 = arith.constant 0 : i32
      %dma_start3A_13 = arith.constant 0 : i32
      %dma_start3A_14 = tpu.memref_slice %arg5[%dma_start3A_12, %dma_start3A_13] : memref<632x128xf32, #tpu.memory_space<hbm>> -> memref<160x128xf32, #tpu.memory_space<hbm>>
      tpu.enqueue_dma source(%dma_start3A_14 : memref<160x128xf32, #tpu.memory_space<hbm>>) target(%dma_start3A_11 : memref<160x128xf32, #tpu.memory_space<vmem_shared>>) target_semaphore(%run_scoped3A : memref<!tpu.dma_semaphore, #tpu.memory_space<semaphore_mem>>)
      %dma_wait3A = arith.constant 0 : i32
      %dma_wait3A_15 = tpu.memref_slice %arg12[%mul3A_2, %dma_wait3A] : memref<2560x128xf32, #tpu.memory_space<vmem_shared>> -> memref<160x128xf32, #tpu.memory_space<vmem_shared>>
      %dma_wait3A_16 = arith.constant 0 : i32
      %dma_wait3A_17 = arith.constant 0 : i32
      %dma_wait3A_18 = tpu.memref_slice %arg5[%dma_wait3A_16, %dma_wait3A_17] : memref<632x128xf32, #tpu.memory_space<hbm>> -> memref<160x128xf32, #tpu.memory_space<hbm>>
      tpu.wait_dma2 semaphore(%run_scoped3A : memref<!tpu.dma_semaphore, #tpu.memory_space<semaphore_mem>>) src(%dma_wait3A_18 : memref<160x128xf32, #tpu.memory_space<hbm>>) dst(%dma_wait3A_15 : memref<160x128xf32, #tpu.memory_space<vmem_shared>>)
      tpu.yield
    }) : () -> ()
    %mul3A_3 = arith.constant 79 : i32
    %mul3A_4 = arith.muli %add3A, %mul3A_3 : i32
    "tpu.region"() ({
      %run_scoped3A = tpu.sem_alloc : memref<!tpu.dma_semaphore, #tpu.memory_space<semaphore_mem>>
      %dma_start3A = arith.constant 0 : i32
      %dma_start3A_11 = arith.constant 0 : i32
      %dma_start3A_12 = tpu.memref_slice %arg3[%mul3A_4, %dma_start3A, %dma_start3A_11] : memref<2528x1x128xi32, #tpu.memory_space<hbm>> -> memref<79x1x128xi32, #tpu.memory_space<hbm>>
      %dma_start3A_13 = arith.constant 0 : i32
      %dma_start3A_14 = arith.constant 0 : i32
      %dma_start3A_15 = tpu.memref_slice %arg3[%mul3A_4, %dma_start3A_13, %dma_start3A_14] : memref<2528x1x128xi32, #tpu.memory_space<hbm>> -> memref<79x1x128xi32, #tpu.memory_space<hbm>>
      tpu.enqueue_dma source(%dma_start3A_15 : memref<79x1x128xi32, #tpu.memory_space<hbm>>) target(%arg7 : memref<79x1x128xi32, #tpu.memory_space<vmem>>) target_semaphore(%run_scoped3A : memref<!tpu.dma_semaphore, #tpu.memory_space<semaphore_mem>>)
      %dma_wait3A = arith.constant 0 : i32
      %dma_wait3A_16 = arith.constant 0 : i32
      %dma_wait3A_17 = tpu.memref_slice %arg3[%mul3A_4, %dma_wait3A, %dma_wait3A_16] : memref<2528x1x128xi32, #tpu.memory_space<hbm>> -> memref<79x1x128xi32, #tpu.memory_space<hbm>>
      %dma_wait3A_18 = arith.constant 0 : i32
      %dma_wait3A_19 = arith.constant 0 : i32
      %dma_wait3A_20 = tpu.memref_slice %arg3[%mul3A_4, %dma_wait3A_18, %dma_wait3A_19] : memref<2528x1x128xi32, #tpu.memory_space<hbm>> -> memref<79x1x128xi32, #tpu.memory_space<hbm>>
      tpu.wait_dma2 semaphore(%run_scoped3A : memref<!tpu.dma_semaphore, #tpu.memory_space<semaphore_mem>>) src(%dma_wait3A_20 : memref<79x1x128xi32, #tpu.memory_space<hbm>>) dst(%arg7 : memref<79x1x128xi32, #tpu.memory_space<vmem>>)
      tpu.yield
    }) : () -> ()
    "tpu.region"() ({
      %run_scoped3A = tpu.sem_alloc : memref<!tpu.dma_semaphore, #tpu.memory_space<semaphore_mem>>
      %dma_start3A = arith.constant 0 : i32
      %dma_start3A_11 = arith.constant 0 : i32
      %dma_start3A_12 = tpu.memref_slice %arg4[%mul3A_4, %dma_start3A, %dma_start3A_11] : memref<2528x1x128xi32, #tpu.memory_space<hbm>> -> memref<79x1x128xi32, #tpu.memory_space<hbm>>
      %dma_start3A_13 = arith.constant 0 : i32
      %dma_start3A_14 = arith.constant 0 : i32
      %dma_start3A_15 = tpu.memref_slice %arg4[%mul3A_4, %dma_start3A_13, %dma_start3A_14] : memref<2528x1x128xi32, #tpu.memory_space<hbm>> -> memref<79x1x128xi32, #tpu.memory_space<hbm>>
      tpu.enqueue_dma source(%dma_start3A_15 : memref<79x1x128xi32, #tpu.memory_space<hbm>>) target(%arg8 : memref<79x1x128xi32, #tpu.memory_space<vmem>>) target_semaphore(%run_scoped3A : memref<!tpu.dma_semaphore, #tpu.memory_space<semaphore_mem>>)
      %dma_wait3A = arith.constant 0 : i32
      %dma_wait3A_16 = arith.constant 0 : i32
      %dma_wait3A_17 = tpu.memref_slice %arg4[%mul3A_4, %dma_wait3A, %dma_wait3A_16] : memref<2528x1x128xi32, #tpu.memory_space<hbm>> -> memref<79x1x128xi32, #tpu.memory_space<hbm>>
      %dma_wait3A_18 = arith.constant 0 : i32
      %dma_wait3A_19 = arith.constant 0 : i32
      %dma_wait3A_20 = tpu.memref_slice %arg4[%mul3A_4, %dma_wait3A_18, %dma_wait3A_19] : memref<2528x1x128xi32, #tpu.memory_space<hbm>> -> memref<79x1x128xi32, #tpu.memory_space<hbm>>
      tpu.wait_dma2 semaphore(%run_scoped3A : memref<!tpu.dma_semaphore, #tpu.memory_space<semaphore_mem>>) src(%dma_wait3A_20 : memref<79x1x128xi32, #tpu.memory_space<hbm>>) dst(%arg8 : memref<79x1x128xi32, #tpu.memory_space<vmem>>)
      tpu.yield
    }) : () -> ()
    %barrier3A = arith.constant 0 : index
    tpu.barrier barrier_id(%barrier3A)
    %scan3A = arith.constant 0 : i32
    %scan3A_5 = arith.constant 0 : i32
    %scan3A_6 = arith.constant 79 : i32
    %scan3A_7 = arith.addi %scan3A_5, %scan3A_6 : i32
    %scan3A_8 = arith.constant 1 : i32
    scf.for %scan3A_11 = %scan3A_5 to %scan3A_7 step %scan3A_8  : i32 {
      %get3A = arith.constant 0 : i32
      %get3A_12 = arith.index_cast %scan3A_11 : i32 to index
      %get3A_13 = arith.index_cast %get3A : i32 to index
      %get3A_14 = arith.constant 0 : index
      %get3A_15 = tpu.vector_load %arg7[%get3A_12, %get3A_13, %get3A_14] {strides = array<i32>} : memref<79x1x128xi32, #tpu.memory_space<vmem>>, vector<1x1x16xi32>,
      %get3A_16 = vector.shape_cast %get3A_15 : vector<1x1x16xi32> to vector<16xi32>
      %swap3A = arith.constant 0 : index
      %swap3A_17 = tpu.vector_load %arg9[%swap3A] {strides = array<i32>} : memref<128xi32, #tpu.memory_space<vmem>>, vector<16xi32>,
      %swap3A_18 = vector.shape_cast %swap3A_17 : vector<16xi32> to vector<16xi32>
      %swap3A_19 = vector.shape_cast %get3A_16 : vector<16xi32> to vector<16xi32>
      tpu.vector_store %arg9[%swap3A], %swap3A_19 {strides = array<i32>} : memref<128xi32, #tpu.memory_space<vmem>>, vector<16xi32>,
      %get3A_20 = arith.constant 0 : i32
      %get3A_21 = arith.index_cast %scan3A_11 : i32 to index
      %get3A_22 = arith.index_cast %get3A_20 : i32 to index
      %get3A_23 = arith.constant 16 : index
      %get3A_24 = tpu.vector_load %arg7[%get3A_21, %get3A_22, %get3A_23] {strides = array<i32>} : memref<79x1x128xi32, #tpu.memory_space<vmem>>, vector<1x1x16xi32>,
      %get3A_25 = vector.shape_cast %get3A_24 : vector<1x1x16xi32> to vector<16xi32>
      %swap3A_26 = arith.constant 16 : index
      %swap3A_27 = tpu.vector_load %arg9[%swap3A_26] {strides = array<i32>} : memref<128xi32, #tpu.memory_space<vmem>>, vector<16xi32>,
      %swap3A_28 = vector.shape_cast %swap3A_27 : vector<16xi32> to vector<16xi32>
      %swap3A_29 = vector.shape_cast %get3A_25 : vector<16xi32> to vector<16xi32>
      tpu.vector_store %arg9[%swap3A_26], %swap3A_29 {strides = array<i32>} : memref<128xi32, #tpu.memory_space<vmem>>, vector<16xi32>,
      %get3A_30 = arith.constant 0 : i32
      %get3A_31 = arith.index_cast %scan3A_11 : i32 to index
      %get3A_32 = arith.index_cast %get3A_30 : i32 to index
      %get3A_33 = arith.constant 32 : index
      %get3A_34 = tpu.vector_load %arg7[%get3A_31, %get3A_32, %get3A_33] {strides = array<i32>} : memref<79x1x128xi32, #tpu.memory_space<vmem>>, vector<1x1x16xi32>,
      %get3A_35 = vector.shape_cast %get3A_34 : vector<1x1x16xi32> to vector<16xi32>
      %swap3A_36 = arith.constant 32 : index
      %swap3A_37 = tpu.vector_load %arg9[%swap3A_36] {strides = array<i32>} : memref<128xi32, #tpu.memory_space<vmem>>, vector<16xi32>,
      %swap3A_38 = vector.shape_cast %swap3A_37 : vector<16xi32> to vector<16xi32>
      %swap3A_39 = vector.shape_cast %get3A_35 : vector<16xi32> to vector<16xi32>
      tpu.vector_store %arg9[%swap3A_36], %swap3A_39 {strides = array<i32>} : memref<128xi32, #tpu.memory_space<vmem>>, vector<16xi32>,
      %get3A_40 = arith.constant 0 : i32
      %get3A_41 = arith.index_cast %scan3A_11 : i32 to index
      %get3A_42 = arith.index_cast %get3A_40 : i32 to index
      %get3A_43 = arith.constant 48 : index
      %get3A_44 = tpu.vector_load %arg7[%get3A_41, %get3A_42, %get3A_43] {strides = array<i32>} : memref<79x1x128xi32, #tpu.memory_space<vmem>>, vector<1x1x16xi32>,
      %get3A_45 = vector.shape_cast %get3A_44 : vector<1x1x16xi32> to vector<16xi32>
      %swap3A_46 = arith.constant 48 : index
      %swap3A_47 = tpu.vector_load %arg9[%swap3A_46] {strides = array<i32>} : memref<128xi32, #tpu.memory_space<vmem>>, vector<16xi32>,
      %swap3A_48 = vector.shape_cast %swap3A_47 : vector<16xi32> to vector<16xi32>
      %swap3A_49 = vector.shape_cast %get3A_45 : vector<16xi32> to vector<16xi32>
      tpu.vector_store %arg9[%swap3A_46], %swap3A_49 {strides = array<i32>} : memref<128xi32, #tpu.memory_space<vmem>>, vector<16xi32>,
      %get3A_50 = arith.constant 0 : i32
      %get3A_51 = arith.index_cast %scan3A_11 : i32 to index
      %get3A_52 = arith.index_cast %get3A_50 : i32 to index
      %get3A_53 = arith.constant 64 : index
      %get3A_54 = tpu.vector_load %arg7[%get3A_51, %get3A_52, %get3A_53] {strides = array<i32>} : memref<79x1x128xi32, #tpu.memory_space<vmem>>, vector<1x1x16xi32>,
      %get3A_55 = vector.shape_cast %get3A_54 : vector<1x1x16xi32> to vector<16xi32>
      %swap3A_56 = arith.constant 64 : index
      %swap3A_57 = tpu.vector_load %arg9[%swap3A_56] {strides = array<i32>} : memref<128xi32, #tpu.memory_space<vmem>>, vector<16xi32>,
      %swap3A_58 = vector.shape_cast %swap3A_57 : vector<16xi32> to vector<16xi32>
      %swap3A_59 = vector.shape_cast %get3A_55 : vector<16xi32> to vector<16xi32>
      tpu.vector_store %arg9[%swap3A_56], %swap3A_59 {strides = array<i32>} : memref<128xi32, #tpu.memory_space<vmem>>, vector<16xi32>,
      %get3A_60 = arith.constant 0 : i32
      %get3A_61 = arith.index_cast %scan3A_11 : i32 to index
      %get3A_62 = arith.index_cast %get3A_60 : i32 to index
      %get3A_63 = arith.constant 80 : index
      %get3A_64 = tpu.vector_load %arg7[%get3A_61, %get3A_62, %get3A_63] {strides = array<i32>} : memref<79x1x128xi32, #tpu.memory_space<vmem>>, vector<1x1x16xi32>,
      %get3A_65 = vector.shape_cast %get3A_64 : vector<1x1x16xi32> to vector<16xi32>
      %swap3A_66 = arith.constant 80 : index
      %swap3A_67 = tpu.vector_load %arg9[%swap3A_66] {strides = array<i32>} : memref<128xi32, #tpu.memory_space<vmem>>, vector<16xi32>,
      %swap3A_68 = vector.shape_cast %swap3A_67 : vector<16xi32> to vector<16xi32>
      %swap3A_69 = vector.shape_cast %get3A_65 : vector<16xi32> to vector<16xi32>
      tpu.vector_store %arg9[%swap3A_66], %swap3A_69 {strides = array<i32>} : memref<128xi32, #tpu.memory_space<vmem>>, vector<16xi32>,
      %get3A_70 = arith.constant 0 : i32
      %get3A_71 = arith.index_cast %scan3A_11 : i32 to index
      %get3A_72 = arith.index_cast %get3A_70 : i32 to index
      %get3A_73 = arith.constant 96 : index
      %get3A_74 = tpu.vector_load %arg7[%get3A_71, %get3A_72, %get3A_73] {strides = array<i32>} : memref<79x1x128xi32, #tpu.memory_space<vmem>>, vector<1x1x16xi32>,
      %get3A_75 = vector.shape_cast %get3A_74 : vector<1x1x16xi32> to vector<16xi32>
      %swap3A_76 = arith.constant 96 : index
      %swap3A_77 = tpu.vector_load %arg9[%swap3A_76] {strides = array<i32>} : memref<128xi32, #tpu.memory_space<vmem>>, vector<16xi32>,
      %swap3A_78 = vector.shape_cast %swap3A_77 : vector<16xi32> to vector<16xi32>
      %swap3A_79 = vector.shape_cast %get3A_75 : vector<16xi32> to vector<16xi32>
      tpu.vector_store %arg9[%swap3A_76], %swap3A_79 {strides = array<i32>} : memref<128xi32, #tpu.memory_space<vmem>>, vector<16xi32>,
      %get3A_80 = arith.constant 0 : i32
      %get3A_81 = arith.index_cast %scan3A_11 : i32 to index
      %get3A_82 = arith.index_cast %get3A_80 : i32 to index
      %get3A_83 = arith.constant 112 : index
      %get3A_84 = tpu.vector_load %arg7[%get3A_81, %get3A_82, %get3A_83] {strides = array<i32>} : memref<79x1x128xi32, #tpu.memory_space<vmem>>, vector<1x1x16xi32>,
      %get3A_85 = vector.shape_cast %get3A_84 : vector<1x1x16xi32> to vector<16xi32>
      %swap3A_86 = arith.constant 112 : index
      %swap3A_87 = tpu.vector_load %arg9[%swap3A_86] {strides = array<i32>} : memref<128xi32, #tpu.memory_space<vmem>>, vector<16xi32>,
      %swap3A_88 = vector.shape_cast %swap3A_87 : vector<16xi32> to vector<16xi32>
      %swap3A_89 = vector.shape_cast %get3A_85 : vector<16xi32> to vector<16xi32>
      tpu.vector_store %arg9[%swap3A_86], %swap3A_89 {strides = array<i32>} : memref<128xi32, #tpu.memory_space<vmem>>, vector<16xi32>,
      %get3A_90 = arith.constant 0 : i32
      %get3A_91 = arith.index_cast %scan3A_11 : i32 to index
      %get3A_92 = arith.index_cast %get3A_90 : i32 to index
      %get3A_93 = arith.constant 0 : index
      %get3A_94 = tpu.vector_load %arg8[%get3A_91, %get3A_92, %get3A_93] {strides = array<i32>} : memref<79x1x128xi32, #tpu.memory_space<vmem>>, vector<1x1x16xi32>,
      %get3A_95 = vector.shape_cast %get3A_94 : vector<1x1x16xi32> to vector<16xi32>
      %swap3A_96 = arith.constant 0 : index
      %swap3A_97 = tpu.vector_load %arg10[%swap3A_96] {strides = array<i32>} : memref<128xi32, #tpu.memory_space<vmem>>, vector<16xi32>,
      %swap3A_98 = vector.shape_cast %swap3A_97 : vector<16xi32> to vector<16xi32>
      %swap3A_99 = vector.shape_cast %get3A_95 : vector<16xi32> to vector<16xi32>
      tpu.vector_store %arg10[%swap3A_96], %swap3A_99 {strides = array<i32>} : memref<128xi32, #tpu.memory_space<vmem>>, vector<16xi32>,
      %get3A_100 = arith.constant 0 : i32
      %get3A_101 = arith.index_cast %scan3A_11 : i32 to index
      %get3A_102 = arith.index_cast %get3A_100 : i32 to index
      %get3A_103 = arith.constant 16 : index
      %get3A_104 = tpu.vector_load %arg8[%get3A_101, %get3A_102, %get3A_103] {strides = array<i32>} : memref<79x1x128xi32, #tpu.memory_space<vmem>>, vector<1x1x16xi32>,
      %get3A_105 = vector.shape_cast %get3A_104 : vector<1x1x16xi32> to vector<16xi32>
      %swap3A_106 = arith.constant 16 : index
      %swap3A_107 = tpu.vector_load %arg10[%swap3A_106] {strides = array<i32>} : memref<128xi32, #tpu.memory_space<vmem>>, vector<16xi32>,
      %swap3A_108 = vector.shape_cast %swap3A_107 : vector<16xi32> to vector<16xi32>
      %swap3A_109 = vector.shape_cast %get3A_105 : vector<16xi32> to vector<16xi32>
      tpu.vector_store %arg10[%swap3A_106], %swap3A_109 {strides = array<i32>} : memref<128xi32, #tpu.memory_space<vmem>>, vector<16xi32>,
      %get3A_110 = arith.constant 0 : i32
      %get3A_111 = arith.index_cast %scan3A_11 : i32 to index
      %get3A_112 = arith.index_cast %get3A_110 : i32 to index
      %get3A_113 = arith.constant 32 : index
      %get3A_114 = tpu.vector_load %arg8[%get3A_111, %get3A_112, %get3A_113] {strides = array<i32>} : memref<79x1x128xi32, #tpu.memory_space<vmem>>, vector<1x1x16xi32>,
      %get3A_115 = vector.shape_cast %get3A_114 : vector<1x1x16xi32> to vector<16xi32>
      %swap3A_116 = arith.constant 32 : index
      %swap3A_117 = tpu.vector_load %arg10[%swap3A_116] {strides = array<i32>} : memref<128xi32, #tpu.memory_space<vmem>>, vector<16xi32>,
      %swap3A_118 = vector.shape_cast %swap3A_117 : vector<16xi32> to vector<16xi32>
      %swap3A_119 = vector.shape_cast %get3A_115 : vector<16xi32> to vector<16xi32>
      tpu.vector_store %arg10[%swap3A_116], %swap3A_119 {strides = array<i32>} : memref<128xi32, #tpu.memory_space<vmem>>, vector<16xi32>,
      %get3A_120 = arith.constant 0 : i32
      %get3A_121 = arith.index_cast %scan3A_11 : i32 to index
      %get3A_122 = arith.index_cast %get3A_120 : i32 to index
      %get3A_123 = arith.constant 48 : index
      %get3A_124 = tpu.vector_load %arg8[%get3A_121, %get3A_122, %get3A_123] {strides = array<i32>} : memref<79x1x128xi32, #tpu.memory_space<vmem>>, vector<1x1x16xi32>,
      %get3A_125 = vector.shape_cast %get3A_124 : vector<1x1x16xi32> to vector<16xi32>
      %swap3A_126 = arith.constant 48 : index
      %swap3A_127 = tpu.vector_load %arg10[%swap3A_126] {strides = array<i32>} : memref<128xi32, #tpu.memory_space<vmem>>, vector<16xi32>,
      %swap3A_128 = vector.shape_cast %swap3A_127 : vector<16xi32> to vector<16xi32>
      %swap3A_129 = vector.shape_cast %get3A_125 : vector<16xi32> to vector<16xi32>
      tpu.vector_store %arg10[%swap3A_126], %swap3A_129 {strides = array<i32>} : memref<128xi32, #tpu.memory_space<vmem>>, vector<16xi32>,
      %get3A_130 = arith.constant 0 : i32
      %get3A_131 = arith.index_cast %scan3A_11 : i32 to index
      %get3A_132 = arith.index_cast %get3A_130 : i32 to index
      %get3A_133 = arith.constant 64 : index
      %get3A_134 = tpu.vector_load %arg8[%get3A_131, %get3A_132, %get3A_133] {strides = array<i32>} : memref<79x1x128xi32, #tpu.memory_space<vmem>>, vector<1x1x16xi32>,
      %get3A_135 = vector.shape_cast %get3A_134 : vector<1x1x16xi32> to vector<16xi32>
      %swap3A_136 = arith.constant 64 : index
      %swap3A_137 = tpu.vector_load %arg10[%swap3A_136] {strides = array<i32>} : memref<128xi32, #tpu.memory_space<vmem>>, vector<16xi32>,
      %swap3A_138 = vector.shape_cast %swap3A_137 : vector<16xi32> to vector<16xi32>
      %swap3A_139 = vector.shape_cast %get3A_135 : vector<16xi32> to vector<16xi32>
      tpu.vector_store %arg10[%swap3A_136], %swap3A_139 {strides = array<i32>} : memref<128xi32, #tpu.memory_space<vmem>>, vector<16xi32>,
      %get3A_140 = arith.constant 0 : i32
      %get3A_141 = arith.index_cast %scan3A_11 : i32 to index
      %get3A_142 = arith.index_cast %get3A_140 : i32 to index
      %get3A_143 = arith.constant 80 : index
      %get3A_144 = tpu.vector_load %arg8[%get3A_141, %get3A_142, %get3A_143] {strides = array<i32>} : memref<79x1x128xi32, #tpu.memory_space<vmem>>, vector<1x1x16xi32>,
      %get3A_145 = vector.shape_cast %get3A_144 : vector<1x1x16xi32> to vector<16xi32>
      %swap3A_146 = arith.constant 80 : index
      %swap3A_147 = tpu.vector_load %arg10[%swap3A_146] {strides = array<i32>} : memref<128xi32, #tpu.memory_space<vmem>>, vector<16xi32>,
      %swap3A_148 = vector.shape_cast %swap3A_147 : vector<16xi32> to vector<16xi32>
      %swap3A_149 = vector.shape_cast %get3A_145 : vector<16xi32> to vector<16xi32>
      tpu.vector_store %arg10[%swap3A_146], %swap3A_149 {strides = array<i32>} : memref<128xi32, #tpu.memory_space<vmem>>, vector<16xi32>,
      %get3A_150 = arith.constant 0 : i32
      %get3A_151 = arith.index_cast %scan3A_11 : i32 to index
      %get3A_152 = arith.index_cast %get3A_150 : i32 to index
      %get3A_153 = arith.constant 96 : index
      %get3A_154 = tpu.vector_load %arg8[%get3A_151, %get3A_152, %get3A_153] {strides = array<i32>} : memref<79x1x128xi32, #tpu.memory_space<vmem>>, vector<1x1x16xi32>,
      %get3A_155 = vector.shape_cast %get3A_154 : vector<1x1x16xi32> to vector<16xi32>
      %swap3A_156 = arith.constant 96 : index
      %swap3A_157 = tpu.vector_load %arg10[%swap3A_156] {strides = array<i32>} : memref<128xi32, #tpu.memory_space<vmem>>, vector<16xi32>,
      %swap3A_158 = vector.shape_cast %swap3A_157 : vector<16xi32> to vector<16xi32>
      %swap3A_159 = vector.shape_cast %get3A_155 : vector<16xi32> to vector<16xi32>
      tpu.vector_store %arg10[%swap3A_156], %swap3A_159 {strides = array<i32>} : memref<128xi32, #tpu.memory_space<vmem>>, vector<16xi32>,
      %get3A_160 = arith.constant 0 : i32
      %get3A_161 = arith.index_cast %scan3A_11 : i32 to index
      %get3A_162 = arith.index_cast %get3A_160 : i32 to index
      %get3A_163 = arith.constant 112 : index
      %get3A_164 = tpu.vector_load %arg8[%get3A_161, %get3A_162, %get3A_163] {strides = array<i32>} : memref<79x1x128xi32, #tpu.memory_space<vmem>>, vector<1x1x16xi32>,
      %get3A_165 = vector.shape_cast %get3A_164 : vector<1x1x16xi32> to vector<16xi32>
      %swap3A_166 = arith.constant 112 : index
      %swap3A_167 = tpu.vector_load %arg10[%swap3A_166] {strides = array<i32>} : memref<128xi32, #tpu.memory_space<vmem>>, vector<16xi32>,
      %swap3A_168 = vector.shape_cast %swap3A_167 : vector<16xi32> to vector<16xi32>
      %swap3A_169 = vector.shape_cast %get3A_165 : vector<16xi32> to vector<16xi32>
      tpu.vector_store %arg10[%swap3A_166], %swap3A_169 {strides = array<i32>} : memref<128xi32, #tpu.memory_space<vmem>>, vector<16xi32>,
      %dma_start3A = arith.constant 0 : i32
      %dma_start3A_170 = arith.constant 0 : i32
      %dma_start3A_171 = tpu.memref_slice %arg2[%dma_start3A, %dma_start3A_170] : memref<10112x128xf32, #tpu.memory_space<hbm>> -> memref<10112x128xf32, #tpu.memory_space<hbm>>
      tpu.enqueue_indirect_dma source(%dma_start3A_171 : memref<10112x128xf32, #tpu.memory_space<hbm>>) target(%arg11 : memref<128x128xf32, #tpu.memory_space<vmem>>) offsets(%arg9 : memref<128xi32, #tpu.memory_space<vmem>>) semaphore(%arg13 : memref<!tpu.dma_semaphore, #tpu.memory_space<semaphore_mem>>)
      %dma_wait3A = arith.constant 0 : i32
      %dma_wait3A_172 = arith.constant 0 : i32
      %dma_wait3A_173 = tpu.memref_slice %arg2[%dma_wait3A, %dma_wait3A_172] : memref<10112x128xf32, #tpu.memory_space<hbm>> -> memref<10112x128xf32, #tpu.memory_space<hbm>>
      tpu.wait_indirect_dma semaphore(%arg13 : memref<!tpu.dma_semaphore, #tpu.memory_space<semaphore_mem>>) src(%dma_wait3A_173 : memref<10112x128xf32, #tpu.memory_space<hbm>>) dst(%arg11 : memref<128x128xf32, #tpu.memory_space<vmem>>)
      "tpu.region"() ({
        %run_scoped3A = tpu.sem_alloc : memref<!tpu.dma_semaphore, #tpu.memory_space<semaphore_mem>>
        %dma_start3A_174 = arith.constant 0 : i32
        %dma_start3A_175 = arith.constant 0 : i32
        %dma_start3A_176 = tpu.memref_slice %arg12[%dma_start3A_174, %dma_start3A_175] : memref<2560x128xf32, #tpu.memory_space<vmem_shared>> -> memref<2560x128xf32, #tpu.memory_space<vmem_shared>>
        tpu.enqueue_indirect_dma source(%arg11 : memref<128x128xf32, #tpu.memory_space<vmem>>) target(%dma_start3A_176 : memref<2560x128xf32, #tpu.memory_space<vmem_shared>>) offsets(%arg10 : memref<128xi32, #tpu.memory_space<vmem>>) semaphore(%run_scoped3A : memref<!tpu.dma_semaphore, #tpu.memory_space<semaphore_mem>>) {add = true}
        %dma_wait3A_177 = arith.constant 0 : i32
        %dma_wait3A_178 = arith.constant 0 : i32
        %dma_wait3A_179 = tpu.memref_slice %arg12[%dma_wait3A_177, %dma_wait3A_178] : memref<2560x128xf32, #tpu.memory_space<vmem_shared>> -> memref<2560x128xf32, #tpu.memory_space<vmem_shared>>
        tpu.wait_indirect_dma semaphore(%run_scoped3A : memref<!tpu.dma_semaphore, #tpu.memory_space<semaphore_mem>>) src(%arg11 : memref<128x128xf32, #tpu.memory_space<vmem>>) dst(%dma_wait3A_179 : memref<2560x128xf32, #tpu.memory_space<vmem_shared>>)
        tpu.yield
      }) : () -> ()
    }
    %scan3A_9 = arith.constant 79 : i32
    %barrier3A_10 = arith.constant 0 : index
    tpu.barrier barrier_id(%barrier3A_10)
    "tpu.region"() ({
      %run_scoped3A = tpu.sem_alloc : memref<!tpu.dma_semaphore, #tpu.memory_space<semaphore_mem>>
      %dma_start3A = arith.constant 0 : i32
      %dma_start3A_11 = tpu.memref_slice %arg6[%arg0, %mul3A_2, %dma_start3A] : memref<2x2560x128xf32, #tpu.memory_space<hbm>> -> memref<1x160x128xf32, #tpu.memory_space<hbm>>
      %dma_start3A_12 = tpu.memref_squeeze %dma_start3A_11 : memref<1x160x128xf32, #tpu.memory_space<hbm>> -> memref<160x128xf32, #tpu.memory_space<hbm>>
      %dma_start3A_13 = arith.constant 0 : i32
      %dma_start3A_14 = tpu.memref_slice %arg12[%mul3A_2, %dma_start3A_13] : memref<2560x128xf32, #tpu.memory_space<vmem_shared>> -> memref<160x128xf32, #tpu.memory_space<vmem_shared>>
      tpu.enqueue_dma source(%dma_start3A_14 : memref<160x128xf32, #tpu.memory_space<vmem_shared>>) target(%dma_start3A_12 : memref<160x128xf32, #tpu.memory_space<hbm>>) target_semaphore(%run_scoped3A : memref<!tpu.dma_semaphore, #tpu.memory_space<semaphore_mem>>)
      %dma_wait3A = arith.constant 0 : i32
      %dma_wait3A_15 = tpu.memref_slice %arg6[%arg0, %mul3A_2, %dma_wait3A] : memref<2x2560x128xf32, #tpu.memory_space<hbm>> -> memref<1x160x128xf32, #tpu.memory_space<hbm>>
      %dma_wait3A_16 = tpu.memref_squeeze %dma_wait3A_15 : memref<1x160x128xf32, #tpu.memory_space<hbm>> -> memref<160x128xf32, #tpu.memory_space<hbm>>
      %dma_wait3A_17 = arith.constant 0 : i32
      %dma_wait3A_18 = tpu.memref_slice %arg12[%mul3A_2, %dma_wait3A_17] : memref<2560x128xf32, #tpu.memory_space<vmem_shared>> -> memref<160x128xf32, #tpu.memory_space<vmem_shared>>
      tpu.wait_dma2 semaphore(%run_scoped3A : memref<!tpu.dma_semaphore, #tpu.memory_space<semaphore_mem>>) src(%dma_wait3A_18 : memref<160x128xf32, #tpu.memory_space<vmem_shared>>) dst(%dma_wait3A_16 : memref<160x128xf32, #tpu.memory_space<hbm>>)
      tpu.yield
    }) : () -> ()
    return
  }
}

#map = affine_map<(d0, d1) -> (0, 0)>
#map1 = affine_map<(d0, d1) -> (0, 0, 0)>
module attributes {stable_mosaic.version = 14 : i64} {
  func.func @seg_sum(%arg0: i32, %arg1: i32, %arg2: memref<10112x128xf32, #tpu.memory_space<hbm>>, %arg3: memref<2528x1x128xi32, #tpu.memory_space<hbm>>, %arg4: memref<2528x1x128xi32, #tpu.memory_space<hbm>>, %arg5: memref<632x128xf32, #tpu.memory_space<hbm>>, %arg6: memref<2x2560x128xf32, #tpu.memory_space<hbm>>, %arg7: memref<79x1x128xi32, #tpu.memory_space<vmem>>, %arg8: memref<79x1x128xi32, #tpu.memory_space<vmem>>, %arg9: memref<128xi32, #tpu.memory_space<vmem>>, %arg10: memref<128xi32, #tpu.memory_space<vmem>>, %arg11: memref<128x128xf32, #tpu.memory_space<vmem>>, %arg12: memref<2560x128xf32, #tpu.memory_space<vmem_shared>>, %arg13: memref<!tpu.dma_semaphore, #tpu.memory_space<semaphore_mem>>) attributes {dimension_semantics = [#tpu.dimension_semantics<core_parallel>, #tpu.dimension_semantics<subcore_parallel>], iteration_bounds = array<i64: 2, 16>, scalar_prefetch = 0 : i64, scratch_operands = 7 : i64, tpu.core_type = #tpu.core_type<sc_vector_subcore>, window_params = [{transform_indices = #map}, {transform_indices = #map1}, {transform_indices = #map1}, {transform_indices = #map}, {transform_indices = #map1}]} {
    %mul3A = arith.constant 2 : i32
    %mul3A_0 = arith.muli %arg1, %mul3A : i32
    %add3A = arith.addi %mul3A_0, %arg0 : i32
    %mul3A_1 = arith.constant 160 : i32
    %mul3A_2 = arith.muli %arg1, %mul3A_1 : i32
    "tpu.region"() ({
      %run_scoped3A = tpu.sem_alloc : memref<!tpu.dma_semaphore, #tpu.memory_space<semaphore_mem>>
      %dma_start3A = arith.constant 0 : i32
      %dma_start3A_11 = tpu.memref_slice %arg12[%mul3A_2, %dma_start3A] : memref<2560x128xf32, #tpu.memory_space<vmem_shared>> -> memref<160x128xf32, #tpu.memory_space<vmem_shared>>
      %dma_start3A_12 = arith.constant 0 : i32
      %dma_start3A_13 = arith.constant 0 : i32
      %dma_start3A_14 = tpu.memref_slice %arg5[%dma_start3A_12, %dma_start3A_13] : memref<632x128xf32, #tpu.memory_space<hbm>> -> memref<160x128xf32, #tpu.memory_space<hbm>>
      tpu.enqueue_dma source(%dma_start3A_14 : memref<160x128xf32, #tpu.memory_space<hbm>>) target(%dma_start3A_11 : memref<160x128xf32, #tpu.memory_space<vmem_shared>>) target_semaphore(%run_scoped3A : memref<!tpu.dma_semaphore, #tpu.memory_space<semaphore_mem>>)
      %dma_wait3A = arith.constant 0 : i32
      %dma_wait3A_15 = tpu.memref_slice %arg12[%mul3A_2, %dma_wait3A] : memref<2560x128xf32, #tpu.memory_space<vmem_shared>> -> memref<160x128xf32, #tpu.memory_space<vmem_shared>>
      %dma_wait3A_16 = arith.constant 0 : i32
      %dma_wait3A_17 = arith.constant 0 : i32
      %dma_wait3A_18 = tpu.memref_slice %arg5[%dma_wait3A_16, %dma_wait3A_17] : memref<632x128xf32, #tpu.memory_space<hbm>> -> memref<160x128xf32, #tpu.memory_space<hbm>>
      tpu.wait_dma2 semaphore(%run_scoped3A : memref<!tpu.dma_semaphore, #tpu.memory_space<semaphore_mem>>) src(%dma_wait3A_18 : memref<160x128xf32, #tpu.memory_space<hbm>>) dst(%dma_wait3A_15 : memref<160x128xf32, #tpu.memory_space<vmem_shared>>)
      tpu.yield
    }) : () -> ()
    %mul3A_3 = arith.constant 79 : i32
    %mul3A_4 = arith.muli %add3A, %mul3A_3 : i32
    "tpu.region"() ({
      %run_scoped3A = tpu.sem_alloc : memref<!tpu.dma_semaphore, #tpu.memory_space<semaphore_mem>>
      %dma_start3A = arith.constant 0 : i32
      %dma_start3A_11 = arith.constant 0 : i32
      %dma_start3A_12 = tpu.memref_slice %arg3[%mul3A_4, %dma_start3A, %dma_start3A_11] : memref<2528x1x128xi32, #tpu.memory_space<hbm>> -> memref<79x1x128xi32, #tpu.memory_space<hbm>>
      %dma_start3A_13 = arith.constant 0 : i32
      %dma_start3A_14 = arith.constant 0 : i32
      %dma_start3A_15 = tpu.memref_slice %arg3[%mul3A_4, %dma_start3A_13, %dma_start3A_14] : memref<2528x1x128xi32, #tpu.memory_space<hbm>> -> memref<79x1x128xi32, #tpu.memory_space<hbm>>
      tpu.enqueue_dma source(%dma_start3A_15 : memref<79x1x128xi32, #tpu.memory_space<hbm>>) target(%arg7 : memref<79x1x128xi32, #tpu.memory_space<vmem>>) target_semaphore(%run_scoped3A : memref<!tpu.dma_semaphore, #tpu.memory_space<semaphore_mem>>)
      %dma_wait3A = arith.constant 0 : i32
      %dma_wait3A_16 = arith.constant 0 : i32
      %dma_wait3A_17 = tpu.memref_slice %arg3[%mul3A_4, %dma_wait3A, %dma_wait3A_16] : memref<2528x1x128xi32, #tpu.memory_space<hbm>> -> memref<79x1x128xi32, #tpu.memory_space<hbm>>
      %dma_wait3A_18 = arith.constant 0 : i32
      %dma_wait3A_19 = arith.constant 0 : i32
      %dma_wait3A_20 = tpu.memref_slice %arg3[%mul3A_4, %dma_wait3A_18, %dma_wait3A_19] : memref<2528x1x128xi32, #tpu.memory_space<hbm>> -> memref<79x1x128xi32, #tpu.memory_space<hbm>>
      tpu.wait_dma2 semaphore(%run_scoped3A : memref<!tpu.dma_semaphore, #tpu.memory_space<semaphore_mem>>) src(%dma_wait3A_20 : memref<79x1x128xi32, #tpu.memory_space<hbm>>) dst(%arg7 : memref<79x1x128xi32, #tpu.memory_space<vmem>>)
      tpu.yield
    }) : () -> ()
    "tpu.region"() ({
      %run_scoped3A = tpu.sem_alloc : memref<!tpu.dma_semaphore, #tpu.memory_space<semaphore_mem>>
      %dma_start3A = arith.constant 0 : i32
      %dma_start3A_11 = arith.constant 0 : i32
      %dma_start3A_12 = tpu.memref_slice %arg4[%mul3A_4, %dma_start3A, %dma_start3A_11] : memref<2528x1x128xi32, #tpu.memory_space<hbm>> -> memref<79x1x128xi32, #tpu.memory_space<hbm>>
      %dma_start3A_13 = arith.constant 0 : i32
      %dma_start3A_14 = arith.constant 0 : i32
      %dma_start3A_15 = tpu.memref_slice %arg4[%mul3A_4, %dma_start3A_13, %dma_start3A_14] : memref<2528x1x128xi32, #tpu.memory_space<hbm>> -> memref<79x1x128xi32, #tpu.memory_space<hbm>>
      tpu.enqueue_dma source(%dma_start3A_15 : memref<79x1x128xi32, #tpu.memory_space<hbm>>) target(%arg8 : memref<79x1x128xi32, #tpu.memory_space<vmem>>) target_semaphore(%run_scoped3A : memref<!tpu.dma_semaphore, #tpu.memory_space<semaphore_mem>>)
      %dma_wait3A = arith.constant 0 : i32
      %dma_wait3A_16 = arith.constant 0 : i32
      %dma_wait3A_17 = tpu.memref_slice %arg4[%mul3A_4, %dma_wait3A, %dma_wait3A_16] : memref<2528x1x128xi32, #tpu.memory_space<hbm>> -> memref<79x1x128xi32, #tpu.memory_space<hbm>>
      %dma_wait3A_18 = arith.constant 0 : i32
      %dma_wait3A_19 = arith.constant 0 : i32
      %dma_wait3A_20 = tpu.memref_slice %arg4[%mul3A_4, %dma_wait3A_18, %dma_wait3A_19] : memref<2528x1x128xi32, #tpu.memory_space<hbm>> -> memref<79x1x128xi32, #tpu.memory_space<hbm>>
      tpu.wait_dma2 semaphore(%run_scoped3A : memref<!tpu.dma_semaphore, #tpu.memory_space<semaphore_mem>>) src(%dma_wait3A_20 : memref<79x1x128xi32, #tpu.memory_space<hbm>>) dst(%arg8 : memref<79x1x128xi32, #tpu.memory_space<vmem>>)
      tpu.yield
    }) : () -> ()
    %barrier3A = arith.constant 0 : index
    tpu.barrier barrier_id(%barrier3A)
    %scan3A = arith.constant 0 : i32
    %scan3A_5 = arith.constant 0 : i32
    %scan3A_6 = arith.constant 79 : i32
    %scan3A_7 = arith.addi %scan3A_5, %scan3A_6 : i32
    %scan3A_8 = arith.constant 1 : i32
    scf.for %scan3A_11 = %scan3A_5 to %scan3A_7 step %scan3A_8  : i32 {
      %get3A = arith.constant 0 : i32
      %get3A_12 = arith.index_cast %scan3A_11 : i32 to index
      %get3A_13 = arith.index_cast %get3A : i32 to index
      %get3A_14 = arith.constant 0 : index
      %get3A_15 = tpu.vector_load %arg7[%get3A_12, %get3A_13, %get3A_14] {strides = array<i32>} : memref<79x1x128xi32, #tpu.memory_space<vmem>>, vector<1x1x16xi32>,
      %get3A_16 = vector.shape_cast %get3A_15 : vector<1x1x16xi32> to vector<16xi32>
      %swap3A = arith.constant 0 : index
      %swap3A_17 = tpu.vector_load %arg9[%swap3A] {strides = array<i32>} : memref<128xi32, #tpu.memory_space<vmem>>, vector<16xi32>,
      %swap3A_18 = vector.shape_cast %swap3A_17 : vector<16xi32> to vector<16xi32>
      %swap3A_19 = vector.shape_cast %get3A_16 : vector<16xi32> to vector<16xi32>
      tpu.vector_store %arg9[%swap3A], %swap3A_19 {strides = array<i32>} : memref<128xi32, #tpu.memory_space<vmem>>, vector<16xi32>,
      %get3A_20 = arith.constant 0 : i32
      %get3A_21 = arith.index_cast %scan3A_11 : i32 to index
      %get3A_22 = arith.index_cast %get3A_20 : i32 to index
      %get3A_23 = arith.constant 16 : index
      %get3A_24 = tpu.vector_load %arg7[%get3A_21, %get3A_22, %get3A_23] {strides = array<i32>} : memref<79x1x128xi32, #tpu.memory_space<vmem>>, vector<1x1x16xi32>,
      %get3A_25 = vector.shape_cast %get3A_24 : vector<1x1x16xi32> to vector<16xi32>
      %swap3A_26 = arith.constant 16 : index
      %swap3A_27 = tpu.vector_load %arg9[%swap3A_26] {strides = array<i32>} : memref<128xi32, #tpu.memory_space<vmem>>, vector<16xi32>,
      %swap3A_28 = vector.shape_cast %swap3A_27 : vector<16xi32> to vector<16xi32>
      %swap3A_29 = vector.shape_cast %get3A_25 : vector<16xi32> to vector<16xi32>
      tpu.vector_store %arg9[%swap3A_26], %swap3A_29 {strides = array<i32>} : memref<128xi32, #tpu.memory_space<vmem>>, vector<16xi32>,
      %get3A_30 = arith.constant 0 : i32
      %get3A_31 = arith.index_cast %scan3A_11 : i32 to index
      %get3A_32 = arith.index_cast %get3A_30 : i32 to index
      %get3A_33 = arith.constant 32 : index
      %get3A_34 = tpu.vector_load %arg7[%get3A_31, %get3A_32, %get3A_33] {strides = array<i32>} : memref<79x1x128xi32, #tpu.memory_space<vmem>>, vector<1x1x16xi32>,
      %get3A_35 = vector.shape_cast %get3A_34 : vector<1x1x16xi32> to vector<16xi32>
      %swap3A_36 = arith.constant 32 : index
      %swap3A_37 = tpu.vector_load %arg9[%swap3A_36] {strides = array<i32>} : memref<128xi32, #tpu.memory_space<vmem>>, vector<16xi32>,
      %swap3A_38 = vector.shape_cast %swap3A_37 : vector<16xi32> to vector<16xi32>
      %swap3A_39 = vector.shape_cast %get3A_35 : vector<16xi32> to vector<16xi32>
      tpu.vector_store %arg9[%swap3A_36], %swap3A_39 {strides = array<i32>} : memref<128xi32, #tpu.memory_space<vmem>>, vector<16xi32>,
      %get3A_40 = arith.constant 0 : i32
      %get3A_41 = arith.index_cast %scan3A_11 : i32 to index
      %get3A_42 = arith.index_cast %get3A_40 : i32 to index
      %get3A_43 = arith.constant 48 : index
      %get3A_44 = tpu.vector_load %arg7[%get3A_41, %get3A_42, %get3A_43] {strides = array<i32>} : memref<79x1x128xi32, #tpu.memory_space<vmem>>, vector<1x1x16xi32>,
      %get3A_45 = vector.shape_cast %get3A_44 : vector<1x1x16xi32> to vector<16xi32>
      %swap3A_46 = arith.constant 48 : index
      %swap3A_47 = tpu.vector_load %arg9[%swap3A_46] {strides = array<i32>} : memref<128xi32, #tpu.memory_space<vmem>>, vector<16xi32>,
      %swap3A_48 = vector.shape_cast %swap3A_47 : vector<16xi32> to vector<16xi32>
      %swap3A_49 = vector.shape_cast %get3A_45 : vector<16xi32> to vector<16xi32>
      tpu.vector_store %arg9[%swap3A_46], %swap3A_49 {strides = array<i32>} : memref<128xi32, #tpu.memory_space<vmem>>, vector<16xi32>,
      %get3A_50 = arith.constant 0 : i32
      %get3A_51 = arith.index_cast %scan3A_11 : i32 to index
      %get3A_52 = arith.index_cast %get3A_50 : i32 to index
      %get3A_53 = arith.constant 64 : index
      %get3A_54 = tpu.vector_load %arg7[%get3A_51, %get3A_52, %get3A_53] {strides = array<i32>} : memref<79x1x128xi32, #tpu.memory_space<vmem>>, vector<1x1x16xi32>,
      %get3A_55 = vector.shape_cast %get3A_54 : vector<1x1x16xi32> to vector<16xi32>
      %swap3A_56 = arith.constant 64 : index
      %swap3A_57 = tpu.vector_load %arg9[%swap3A_56] {strides = array<i32>} : memref<128xi32, #tpu.memory_space<vmem>>, vector<16xi32>,
      %swap3A_58 = vector.shape_cast %swap3A_57 : vector<16xi32> to vector<16xi32>
      %swap3A_59 = vector.shape_cast %get3A_55 : vector<16xi32> to vector<16xi32>
      tpu.vector_store %arg9[%swap3A_56], %swap3A_59 {strides = array<i32>} : memref<128xi32, #tpu.memory_space<vmem>>, vector<16xi32>,
      %get3A_60 = arith.constant 0 : i32
      %get3A_61 = arith.index_cast %scan3A_11 : i32 to index
      %get3A_62 = arith.index_cast %get3A_60 : i32 to index
      %get3A_63 = arith.constant 80 : index
      %get3A_64 = tpu.vector_load %arg7[%get3A_61, %get3A_62, %get3A_63] {strides = array<i32>} : memref<79x1x128xi32, #tpu.memory_space<vmem>>, vector<1x1x16xi32>,
      %get3A_65 = vector.shape_cast %get3A_64 : vector<1x1x16xi32> to vector<16xi32>
      %swap3A_66 = arith.constant 80 : index
      %swap3A_67 = tpu.vector_load %arg9[%swap3A_66] {strides = array<i32>} : memref<128xi32, #tpu.memory_space<vmem>>, vector<16xi32>,
      %swap3A_68 = vector.shape_cast %swap3A_67 : vector<16xi32> to vector<16xi32>
      %swap3A_69 = vector.shape_cast %get3A_65 : vector<16xi32> to vector<16xi32>
      tpu.vector_store %arg9[%swap3A_66], %swap3A_69 {strides = array<i32>} : memref<128xi32, #tpu.memory_space<vmem>>, vector<16xi32>,
      %get3A_70 = arith.constant 0 : i32
      %get3A_71 = arith.index_cast %scan3A_11 : i32 to index
      %get3A_72 = arith.index_cast %get3A_70 : i32 to index
      %get3A_73 = arith.constant 96 : index
      %get3A_74 = tpu.vector_load %arg7[%get3A_71, %get3A_72, %get3A_73] {strides = array<i32>} : memref<79x1x128xi32, #tpu.memory_space<vmem>>, vector<1x1x16xi32>,
      %get3A_75 = vector.shape_cast %get3A_74 : vector<1x1x16xi32> to vector<16xi32>
      %swap3A_76 = arith.constant 96 : index
      %swap3A_77 = tpu.vector_load %arg9[%swap3A_76] {strides = array<i32>} : memref<128xi32, #tpu.memory_space<vmem>>, vector<16xi32>,
      %swap3A_78 = vector.shape_cast %swap3A_77 : vector<16xi32> to vector<16xi32>
      %swap3A_79 = vector.shape_cast %get3A_75 : vector<16xi32> to vector<16xi32>
      tpu.vector_store %arg9[%swap3A_76], %swap3A_79 {strides = array<i32>} : memref<128xi32, #tpu.memory_space<vmem>>, vector<16xi32>,
      %get3A_80 = arith.constant 0 : i32
      %get3A_81 = arith.index_cast %scan3A_11 : i32 to index
      %get3A_82 = arith.index_cast %get3A_80 : i32 to index
      %get3A_83 = arith.constant 112 : index
      %get3A_84 = tpu.vector_load %arg7[%get3A_81, %get3A_82, %get3A_83] {strides = array<i32>} : memref<79x1x128xi32, #tpu.memory_space<vmem>>, vector<1x1x16xi32>,
      %get3A_85 = vector.shape_cast %get3A_84 : vector<1x1x16xi32> to vector<16xi32>
      %swap3A_86 = arith.constant 112 : index
      %swap3A_87 = tpu.vector_load %arg9[%swap3A_86] {strides = array<i32>} : memref<128xi32, #tpu.memory_space<vmem>>, vector<16xi32>,
      %swap3A_88 = vector.shape_cast %swap3A_87 : vector<16xi32> to vector<16xi32>
      %swap3A_89 = vector.shape_cast %get3A_85 : vector<16xi32> to vector<16xi32>
      tpu.vector_store %arg9[%swap3A_86], %swap3A_89 {strides = array<i32>} : memref<128xi32, #tpu.memory_space<vmem>>, vector<16xi32>,
      %get3A_90 = arith.constant 0 : i32
      %get3A_91 = arith.index_cast %scan3A_11 : i32 to index
      %get3A_92 = arith.index_cast %get3A_90 : i32 to index
      %get3A_93 = arith.constant 0 : index
      %get3A_94 = tpu.vector_load %arg8[%get3A_91, %get3A_92, %get3A_93] {strides = array<i32>} : memref<79x1x128xi32, #tpu.memory_space<vmem>>, vector<1x1x16xi32>,
      %get3A_95 = vector.shape_cast %get3A_94 : vector<1x1x16xi32> to vector<16xi32>
      %swap3A_96 = arith.constant 0 : index
      %swap3A_97 = tpu.vector_load %arg10[%swap3A_96] {strides = array<i32>} : memref<128xi32, #tpu.memory_space<vmem>>, vector<16xi32>,
      %swap3A_98 = vector.shape_cast %swap3A_97 : vector<16xi32> to vector<16xi32>
      %swap3A_99 = vector.shape_cast %get3A_95 : vector<16xi32> to vector<16xi32>
      tpu.vector_store %arg10[%swap3A_96], %swap3A_99 {strides = array<i32>} : memref<128xi32, #tpu.memory_space<vmem>>, vector<16xi32>,
      %get3A_100 = arith.constant 0 : i32
      %get3A_101 = arith.index_cast %scan3A_11 : i32 to index
      %get3A_102 = arith.index_cast %get3A_100 : i32 to index
      %get3A_103 = arith.constant 16 : index
      %get3A_104 = tpu.vector_load %arg8[%get3A_101, %get3A_102, %get3A_103] {strides = array<i32>} : memref<79x1x128xi32, #tpu.memory_space<vmem>>, vector<1x1x16xi32>,
      %get3A_105 = vector.shape_cast %get3A_104 : vector<1x1x16xi32> to vector<16xi32>
      %swap3A_106 = arith.constant 16 : index
      %swap3A_107 = tpu.vector_load %arg10[%swap3A_106] {strides = array<i32>} : memref<128xi32, #tpu.memory_space<vmem>>, vector<16xi32>,
      %swap3A_108 = vector.shape_cast %swap3A_107 : vector<16xi32> to vector<16xi32>
      %swap3A_109 = vector.shape_cast %get3A_105 : vector<16xi32> to vector<16xi32>
      tpu.vector_store %arg10[%swap3A_106], %swap3A_109 {strides = array<i32>} : memref<128xi32, #tpu.memory_space<vmem>>, vector<16xi32>,
      %get3A_110 = arith.constant 0 : i32
      %get3A_111 = arith.index_cast %scan3A_11 : i32 to index
      %get3A_112 = arith.index_cast %get3A_110 : i32 to index
      %get3A_113 = arith.constant 32 : index
      %get3A_114 = tpu.vector_load %arg8[%get3A_111, %get3A_112, %get3A_113] {strides = array<i32>} : memref<79x1x128xi32, #tpu.memory_space<vmem>>, vector<1x1x16xi32>,
      %get3A_115 = vector.shape_cast %get3A_114 : vector<1x1x16xi32> to vector<16xi32>
      %swap3A_116 = arith.constant 32 : index
      %swap3A_117 = tpu.vector_load %arg10[%swap3A_116] {strides = array<i32>} : memref<128xi32, #tpu.memory_space<vmem>>, vector<16xi32>,
      %swap3A_118 = vector.shape_cast %swap3A_117 : vector<16xi32> to vector<16xi32>
      %swap3A_119 = vector.shape_cast %get3A_115 : vector<16xi32> to vector<16xi32>
      tpu.vector_store %arg10[%swap3A_116], %swap3A_119 {strides = array<i32>} : memref<128xi32, #tpu.memory_space<vmem>>, vector<16xi32>,
      %get3A_120 = arith.constant 0 : i32
      %get3A_121 = arith.index_cast %scan3A_11 : i32 to index
      %get3A_122 = arith.index_cast %get3A_120 : i32 to index
      %get3A_123 = arith.constant 48 : index
      %get3A_124 = tpu.vector_load %arg8[%get3A_121, %get3A_122, %get3A_123] {strides = array<i32>} : memref<79x1x128xi32, #tpu.memory_space<vmem>>, vector<1x1x16xi32>,
      %get3A_125 = vector.shape_cast %get3A_124 : vector<1x1x16xi32> to vector<16xi32>
      %swap3A_126 = arith.constant 48 : index
      %swap3A_127 = tpu.vector_load %arg10[%swap3A_126] {strides = array<i32>} : memref<128xi32, #tpu.memory_space<vmem>>, vector<16xi32>,
      %swap3A_128 = vector.shape_cast %swap3A_127 : vector<16xi32> to vector<16xi32>
      %swap3A_129 = vector.shape_cast %get3A_125 : vector<16xi32> to vector<16xi32>
      tpu.vector_store %arg10[%swap3A_126], %swap3A_129 {strides = array<i32>} : memref<128xi32, #tpu.memory_space<vmem>>, vector<16xi32>,
      %get3A_130 = arith.constant 0 : i32
      %get3A_131 = arith.index_cast %scan3A_11 : i32 to index
      %get3A_132 = arith.index_cast %get3A_130 : i32 to index
      %get3A_133 = arith.constant 64 : index
      %get3A_134 = tpu.vector_load %arg8[%get3A_131, %get3A_132, %get3A_133] {strides = array<i32>} : memref<79x1x128xi32, #tpu.memory_space<vmem>>, vector<1x1x16xi32>,
      %get3A_135 = vector.shape_cast %get3A_134 : vector<1x1x16xi32> to vector<16xi32>
      %swap3A_136 = arith.constant 64 : index
      %swap3A_137 = tpu.vector_load %arg10[%swap3A_136] {strides = array<i32>} : memref<128xi32, #tpu.memory_space<vmem>>, vector<16xi32>,
      %swap3A_138 = vector.shape_cast %swap3A_137 : vector<16xi32> to vector<16xi32>
      %swap3A_139 = vector.shape_cast %get3A_135 : vector<16xi32> to vector<16xi32>
      tpu.vector_store %arg10[%swap3A_136], %swap3A_139 {strides = array<i32>} : memref<128xi32, #tpu.memory_space<vmem>>, vector<16xi32>,
      %get3A_140 = arith.constant 0 : i32
      %get3A_141 = arith.index_cast %scan3A_11 : i32 to index
      %get3A_142 = arith.index_cast %get3A_140 : i32 to index
      %get3A_143 = arith.constant 80 : index
      %get3A_144 = tpu.vector_load %arg8[%get3A_141, %get3A_142, %get3A_143] {strides = array<i32>} : memref<79x1x128xi32, #tpu.memory_space<vmem>>, vector<1x1x16xi32>,
      %get3A_145 = vector.shape_cast %get3A_144 : vector<1x1x16xi32> to vector<16xi32>
      %swap3A_146 = arith.constant 80 : index
      %swap3A_147 = tpu.vector_load %arg10[%swap3A_146] {strides = array<i32>} : memref<128xi32, #tpu.memory_space<vmem>>, vector<16xi32>,
      %swap3A_148 = vector.shape_cast %swap3A_147 : vector<16xi32> to vector<16xi32>
      %swap3A_149 = vector.shape_cast %get3A_145 : vector<16xi32> to vector<16xi32>
      tpu.vector_store %arg10[%swap3A_146], %swap3A_149 {strides = array<i32>} : memref<128xi32, #tpu.memory_space<vmem>>, vector<16xi32>,
      %get3A_150 = arith.constant 0 : i32
      %get3A_151 = arith.index_cast %scan3A_11 : i32 to index
      %get3A_152 = arith.index_cast %get3A_150 : i32 to index
      %get3A_153 = arith.constant 96 : index
      %get3A_154 = tpu.vector_load %arg8[%get3A_151, %get3A_152, %get3A_153] {strides = array<i32>} : memref<79x1x128xi32, #tpu.memory_space<vmem>>, vector<1x1x16xi32>,
      %get3A_155 = vector.shape_cast %get3A_154 : vector<1x1x16xi32> to vector<16xi32>
      %swap3A_156 = arith.constant 96 : index
      %swap3A_157 = tpu.vector_load %arg10[%swap3A_156] {strides = array<i32>} : memref<128xi32, #tpu.memory_space<vmem>>, vector<16xi32>,
      %swap3A_158 = vector.shape_cast %swap3A_157 : vector<16xi32> to vector<16xi32>
      %swap3A_159 = vector.shape_cast %get3A_155 : vector<16xi32> to vector<16xi32>
      tpu.vector_store %arg10[%swap3A_156], %swap3A_159 {strides = array<i32>} : memref<128xi32, #tpu.memory_space<vmem>>, vector<16xi32>,
      %get3A_160 = arith.constant 0 : i32
      %get3A_161 = arith.index_cast %scan3A_11 : i32 to index
      %get3A_162 = arith.index_cast %get3A_160 : i32 to index
      %get3A_163 = arith.constant 112 : index
      %get3A_164 = tpu.vector_load %arg8[%get3A_161, %get3A_162, %get3A_163] {strides = array<i32>} : memref<79x1x128xi32, #tpu.memory_space<vmem>>, vector<1x1x16xi32>,
      %get3A_165 = vector.shape_cast %get3A_164 : vector<1x1x16xi32> to vector<16xi32>
      %swap3A_166 = arith.constant 112 : index
      %swap3A_167 = tpu.vector_load %arg10[%swap3A_166] {strides = array<i32>} : memref<128xi32, #tpu.memory_space<vmem>>, vector<16xi32>,
      %swap3A_168 = vector.shape_cast %swap3A_167 : vector<16xi32> to vector<16xi32>
      %swap3A_169 = vector.shape_cast %get3A_165 : vector<16xi32> to vector<16xi32>
      tpu.vector_store %arg10[%swap3A_166], %swap3A_169 {strides = array<i32>} : memref<128xi32, #tpu.memory_space<vmem>>, vector<16xi32>,
      %dma_start3A = arith.constant 0 : i32
      %dma_start3A_170 = arith.constant 0 : i32
      %dma_start3A_171 = tpu.memref_slice %arg2[%dma_start3A, %dma_start3A_170] : memref<10112x128xf32, #tpu.memory_space<hbm>> -> memref<10112x128xf32, #tpu.memory_space<hbm>>
      tpu.enqueue_indirect_dma source(%dma_start3A_171 : memref<10112x128xf32, #tpu.memory_space<hbm>>) target(%arg11 : memref<128x128xf32, #tpu.memory_space<vmem>>) offsets(%arg9 : memref<128xi32, #tpu.memory_space<vmem>>) semaphore(%arg13 : memref<!tpu.dma_semaphore, #tpu.memory_space<semaphore_mem>>)
      %dma_wait3A = arith.constant 0 : i32
      %dma_wait3A_172 = arith.constant 0 : i32
      %dma_wait3A_173 = tpu.memref_slice %arg2[%dma_wait3A, %dma_wait3A_172] : memref<10112x128xf32, #tpu.memory_space<hbm>> -> memref<10112x128xf32, #tpu.memory_space<hbm>>
      tpu.wait_indirect_dma semaphore(%arg13 : memref<!tpu.dma_semaphore, #tpu.memory_space<semaphore_mem>>) src(%dma_wait3A_173 : memref<10112x128xf32, #tpu.memory_space<hbm>>) dst(%arg11 : memref<128x128xf32, #tpu.memory_space<vmem>>)
      "tpu.region"() ({
        %run_scoped3A = tpu.sem_alloc : memref<!tpu.dma_semaphore, #tpu.memory_space<semaphore_mem>>
        %dma_start3A_174 = arith.constant 0 : i32
        %dma_start3A_175 = arith.constant 0 : i32
        %dma_start3A_176 = tpu.memref_slice %arg12[%dma_start3A_174, %dma_start3A_175] : memref<2560x128xf32, #tpu.memory_space<vmem_shared>> -> memref<2560x128xf32, #tpu.memory_space<vmem_shared>>
        tpu.enqueue_indirect_dma source(%arg11 : memref<128x128xf32, #tpu.memory_space<vmem>>) target(%dma_start3A_176 : memref<2560x128xf32, #tpu.memory_space<vmem_shared>>) offsets(%arg10 : memref<128xi32, #tpu.memory_space<vmem>>) semaphore(%run_scoped3A : memref<!tpu.dma_semaphore, #tpu.memory_space<semaphore_mem>>) {add = true}
        %dma_wait3A_177 = arith.constant 0 : i32
        %dma_wait3A_178 = arith.constant 0 : i32
        %dma_wait3A_179 = tpu.memref_slice %arg12[%dma_wait3A_177, %dma_wait3A_178] : memref<2560x128xf32, #tpu.memory_space<vmem_shared>> -> memref<2560x128xf32, #tpu.memory_space<vmem_shared>>
        tpu.wait_indirect_dma semaphore(%run_scoped3A : memref<!tpu.dma_semaphore, #tpu.memory_space<semaphore_mem>>) src(%arg11 : memref<128x128xf32, #tpu.memory_space<vmem>>) dst(%dma_wait3A_179 : memref<2560x128xf32, #tpu.memory_space<vmem_shared>>)
        tpu.yield
      }) : () -> ()
    }
    %scan3A_9 = arith.constant 79 : i32
    %barrier3A_10 = arith.constant 0 : index
    tpu.barrier barrier_id(%barrier3A_10)
    "tpu.region"() ({
      %run_scoped3A = tpu.sem_alloc : memref<!tpu.dma_semaphore, #tpu.memory_space<semaphore_mem>>
      %dma_start3A = arith.constant 0 : i32
      %dma_start3A_11 = tpu.memref_slice %arg6[%arg0, %mul3A_2, %dma_start3A] : memref<2x2560x128xf32, #tpu.memory_space<hbm>> -> memref<1x160x128xf32, #tpu.memory_space<hbm>>
      %dma_start3A_12 = tpu.memref_squeeze %dma_start3A_11 : memref<1x160x128xf32, #tpu.memory_space<hbm>> -> memref<160x128xf32, #tpu.memory_space<hbm>>
      %dma_start3A_13 = arith.constant 0 : i32
      %dma_start3A_14 = tpu.memref_slice %arg12[%mul3A_2, %dma_start3A_13] : memref<2560x128xf32, #tpu.memory_space<vmem_shared>> -> memref<160x128xf32, #tpu.memory_space<vmem_shared>>
      tpu.enqueue_dma source(%dma_start3A_14 : memref<160x128xf32, #tpu.memory_space<vmem_shared>>) target(%dma_start3A_12 : memref<160x128xf32, #tpu.memory_space<hbm>>) target_semaphore(%run_scoped3A : memref<!tpu.dma_semaphore, #tpu.memory_space<semaphore_mem>>)
      %dma_wait3A = arith.constant 0 : i32
      %dma_wait3A_15 = tpu.memref_slice %arg6[%arg0, %mul3A_2, %dma_wait3A] : memref<2x2560x128xf32, #tpu.memory_space<hbm>> -> memref<1x160x128xf32, #tpu.memory_space<hbm>>
      %dma_wait3A_16 = tpu.memref_squeeze %dma_wait3A_15 : memref<1x160x128xf32, #tpu.memory_space<hbm>> -> memref<160x128xf32, #tpu.memory_space<hbm>>
      %dma_wait3A_17 = arith.constant 0 : i32
      %dma_wait3A_18 = tpu.memref_slice %arg12[%mul3A_2, %dma_wait3A_17] : memref<2560x128xf32, #tpu.memory_space<vmem_shared>> -> memref<160x128xf32, #tpu.memory_space<vmem_shared>>
      tpu.wait_dma2 semaphore(%run_scoped3A : memref<!tpu.dma_semaphore, #tpu.memory_space<semaphore_mem>>) src(%dma_wait3A_18 : memref<160x128xf32, #tpu.memory_space<vmem_shared>>) dst(%dma_wait3A_16 : memref<160x128xf32, #tpu.memory_space<hbm>>)
      tpu.yield
    }) : () -> ()
    return
  }
}

#map = affine_map<(d0, d1) -> (0, 0)>
#map1 = affine_map<(d0, d1) -> (0, 0, 0)>
module attributes {stable_mosaic.version = 14 : i64} {
  func.func @seg_sum(%arg0: i32, %arg1: i32, %arg2: memref<2560x128xf32, #tpu.memory_space<hbm>>, %arg3: memref<2528x1x128xi32, #tpu.memory_space<hbm>>, %arg4: memref<2528x1x128xi32, #tpu.memory_space<hbm>>, %arg5: memref<632x128xf32, #tpu.memory_space<hbm>>, %arg6: memref<2x10112x128xf32, #tpu.memory_space<hbm>>, %arg7: memref<79x1x128xi32, #tpu.memory_space<vmem>>, %arg8: memref<79x1x128xi32, #tpu.memory_space<vmem>>, %arg9: memref<128xi32, #tpu.memory_space<vmem>>, %arg10: memref<128xi32, #tpu.memory_space<vmem>>, %arg11: memref<128x128xf32, #tpu.memory_space<vmem>>, %arg12: memref<10112x128xf32, #tpu.memory_space<vmem_shared>>, %arg13: memref<!tpu.dma_semaphore, #tpu.memory_space<semaphore_mem>>) attributes {dimension_semantics = [#tpu.dimension_semantics<core_parallel>, #tpu.dimension_semantics<subcore_parallel>], iteration_bounds = array<i64: 2, 16>, scalar_prefetch = 0 : i64, scratch_operands = 7 : i64, tpu.core_type = #tpu.core_type<sc_vector_subcore>, window_params = [{transform_indices = #map}, {transform_indices = #map1}, {transform_indices = #map1}, {transform_indices = #map}, {transform_indices = #map1}]} {
    %mul3A = arith.constant 2 : i32
    %mul3A_0 = arith.muli %arg1, %mul3A : i32
    %add3A = arith.addi %mul3A_0, %arg0 : i32
    %mul3A_1 = arith.constant 632 : i32
    %mul3A_2 = arith.muli %arg1, %mul3A_1 : i32
    "tpu.region"() ({
      %run_scoped3A = tpu.sem_alloc : memref<!tpu.dma_semaphore, #tpu.memory_space<semaphore_mem>>
      %dma_start3A = arith.constant 0 : i32
      %dma_start3A_11 = tpu.memref_slice %arg12[%mul3A_2, %dma_start3A] : memref<10112x128xf32, #tpu.memory_space<vmem_shared>> -> memref<632x128xf32, #tpu.memory_space<vmem_shared>>
      %dma_start3A_12 = arith.constant 0 : i32
      %dma_start3A_13 = arith.constant 0 : i32
      %dma_start3A_14 = tpu.memref_slice %arg5[%dma_start3A_12, %dma_start3A_13] : memref<632x128xf32, #tpu.memory_space<hbm>> -> memref<632x128xf32, #tpu.memory_space<hbm>>
      tpu.enqueue_dma source(%dma_start3A_14 : memref<632x128xf32, #tpu.memory_space<hbm>>) target(%dma_start3A_11 : memref<632x128xf32, #tpu.memory_space<vmem_shared>>) target_semaphore(%run_scoped3A : memref<!tpu.dma_semaphore, #tpu.memory_space<semaphore_mem>>)
      %dma_wait3A = arith.constant 0 : i32
      %dma_wait3A_15 = tpu.memref_slice %arg12[%mul3A_2, %dma_wait3A] : memref<10112x128xf32, #tpu.memory_space<vmem_shared>> -> memref<632x128xf32, #tpu.memory_space<vmem_shared>>
      %dma_wait3A_16 = arith.constant 0 : i32
      %dma_wait3A_17 = arith.constant 0 : i32
      %dma_wait3A_18 = tpu.memref_slice %arg5[%dma_wait3A_16, %dma_wait3A_17] : memref<632x128xf32, #tpu.memory_space<hbm>> -> memref<632x128xf32, #tpu.memory_space<hbm>>
      tpu.wait_dma2 semaphore(%run_scoped3A : memref<!tpu.dma_semaphore, #tpu.memory_space<semaphore_mem>>) src(%dma_wait3A_18 : memref<632x128xf32, #tpu.memory_space<hbm>>) dst(%dma_wait3A_15 : memref<632x128xf32, #tpu.memory_space<vmem_shared>>)
      tpu.yield
    }) : () -> ()
    %mul3A_3 = arith.constant 79 : i32
    %mul3A_4 = arith.muli %add3A, %mul3A_3 : i32
    "tpu.region"() ({
      %run_scoped3A = tpu.sem_alloc : memref<!tpu.dma_semaphore, #tpu.memory_space<semaphore_mem>>
      %dma_start3A = arith.constant 0 : i32
      %dma_start3A_11 = arith.constant 0 : i32
      %dma_start3A_12 = tpu.memref_slice %arg3[%mul3A_4, %dma_start3A, %dma_start3A_11] : memref<2528x1x128xi32, #tpu.memory_space<hbm>> -> memref<79x1x128xi32, #tpu.memory_space<hbm>>
      %dma_start3A_13 = arith.constant 0 : i32
      %dma_start3A_14 = arith.constant 0 : i32
      %dma_start3A_15 = tpu.memref_slice %arg3[%mul3A_4, %dma_start3A_13, %dma_start3A_14] : memref<2528x1x128xi32, #tpu.memory_space<hbm>> -> memref<79x1x128xi32, #tpu.memory_space<hbm>>
      tpu.enqueue_dma source(%dma_start3A_15 : memref<79x1x128xi32, #tpu.memory_space<hbm>>) target(%arg7 : memref<79x1x128xi32, #tpu.memory_space<vmem>>) target_semaphore(%run_scoped3A : memref<!tpu.dma_semaphore, #tpu.memory_space<semaphore_mem>>)
      %dma_wait3A = arith.constant 0 : i32
      %dma_wait3A_16 = arith.constant 0 : i32
      %dma_wait3A_17 = tpu.memref_slice %arg3[%mul3A_4, %dma_wait3A, %dma_wait3A_16] : memref<2528x1x128xi32, #tpu.memory_space<hbm>> -> memref<79x1x128xi32, #tpu.memory_space<hbm>>
      %dma_wait3A_18 = arith.constant 0 : i32
      %dma_wait3A_19 = arith.constant 0 : i32
      %dma_wait3A_20 = tpu.memref_slice %arg3[%mul3A_4, %dma_wait3A_18, %dma_wait3A_19] : memref<2528x1x128xi32, #tpu.memory_space<hbm>> -> memref<79x1x128xi32, #tpu.memory_space<hbm>>
      tpu.wait_dma2 semaphore(%run_scoped3A : memref<!tpu.dma_semaphore, #tpu.memory_space<semaphore_mem>>) src(%dma_wait3A_20 : memref<79x1x128xi32, #tpu.memory_space<hbm>>) dst(%arg7 : memref<79x1x128xi32, #tpu.memory_space<vmem>>)
      tpu.yield
    }) : () -> ()
    "tpu.region"() ({
      %run_scoped3A = tpu.sem_alloc : memref<!tpu.dma_semaphore, #tpu.memory_space<semaphore_mem>>
      %dma_start3A = arith.constant 0 : i32
      %dma_start3A_11 = arith.constant 0 : i32
      %dma_start3A_12 = tpu.memref_slice %arg4[%mul3A_4, %dma_start3A, %dma_start3A_11] : memref<2528x1x128xi32, #tpu.memory_space<hbm>> -> memref<79x1x128xi32, #tpu.memory_space<hbm>>
      %dma_start3A_13 = arith.constant 0 : i32
      %dma_start3A_14 = arith.constant 0 : i32
      %dma_start3A_15 = tpu.memref_slice %arg4[%mul3A_4, %dma_start3A_13, %dma_start3A_14] : memref<2528x1x128xi32, #tpu.memory_space<hbm>> -> memref<79x1x128xi32, #tpu.memory_space<hbm>>
      tpu.enqueue_dma source(%dma_start3A_15 : memref<79x1x128xi32, #tpu.memory_space<hbm>>) target(%arg8 : memref<79x1x128xi32, #tpu.memory_space<vmem>>) target_semaphore(%run_scoped3A : memref<!tpu.dma_semaphore, #tpu.memory_space<semaphore_mem>>)
      %dma_wait3A = arith.constant 0 : i32
      %dma_wait3A_16 = arith.constant 0 : i32
      %dma_wait3A_17 = tpu.memref_slice %arg4[%mul3A_4, %dma_wait3A, %dma_wait3A_16] : memref<2528x1x128xi32, #tpu.memory_space<hbm>> -> memref<79x1x128xi32, #tpu.memory_space<hbm>>
      %dma_wait3A_18 = arith.constant 0 : i32
      %dma_wait3A_19 = arith.constant 0 : i32
      %dma_wait3A_20 = tpu.memref_slice %arg4[%mul3A_4, %dma_wait3A_18, %dma_wait3A_19] : memref<2528x1x128xi32, #tpu.memory_space<hbm>> -> memref<79x1x128xi32, #tpu.memory_space<hbm>>
      tpu.wait_dma2 semaphore(%run_scoped3A : memref<!tpu.dma_semaphore, #tpu.memory_space<semaphore_mem>>) src(%dma_wait3A_20 : memref<79x1x128xi32, #tpu.memory_space<hbm>>) dst(%arg8 : memref<79x1x128xi32, #tpu.memory_space<vmem>>)
      tpu.yield
    }) : () -> ()
    %barrier3A = arith.constant 0 : index
    tpu.barrier barrier_id(%barrier3A)
    %scan3A = arith.constant 0 : i32
    %scan3A_5 = arith.constant 0 : i32
    %scan3A_6 = arith.constant 79 : i32
    %scan3A_7 = arith.addi %scan3A_5, %scan3A_6 : i32
    %scan3A_8 = arith.constant 1 : i32
    scf.for %scan3A_11 = %scan3A_5 to %scan3A_7 step %scan3A_8  : i32 {
      %get3A = arith.constant 0 : i32
      %get3A_12 = arith.index_cast %scan3A_11 : i32 to index
      %get3A_13 = arith.index_cast %get3A : i32 to index
      %get3A_14 = arith.constant 0 : index
      %get3A_15 = tpu.vector_load %arg7[%get3A_12, %get3A_13, %get3A_14] {strides = array<i32>} : memref<79x1x128xi32, #tpu.memory_space<vmem>>, vector<1x1x16xi32>,
      %get3A_16 = vector.shape_cast %get3A_15 : vector<1x1x16xi32> to vector<16xi32>
      %swap3A = arith.constant 0 : index
      %swap3A_17 = tpu.vector_load %arg9[%swap3A] {strides = array<i32>} : memref<128xi32, #tpu.memory_space<vmem>>, vector<16xi32>,
      %swap3A_18 = vector.shape_cast %swap3A_17 : vector<16xi32> to vector<16xi32>
      %swap3A_19 = vector.shape_cast %get3A_16 : vector<16xi32> to vector<16xi32>
      tpu.vector_store %arg9[%swap3A], %swap3A_19 {strides = array<i32>} : memref<128xi32, #tpu.memory_space<vmem>>, vector<16xi32>,
      %get3A_20 = arith.constant 0 : i32
      %get3A_21 = arith.index_cast %scan3A_11 : i32 to index
      %get3A_22 = arith.index_cast %get3A_20 : i32 to index
      %get3A_23 = arith.constant 16 : index
      %get3A_24 = tpu.vector_load %arg7[%get3A_21, %get3A_22, %get3A_23] {strides = array<i32>} : memref<79x1x128xi32, #tpu.memory_space<vmem>>, vector<1x1x16xi32>,
      %get3A_25 = vector.shape_cast %get3A_24 : vector<1x1x16xi32> to vector<16xi32>
      %swap3A_26 = arith.constant 16 : index
      %swap3A_27 = tpu.vector_load %arg9[%swap3A_26] {strides = array<i32>} : memref<128xi32, #tpu.memory_space<vmem>>, vector<16xi32>,
      %swap3A_28 = vector.shape_cast %swap3A_27 : vector<16xi32> to vector<16xi32>
      %swap3A_29 = vector.shape_cast %get3A_25 : vector<16xi32> to vector<16xi32>
      tpu.vector_store %arg9[%swap3A_26], %swap3A_29 {strides = array<i32>} : memref<128xi32, #tpu.memory_space<vmem>>, vector<16xi32>,
      %get3A_30 = arith.constant 0 : i32
      %get3A_31 = arith.index_cast %scan3A_11 : i32 to index
      %get3A_32 = arith.index_cast %get3A_30 : i32 to index
      %get3A_33 = arith.constant 32 : index
      %get3A_34 = tpu.vector_load %arg7[%get3A_31, %get3A_32, %get3A_33] {strides = array<i32>} : memref<79x1x128xi32, #tpu.memory_space<vmem>>, vector<1x1x16xi32>,
      %get3A_35 = vector.shape_cast %get3A_34 : vector<1x1x16xi32> to vector<16xi32>
      %swap3A_36 = arith.constant 32 : index
      %swap3A_37 = tpu.vector_load %arg9[%swap3A_36] {strides = array<i32>} : memref<128xi32, #tpu.memory_space<vmem>>, vector<16xi32>,
      %swap3A_38 = vector.shape_cast %swap3A_37 : vector<16xi32> to vector<16xi32>
      %swap3A_39 = vector.shape_cast %get3A_35 : vector<16xi32> to vector<16xi32>
      tpu.vector_store %arg9[%swap3A_36], %swap3A_39 {strides = array<i32>} : memref<128xi32, #tpu.memory_space<vmem>>, vector<16xi32>,
      %get3A_40 = arith.constant 0 : i32
      %get3A_41 = arith.index_cast %scan3A_11 : i32 to index
      %get3A_42 = arith.index_cast %get3A_40 : i32 to index
      %get3A_43 = arith.constant 48 : index
      %get3A_44 = tpu.vector_load %arg7[%get3A_41, %get3A_42, %get3A_43] {strides = array<i32>} : memref<79x1x128xi32, #tpu.memory_space<vmem>>, vector<1x1x16xi32>,
      %get3A_45 = vector.shape_cast %get3A_44 : vector<1x1x16xi32> to vector<16xi32>
      %swap3A_46 = arith.constant 48 : index
      %swap3A_47 = tpu.vector_load %arg9[%swap3A_46] {strides = array<i32>} : memref<128xi32, #tpu.memory_space<vmem>>, vector<16xi32>,
      %swap3A_48 = vector.shape_cast %swap3A_47 : vector<16xi32> to vector<16xi32>
      %swap3A_49 = vector.shape_cast %get3A_45 : vector<16xi32> to vector<16xi32>
      tpu.vector_store %arg9[%swap3A_46], %swap3A_49 {strides = array<i32>} : memref<128xi32, #tpu.memory_space<vmem>>, vector<16xi32>,
      %get3A_50 = arith.constant 0 : i32
      %get3A_51 = arith.index_cast %scan3A_11 : i32 to index
      %get3A_52 = arith.index_cast %get3A_50 : i32 to index
      %get3A_53 = arith.constant 64 : index
      %get3A_54 = tpu.vector_load %arg7[%get3A_51, %get3A_52, %get3A_53] {strides = array<i32>} : memref<79x1x128xi32, #tpu.memory_space<vmem>>, vector<1x1x16xi32>,
      %get3A_55 = vector.shape_cast %get3A_54 : vector<1x1x16xi32> to vector<16xi32>
      %swap3A_56 = arith.constant 64 : index
      %swap3A_57 = tpu.vector_load %arg9[%swap3A_56] {strides = array<i32>} : memref<128xi32, #tpu.memory_space<vmem>>, vector<16xi32>,
      %swap3A_58 = vector.shape_cast %swap3A_57 : vector<16xi32> to vector<16xi32>
      %swap3A_59 = vector.shape_cast %get3A_55 : vector<16xi32> to vector<16xi32>
      tpu.vector_store %arg9[%swap3A_56], %swap3A_59 {strides = array<i32>} : memref<128xi32, #tpu.memory_space<vmem>>, vector<16xi32>,
      %get3A_60 = arith.constant 0 : i32
      %get3A_61 = arith.index_cast %scan3A_11 : i32 to index
      %get3A_62 = arith.index_cast %get3A_60 : i32 to index
      %get3A_63 = arith.constant 80 : index
      %get3A_64 = tpu.vector_load %arg7[%get3A_61, %get3A_62, %get3A_63] {strides = array<i32>} : memref<79x1x128xi32, #tpu.memory_space<vmem>>, vector<1x1x16xi32>,
      %get3A_65 = vector.shape_cast %get3A_64 : vector<1x1x16xi32> to vector<16xi32>
      %swap3A_66 = arith.constant 80 : index
      %swap3A_67 = tpu.vector_load %arg9[%swap3A_66] {strides = array<i32>} : memref<128xi32, #tpu.memory_space<vmem>>, vector<16xi32>,
      %swap3A_68 = vector.shape_cast %swap3A_67 : vector<16xi32> to vector<16xi32>
      %swap3A_69 = vector.shape_cast %get3A_65 : vector<16xi32> to vector<16xi32>
      tpu.vector_store %arg9[%swap3A_66], %swap3A_69 {strides = array<i32>} : memref<128xi32, #tpu.memory_space<vmem>>, vector<16xi32>,
      %get3A_70 = arith.constant 0 : i32
      %get3A_71 = arith.index_cast %scan3A_11 : i32 to index
      %get3A_72 = arith.index_cast %get3A_70 : i32 to index
      %get3A_73 = arith.constant 96 : index
      %get3A_74 = tpu.vector_load %arg7[%get3A_71, %get3A_72, %get3A_73] {strides = array<i32>} : memref<79x1x128xi32, #tpu.memory_space<vmem>>, vector<1x1x16xi32>,
      %get3A_75 = vector.shape_cast %get3A_74 : vector<1x1x16xi32> to vector<16xi32>
      %swap3A_76 = arith.constant 96 : index
      %swap3A_77 = tpu.vector_load %arg9[%swap3A_76] {strides = array<i32>} : memref<128xi32, #tpu.memory_space<vmem>>, vector<16xi32>,
      %swap3A_78 = vector.shape_cast %swap3A_77 : vector<16xi32> to vector<16xi32>
      %swap3A_79 = vector.shape_cast %get3A_75 : vector<16xi32> to vector<16xi32>
      tpu.vector_store %arg9[%swap3A_76], %swap3A_79 {strides = array<i32>} : memref<128xi32, #tpu.memory_space<vmem>>, vector<16xi32>,
      %get3A_80 = arith.constant 0 : i32
      %get3A_81 = arith.index_cast %scan3A_11 : i32 to index
      %get3A_82 = arith.index_cast %get3A_80 : i32 to index
      %get3A_83 = arith.constant 112 : index
      %get3A_84 = tpu.vector_load %arg7[%get3A_81, %get3A_82, %get3A_83] {strides = array<i32>} : memref<79x1x128xi32, #tpu.memory_space<vmem>>, vector<1x1x16xi32>,
      %get3A_85 = vector.shape_cast %get3A_84 : vector<1x1x16xi32> to vector<16xi32>
      %swap3A_86 = arith.constant 112 : index
      %swap3A_87 = tpu.vector_load %arg9[%swap3A_86] {strides = array<i32>} : memref<128xi32, #tpu.memory_space<vmem>>, vector<16xi32>,
      %swap3A_88 = vector.shape_cast %swap3A_87 : vector<16xi32> to vector<16xi32>
      %swap3A_89 = vector.shape_cast %get3A_85 : vector<16xi32> to vector<16xi32>
      tpu.vector_store %arg9[%swap3A_86], %swap3A_89 {strides = array<i32>} : memref<128xi32, #tpu.memory_space<vmem>>, vector<16xi32>,
      %get3A_90 = arith.constant 0 : i32
      %get3A_91 = arith.index_cast %scan3A_11 : i32 to index
      %get3A_92 = arith.index_cast %get3A_90 : i32 to index
      %get3A_93 = arith.constant 0 : index
      %get3A_94 = tpu.vector_load %arg8[%get3A_91, %get3A_92, %get3A_93] {strides = array<i32>} : memref<79x1x128xi32, #tpu.memory_space<vmem>>, vector<1x1x16xi32>,
      %get3A_95 = vector.shape_cast %get3A_94 : vector<1x1x16xi32> to vector<16xi32>
      %swap3A_96 = arith.constant 0 : index
      %swap3A_97 = tpu.vector_load %arg10[%swap3A_96] {strides = array<i32>} : memref<128xi32, #tpu.memory_space<vmem>>, vector<16xi32>,
      %swap3A_98 = vector.shape_cast %swap3A_97 : vector<16xi32> to vector<16xi32>
      %swap3A_99 = vector.shape_cast %get3A_95 : vector<16xi32> to vector<16xi32>
      tpu.vector_store %arg10[%swap3A_96], %swap3A_99 {strides = array<i32>} : memref<128xi32, #tpu.memory_space<vmem>>, vector<16xi32>,
      %get3A_100 = arith.constant 0 : i32
      %get3A_101 = arith.index_cast %scan3A_11 : i32 to index
      %get3A_102 = arith.index_cast %get3A_100 : i32 to index
      %get3A_103 = arith.constant 16 : index
      %get3A_104 = tpu.vector_load %arg8[%get3A_101, %get3A_102, %get3A_103] {strides = array<i32>} : memref<79x1x128xi32, #tpu.memory_space<vmem>>, vector<1x1x16xi32>,
      %get3A_105 = vector.shape_cast %get3A_104 : vector<1x1x16xi32> to vector<16xi32>
      %swap3A_106 = arith.constant 16 : index
      %swap3A_107 = tpu.vector_load %arg10[%swap3A_106] {strides = array<i32>} : memref<128xi32, #tpu.memory_space<vmem>>, vector<16xi32>,
      %swap3A_108 = vector.shape_cast %swap3A_107 : vector<16xi32> to vector<16xi32>
      %swap3A_109 = vector.shape_cast %get3A_105 : vector<16xi32> to vector<16xi32>
      tpu.vector_store %arg10[%swap3A_106], %swap3A_109 {strides = array<i32>} : memref<128xi32, #tpu.memory_space<vmem>>, vector<16xi32>,
      %get3A_110 = arith.constant 0 : i32
      %get3A_111 = arith.index_cast %scan3A_11 : i32 to index
      %get3A_112 = arith.index_cast %get3A_110 : i32 to index
      %get3A_113 = arith.constant 32 : index
      %get3A_114 = tpu.vector_load %arg8[%get3A_111, %get3A_112, %get3A_113] {strides = array<i32>} : memref<79x1x128xi32, #tpu.memory_space<vmem>>, vector<1x1x16xi32>,
      %get3A_115 = vector.shape_cast %get3A_114 : vector<1x1x16xi32> to vector<16xi32>
      %swap3A_116 = arith.constant 32 : index
      %swap3A_117 = tpu.vector_load %arg10[%swap3A_116] {strides = array<i32>} : memref<128xi32, #tpu.memory_space<vmem>>, vector<16xi32>,
      %swap3A_118 = vector.shape_cast %swap3A_117 : vector<16xi32> to vector<16xi32>
      %swap3A_119 = vector.shape_cast %get3A_115 : vector<16xi32> to vector<16xi32>
      tpu.vector_store %arg10[%swap3A_116], %swap3A_119 {strides = array<i32>} : memref<128xi32, #tpu.memory_space<vmem>>, vector<16xi32>,
      %get3A_120 = arith.constant 0 : i32
      %get3A_121 = arith.index_cast %scan3A_11 : i32 to index
      %get3A_122 = arith.index_cast %get3A_120 : i32 to index
      %get3A_123 = arith.constant 48 : index
      %get3A_124 = tpu.vector_load %arg8[%get3A_121, %get3A_122, %get3A_123] {strides = array<i32>} : memref<79x1x128xi32, #tpu.memory_space<vmem>>, vector<1x1x16xi32>,
      %get3A_125 = vector.shape_cast %get3A_124 : vector<1x1x16xi32> to vector<16xi32>
      %swap3A_126 = arith.constant 48 : index
      %swap3A_127 = tpu.vector_load %arg10[%swap3A_126] {strides = array<i32>} : memref<128xi32, #tpu.memory_space<vmem>>, vector<16xi32>,
      %swap3A_128 = vector.shape_cast %swap3A_127 : vector<16xi32> to vector<16xi32>
      %swap3A_129 = vector.shape_cast %get3A_125 : vector<16xi32> to vector<16xi32>
      tpu.vector_store %arg10[%swap3A_126], %swap3A_129 {strides = array<i32>} : memref<128xi32, #tpu.memory_space<vmem>>, vector<16xi32>,
      %get3A_130 = arith.constant 0 : i32
      %get3A_131 = arith.index_cast %scan3A_11 : i32 to index
      %get3A_132 = arith.index_cast %get3A_130 : i32 to index
      %get3A_133 = arith.constant 64 : index
      %get3A_134 = tpu.vector_load %arg8[%get3A_131, %get3A_132, %get3A_133] {strides = array<i32>} : memref<79x1x128xi32, #tpu.memory_space<vmem>>, vector<1x1x16xi32>,
      %get3A_135 = vector.shape_cast %get3A_134 : vector<1x1x16xi32> to vector<16xi32>
      %swap3A_136 = arith.constant 64 : index
      %swap3A_137 = tpu.vector_load %arg10[%swap3A_136] {strides = array<i32>} : memref<128xi32, #tpu.memory_space<vmem>>, vector<16xi32>,
      %swap3A_138 = vector.shape_cast %swap3A_137 : vector<16xi32> to vector<16xi32>
      %swap3A_139 = vector.shape_cast %get3A_135 : vector<16xi32> to vector<16xi32>
      tpu.vector_store %arg10[%swap3A_136], %swap3A_139 {strides = array<i32>} : memref<128xi32, #tpu.memory_space<vmem>>, vector<16xi32>,
      %get3A_140 = arith.constant 0 : i32
      %get3A_141 = arith.index_cast %scan3A_11 : i32 to index
      %get3A_142 = arith.index_cast %get3A_140 : i32 to index
      %get3A_143 = arith.constant 80 : index
      %get3A_144 = tpu.vector_load %arg8[%get3A_141, %get3A_142, %get3A_143] {strides = array<i32>} : memref<79x1x128xi32, #tpu.memory_space<vmem>>, vector<1x1x16xi32>,
      %get3A_145 = vector.shape_cast %get3A_144 : vector<1x1x16xi32> to vector<16xi32>
      %swap3A_146 = arith.constant 80 : index
      %swap3A_147 = tpu.vector_load %arg10[%swap3A_146] {strides = array<i32>} : memref<128xi32, #tpu.memory_space<vmem>>, vector<16xi32>,
      %swap3A_148 = vector.shape_cast %swap3A_147 : vector<16xi32> to vector<16xi32>
      %swap3A_149 = vector.shape_cast %get3A_145 : vector<16xi32> to vector<16xi32>
      tpu.vector_store %arg10[%swap3A_146], %swap3A_149 {strides = array<i32>} : memref<128xi32, #tpu.memory_space<vmem>>, vector<16xi32>,
      %get3A_150 = arith.constant 0 : i32
      %get3A_151 = arith.index_cast %scan3A_11 : i32 to index
      %get3A_152 = arith.index_cast %get3A_150 : i32 to index
      %get3A_153 = arith.constant 96 : index
      %get3A_154 = tpu.vector_load %arg8[%get3A_151, %get3A_152, %get3A_153] {strides = array<i32>} : memref<79x1x128xi32, #tpu.memory_space<vmem>>, vector<1x1x16xi32>,
      %get3A_155 = vector.shape_cast %get3A_154 : vector<1x1x16xi32> to vector<16xi32>
      %swap3A_156 = arith.constant 96 : index
      %swap3A_157 = tpu.vector_load %arg10[%swap3A_156] {strides = array<i32>} : memref<128xi32, #tpu.memory_space<vmem>>, vector<16xi32>,
      %swap3A_158 = vector.shape_cast %swap3A_157 : vector<16xi32> to vector<16xi32>
      %swap3A_159 = vector.shape_cast %get3A_155 : vector<16xi32> to vector<16xi32>
      tpu.vector_store %arg10[%swap3A_156], %swap3A_159 {strides = array<i32>} : memref<128xi32, #tpu.memory_space<vmem>>, vector<16xi32>,
      %get3A_160 = arith.constant 0 : i32
      %get3A_161 = arith.index_cast %scan3A_11 : i32 to index
      %get3A_162 = arith.index_cast %get3A_160 : i32 to index
      %get3A_163 = arith.constant 112 : index
      %get3A_164 = tpu.vector_load %arg8[%get3A_161, %get3A_162, %get3A_163] {strides = array<i32>} : memref<79x1x128xi32, #tpu.memory_space<vmem>>, vector<1x1x16xi32>,
      %get3A_165 = vector.shape_cast %get3A_164 : vector<1x1x16xi32> to vector<16xi32>
      %swap3A_166 = arith.constant 112 : index
      %swap3A_167 = tpu.vector_load %arg10[%swap3A_166] {strides = array<i32>} : memref<128xi32, #tpu.memory_space<vmem>>, vector<16xi32>,
      %swap3A_168 = vector.shape_cast %swap3A_167 : vector<16xi32> to vector<16xi32>
      %swap3A_169 = vector.shape_cast %get3A_165 : vector<16xi32> to vector<16xi32>
      tpu.vector_store %arg10[%swap3A_166], %swap3A_169 {strides = array<i32>} : memref<128xi32, #tpu.memory_space<vmem>>, vector<16xi32>,
      %dma_start3A = arith.constant 0 : i32
      %dma_start3A_170 = arith.constant 0 : i32
      %dma_start3A_171 = tpu.memref_slice %arg2[%dma_start3A, %dma_start3A_170] : memref<2560x128xf32, #tpu.memory_space<hbm>> -> memref<2560x128xf32, #tpu.memory_space<hbm>>
      tpu.enqueue_indirect_dma source(%dma_start3A_171 : memref<2560x128xf32, #tpu.memory_space<hbm>>) target(%arg11 : memref<128x128xf32, #tpu.memory_space<vmem>>) offsets(%arg9 : memref<128xi32, #tpu.memory_space<vmem>>) semaphore(%arg13 : memref<!tpu.dma_semaphore, #tpu.memory_space<semaphore_mem>>)
      %dma_wait3A = arith.constant 0 : i32
      %dma_wait3A_172 = arith.constant 0 : i32
      %dma_wait3A_173 = tpu.memref_slice %arg2[%dma_wait3A, %dma_wait3A_172] : memref<2560x128xf32, #tpu.memory_space<hbm>> -> memref<2560x128xf32, #tpu.memory_space<hbm>>
      tpu.wait_indirect_dma semaphore(%arg13 : memref<!tpu.dma_semaphore, #tpu.memory_space<semaphore_mem>>) src(%dma_wait3A_173 : memref<2560x128xf32, #tpu.memory_space<hbm>>) dst(%arg11 : memref<128x128xf32, #tpu.memory_space<vmem>>)
      "tpu.region"() ({
        %run_scoped3A = tpu.sem_alloc : memref<!tpu.dma_semaphore, #tpu.memory_space<semaphore_mem>>
        %dma_start3A_174 = arith.constant 0 : i32
        %dma_start3A_175 = arith.constant 0 : i32
        %dma_start3A_176 = tpu.memref_slice %arg12[%dma_start3A_174, %dma_start3A_175] : memref<10112x128xf32, #tpu.memory_space<vmem_shared>> -> memref<10112x128xf32, #tpu.memory_space<vmem_shared>>
        tpu.enqueue_indirect_dma source(%arg11 : memref<128x128xf32, #tpu.memory_space<vmem>>) target(%dma_start3A_176 : memref<10112x128xf32, #tpu.memory_space<vmem_shared>>) offsets(%arg10 : memref<128xi32, #tpu.memory_space<vmem>>) semaphore(%run_scoped3A : memref<!tpu.dma_semaphore, #tpu.memory_space<semaphore_mem>>) {add = true}
        %dma_wait3A_177 = arith.constant 0 : i32
        %dma_wait3A_178 = arith.constant 0 : i32
        %dma_wait3A_179 = tpu.memref_slice %arg12[%dma_wait3A_177, %dma_wait3A_178] : memref<10112x128xf32, #tpu.memory_space<vmem_shared>> -> memref<10112x128xf32, #tpu.memory_space<vmem_shared>>
        tpu.wait_indirect_dma semaphore(%run_scoped3A : memref<!tpu.dma_semaphore, #tpu.memory_space<semaphore_mem>>) src(%arg11 : memref<128x128xf32, #tpu.memory_space<vmem>>) dst(%dma_wait3A_179 : memref<10112x128xf32, #tpu.memory_space<vmem_shared>>)
        tpu.yield
      }) : () -> ()
    }
    %scan3A_9 = arith.constant 79 : i32
    %barrier3A_10 = arith.constant 0 : index
    tpu.barrier barrier_id(%barrier3A_10)
    "tpu.region"() ({
      %run_scoped3A = tpu.sem_alloc : memref<!tpu.dma_semaphore, #tpu.memory_space<semaphore_mem>>
      %dma_start3A = arith.constant 0 : i32
      %dma_start3A_11 = tpu.memref_slice %arg6[%arg0, %mul3A_2, %dma_start3A] : memref<2x10112x128xf32, #tpu.memory_space<hbm>> -> memref<1x632x128xf32, #tpu.memory_space<hbm>>
      %dma_start3A_12 = tpu.memref_squeeze %dma_start3A_11 : memref<1x632x128xf32, #tpu.memory_space<hbm>> -> memref<632x128xf32, #tpu.memory_space<hbm>>
      %dma_start3A_13 = arith.constant 0 : i32
      %dma_start3A_14 = tpu.memref_slice %arg12[%mul3A_2, %dma_start3A_13] : memref<10112x128xf32, #tpu.memory_space<vmem_shared>> -> memref<632x128xf32, #tpu.memory_space<vmem_shared>>
      tpu.enqueue_dma source(%dma_start3A_14 : memref<632x128xf32, #tpu.memory_space<vmem_shared>>) target(%dma_start3A_12 : memref<632x128xf32, #tpu.memory_space<hbm>>) target_semaphore(%run_scoped3A : memref<!tpu.dma_semaphore, #tpu.memory_space<semaphore_mem>>)
      %dma_wait3A = arith.constant 0 : i32
      %dma_wait3A_15 = tpu.memref_slice %arg6[%arg0, %mul3A_2, %dma_wait3A] : memref<2x10112x128xf32, #tpu.memory_space<hbm>> -> memref<1x632x128xf32, #tpu.memory_space<hbm>>
      %dma_wait3A_16 = tpu.memref_squeeze %dma_wait3A_15 : memref<1x632x128xf32, #tpu.memory_space<hbm>> -> memref<632x128xf32, #tpu.memory_space<hbm>>
      %dma_wait3A_17 = arith.constant 0 : i32
      %dma_wait3A_18 = tpu.memref_slice %arg12[%mul3A_2, %dma_wait3A_17] : memref<10112x128xf32, #tpu.memory_space<vmem_shared>> -> memref<632x128xf32, #tpu.memory_space<vmem_shared>>
      tpu.wait_dma2 semaphore(%run_scoped3A : memref<!tpu.dma_semaphore, #tpu.memory_space<semaphore_mem>>) src(%dma_wait3A_18 : memref<632x128xf32, #tpu.memory_space<vmem_shared>>) dst(%dma_wait3A_16 : memref<632x128xf32, #tpu.memory_space<hbm>>)
      tpu.yield
    }) : () -> ()
    return
  }
}

#map = affine_map<(d0, d1) -> (0, 0)>
#map1 = affine_map<(d0, d1) -> (0, 0, 0)>
module attributes {stable_mosaic.version = 14 : i64} {
  func.func @seg_sum(%arg0: i32, %arg1: i32, %arg2: memref<10112x128xf32, #tpu.memory_space<hbm>>, %arg3: memref<2528x1x128xi32, #tpu.memory_space<hbm>>, %arg4: memref<2528x1x128xi32, #tpu.memory_space<hbm>>, %arg5: memref<632x128xf32, #tpu.memory_space<hbm>>, %arg6: memref<2x2560x128xf32, #tpu.memory_space<hbm>>, %arg7: memref<79x1x128xi32, #tpu.memory_space<vmem>>, %arg8: memref<79x1x128xi32, #tpu.memory_space<vmem>>, %arg9: memref<128xi32, #tpu.memory_space<vmem>>, %arg10: memref<128xi32, #tpu.memory_space<vmem>>, %arg11: memref<128x128xf32, #tpu.memory_space<vmem>>, %arg12: memref<2560x128xf32, #tpu.memory_space<vmem_shared>>, %arg13: memref<!tpu.dma_semaphore, #tpu.memory_space<semaphore_mem>>) attributes {dimension_semantics = [#tpu.dimension_semantics<core_parallel>, #tpu.dimension_semantics<subcore_parallel>], iteration_bounds = array<i64: 2, 16>, scalar_prefetch = 0 : i64, scratch_operands = 7 : i64, tpu.core_type = #tpu.core_type<sc_vector_subcore>, window_params = [{transform_indices = #map}, {transform_indices = #map1}, {transform_indices = #map1}, {transform_indices = #map}, {transform_indices = #map1}]} {
    %mul3A = arith.constant 2 : i32
    %mul3A_0 = arith.muli %arg1, %mul3A : i32
    %add3A = arith.addi %mul3A_0, %arg0 : i32
    %mul3A_1 = arith.constant 160 : i32
    %mul3A_2 = arith.muli %arg1, %mul3A_1 : i32
    "tpu.region"() ({
      %run_scoped3A = tpu.sem_alloc : memref<!tpu.dma_semaphore, #tpu.memory_space<semaphore_mem>>
      %dma_start3A = arith.constant 0 : i32
      %dma_start3A_11 = tpu.memref_slice %arg12[%mul3A_2, %dma_start3A] : memref<2560x128xf32, #tpu.memory_space<vmem_shared>> -> memref<160x128xf32, #tpu.memory_space<vmem_shared>>
      %dma_start3A_12 = arith.constant 0 : i32
      %dma_start3A_13 = arith.constant 0 : i32
      %dma_start3A_14 = tpu.memref_slice %arg5[%dma_start3A_12, %dma_start3A_13] : memref<632x128xf32, #tpu.memory_space<hbm>> -> memref<160x128xf32, #tpu.memory_space<hbm>>
      tpu.enqueue_dma source(%dma_start3A_14 : memref<160x128xf32, #tpu.memory_space<hbm>>) target(%dma_start3A_11 : memref<160x128xf32, #tpu.memory_space<vmem_shared>>) target_semaphore(%run_scoped3A : memref<!tpu.dma_semaphore, #tpu.memory_space<semaphore_mem>>)
      %dma_wait3A = arith.constant 0 : i32
      %dma_wait3A_15 = tpu.memref_slice %arg12[%mul3A_2, %dma_wait3A] : memref<2560x128xf32, #tpu.memory_space<vmem_shared>> -> memref<160x128xf32, #tpu.memory_space<vmem_shared>>
      %dma_wait3A_16 = arith.constant 0 : i32
      %dma_wait3A_17 = arith.constant 0 : i32
      %dma_wait3A_18 = tpu.memref_slice %arg5[%dma_wait3A_16, %dma_wait3A_17] : memref<632x128xf32, #tpu.memory_space<hbm>> -> memref<160x128xf32, #tpu.memory_space<hbm>>
      tpu.wait_dma2 semaphore(%run_scoped3A : memref<!tpu.dma_semaphore, #tpu.memory_space<semaphore_mem>>) src(%dma_wait3A_18 : memref<160x128xf32, #tpu.memory_space<hbm>>) dst(%dma_wait3A_15 : memref<160x128xf32, #tpu.memory_space<vmem_shared>>)
      tpu.yield
    }) : () -> ()
    %mul3A_3 = arith.constant 79 : i32
    %mul3A_4 = arith.muli %add3A, %mul3A_3 : i32
    "tpu.region"() ({
      %run_scoped3A = tpu.sem_alloc : memref<!tpu.dma_semaphore, #tpu.memory_space<semaphore_mem>>
      %dma_start3A = arith.constant 0 : i32
      %dma_start3A_11 = arith.constant 0 : i32
      %dma_start3A_12 = tpu.memref_slice %arg3[%mul3A_4, %dma_start3A, %dma_start3A_11] : memref<2528x1x128xi32, #tpu.memory_space<hbm>> -> memref<79x1x128xi32, #tpu.memory_space<hbm>>
      %dma_start3A_13 = arith.constant 0 : i32
      %dma_start3A_14 = arith.constant 0 : i32
      %dma_start3A_15 = tpu.memref_slice %arg3[%mul3A_4, %dma_start3A_13, %dma_start3A_14] : memref<2528x1x128xi32, #tpu.memory_space<hbm>> -> memref<79x1x128xi32, #tpu.memory_space<hbm>>
      tpu.enqueue_dma source(%dma_start3A_15 : memref<79x1x128xi32, #tpu.memory_space<hbm>>) target(%arg7 : memref<79x1x128xi32, #tpu.memory_space<vmem>>) target_semaphore(%run_scoped3A : memref<!tpu.dma_semaphore, #tpu.memory_space<semaphore_mem>>)
      %dma_wait3A = arith.constant 0 : i32
      %dma_wait3A_16 = arith.constant 0 : i32
      %dma_wait3A_17 = tpu.memref_slice %arg3[%mul3A_4, %dma_wait3A, %dma_wait3A_16] : memref<2528x1x128xi32, #tpu.memory_space<hbm>> -> memref<79x1x128xi32, #tpu.memory_space<hbm>>
      %dma_wait3A_18 = arith.constant 0 : i32
      %dma_wait3A_19 = arith.constant 0 : i32
      %dma_wait3A_20 = tpu.memref_slice %arg3[%mul3A_4, %dma_wait3A_18, %dma_wait3A_19] : memref<2528x1x128xi32, #tpu.memory_space<hbm>> -> memref<79x1x128xi32, #tpu.memory_space<hbm>>
      tpu.wait_dma2 semaphore(%run_scoped3A : memref<!tpu.dma_semaphore, #tpu.memory_space<semaphore_mem>>) src(%dma_wait3A_20 : memref<79x1x128xi32, #tpu.memory_space<hbm>>) dst(%arg7 : memref<79x1x128xi32, #tpu.memory_space<vmem>>)
      tpu.yield
    }) : () -> ()
    "tpu.region"() ({
      %run_scoped3A = tpu.sem_alloc : memref<!tpu.dma_semaphore, #tpu.memory_space<semaphore_mem>>
      %dma_start3A = arith.constant 0 : i32
      %dma_start3A_11 = arith.constant 0 : i32
      %dma_start3A_12 = tpu.memref_slice %arg4[%mul3A_4, %dma_start3A, %dma_start3A_11] : memref<2528x1x128xi32, #tpu.memory_space<hbm>> -> memref<79x1x128xi32, #tpu.memory_space<hbm>>
      %dma_start3A_13 = arith.constant 0 : i32
      %dma_start3A_14 = arith.constant 0 : i32
      %dma_start3A_15 = tpu.memref_slice %arg4[%mul3A_4, %dma_start3A_13, %dma_start3A_14] : memref<2528x1x128xi32, #tpu.memory_space<hbm>> -> memref<79x1x128xi32, #tpu.memory_space<hbm>>
      tpu.enqueue_dma source(%dma_start3A_15 : memref<79x1x128xi32, #tpu.memory_space<hbm>>) target(%arg8 : memref<79x1x128xi32, #tpu.memory_space<vmem>>) target_semaphore(%run_scoped3A : memref<!tpu.dma_semaphore, #tpu.memory_space<semaphore_mem>>)
      %dma_wait3A = arith.constant 0 : i32
      %dma_wait3A_16 = arith.constant 0 : i32
      %dma_wait3A_17 = tpu.memref_slice %arg4[%mul3A_4, %dma_wait3A, %dma_wait3A_16] : memref<2528x1x128xi32, #tpu.memory_space<hbm>> -> memref<79x1x128xi32, #tpu.memory_space<hbm>>
      %dma_wait3A_18 = arith.constant 0 : i32
      %dma_wait3A_19 = arith.constant 0 : i32
      %dma_wait3A_20 = tpu.memref_slice %arg4[%mul3A_4, %dma_wait3A_18, %dma_wait3A_19] : memref<2528x1x128xi32, #tpu.memory_space<hbm>> -> memref<79x1x128xi32, #tpu.memory_space<hbm>>
      tpu.wait_dma2 semaphore(%run_scoped3A : memref<!tpu.dma_semaphore, #tpu.memory_space<semaphore_mem>>) src(%dma_wait3A_20 : memref<79x1x128xi32, #tpu.memory_space<hbm>>) dst(%arg8 : memref<79x1x128xi32, #tpu.memory_space<vmem>>)
      tpu.yield
    }) : () -> ()
    %barrier3A = arith.constant 0 : index
    tpu.barrier barrier_id(%barrier3A)
    %scan3A = arith.constant 0 : i32
    %scan3A_5 = arith.constant 0 : i32
    %scan3A_6 = arith.constant 79 : i32
    %scan3A_7 = arith.addi %scan3A_5, %scan3A_6 : i32
    %scan3A_8 = arith.constant 1 : i32
    scf.for %scan3A_11 = %scan3A_5 to %scan3A_7 step %scan3A_8  : i32 {
      %get3A = arith.constant 0 : i32
      %get3A_12 = arith.index_cast %scan3A_11 : i32 to index
      %get3A_13 = arith.index_cast %get3A : i32 to index
      %get3A_14 = arith.constant 0 : index
      %get3A_15 = tpu.vector_load %arg7[%get3A_12, %get3A_13, %get3A_14] {strides = array<i32>} : memref<79x1x128xi32, #tpu.memory_space<vmem>>, vector<1x1x16xi32>,
      %get3A_16 = vector.shape_cast %get3A_15 : vector<1x1x16xi32> to vector<16xi32>
      %swap3A = arith.constant 0 : index
      %swap3A_17 = tpu.vector_load %arg9[%swap3A] {strides = array<i32>} : memref<128xi32, #tpu.memory_space<vmem>>, vector<16xi32>,
      %swap3A_18 = vector.shape_cast %swap3A_17 : vector<16xi32> to vector<16xi32>
      %swap3A_19 = vector.shape_cast %get3A_16 : vector<16xi32> to vector<16xi32>
      tpu.vector_store %arg9[%swap3A], %swap3A_19 {strides = array<i32>} : memref<128xi32, #tpu.memory_space<vmem>>, vector<16xi32>,
      %get3A_20 = arith.constant 0 : i32
      %get3A_21 = arith.index_cast %scan3A_11 : i32 to index
      %get3A_22 = arith.index_cast %get3A_20 : i32 to index
      %get3A_23 = arith.constant 16 : index
      %get3A_24 = tpu.vector_load %arg7[%get3A_21, %get3A_22, %get3A_23] {strides = array<i32>} : memref<79x1x128xi32, #tpu.memory_space<vmem>>, vector<1x1x16xi32>,
      %get3A_25 = vector.shape_cast %get3A_24 : vector<1x1x16xi32> to vector<16xi32>
      %swap3A_26 = arith.constant 16 : index
      %swap3A_27 = tpu.vector_load %arg9[%swap3A_26] {strides = array<i32>} : memref<128xi32, #tpu.memory_space<vmem>>, vector<16xi32>,
      %swap3A_28 = vector.shape_cast %swap3A_27 : vector<16xi32> to vector<16xi32>
      %swap3A_29 = vector.shape_cast %get3A_25 : vector<16xi32> to vector<16xi32>
      tpu.vector_store %arg9[%swap3A_26], %swap3A_29 {strides = array<i32>} : memref<128xi32, #tpu.memory_space<vmem>>, vector<16xi32>,
      %get3A_30 = arith.constant 0 : i32
      %get3A_31 = arith.index_cast %scan3A_11 : i32 to index
      %get3A_32 = arith.index_cast %get3A_30 : i32 to index
      %get3A_33 = arith.constant 32 : index
      %get3A_34 = tpu.vector_load %arg7[%get3A_31, %get3A_32, %get3A_33] {strides = array<i32>} : memref<79x1x128xi32, #tpu.memory_space<vmem>>, vector<1x1x16xi32>,
      %get3A_35 = vector.shape_cast %get3A_34 : vector<1x1x16xi32> to vector<16xi32>
      %swap3A_36 = arith.constant 32 : index
      %swap3A_37 = tpu.vector_load %arg9[%swap3A_36] {strides = array<i32>} : memref<128xi32, #tpu.memory_space<vmem>>, vector<16xi32>,
      %swap3A_38 = vector.shape_cast %swap3A_37 : vector<16xi32> to vector<16xi32>
      %swap3A_39 = vector.shape_cast %get3A_35 : vector<16xi32> to vector<16xi32>
      tpu.vector_store %arg9[%swap3A_36], %swap3A_39 {strides = array<i32>} : memref<128xi32, #tpu.memory_space<vmem>>, vector<16xi32>,
      %get3A_40 = arith.constant 0 : i32
      %get3A_41 = arith.index_cast %scan3A_11 : i32 to index
      %get3A_42 = arith.index_cast %get3A_40 : i32 to index
      %get3A_43 = arith.constant 48 : index
      %get3A_44 = tpu.vector_load %arg7[%get3A_41, %get3A_42, %get3A_43] {strides = array<i32>} : memref<79x1x128xi32, #tpu.memory_space<vmem>>, vector<1x1x16xi32>,
      %get3A_45 = vector.shape_cast %get3A_44 : vector<1x1x16xi32> to vector<16xi32>
      %swap3A_46 = arith.constant 48 : index
      %swap3A_47 = tpu.vector_load %arg9[%swap3A_46] {strides = array<i32>} : memref<128xi32, #tpu.memory_space<vmem>>, vector<16xi32>,
      %swap3A_48 = vector.shape_cast %swap3A_47 : vector<16xi32> to vector<16xi32>
      %swap3A_49 = vector.shape_cast %get3A_45 : vector<16xi32> to vector<16xi32>
      tpu.vector_store %arg9[%swap3A_46], %swap3A_49 {strides = array<i32>} : memref<128xi32, #tpu.memory_space<vmem>>, vector<16xi32>,
      %get3A_50 = arith.constant 0 : i32
      %get3A_51 = arith.index_cast %scan3A_11 : i32 to index
      %get3A_52 = arith.index_cast %get3A_50 : i32 to index
      %get3A_53 = arith.constant 64 : index
      %get3A_54 = tpu.vector_load %arg7[%get3A_51, %get3A_52, %get3A_53] {strides = array<i32>} : memref<79x1x128xi32, #tpu.memory_space<vmem>>, vector<1x1x16xi32>,
      %get3A_55 = vector.shape_cast %get3A_54 : vector<1x1x16xi32> to vector<16xi32>
      %swap3A_56 = arith.constant 64 : index
      %swap3A_57 = tpu.vector_load %arg9[%swap3A_56] {strides = array<i32>} : memref<128xi32, #tpu.memory_space<vmem>>, vector<16xi32>,
      %swap3A_58 = vector.shape_cast %swap3A_57 : vector<16xi32> to vector<16xi32>
      %swap3A_59 = vector.shape_cast %get3A_55 : vector<16xi32> to vector<16xi32>
      tpu.vector_store %arg9[%swap3A_56], %swap3A_59 {strides = array<i32>} : memref<128xi32, #tpu.memory_space<vmem>>, vector<16xi32>,
      %get3A_60 = arith.constant 0 : i32
      %get3A_61 = arith.index_cast %scan3A_11 : i32 to index
      %get3A_62 = arith.index_cast %get3A_60 : i32 to index
      %get3A_63 = arith.constant 80 : index
      %get3A_64 = tpu.vector_load %arg7[%get3A_61, %get3A_62, %get3A_63] {strides = array<i32>} : memref<79x1x128xi32, #tpu.memory_space<vmem>>, vector<1x1x16xi32>,
      %get3A_65 = vector.shape_cast %get3A_64 : vector<1x1x16xi32> to vector<16xi32>
      %swap3A_66 = arith.constant 80 : index
      %swap3A_67 = tpu.vector_load %arg9[%swap3A_66] {strides = array<i32>} : memref<128xi32, #tpu.memory_space<vmem>>, vector<16xi32>,
      %swap3A_68 = vector.shape_cast %swap3A_67 : vector<16xi32> to vector<16xi32>
      %swap3A_69 = vector.shape_cast %get3A_65 : vector<16xi32> to vector<16xi32>
      tpu.vector_store %arg9[%swap3A_66], %swap3A_69 {strides = array<i32>} : memref<128xi32, #tpu.memory_space<vmem>>, vector<16xi32>,
      %get3A_70 = arith.constant 0 : i32
      %get3A_71 = arith.index_cast %scan3A_11 : i32 to index
      %get3A_72 = arith.index_cast %get3A_70 : i32 to index
      %get3A_73 = arith.constant 96 : index
      %get3A_74 = tpu.vector_load %arg7[%get3A_71, %get3A_72, %get3A_73] {strides = array<i32>} : memref<79x1x128xi32, #tpu.memory_space<vmem>>, vector<1x1x16xi32>,
      %get3A_75 = vector.shape_cast %get3A_74 : vector<1x1x16xi32> to vector<16xi32>
      %swap3A_76 = arith.constant 96 : index
      %swap3A_77 = tpu.vector_load %arg9[%swap3A_76] {strides = array<i32>} : memref<128xi32, #tpu.memory_space<vmem>>, vector<16xi32>,
      %swap3A_78 = vector.shape_cast %swap3A_77 : vector<16xi32> to vector<16xi32>
      %swap3A_79 = vector.shape_cast %get3A_75 : vector<16xi32> to vector<16xi32>
      tpu.vector_store %arg9[%swap3A_76], %swap3A_79 {strides = array<i32>} : memref<128xi32, #tpu.memory_space<vmem>>, vector<16xi32>,
      %get3A_80 = arith.constant 0 : i32
      %get3A_81 = arith.index_cast %scan3A_11 : i32 to index
      %get3A_82 = arith.index_cast %get3A_80 : i32 to index
      %get3A_83 = arith.constant 112 : index
      %get3A_84 = tpu.vector_load %arg7[%get3A_81, %get3A_82, %get3A_83] {strides = array<i32>} : memref<79x1x128xi32, #tpu.memory_space<vmem>>, vector<1x1x16xi32>,
      %get3A_85 = vector.shape_cast %get3A_84 : vector<1x1x16xi32> to vector<16xi32>
      %swap3A_86 = arith.constant 112 : index
      %swap3A_87 = tpu.vector_load %arg9[%swap3A_86] {strides = array<i32>} : memref<128xi32, #tpu.memory_space<vmem>>, vector<16xi32>,
      %swap3A_88 = vector.shape_cast %swap3A_87 : vector<16xi32> to vector<16xi32>
      %swap3A_89 = vector.shape_cast %get3A_85 : vector<16xi32> to vector<16xi32>
      tpu.vector_store %arg9[%swap3A_86], %swap3A_89 {strides = array<i32>} : memref<128xi32, #tpu.memory_space<vmem>>, vector<16xi32>,
      %get3A_90 = arith.constant 0 : i32
      %get3A_91 = arith.index_cast %scan3A_11 : i32 to index
      %get3A_92 = arith.index_cast %get3A_90 : i32 to index
      %get3A_93 = arith.constant 0 : index
      %get3A_94 = tpu.vector_load %arg8[%get3A_91, %get3A_92, %get3A_93] {strides = array<i32>} : memref<79x1x128xi32, #tpu.memory_space<vmem>>, vector<1x1x16xi32>,
      %get3A_95 = vector.shape_cast %get3A_94 : vector<1x1x16xi32> to vector<16xi32>
      %swap3A_96 = arith.constant 0 : index
      %swap3A_97 = tpu.vector_load %arg10[%swap3A_96] {strides = array<i32>} : memref<128xi32, #tpu.memory_space<vmem>>, vector<16xi32>,
      %swap3A_98 = vector.shape_cast %swap3A_97 : vector<16xi32> to vector<16xi32>
      %swap3A_99 = vector.shape_cast %get3A_95 : vector<16xi32> to vector<16xi32>
      tpu.vector_store %arg10[%swap3A_96], %swap3A_99 {strides = array<i32>} : memref<128xi32, #tpu.memory_space<vmem>>, vector<16xi32>,
      %get3A_100 = arith.constant 0 : i32
      %get3A_101 = arith.index_cast %scan3A_11 : i32 to index
      %get3A_102 = arith.index_cast %get3A_100 : i32 to index
      %get3A_103 = arith.constant 16 : index
      %get3A_104 = tpu.vector_load %arg8[%get3A_101, %get3A_102, %get3A_103] {strides = array<i32>} : memref<79x1x128xi32, #tpu.memory_space<vmem>>, vector<1x1x16xi32>,
      %get3A_105 = vector.shape_cast %get3A_104 : vector<1x1x16xi32> to vector<16xi32>
      %swap3A_106 = arith.constant 16 : index
      %swap3A_107 = tpu.vector_load %arg10[%swap3A_106] {strides = array<i32>} : memref<128xi32, #tpu.memory_space<vmem>>, vector<16xi32>,
      %swap3A_108 = vector.shape_cast %swap3A_107 : vector<16xi32> to vector<16xi32>
      %swap3A_109 = vector.shape_cast %get3A_105 : vector<16xi32> to vector<16xi32>
      tpu.vector_store %arg10[%swap3A_106], %swap3A_109 {strides = array<i32>} : memref<128xi32, #tpu.memory_space<vmem>>, vector<16xi32>,
      %get3A_110 = arith.constant 0 : i32
      %get3A_111 = arith.index_cast %scan3A_11 : i32 to index
      %get3A_112 = arith.index_cast %get3A_110 : i32 to index
      %get3A_113 = arith.constant 32 : index
      %get3A_114 = tpu.vector_load %arg8[%get3A_111, %get3A_112, %get3A_113] {strides = array<i32>} : memref<79x1x128xi32, #tpu.memory_space<vmem>>, vector<1x1x16xi32>,
      %get3A_115 = vector.shape_cast %get3A_114 : vector<1x1x16xi32> to vector<16xi32>
      %swap3A_116 = arith.constant 32 : index
      %swap3A_117 = tpu.vector_load %arg10[%swap3A_116] {strides = array<i32>} : memref<128xi32, #tpu.memory_space<vmem>>, vector<16xi32>,
      %swap3A_118 = vector.shape_cast %swap3A_117 : vector<16xi32> to vector<16xi32>
      %swap3A_119 = vector.shape_cast %get3A_115 : vector<16xi32> to vector<16xi32>
      tpu.vector_store %arg10[%swap3A_116], %swap3A_119 {strides = array<i32>} : memref<128xi32, #tpu.memory_space<vmem>>, vector<16xi32>,
      %get3A_120 = arith.constant 0 : i32
      %get3A_121 = arith.index_cast %scan3A_11 : i32 to index
      %get3A_122 = arith.index_cast %get3A_120 : i32 to index
      %get3A_123 = arith.constant 48 : index
      %get3A_124 = tpu.vector_load %arg8[%get3A_121, %get3A_122, %get3A_123] {strides = array<i32>} : memref<79x1x128xi32, #tpu.memory_space<vmem>>, vector<1x1x16xi32>,
      %get3A_125 = vector.shape_cast %get3A_124 : vector<1x1x16xi32> to vector<16xi32>
      %swap3A_126 = arith.constant 48 : index
      %swap3A_127 = tpu.vector_load %arg10[%swap3A_126] {strides = array<i32>} : memref<128xi32, #tpu.memory_space<vmem>>, vector<16xi32>,
      %swap3A_128 = vector.shape_cast %swap3A_127 : vector<16xi32> to vector<16xi32>
      %swap3A_129 = vector.shape_cast %get3A_125 : vector<16xi32> to vector<16xi32>
      tpu.vector_store %arg10[%swap3A_126], %swap3A_129 {strides = array<i32>} : memref<128xi32, #tpu.memory_space<vmem>>, vector<16xi32>,
      %get3A_130 = arith.constant 0 : i32
      %get3A_131 = arith.index_cast %scan3A_11 : i32 to index
      %get3A_132 = arith.index_cast %get3A_130 : i32 to index
      %get3A_133 = arith.constant 64 : index
      %get3A_134 = tpu.vector_load %arg8[%get3A_131, %get3A_132, %get3A_133] {strides = array<i32>} : memref<79x1x128xi32, #tpu.memory_space<vmem>>, vector<1x1x16xi32>,
      %get3A_135 = vector.shape_cast %get3A_134 : vector<1x1x16xi32> to vector<16xi32>
      %swap3A_136 = arith.constant 64 : index
      %swap3A_137 = tpu.vector_load %arg10[%swap3A_136] {strides = array<i32>} : memref<128xi32, #tpu.memory_space<vmem>>, vector<16xi32>,
      %swap3A_138 = vector.shape_cast %swap3A_137 : vector<16xi32> to vector<16xi32>
      %swap3A_139 = vector.shape_cast %get3A_135 : vector<16xi32> to vector<16xi32>
      tpu.vector_store %arg10[%swap3A_136], %swap3A_139 {strides = array<i32>} : memref<128xi32, #tpu.memory_space<vmem>>, vector<16xi32>,
      %get3A_140 = arith.constant 0 : i32
      %get3A_141 = arith.index_cast %scan3A_11 : i32 to index
      %get3A_142 = arith.index_cast %get3A_140 : i32 to index
      %get3A_143 = arith.constant 80 : index
      %get3A_144 = tpu.vector_load %arg8[%get3A_141, %get3A_142, %get3A_143] {strides = array<i32>} : memref<79x1x128xi32, #tpu.memory_space<vmem>>, vector<1x1x16xi32>,
      %get3A_145 = vector.shape_cast %get3A_144 : vector<1x1x16xi32> to vector<16xi32>
      %swap3A_146 = arith.constant 80 : index
      %swap3A_147 = tpu.vector_load %arg10[%swap3A_146] {strides = array<i32>} : memref<128xi32, #tpu.memory_space<vmem>>, vector<16xi32>,
      %swap3A_148 = vector.shape_cast %swap3A_147 : vector<16xi32> to vector<16xi32>
      %swap3A_149 = vector.shape_cast %get3A_145 : vector<16xi32> to vector<16xi32>
      tpu.vector_store %arg10[%swap3A_146], %swap3A_149 {strides = array<i32>} : memref<128xi32, #tpu.memory_space<vmem>>, vector<16xi32>,
      %get3A_150 = arith.constant 0 : i32
      %get3A_151 = arith.index_cast %scan3A_11 : i32 to index
      %get3A_152 = arith.index_cast %get3A_150 : i32 to index
      %get3A_153 = arith.constant 96 : index
      %get3A_154 = tpu.vector_load %arg8[%get3A_151, %get3A_152, %get3A_153] {strides = array<i32>} : memref<79x1x128xi32, #tpu.memory_space<vmem>>, vector<1x1x16xi32>,
      %get3A_155 = vector.shape_cast %get3A_154 : vector<1x1x16xi32> to vector<16xi32>
      %swap3A_156 = arith.constant 96 : index
      %swap3A_157 = tpu.vector_load %arg10[%swap3A_156] {strides = array<i32>} : memref<128xi32, #tpu.memory_space<vmem>>, vector<16xi32>,
      %swap3A_158 = vector.shape_cast %swap3A_157 : vector<16xi32> to vector<16xi32>
      %swap3A_159 = vector.shape_cast %get3A_155 : vector<16xi32> to vector<16xi32>
      tpu.vector_store %arg10[%swap3A_156], %swap3A_159 {strides = array<i32>} : memref<128xi32, #tpu.memory_space<vmem>>, vector<16xi32>,
      %get3A_160 = arith.constant 0 : i32
      %get3A_161 = arith.index_cast %scan3A_11 : i32 to index
      %get3A_162 = arith.index_cast %get3A_160 : i32 to index
      %get3A_163 = arith.constant 112 : index
      %get3A_164 = tpu.vector_load %arg8[%get3A_161, %get3A_162, %get3A_163] {strides = array<i32>} : memref<79x1x128xi32, #tpu.memory_space<vmem>>, vector<1x1x16xi32>,
      %get3A_165 = vector.shape_cast %get3A_164 : vector<1x1x16xi32> to vector<16xi32>
      %swap3A_166 = arith.constant 112 : index
      %swap3A_167 = tpu.vector_load %arg10[%swap3A_166] {strides = array<i32>} : memref<128xi32, #tpu.memory_space<vmem>>, vector<16xi32>,
      %swap3A_168 = vector.shape_cast %swap3A_167 : vector<16xi32> to vector<16xi32>
      %swap3A_169 = vector.shape_cast %get3A_165 : vector<16xi32> to vector<16xi32>
      tpu.vector_store %arg10[%swap3A_166], %swap3A_169 {strides = array<i32>} : memref<128xi32, #tpu.memory_space<vmem>>, vector<16xi32>,
      %dma_start3A = arith.constant 0 : i32
      %dma_start3A_170 = arith.constant 0 : i32
      %dma_start3A_171 = tpu.memref_slice %arg2[%dma_start3A, %dma_start3A_170] : memref<10112x128xf32, #tpu.memory_space<hbm>> -> memref<10112x128xf32, #tpu.memory_space<hbm>>
      tpu.enqueue_indirect_dma source(%dma_start3A_171 : memref<10112x128xf32, #tpu.memory_space<hbm>>) target(%arg11 : memref<128x128xf32, #tpu.memory_space<vmem>>) offsets(%arg9 : memref<128xi32, #tpu.memory_space<vmem>>) semaphore(%arg13 : memref<!tpu.dma_semaphore, #tpu.memory_space<semaphore_mem>>)
      %dma_wait3A = arith.constant 0 : i32
      %dma_wait3A_172 = arith.constant 0 : i32
      %dma_wait3A_173 = tpu.memref_slice %arg2[%dma_wait3A, %dma_wait3A_172] : memref<10112x128xf32, #tpu.memory_space<hbm>> -> memref<10112x128xf32, #tpu.memory_space<hbm>>
      tpu.wait_indirect_dma semaphore(%arg13 : memref<!tpu.dma_semaphore, #tpu.memory_space<semaphore_mem>>) src(%dma_wait3A_173 : memref<10112x128xf32, #tpu.memory_space<hbm>>) dst(%arg11 : memref<128x128xf32, #tpu.memory_space<vmem>>)
      "tpu.region"() ({
        %run_scoped3A = tpu.sem_alloc : memref<!tpu.dma_semaphore, #tpu.memory_space<semaphore_mem>>
        %dma_start3A_174 = arith.constant 0 : i32
        %dma_start3A_175 = arith.constant 0 : i32
        %dma_start3A_176 = tpu.memref_slice %arg12[%dma_start3A_174, %dma_start3A_175] : memref<2560x128xf32, #tpu.memory_space<vmem_shared>> -> memref<2560x128xf32, #tpu.memory_space<vmem_shared>>
        tpu.enqueue_indirect_dma source(%arg11 : memref<128x128xf32, #tpu.memory_space<vmem>>) target(%dma_start3A_176 : memref<2560x128xf32, #tpu.memory_space<vmem_shared>>) offsets(%arg10 : memref<128xi32, #tpu.memory_space<vmem>>) semaphore(%run_scoped3A : memref<!tpu.dma_semaphore, #tpu.memory_space<semaphore_mem>>) {add = true}
        %dma_wait3A_177 = arith.constant 0 : i32
        %dma_wait3A_178 = arith.constant 0 : i32
        %dma_wait3A_179 = tpu.memref_slice %arg12[%dma_wait3A_177, %dma_wait3A_178] : memref<2560x128xf32, #tpu.memory_space<vmem_shared>> -> memref<2560x128xf32, #tpu.memory_space<vmem_shared>>
        tpu.wait_indirect_dma semaphore(%run_scoped3A : memref<!tpu.dma_semaphore, #tpu.memory_space<semaphore_mem>>) src(%arg11 : memref<128x128xf32, #tpu.memory_space<vmem>>) dst(%dma_wait3A_179 : memref<2560x128xf32, #tpu.memory_space<vmem_shared>>)
        tpu.yield
      }) : () -> ()
    }
    %scan3A_9 = arith.constant 79 : i32
    %barrier3A_10 = arith.constant 0 : index
    tpu.barrier barrier_id(%barrier3A_10)
    "tpu.region"() ({
      %run_scoped3A = tpu.sem_alloc : memref<!tpu.dma_semaphore, #tpu.memory_space<semaphore_mem>>
      %dma_start3A = arith.constant 0 : i32
      %dma_start3A_11 = tpu.memref_slice %arg6[%arg0, %mul3A_2, %dma_start3A] : memref<2x2560x128xf32, #tpu.memory_space<hbm>> -> memref<1x160x128xf32, #tpu.memory_space<hbm>>
      %dma_start3A_12 = tpu.memref_squeeze %dma_start3A_11 : memref<1x160x128xf32, #tpu.memory_space<hbm>> -> memref<160x128xf32, #tpu.memory_space<hbm>>
      %dma_start3A_13 = arith.constant 0 : i32
      %dma_start3A_14 = tpu.memref_slice %arg12[%mul3A_2, %dma_start3A_13] : memref<2560x128xf32, #tpu.memory_space<vmem_shared>> -> memref<160x128xf32, #tpu.memory_space<vmem_shared>>
      tpu.enqueue_dma source(%dma_start3A_14 : memref<160x128xf32, #tpu.memory_space<vmem_shared>>) target(%dma_start3A_12 : memref<160x128xf32, #tpu.memory_space<hbm>>) target_semaphore(%run_scoped3A : memref<!tpu.dma_semaphore, #tpu.memory_space<semaphore_mem>>)
      %dma_wait3A = arith.constant 0 : i32
      %dma_wait3A_15 = tpu.memref_slice %arg6[%arg0, %mul3A_2, %dma_wait3A] : memref<2x2560x128xf32, #tpu.memory_space<hbm>> -> memref<1x160x128xf32, #tpu.memory_space<hbm>>
      %dma_wait3A_16 = tpu.memref_squeeze %dma_wait3A_15 : memref<1x160x128xf32, #tpu.memory_space<hbm>> -> memref<160x128xf32, #tpu.memory_space<hbm>>
      %dma_wait3A_17 = arith.constant 0 : i32
      %dma_wait3A_18 = tpu.memref_slice %arg12[%mul3A_2, %dma_wait3A_17] : memref<2560x128xf32, #tpu.memory_space<vmem_shared>> -> memref<160x128xf32, #tpu.memory_space<vmem_shared>>
      tpu.wait_dma2 semaphore(%run_scoped3A : memref<!tpu.dma_semaphore, #tpu.memory_space<semaphore_mem>>) src(%dma_wait3A_18 : memref<160x128xf32, #tpu.memory_space<vmem_shared>>) dst(%dma_wait3A_16 : memref<160x128xf32, #tpu.memory_space<hbm>>)
      tpu.yield
    }) : () -> ()
    return
  }
}

#map = affine_map<(d0, d1) -> (0, 0)>
#map1 = affine_map<(d0, d1) -> (0, 0, 0)>
module attributes {stable_mosaic.version = 14 : i64} {
  func.func @seg_sum(%arg0: i32, %arg1: i32, %arg2: memref<2560x128xf32, #tpu.memory_space<hbm>>, %arg3: memref<2528x1x128xi32, #tpu.memory_space<hbm>>, %arg4: memref<2528x1x128xi32, #tpu.memory_space<hbm>>, %arg5: memref<632x128xf32, #tpu.memory_space<hbm>>, %arg6: memref<2x10112x128xf32, #tpu.memory_space<hbm>>, %arg7: memref<79x1x128xi32, #tpu.memory_space<vmem>>, %arg8: memref<79x1x128xi32, #tpu.memory_space<vmem>>, %arg9: memref<128xi32, #tpu.memory_space<vmem>>, %arg10: memref<128xi32, #tpu.memory_space<vmem>>, %arg11: memref<128x128xf32, #tpu.memory_space<vmem>>, %arg12: memref<10112x128xf32, #tpu.memory_space<vmem_shared>>, %arg13: memref<!tpu.dma_semaphore, #tpu.memory_space<semaphore_mem>>) attributes {dimension_semantics = [#tpu.dimension_semantics<core_parallel>, #tpu.dimension_semantics<subcore_parallel>], iteration_bounds = array<i64: 2, 16>, scalar_prefetch = 0 : i64, scratch_operands = 7 : i64, tpu.core_type = #tpu.core_type<sc_vector_subcore>, window_params = [{transform_indices = #map}, {transform_indices = #map1}, {transform_indices = #map1}, {transform_indices = #map}, {transform_indices = #map1}]} {
    %mul3A = arith.constant 2 : i32
    %mul3A_0 = arith.muli %arg1, %mul3A : i32
    %add3A = arith.addi %mul3A_0, %arg0 : i32
    %mul3A_1 = arith.constant 632 : i32
    %mul3A_2 = arith.muli %arg1, %mul3A_1 : i32
    "tpu.region"() ({
      %run_scoped3A = tpu.sem_alloc : memref<!tpu.dma_semaphore, #tpu.memory_space<semaphore_mem>>
      %dma_start3A = arith.constant 0 : i32
      %dma_start3A_11 = tpu.memref_slice %arg12[%mul3A_2, %dma_start3A] : memref<10112x128xf32, #tpu.memory_space<vmem_shared>> -> memref<632x128xf32, #tpu.memory_space<vmem_shared>>
      %dma_start3A_12 = arith.constant 0 : i32
      %dma_start3A_13 = arith.constant 0 : i32
      %dma_start3A_14 = tpu.memref_slice %arg5[%dma_start3A_12, %dma_start3A_13] : memref<632x128xf32, #tpu.memory_space<hbm>> -> memref<632x128xf32, #tpu.memory_space<hbm>>
      tpu.enqueue_dma source(%dma_start3A_14 : memref<632x128xf32, #tpu.memory_space<hbm>>) target(%dma_start3A_11 : memref<632x128xf32, #tpu.memory_space<vmem_shared>>) target_semaphore(%run_scoped3A : memref<!tpu.dma_semaphore, #tpu.memory_space<semaphore_mem>>)
      %dma_wait3A = arith.constant 0 : i32
      %dma_wait3A_15 = tpu.memref_slice %arg12[%mul3A_2, %dma_wait3A] : memref<10112x128xf32, #tpu.memory_space<vmem_shared>> -> memref<632x128xf32, #tpu.memory_space<vmem_shared>>
      %dma_wait3A_16 = arith.constant 0 : i32
      %dma_wait3A_17 = arith.constant 0 : i32
      %dma_wait3A_18 = tpu.memref_slice %arg5[%dma_wait3A_16, %dma_wait3A_17] : memref<632x128xf32, #tpu.memory_space<hbm>> -> memref<632x128xf32, #tpu.memory_space<hbm>>
      tpu.wait_dma2 semaphore(%run_scoped3A : memref<!tpu.dma_semaphore, #tpu.memory_space<semaphore_mem>>) src(%dma_wait3A_18 : memref<632x128xf32, #tpu.memory_space<hbm>>) dst(%dma_wait3A_15 : memref<632x128xf32, #tpu.memory_space<vmem_shared>>)
      tpu.yield
    }) : () -> ()
    %mul3A_3 = arith.constant 79 : i32
    %mul3A_4 = arith.muli %add3A, %mul3A_3 : i32
    "tpu.region"() ({
      %run_scoped3A = tpu.sem_alloc : memref<!tpu.dma_semaphore, #tpu.memory_space<semaphore_mem>>
      %dma_start3A = arith.constant 0 : i32
      %dma_start3A_11 = arith.constant 0 : i32
      %dma_start3A_12 = tpu.memref_slice %arg3[%mul3A_4, %dma_start3A, %dma_start3A_11] : memref<2528x1x128xi32, #tpu.memory_space<hbm>> -> memref<79x1x128xi32, #tpu.memory_space<hbm>>
      %dma_start3A_13 = arith.constant 0 : i32
      %dma_start3A_14 = arith.constant 0 : i32
      %dma_start3A_15 = tpu.memref_slice %arg3[%mul3A_4, %dma_start3A_13, %dma_start3A_14] : memref<2528x1x128xi32, #tpu.memory_space<hbm>> -> memref<79x1x128xi32, #tpu.memory_space<hbm>>
      tpu.enqueue_dma source(%dma_start3A_15 : memref<79x1x128xi32, #tpu.memory_space<hbm>>) target(%arg7 : memref<79x1x128xi32, #tpu.memory_space<vmem>>) target_semaphore(%run_scoped3A : memref<!tpu.dma_semaphore, #tpu.memory_space<semaphore_mem>>)
      %dma_wait3A = arith.constant 0 : i32
      %dma_wait3A_16 = arith.constant 0 : i32
      %dma_wait3A_17 = tpu.memref_slice %arg3[%mul3A_4, %dma_wait3A, %dma_wait3A_16] : memref<2528x1x128xi32, #tpu.memory_space<hbm>> -> memref<79x1x128xi32, #tpu.memory_space<hbm>>
      %dma_wait3A_18 = arith.constant 0 : i32
      %dma_wait3A_19 = arith.constant 0 : i32
      %dma_wait3A_20 = tpu.memref_slice %arg3[%mul3A_4, %dma_wait3A_18, %dma_wait3A_19] : memref<2528x1x128xi32, #tpu.memory_space<hbm>> -> memref<79x1x128xi32, #tpu.memory_space<hbm>>
      tpu.wait_dma2 semaphore(%run_scoped3A : memref<!tpu.dma_semaphore, #tpu.memory_space<semaphore_mem>>) src(%dma_wait3A_20 : memref<79x1x128xi32, #tpu.memory_space<hbm>>) dst(%arg7 : memref<79x1x128xi32, #tpu.memory_space<vmem>>)
      tpu.yield
    }) : () -> ()
    "tpu.region"() ({
      %run_scoped3A = tpu.sem_alloc : memref<!tpu.dma_semaphore, #tpu.memory_space<semaphore_mem>>
      %dma_start3A = arith.constant 0 : i32
      %dma_start3A_11 = arith.constant 0 : i32
      %dma_start3A_12 = tpu.memref_slice %arg4[%mul3A_4, %dma_start3A, %dma_start3A_11] : memref<2528x1x128xi32, #tpu.memory_space<hbm>> -> memref<79x1x128xi32, #tpu.memory_space<hbm>>
      %dma_start3A_13 = arith.constant 0 : i32
      %dma_start3A_14 = arith.constant 0 : i32
      %dma_start3A_15 = tpu.memref_slice %arg4[%mul3A_4, %dma_start3A_13, %dma_start3A_14] : memref<2528x1x128xi32, #tpu.memory_space<hbm>> -> memref<79x1x128xi32, #tpu.memory_space<hbm>>
      tpu.enqueue_dma source(%dma_start3A_15 : memref<79x1x128xi32, #tpu.memory_space<hbm>>) target(%arg8 : memref<79x1x128xi32, #tpu.memory_space<vmem>>) target_semaphore(%run_scoped3A : memref<!tpu.dma_semaphore, #tpu.memory_space<semaphore_mem>>)
      %dma_wait3A = arith.constant 0 : i32
      %dma_wait3A_16 = arith.constant 0 : i32
      %dma_wait3A_17 = tpu.memref_slice %arg4[%mul3A_4, %dma_wait3A, %dma_wait3A_16] : memref<2528x1x128xi32, #tpu.memory_space<hbm>> -> memref<79x1x128xi32, #tpu.memory_space<hbm>>
      %dma_wait3A_18 = arith.constant 0 : i32
      %dma_wait3A_19 = arith.constant 0 : i32
      %dma_wait3A_20 = tpu.memref_slice %arg4[%mul3A_4, %dma_wait3A_18, %dma_wait3A_19] : memref<2528x1x128xi32, #tpu.memory_space<hbm>> -> memref<79x1x128xi32, #tpu.memory_space<hbm>>
      tpu.wait_dma2 semaphore(%run_scoped3A : memref<!tpu.dma_semaphore, #tpu.memory_space<semaphore_mem>>) src(%dma_wait3A_20 : memref<79x1x128xi32, #tpu.memory_space<hbm>>) dst(%arg8 : memref<79x1x128xi32, #tpu.memory_space<vmem>>)
      tpu.yield
    }) : () -> ()
    %barrier3A = arith.constant 0 : index
    tpu.barrier barrier_id(%barrier3A)
    %scan3A = arith.constant 0 : i32
    %scan3A_5 = arith.constant 0 : i32
    %scan3A_6 = arith.constant 79 : i32
    %scan3A_7 = arith.addi %scan3A_5, %scan3A_6 : i32
    %scan3A_8 = arith.constant 1 : i32
    scf.for %scan3A_11 = %scan3A_5 to %scan3A_7 step %scan3A_8  : i32 {
      %get3A = arith.constant 0 : i32
      %get3A_12 = arith.index_cast %scan3A_11 : i32 to index
      %get3A_13 = arith.index_cast %get3A : i32 to index
      %get3A_14 = arith.constant 0 : index
      %get3A_15 = tpu.vector_load %arg7[%get3A_12, %get3A_13, %get3A_14] {strides = array<i32>} : memref<79x1x128xi32, #tpu.memory_space<vmem>>, vector<1x1x16xi32>,
      %get3A_16 = vector.shape_cast %get3A_15 : vector<1x1x16xi32> to vector<16xi32>
      %swap3A = arith.constant 0 : index
      %swap3A_17 = tpu.vector_load %arg9[%swap3A] {strides = array<i32>} : memref<128xi32, #tpu.memory_space<vmem>>, vector<16xi32>,
      %swap3A_18 = vector.shape_cast %swap3A_17 : vector<16xi32> to vector<16xi32>
      %swap3A_19 = vector.shape_cast %get3A_16 : vector<16xi32> to vector<16xi32>
      tpu.vector_store %arg9[%swap3A], %swap3A_19 {strides = array<i32>} : memref<128xi32, #tpu.memory_space<vmem>>, vector<16xi32>,
      %get3A_20 = arith.constant 0 : i32
      %get3A_21 = arith.index_cast %scan3A_11 : i32 to index
      %get3A_22 = arith.index_cast %get3A_20 : i32 to index
      %get3A_23 = arith.constant 16 : index
      %get3A_24 = tpu.vector_load %arg7[%get3A_21, %get3A_22, %get3A_23] {strides = array<i32>} : memref<79x1x128xi32, #tpu.memory_space<vmem>>, vector<1x1x16xi32>,
      %get3A_25 = vector.shape_cast %get3A_24 : vector<1x1x16xi32> to vector<16xi32>
      %swap3A_26 = arith.constant 16 : index
      %swap3A_27 = tpu.vector_load %arg9[%swap3A_26] {strides = array<i32>} : memref<128xi32, #tpu.memory_space<vmem>>, vector<16xi32>,
      %swap3A_28 = vector.shape_cast %swap3A_27 : vector<16xi32> to vector<16xi32>
      %swap3A_29 = vector.shape_cast %get3A_25 : vector<16xi32> to vector<16xi32>
      tpu.vector_store %arg9[%swap3A_26], %swap3A_29 {strides = array<i32>} : memref<128xi32, #tpu.memory_space<vmem>>, vector<16xi32>,
      %get3A_30 = arith.constant 0 : i32
      %get3A_31 = arith.index_cast %scan3A_11 : i32 to index
      %get3A_32 = arith.index_cast %get3A_30 : i32 to index
      %get3A_33 = arith.constant 32 : index
      %get3A_34 = tpu.vector_load %arg7[%get3A_31, %get3A_32, %get3A_33] {strides = array<i32>} : memref<79x1x128xi32, #tpu.memory_space<vmem>>, vector<1x1x16xi32>,
      %get3A_35 = vector.shape_cast %get3A_34 : vector<1x1x16xi32> to vector<16xi32>
      %swap3A_36 = arith.constant 32 : index
      %swap3A_37 = tpu.vector_load %arg9[%swap3A_36] {strides = array<i32>} : memref<128xi32, #tpu.memory_space<vmem>>, vector<16xi32>,
      %swap3A_38 = vector.shape_cast %swap3A_37 : vector<16xi32> to vector<16xi32>
      %swap3A_39 = vector.shape_cast %get3A_35 : vector<16xi32> to vector<16xi32>
      tpu.vector_store %arg9[%swap3A_36], %swap3A_39 {strides = array<i32>} : memref<128xi32, #tpu.memory_space<vmem>>, vector<16xi32>,
      %get3A_40 = arith.constant 0 : i32
      %get3A_41 = arith.index_cast %scan3A_11 : i32 to index
      %get3A_42 = arith.index_cast %get3A_40 : i32 to index
      %get3A_43 = arith.constant 48 : index
      %get3A_44 = tpu.vector_load %arg7[%get3A_41, %get3A_42, %get3A_43] {strides = array<i32>} : memref<79x1x128xi32, #tpu.memory_space<vmem>>, vector<1x1x16xi32>,
      %get3A_45 = vector.shape_cast %get3A_44 : vector<1x1x16xi32> to vector<16xi32>
      %swap3A_46 = arith.constant 48 : index
      %swap3A_47 = tpu.vector_load %arg9[%swap3A_46] {strides = array<i32>} : memref<128xi32, #tpu.memory_space<vmem>>, vector<16xi32>,
      %swap3A_48 = vector.shape_cast %swap3A_47 : vector<16xi32> to vector<16xi32>
      %swap3A_49 = vector.shape_cast %get3A_45 : vector<16xi32> to vector<16xi32>
      tpu.vector_store %arg9[%swap3A_46], %swap3A_49 {strides = array<i32>} : memref<128xi32, #tpu.memory_space<vmem>>, vector<16xi32>,
      %get3A_50 = arith.constant 0 : i32
      %get3A_51 = arith.index_cast %scan3A_11 : i32 to index
      %get3A_52 = arith.index_cast %get3A_50 : i32 to index
      %get3A_53 = arith.constant 64 : index
      %get3A_54 = tpu.vector_load %arg7[%get3A_51, %get3A_52, %get3A_53] {strides = array<i32>} : memref<79x1x128xi32, #tpu.memory_space<vmem>>, vector<1x1x16xi32>,
      %get3A_55 = vector.shape_cast %get3A_54 : vector<1x1x16xi32> to vector<16xi32>
      %swap3A_56 = arith.constant 64 : index
      %swap3A_57 = tpu.vector_load %arg9[%swap3A_56] {strides = array<i32>} : memref<128xi32, #tpu.memory_space<vmem>>, vector<16xi32>,
      %swap3A_58 = vector.shape_cast %swap3A_57 : vector<16xi32> to vector<16xi32>
      %swap3A_59 = vector.shape_cast %get3A_55 : vector<16xi32> to vector<16xi32>
      tpu.vector_store %arg9[%swap3A_56], %swap3A_59 {strides = array<i32>} : memref<128xi32, #tpu.memory_space<vmem>>, vector<16xi32>,
      %get3A_60 = arith.constant 0 : i32
      %get3A_61 = arith.index_cast %scan3A_11 : i32 to index
      %get3A_62 = arith.index_cast %get3A_60 : i32 to index
      %get3A_63 = arith.constant 80 : index
      %get3A_64 = tpu.vector_load %arg7[%get3A_61, %get3A_62, %get3A_63] {strides = array<i32>} : memref<79x1x128xi32, #tpu.memory_space<vmem>>, vector<1x1x16xi32>,
      %get3A_65 = vector.shape_cast %get3A_64 : vector<1x1x16xi32> to vector<16xi32>
      %swap3A_66 = arith.constant 80 : index
      %swap3A_67 = tpu.vector_load %arg9[%swap3A_66] {strides = array<i32>} : memref<128xi32, #tpu.memory_space<vmem>>, vector<16xi32>,
      %swap3A_68 = vector.shape_cast %swap3A_67 : vector<16xi32> to vector<16xi32>
      %swap3A_69 = vector.shape_cast %get3A_65 : vector<16xi32> to vector<16xi32>
      tpu.vector_store %arg9[%swap3A_66], %swap3A_69 {strides = array<i32>} : memref<128xi32, #tpu.memory_space<vmem>>, vector<16xi32>,
      %get3A_70 = arith.constant 0 : i32
      %get3A_71 = arith.index_cast %scan3A_11 : i32 to index
      %get3A_72 = arith.index_cast %get3A_70 : i32 to index
      %get3A_73 = arith.constant 96 : index
      %get3A_74 = tpu.vector_load %arg7[%get3A_71, %get3A_72, %get3A_73] {strides = array<i32>} : memref<79x1x128xi32, #tpu.memory_space<vmem>>, vector<1x1x16xi32>,
      %get3A_75 = vector.shape_cast %get3A_74 : vector<1x1x16xi32> to vector<16xi32>
      %swap3A_76 = arith.constant 96 : index
      %swap3A_77 = tpu.vector_load %arg9[%swap3A_76] {strides = array<i32>} : memref<128xi32, #tpu.memory_space<vmem>>, vector<16xi32>,
      %swap3A_78 = vector.shape_cast %swap3A_77 : vector<16xi32> to vector<16xi32>
      %swap3A_79 = vector.shape_cast %get3A_75 : vector<16xi32> to vector<16xi32>
      tpu.vector_store %arg9[%swap3A_76], %swap3A_79 {strides = array<i32>} : memref<128xi32, #tpu.memory_space<vmem>>, vector<16xi32>,
      %get3A_80 = arith.constant 0 : i32
      %get3A_81 = arith.index_cast %scan3A_11 : i32 to index
      %get3A_82 = arith.index_cast %get3A_80 : i32 to index
      %get3A_83 = arith.constant 112 : index
      %get3A_84 = tpu.vector_load %arg7[%get3A_81, %get3A_82, %get3A_83] {strides = array<i32>} : memref<79x1x128xi32, #tpu.memory_space<vmem>>, vector<1x1x16xi32>,
      %get3A_85 = vector.shape_cast %get3A_84 : vector<1x1x16xi32> to vector<16xi32>
      %swap3A_86 = arith.constant 112 : index
      %swap3A_87 = tpu.vector_load %arg9[%swap3A_86] {strides = array<i32>} : memref<128xi32, #tpu.memory_space<vmem>>, vector<16xi32>,
      %swap3A_88 = vector.shape_cast %swap3A_87 : vector<16xi32> to vector<16xi32>
      %swap3A_89 = vector.shape_cast %get3A_85 : vector<16xi32> to vector<16xi32>
      tpu.vector_store %arg9[%swap3A_86], %swap3A_89 {strides = array<i32>} : memref<128xi32, #tpu.memory_space<vmem>>, vector<16xi32>,
      %get3A_90 = arith.constant 0 : i32
      %get3A_91 = arith.index_cast %scan3A_11 : i32 to index
      %get3A_92 = arith.index_cast %get3A_90 : i32 to index
      %get3A_93 = arith.constant 0 : index
      %get3A_94 = tpu.vector_load %arg8[%get3A_91, %get3A_92, %get3A_93] {strides = array<i32>} : memref<79x1x128xi32, #tpu.memory_space<vmem>>, vector<1x1x16xi32>,
      %get3A_95 = vector.shape_cast %get3A_94 : vector<1x1x16xi32> to vector<16xi32>
      %swap3A_96 = arith.constant 0 : index
      %swap3A_97 = tpu.vector_load %arg10[%swap3A_96] {strides = array<i32>} : memref<128xi32, #tpu.memory_space<vmem>>, vector<16xi32>,
      %swap3A_98 = vector.shape_cast %swap3A_97 : vector<16xi32> to vector<16xi32>
      %swap3A_99 = vector.shape_cast %get3A_95 : vector<16xi32> to vector<16xi32>
      tpu.vector_store %arg10[%swap3A_96], %swap3A_99 {strides = array<i32>} : memref<128xi32, #tpu.memory_space<vmem>>, vector<16xi32>,
      %get3A_100 = arith.constant 0 : i32
      %get3A_101 = arith.index_cast %scan3A_11 : i32 to index
      %get3A_102 = arith.index_cast %get3A_100 : i32 to index
      %get3A_103 = arith.constant 16 : index
      %get3A_104 = tpu.vector_load %arg8[%get3A_101, %get3A_102, %get3A_103] {strides = array<i32>} : memref<79x1x128xi32, #tpu.memory_space<vmem>>, vector<1x1x16xi32>,
      %get3A_105 = vector.shape_cast %get3A_104 : vector<1x1x16xi32> to vector<16xi32>
      %swap3A_106 = arith.constant 16 : index
      %swap3A_107 = tpu.vector_load %arg10[%swap3A_106] {strides = array<i32>} : memref<128xi32, #tpu.memory_space<vmem>>, vector<16xi32>,
      %swap3A_108 = vector.shape_cast %swap3A_107 : vector<16xi32> to vector<16xi32>
      %swap3A_109 = vector.shape_cast %get3A_105 : vector<16xi32> to vector<16xi32>
      tpu.vector_store %arg10[%swap3A_106], %swap3A_109 {strides = array<i32>} : memref<128xi32, #tpu.memory_space<vmem>>, vector<16xi32>,
      %get3A_110 = arith.constant 0 : i32
      %get3A_111 = arith.index_cast %scan3A_11 : i32 to index
      %get3A_112 = arith.index_cast %get3A_110 : i32 to index
      %get3A_113 = arith.constant 32 : index
      %get3A_114 = tpu.vector_load %arg8[%get3A_111, %get3A_112, %get3A_113] {strides = array<i32>} : memref<79x1x128xi32, #tpu.memory_space<vmem>>, vector<1x1x16xi32>,
      %get3A_115 = vector.shape_cast %get3A_114 : vector<1x1x16xi32> to vector<16xi32>
      %swap3A_116 = arith.constant 32 : index
      %swap3A_117 = tpu.vector_load %arg10[%swap3A_116] {strides = array<i32>} : memref<128xi32, #tpu.memory_space<vmem>>, vector<16xi32>,
      %swap3A_118 = vector.shape_cast %swap3A_117 : vector<16xi32> to vector<16xi32>
      %swap3A_119 = vector.shape_cast %get3A_115 : vector<16xi32> to vector<16xi32>
      tpu.vector_store %arg10[%swap3A_116], %swap3A_119 {strides = array<i32>} : memref<128xi32, #tpu.memory_space<vmem>>, vector<16xi32>,
      %get3A_120 = arith.constant 0 : i32
      %get3A_121 = arith.index_cast %scan3A_11 : i32 to index
      %get3A_122 = arith.index_cast %get3A_120 : i32 to index
      %get3A_123 = arith.constant 48 : index
      %get3A_124 = tpu.vector_load %arg8[%get3A_121, %get3A_122, %get3A_123] {strides = array<i32>} : memref<79x1x128xi32, #tpu.memory_space<vmem>>, vector<1x1x16xi32>,
      %get3A_125 = vector.shape_cast %get3A_124 : vector<1x1x16xi32> to vector<16xi32>
      %swap3A_126 = arith.constant 48 : index
      %swap3A_127 = tpu.vector_load %arg10[%swap3A_126] {strides = array<i32>} : memref<128xi32, #tpu.memory_space<vmem>>, vector<16xi32>,
      %swap3A_128 = vector.shape_cast %swap3A_127 : vector<16xi32> to vector<16xi32>
      %swap3A_129 = vector.shape_cast %get3A_125 : vector<16xi32> to vector<16xi32>
      tpu.vector_store %arg10[%swap3A_126], %swap3A_129 {strides = array<i32>} : memref<128xi32, #tpu.memory_space<vmem>>, vector<16xi32>,
      %get3A_130 = arith.constant 0 : i32
      %get3A_131 = arith.index_cast %scan3A_11 : i32 to index
      %get3A_132 = arith.index_cast %get3A_130 : i32 to index
      %get3A_133 = arith.constant 64 : index
      %get3A_134 = tpu.vector_load %arg8[%get3A_131, %get3A_132, %get3A_133] {strides = array<i32>} : memref<79x1x128xi32, #tpu.memory_space<vmem>>, vector<1x1x16xi32>,
      %get3A_135 = vector.shape_cast %get3A_134 : vector<1x1x16xi32> to vector<16xi32>
      %swap3A_136 = arith.constant 64 : index
      %swap3A_137 = tpu.vector_load %arg10[%swap3A_136] {strides = array<i32>} : memref<128xi32, #tpu.memory_space<vmem>>, vector<16xi32>,
      %swap3A_138 = vector.shape_cast %swap3A_137 : vector<16xi32> to vector<16xi32>
      %swap3A_139 = vector.shape_cast %get3A_135 : vector<16xi32> to vector<16xi32>
      tpu.vector_store %arg10[%swap3A_136], %swap3A_139 {strides = array<i32>} : memref<128xi32, #tpu.memory_space<vmem>>, vector<16xi32>,
      %get3A_140 = arith.constant 0 : i32
      %get3A_141 = arith.index_cast %scan3A_11 : i32 to index
      %get3A_142 = arith.index_cast %get3A_140 : i32 to index
      %get3A_143 = arith.constant 80 : index
      %get3A_144 = tpu.vector_load %arg8[%get3A_141, %get3A_142, %get3A_143] {strides = array<i32>} : memref<79x1x128xi32, #tpu.memory_space<vmem>>, vector<1x1x16xi32>,
      %get3A_145 = vector.shape_cast %get3A_144 : vector<1x1x16xi32> to vector<16xi32>
      %swap3A_146 = arith.constant 80 : index
      %swap3A_147 = tpu.vector_load %arg10[%swap3A_146] {strides = array<i32>} : memref<128xi32, #tpu.memory_space<vmem>>, vector<16xi32>,
      %swap3A_148 = vector.shape_cast %swap3A_147 : vector<16xi32> to vector<16xi32>
      %swap3A_149 = vector.shape_cast %get3A_145 : vector<16xi32> to vector<16xi32>
      tpu.vector_store %arg10[%swap3A_146], %swap3A_149 {strides = array<i32>} : memref<128xi32, #tpu.memory_space<vmem>>, vector<16xi32>,
      %get3A_150 = arith.constant 0 : i32
      %get3A_151 = arith.index_cast %scan3A_11 : i32 to index
      %get3A_152 = arith.index_cast %get3A_150 : i32 to index
      %get3A_153 = arith.constant 96 : index
      %get3A_154 = tpu.vector_load %arg8[%get3A_151, %get3A_152, %get3A_153] {strides = array<i32>} : memref<79x1x128xi32, #tpu.memory_space<vmem>>, vector<1x1x16xi32>,
      %get3A_155 = vector.shape_cast %get3A_154 : vector<1x1x16xi32> to vector<16xi32>
      %swap3A_156 = arith.constant 96 : index
      %swap3A_157 = tpu.vector_load %arg10[%swap3A_156] {strides = array<i32>} : memref<128xi32, #tpu.memory_space<vmem>>, vector<16xi32>,
      %swap3A_158 = vector.shape_cast %swap3A_157 : vector<16xi32> to vector<16xi32>
      %swap3A_159 = vector.shape_cast %get3A_155 : vector<16xi32> to vector<16xi32>
      tpu.vector_store %arg10[%swap3A_156], %swap3A_159 {strides = array<i32>} : memref<128xi32, #tpu.memory_space<vmem>>, vector<16xi32>,
      %get3A_160 = arith.constant 0 : i32
      %get3A_161 = arith.index_cast %scan3A_11 : i32 to index
      %get3A_162 = arith.index_cast %get3A_160 : i32 to index
      %get3A_163 = arith.constant 112 : index
      %get3A_164 = tpu.vector_load %arg8[%get3A_161, %get3A_162, %get3A_163] {strides = array<i32>} : memref<79x1x128xi32, #tpu.memory_space<vmem>>, vector<1x1x16xi32>,
      %get3A_165 = vector.shape_cast %get3A_164 : vector<1x1x16xi32> to vector<16xi32>
      %swap3A_166 = arith.constant 112 : index
      %swap3A_167 = tpu.vector_load %arg10[%swap3A_166] {strides = array<i32>} : memref<128xi32, #tpu.memory_space<vmem>>, vector<16xi32>,
      %swap3A_168 = vector.shape_cast %swap3A_167 : vector<16xi32> to vector<16xi32>
      %swap3A_169 = vector.shape_cast %get3A_165 : vector<16xi32> to vector<16xi32>
      tpu.vector_store %arg10[%swap3A_166], %swap3A_169 {strides = array<i32>} : memref<128xi32, #tpu.memory_space<vmem>>, vector<16xi32>,
      %dma_start3A = arith.constant 0 : i32
      %dma_start3A_170 = arith.constant 0 : i32
      %dma_start3A_171 = tpu.memref_slice %arg2[%dma_start3A, %dma_start3A_170] : memref<2560x128xf32, #tpu.memory_space<hbm>> -> memref<2560x128xf32, #tpu.memory_space<hbm>>
      tpu.enqueue_indirect_dma source(%dma_start3A_171 : memref<2560x128xf32, #tpu.memory_space<hbm>>) target(%arg11 : memref<128x128xf32, #tpu.memory_space<vmem>>) offsets(%arg9 : memref<128xi32, #tpu.memory_space<vmem>>) semaphore(%arg13 : memref<!tpu.dma_semaphore, #tpu.memory_space<semaphore_mem>>)
      %dma_wait3A = arith.constant 0 : i32
      %dma_wait3A_172 = arith.constant 0 : i32
      %dma_wait3A_173 = tpu.memref_slice %arg2[%dma_wait3A, %dma_wait3A_172] : memref<2560x128xf32, #tpu.memory_space<hbm>> -> memref<2560x128xf32, #tpu.memory_space<hbm>>
      tpu.wait_indirect_dma semaphore(%arg13 : memref<!tpu.dma_semaphore, #tpu.memory_space<semaphore_mem>>) src(%dma_wait3A_173 : memref<2560x128xf32, #tpu.memory_space<hbm>>) dst(%arg11 : memref<128x128xf32, #tpu.memory_space<vmem>>)
      "tpu.region"() ({
        %run_scoped3A = tpu.sem_alloc : memref<!tpu.dma_semaphore, #tpu.memory_space<semaphore_mem>>
        %dma_start3A_174 = arith.constant 0 : i32
        %dma_start3A_175 = arith.constant 0 : i32
        %dma_start3A_176 = tpu.memref_slice %arg12[%dma_start3A_174, %dma_start3A_175] : memref<10112x128xf32, #tpu.memory_space<vmem_shared>> -> memref<10112x128xf32, #tpu.memory_space<vmem_shared>>
        tpu.enqueue_indirect_dma source(%arg11 : memref<128x128xf32, #tpu.memory_space<vmem>>) target(%dma_start3A_176 : memref<10112x128xf32, #tpu.memory_space<vmem_shared>>) offsets(%arg10 : memref<128xi32, #tpu.memory_space<vmem>>) semaphore(%run_scoped3A : memref<!tpu.dma_semaphore, #tpu.memory_space<semaphore_mem>>) {add = true}
        %dma_wait3A_177 = arith.constant 0 : i32
        %dma_wait3A_178 = arith.constant 0 : i32
        %dma_wait3A_179 = tpu.memref_slice %arg12[%dma_wait3A_177, %dma_wait3A_178] : memref<10112x128xf32, #tpu.memory_space<vmem_shared>> -> memref<10112x128xf32, #tpu.memory_space<vmem_shared>>
        tpu.wait_indirect_dma semaphore(%run_scoped3A : memref<!tpu.dma_semaphore, #tpu.memory_space<semaphore_mem>>) src(%arg11 : memref<128x128xf32, #tpu.memory_space<vmem>>) dst(%dma_wait3A_179 : memref<10112x128xf32, #tpu.memory_space<vmem_shared>>)
        tpu.yield
      }) : () -> ()
    }
    %scan3A_9 = arith.constant 79 : i32
    %barrier3A_10 = arith.constant 0 : index
    tpu.barrier barrier_id(%barrier3A_10)
    "tpu.region"() ({
      %run_scoped3A = tpu.sem_alloc : memref<!tpu.dma_semaphore, #tpu.memory_space<semaphore_mem>>
      %dma_start3A = arith.constant 0 : i32
      %dma_start3A_11 = tpu.memref_slice %arg6[%arg0, %mul3A_2, %dma_start3A] : memref<2x10112x128xf32, #tpu.memory_space<hbm>> -> memref<1x632x128xf32, #tpu.memory_space<hbm>>
      %dma_start3A_12 = tpu.memref_squeeze %dma_start3A_11 : memref<1x632x128xf32, #tpu.memory_space<hbm>> -> memref<632x128xf32, #tpu.memory_space<hbm>>
      %dma_start3A_13 = arith.constant 0 : i32
      %dma_start3A_14 = tpu.memref_slice %arg12[%mul3A_2, %dma_start3A_13] : memref<10112x128xf32, #tpu.memory_space<vmem_shared>> -> memref<632x128xf32, #tpu.memory_space<vmem_shared>>
      tpu.enqueue_dma source(%dma_start3A_14 : memref<632x128xf32, #tpu.memory_space<vmem_shared>>) target(%dma_start3A_12 : memref<632x128xf32, #tpu.memory_space<hbm>>) target_semaphore(%run_scoped3A : memref<!tpu.dma_semaphore, #tpu.memory_space<semaphore_mem>>)
      %dma_wait3A = arith.constant 0 : i32
      %dma_wait3A_15 = tpu.memref_slice %arg6[%arg0, %mul3A_2, %dma_wait3A] : memref<2x10112x128xf32, #tpu.memory_space<hbm>> -> memref<1x632x128xf32, #tpu.memory_space<hbm>>
      %dma_wait3A_16 = tpu.memref_squeeze %dma_wait3A_15 : memref<1x632x128xf32, #tpu.memory_space<hbm>> -> memref<632x128xf32, #tpu.memory_space<hbm>>
      %dma_wait3A_17 = arith.constant 0 : i32
      %dma_wait3A_18 = tpu.memref_slice %arg12[%mul3A_2, %dma_wait3A_17] : memref<10112x128xf32, #tpu.memory_space<vmem_shared>> -> memref<632x128xf32, #tpu.memory_space<vmem_shared>>
      tpu.wait_dma2 semaphore(%run_scoped3A : memref<!tpu.dma_semaphore, #tpu.memory_space<semaphore_mem>>) src(%dma_wait3A_18 : memref<632x128xf32, #tpu.memory_space<vmem_shared>>) dst(%dma_wait3A_16 : memref<632x128xf32, #tpu.memory_space<hbm>>)
      tpu.yield
    }) : () -> ()
    return
  }
}

module attributes {stable_mosaic.version = 14 : i64} {
  func.func @body(%arg0: memref<10112x128xf32, #tpu.memory_space<vmem>>, %arg1: memref<128x128xf32, #tpu.memory_space<vmem>>, %arg2: memref<128xf32, #tpu.memory_space<vmem>>, %arg3: memref<10112x128xf32, #tpu.memory_space<vmem>>) attributes {dimension_semantics = [], scalar_prefetch = 0 : i64, scratch_operands = 0 : i64, tpu.core_type = #tpu.core_type<tc>} {
    %get3A = arith.constant 0 : index
    %get3A_0 = arith.constant 0 : index
    %get3A_1 = vector.load %arg0[%get3A, %get3A_0] : memref<10112x128xf32, #tpu.memory_space<vmem>>, vector<10112x128xf32>
    %get3A_2 = arith.constant 0 : index
    %get3A_3 = arith.constant 0 : index
    %get3A_4 = vector.load %arg1[%get3A_2, %get3A_3] : memref<128x128xf32, #tpu.memory_space<vmem>>, vector<128x128xf32>
    %dot_general3A = arith.constant dense<0.000000e+00> : vector<10112x128xf32>
    %dot_general3A_5 = tpu.matmul %get3A_1, %get3A_4, %dot_general3A {dimension_numbers = #tpu.dot_dimension_numbers<[1], [0], [0], [1], [0, 0, 1, 1], [], []>, precision = #tpu.contract_precision<fp32>, transpose_lhs_hint = false} : vector<10112x128xf32>, vector<128x128xf32>, vector<10112x128xf32> -> vector<10112x128xf32>
    %get3A_6 = arith.constant 0 : index
    %get3A_7 = vector.load %arg2[%get3A_6] : memref<128xf32, #tpu.memory_space<vmem>>, vector<128xf32>
    %broadcast_in_dim3A = vector.shape_cast %get3A_7 : vector<128xf32> to vector<1x128xf32>
    %add3A = vector.broadcast %broadcast_in_dim3A : vector<1x128xf32> to vector<10112x128xf32>
    %add3A_8 = arith.addf %dot_general3A_5, %add3A : vector<10112x128xf32>
    %swap3A = arith.constant 0 : index
    %swap3A_9 = arith.constant 0 : index
    %swap3A_10 = vector.load %arg3[%swap3A, %swap3A_9] : memref<10112x128xf32, #tpu.memory_space<vmem>>, vector<10112x128xf32>
    tpu.vector_store %arg3[%swap3A, %swap3A_9], %add3A_8 {strides = array<i32>} : memref<10112x128xf32, #tpu.memory_space<vmem>>, vector<10112x128xf32>,
    return
  }
}

module attributes {stable_mosaic.version = 14 : i64} {
  func.func @body(%arg0: memref<2x2560x128xf32, #tpu.memory_space<vmem>>, %arg1: memref<2x2560x128xf32, #tpu.memory_space<vmem>>, %arg2: memref<128x128xf32, #tpu.memory_space<vmem>>, %arg3: memref<128xf32, #tpu.memory_space<vmem>>, %arg4: memref<2560x128xf32, #tpu.memory_space<vmem>>) attributes {dimension_semantics = [], scalar_prefetch = 0 : i64, scratch_operands = 0 : i64, tpu.core_type = #tpu.core_type<tc>} {
    %get3A = arith.constant 0 : index
    %get3A_0 = arith.constant 0 : index
    %get3A_1 = arith.constant 0 : index
    %get3A_2 = vector.load %arg0[%get3A, %get3A_0, %get3A_1] : memref<2x2560x128xf32, #tpu.memory_space<vmem>>, vector<1x2560x128xf32>
    %get3A_3 = vector.shape_cast %get3A_2 : vector<1x2560x128xf32> to vector<2560x128xf32>
    %get3A_4 = arith.constant 1 : index
    %get3A_5 = arith.constant 0 : index
    %get3A_6 = arith.constant 0 : index
    %get3A_7 = vector.load %arg0[%get3A_4, %get3A_5, %get3A_6] : memref<2x2560x128xf32, #tpu.memory_space<vmem>>, vector<1x2560x128xf32>
    %get3A_8 = vector.shape_cast %get3A_7 : vector<1x2560x128xf32> to vector<2560x128xf32>
    %add3A = arith.addf %get3A_3, %get3A_8 : vector<2560x128xf32>
    %get3A_9 = arith.constant 0 : index
    %get3A_10 = arith.constant 0 : index
    %get3A_11 = arith.constant 0 : index
    %get3A_12 = vector.load %arg1[%get3A_9, %get3A_10, %get3A_11] : memref<2x2560x128xf32, #tpu.memory_space<vmem>>, vector<1x2560x128xf32>
    %get3A_13 = vector.shape_cast %get3A_12 : vector<1x2560x128xf32> to vector<2560x128xf32>
    %get3A_14 = arith.constant 1 : index
    %get3A_15 = arith.constant 0 : index
    %get3A_16 = arith.constant 0 : index
    %get3A_17 = vector.load %arg1[%get3A_14, %get3A_15, %get3A_16] : memref<2x2560x128xf32, #tpu.memory_space<vmem>>, vector<1x2560x128xf32>
    %get3A_18 = vector.shape_cast %get3A_17 : vector<1x2560x128xf32> to vector<2560x128xf32>
    %add3A_19 = arith.addf %get3A_13, %get3A_18 : vector<2560x128xf32>
    %max3A = arith.constant 1.000000e+00 : f32
    %max3A_20 = vector.broadcast %max3A : f32 to vector<2560x128xf32>
    %max3A_21 = arith.maximumf %add3A_19, %max3A_20 : vector<2560x128xf32>
    %div3A = arith.divf %add3A, %max3A_21 : vector<2560x128xf32>
    %get3A_22 = arith.constant 0 : index
    %get3A_23 = arith.constant 0 : index
    %get3A_24 = vector.load %arg2[%get3A_22, %get3A_23] : memref<128x128xf32, #tpu.memory_space<vmem>>, vector<128x128xf32>
    %dot_general3A = arith.constant dense<0.000000e+00> : vector<2560x128xf32>
    %dot_general3A_25 = tpu.matmul %div3A, %get3A_24, %dot_general3A {dimension_numbers = #tpu.dot_dimension_numbers<[1], [0], [0], [1], [0, 0, 1, 1], [], []>, precision = #tpu.contract_precision<fp32>, transpose_lhs_hint = false} : vector<2560x128xf32>, vector<128x128xf32>, vector<2560x128xf32> -> vector<2560x128xf32>
    %get3A_26 = arith.constant 0 : index
    %get3A_27 = vector.load %arg3[%get3A_26] : memref<128xf32, #tpu.memory_space<vmem>>, vector<128xf32>
    %broadcast_in_dim3A = vector.shape_cast %get3A_27 : vector<128xf32> to vector<1x128xf32>
    %add3A_28 = vector.broadcast %broadcast_in_dim3A : vector<1x128xf32> to vector<2560x128xf32>
    %add3A_29 = arith.addf %dot_general3A_25, %add3A_28 : vector<2560x128xf32>
    %integer_pow3A = arith.mulf %add3A_29, %add3A_29 : vector<2560x128xf32>
    %integer_pow3A_30 = arith.mulf %add3A_29, %integer_pow3A : vector<2560x128xf32>
    %mul3A = arith.constant 4.471500e-02 : f32
    %mul3A_31 = vector.broadcast %mul3A : f32 to vector<2560x128xf32>
    %mul3A_32 = arith.mulf %mul3A_31, %integer_pow3A_30 : vector<2560x128xf32>
    %add3A_33 = arith.addf %add3A_29, %mul3A_32 : vector<2560x128xf32>
    %mul3A_34 = arith.constant 0.797884583 : f32
    %mul3A_35 = vector.broadcast %mul3A_34 : f32 to vector<2560x128xf32>
    %mul3A_36 = arith.mulf %mul3A_35, %add3A_33 : vector<2560x128xf32>
    %tanh3A = math.tanh %mul3A_36 : vector<2560x128xf32>
    %add3A_37 = arith.constant 1.000000e+00 : f32
    %add3A_38 = vector.broadcast %add3A_37 : f32 to vector<2560x128xf32>
    %add3A_39 = arith.addf %add3A_38, %tanh3A : vector<2560x128xf32>
    %mul3A_40 = arith.constant 5.000000e-01 : f32
    %mul3A_41 = vector.broadcast %mul3A_40 : f32 to vector<2560x128xf32>
    %mul3A_42 = arith.mulf %mul3A_41, %add3A_39 : vector<2560x128xf32>
    %mul3A_43 = arith.mulf %add3A_29, %mul3A_42 : vector<2560x128xf32>
    %swap3A = arith.constant 0 : index
    %swap3A_44 = arith.constant 0 : index
    %swap3A_45 = vector.load %arg4[%swap3A, %swap3A_44] : memref<2560x128xf32, #tpu.memory_space<vmem>>, vector<2560x128xf32>
    tpu.vector_store %arg4[%swap3A, %swap3A_44], %mul3A_43 {strides = array<i32>} : memref<2560x128xf32, #tpu.memory_space<vmem>>, vector<2560x128xf32>,
    return
  }
}

module attributes {stable_mosaic.version = 14 : i64} {
  func.func @body(%arg0: i32, %arg1: memref<2x1264x128xf32, #tpu.memory_space<vmem>>, %arg2: memref<2x1264x128xf32, #tpu.memory_space<vmem>>, %arg3: memref<128x128xf32, #tpu.memory_space<vmem>>, %arg4: memref<128xf32, #tpu.memory_space<vmem>>, %arg5: memref<1264x128xf32, #tpu.memory_space<vmem>>, %arg6: memref<1264x128xf32, #tpu.memory_space<vmem>>, %arg7: memref<1264x128xf32, #tpu.memory_space<vmem>>, %arg8: memref<1264x128xf32, #tpu.memory_space<vmem>>) attributes {dimension_semantics = [#tpu.dimension_semantics<arbitrary>], iteration_bounds = array<i64: 8>, scalar_prefetch = 0 : i64, scratch_operands = 0 : i64, tpu.core_type = #tpu.core_type<tc>, window_params = [{transform_indices = @transform_0, window_bounds = array<i64: 2, 1264, 128>}, {transform_indices = @transform_1, window_bounds = array<i64: 2, 1264, 128>}, {pipeline_mode = #tpu.pipeline_mode<synchronous>, transform_indices = @transform_2, window_bounds = array<i64: 128, 128>}, {pipeline_mode = #tpu.pipeline_mode<synchronous>, transform_indices = @transform_3, window_bounds = array<i64: 128>}, {transform_indices = @transform_4, window_bounds = array<i64: 1264, 128>}, {transform_indices = @transform_5, window_bounds = array<i64: 1264, 128>}, {transform_indices = @transform_6, window_bounds = array<i64: 1264, 128>}, {transform_indices = @transform_7, window_bounds = array<i64: 1264, 128>}]} {
    %get3A = arith.constant 0 : index
    %get3A_0 = arith.constant 0 : index
    %get3A_1 = arith.constant 0 : index
    %get3A_2 = vector.load %arg1[%get3A, %get3A_0, %get3A_1] : memref<2x1264x128xf32, #tpu.memory_space<vmem>>, vector<1x1264x128xf32>
    %get3A_3 = vector.shape_cast %get3A_2 : vector<1x1264x128xf32> to vector<1264x128xf32>
    %get3A_4 = arith.constant 1 : index
    %get3A_5 = arith.constant 0 : index
    %get3A_6 = arith.constant 0 : index
    %get3A_7 = vector.load %arg1[%get3A_4, %get3A_5, %get3A_6] : memref<2x1264x128xf32, #tpu.memory_space<vmem>>, vector<1x1264x128xf32>
    %get3A_8 = vector.shape_cast %get3A_7 : vector<1x1264x128xf32> to vector<1264x128xf32>
    %add3A = arith.addf %get3A_3, %get3A_8 : vector<1264x128xf32>
    %get3A_9 = arith.constant 0 : index
    %get3A_10 = arith.constant 0 : index
    %get3A_11 = arith.constant 0 : index
    %get3A_12 = vector.load %arg2[%get3A_9, %get3A_10, %get3A_11] : memref<2x1264x128xf32, #tpu.memory_space<vmem>>, vector<1x1264x128xf32>
    %get3A_13 = vector.shape_cast %get3A_12 : vector<1x1264x128xf32> to vector<1264x128xf32>
    %get3A_14 = arith.constant 1 : index
    %get3A_15 = arith.constant 0 : index
    %get3A_16 = arith.constant 0 : index
    %get3A_17 = vector.load %arg2[%get3A_14, %get3A_15, %get3A_16] : memref<2x1264x128xf32, #tpu.memory_space<vmem>>, vector<1x1264x128xf32>
    %get3A_18 = vector.shape_cast %get3A_17 : vector<1x1264x128xf32> to vector<1264x128xf32>
    %add3A_19 = arith.addf %get3A_13, %get3A_18 : vector<1264x128xf32>
    %max3A = arith.constant 1.000000e+00 : f32
    %max3A_20 = vector.broadcast %max3A : f32 to vector<1264x128xf32>
    %max3A_21 = arith.maximumf %add3A_19, %max3A_20 : vector<1264x128xf32>
    %div3A = arith.divf %add3A, %max3A_21 : vector<1264x128xf32>
    %get3A_22 = arith.constant 0 : index
    %get3A_23 = arith.constant 0 : index
    %get3A_24 = vector.load %arg3[%get3A_22, %get3A_23] : memref<128x128xf32, #tpu.memory_space<vmem>>, vector<128x128xf32>
    %dot_general3A = arith.constant dense<0.000000e+00> : vector<1264x128xf32>
    %dot_general3A_25 = tpu.matmul %div3A, %get3A_24, %dot_general3A {dimension_numbers = #tpu.dot_dimension_numbers<[1], [0], [0], [1], [0, 0, 1, 1], [], []>, precision = #tpu.contract_precision<fp32>, transpose_lhs_hint = false} : vector<1264x128xf32>, vector<128x128xf32>, vector<1264x128xf32> -> vector<1264x128xf32>
    %get3A_26 = arith.constant 0 : index
    %get3A_27 = vector.load %arg4[%get3A_26] : memref<128xf32, #tpu.memory_space<vmem>>, vector<128xf32>
    %broadcast_in_dim3A = vector.shape_cast %get3A_27 : vector<128xf32> to vector<1x128xf32>
    %add3A_28 = vector.broadcast %broadcast_in_dim3A : vector<1x128xf32> to vector<1264x128xf32>
    %add3A_29 = arith.addf %dot_general3A_25, %add3A_28 : vector<1264x128xf32>
    %integer_pow3A = arith.mulf %add3A_29, %add3A_29 : vector<1264x128xf32>
    %integer_pow3A_30 = arith.mulf %add3A_29, %integer_pow3A : vector<1264x128xf32>
    %mul3A = arith.constant 4.471500e-02 : f32
    %mul3A_31 = vector.broadcast %mul3A : f32 to vector<1264x128xf32>
    %mul3A_32 = arith.mulf %mul3A_31, %integer_pow3A_30 : vector<1264x128xf32>
    %add3A_33 = arith.addf %add3A_29, %mul3A_32 : vector<1264x128xf32>
    %mul3A_34 = arith.constant 0.797884583 : f32
    %mul3A_35 = vector.broadcast %mul3A_34 : f32 to vector<1264x128xf32>
    %mul3A_36 = arith.mulf %mul3A_35, %add3A_33 : vector<1264x128xf32>
    %tanh3A = math.tanh %mul3A_36 : vector<1264x128xf32>
    %add3A_37 = arith.constant 1.000000e+00 : f32
    %add3A_38 = vector.broadcast %add3A_37 : f32 to vector<1264x128xf32>
    %add3A_39 = arith.addf %add3A_38, %tanh3A : vector<1264x128xf32>
    %mul3A_40 = arith.constant 5.000000e-01 : f32
    %mul3A_41 = vector.broadcast %mul3A_40 : f32 to vector<1264x128xf32>
    %mul3A_42 = arith.mulf %mul3A_41, %add3A_39 : vector<1264x128xf32>
    %mul3A_43 = arith.mulf %add3A_29, %mul3A_42 : vector<1264x128xf32>
    %get3A_44 = arith.constant 0 : index
    %get3A_45 = arith.constant 0 : index
    %get3A_46 = vector.load %arg5[%get3A_44, %get3A_45] : memref<1264x128xf32, #tpu.memory_space<vmem>>, vector<1264x128xf32>
    %add3A_47 = arith.addf %mul3A_43, %get3A_46 : vector<1264x128xf32>
    %swap3A = arith.constant 0 : index
    %swap3A_48 = arith.constant 0 : index
    %swap3A_49 = vector.load %arg7[%swap3A, %swap3A_48] : memref<1264x128xf32, #tpu.memory_space<vmem>>, vector<1264x128xf32>
    tpu.vector_store %arg7[%swap3A, %swap3A_48], %add3A_47 {strides = array<i32>} : memref<1264x128xf32, #tpu.memory_space<vmem>>, vector<1264x128xf32>,
    %get3A_50 = arith.constant 0 : index
    %get3A_51 = arith.constant 0 : index
    %get3A_52 = vector.load %arg6[%get3A_50, %get3A_51] : memref<1264x128xf32, #tpu.memory_space<vmem>>, vector<1264x128xf32>
    %add3A_53 = arith.addf %get3A_52, %add3A_47 : vector<1264x128xf32>
    %swap3A_54 = arith.constant 0 : index
    %swap3A_55 = arith.constant 0 : index
    %swap3A_56 = vector.load %arg8[%swap3A_54, %swap3A_55] : memref<1264x128xf32, #tpu.memory_space<vmem>>, vector<1264x128xf32>
    tpu.vector_store %arg8[%swap3A_54, %swap3A_55], %add3A_53 {strides = array<i32>} : memref<1264x128xf32, #tpu.memory_space<vmem>>, vector<1264x128xf32>,
    return
  }
  func.func @transform_0(%arg0: i32) -> (i32, i32, i32) {
    %c0_i32 = arith.constant 0 : i32
    %c0_i32_0 = arith.constant 0 : i32
    %c0_i32_1 = arith.constant 0 : i32
    return %c0_i32, %arg0, %c0_i32_0 : i32, i32, i32
  }
  func.func @transform_1(%arg0: i32) -> (i32, i32, i32) {
    %c0_i32 = arith.constant 0 : i32
    %c0_i32_0 = arith.constant 0 : i32
    %c0_i32_1 = arith.constant 0 : i32
    return %c0_i32, %arg0, %c0_i32_0 : i32, i32, i32
  }
  func.func @transform_2(%arg0: i32) -> (i32, i32) {
    %c0_i32 = arith.constant 0 : i32
    %c0_i32_0 = arith.constant 0 : i32
    %c0_i32_1 = arith.constant 0 : i32
    return %c0_i32, %c0_i32_0 : i32, i32
  }
  func.func @transform_3(%arg0: i32) -> i32 {
    %c0_i32 = arith.constant 0 : i32
    %c0_i32_0 = arith.constant 0 : i32
    return %c0_i32 : i32
  }
  func.func @transform_4(%arg0: i32) -> (i32, i32) {
    %c0_i32 = arith.constant 0 : i32
    %c0_i32_0 = arith.constant 0 : i32
    return %arg0, %c0_i32 : i32, i32
  }
  func.func @transform_5(%arg0: i32) -> (i32, i32) {
    %c0_i32 = arith.constant 0 : i32
    %c0_i32_0 = arith.constant 0 : i32
    return %arg0, %c0_i32 : i32, i32
  }
  func.func @transform_6(%arg0: i32) -> (i32, i32) {
    %c0_i32 = arith.constant 0 : i32
    %c0_i32_0 = arith.constant 0 : i32
    return %arg0, %c0_i32 : i32, i32
  }
  func.func @transform_7(%arg0: i32) -> (i32, i32) {
    %c0_i32 = arith.constant 0 : i32
    %c0_i32_0 = arith.constant 0 : i32
    return %arg0, %c0_i32 : i32, i32
  }
}

module attributes {stable_mosaic.version = 14 : i64} {
  func.func @body(%arg0: i32, %arg1: memref<2x1264x128xf32, #tpu.memory_space<vmem>>, %arg2: memref<2x1264x128xf32, #tpu.memory_space<vmem>>, %arg3: memref<128x128xf32, #tpu.memory_space<vmem>>, %arg4: memref<128xf32, #tpu.memory_space<vmem>>, %arg5: memref<1264x128xf32, #tpu.memory_space<vmem>>, %arg6: memref<1264x128xf32, #tpu.memory_space<vmem>>, %arg7: memref<1264x128xf32, #tpu.memory_space<vmem>>, %arg8: memref<1264x128xf32, #tpu.memory_space<vmem>>) attributes {dimension_semantics = [#tpu.dimension_semantics<arbitrary>], iteration_bounds = array<i64: 8>, scalar_prefetch = 0 : i64, scratch_operands = 0 : i64, tpu.core_type = #tpu.core_type<tc>, window_params = [{transform_indices = @transform_0, window_bounds = array<i64: 2, 1264, 128>}, {transform_indices = @transform_1, window_bounds = array<i64: 2, 1264, 128>}, {pipeline_mode = #tpu.pipeline_mode<synchronous>, transform_indices = @transform_2, window_bounds = array<i64: 128, 128>}, {pipeline_mode = #tpu.pipeline_mode<synchronous>, transform_indices = @transform_3, window_bounds = array<i64: 128>}, {transform_indices = @transform_4, window_bounds = array<i64: 1264, 128>}, {transform_indices = @transform_5, window_bounds = array<i64: 1264, 128>}, {transform_indices = @transform_6, window_bounds = array<i64: 1264, 128>}, {transform_indices = @transform_7, window_bounds = array<i64: 1264, 128>}]} {
    %get3A = arith.constant 0 : index
    %get3A_0 = arith.constant 0 : index
    %get3A_1 = arith.constant 0 : index
    %get3A_2 = vector.load %arg1[%get3A, %get3A_0, %get3A_1] : memref<2x1264x128xf32, #tpu.memory_space<vmem>>, vector<1x1264x128xf32>
    %get3A_3 = vector.shape_cast %get3A_2 : vector<1x1264x128xf32> to vector<1264x128xf32>
    %get3A_4 = arith.constant 1 : index
    %get3A_5 = arith.constant 0 : index
    %get3A_6 = arith.constant 0 : index
    %get3A_7 = vector.load %arg1[%get3A_4, %get3A_5, %get3A_6] : memref<2x1264x128xf32, #tpu.memory_space<vmem>>, vector<1x1264x128xf32>
    %get3A_8 = vector.shape_cast %get3A_7 : vector<1x1264x128xf32> to vector<1264x128xf32>
    %add3A = arith.addf %get3A_3, %get3A_8 : vector<1264x128xf32>
    %get3A_9 = arith.constant 0 : index
    %get3A_10 = arith.constant 0 : index
    %get3A_11 = arith.constant 0 : index
    %get3A_12 = vector.load %arg2[%get3A_9, %get3A_10, %get3A_11] : memref<2x1264x128xf32, #tpu.memory_space<vmem>>, vector<1x1264x128xf32>
    %get3A_13 = vector.shape_cast %get3A_12 : vector<1x1264x128xf32> to vector<1264x128xf32>
    %get3A_14 = arith.constant 1 : index
    %get3A_15 = arith.constant 0 : index
    %get3A_16 = arith.constant 0 : index
    %get3A_17 = vector.load %arg2[%get3A_14, %get3A_15, %get3A_16] : memref<2x1264x128xf32, #tpu.memory_space<vmem>>, vector<1x1264x128xf32>
    %get3A_18 = vector.shape_cast %get3A_17 : vector<1x1264x128xf32> to vector<1264x128xf32>
    %add3A_19 = arith.addf %get3A_13, %get3A_18 : vector<1264x128xf32>
    %max3A = arith.constant 1.000000e+00 : f32
    %max3A_20 = vector.broadcast %max3A : f32 to vector<1264x128xf32>
    %max3A_21 = arith.maximumf %add3A_19, %max3A_20 : vector<1264x128xf32>
    %div3A = arith.divf %add3A, %max3A_21 : vector<1264x128xf32>
    %get3A_22 = arith.constant 0 : index
    %get3A_23 = arith.constant 0 : index
    %get3A_24 = vector.load %arg3[%get3A_22, %get3A_23] : memref<128x128xf32, #tpu.memory_space<vmem>>, vector<128x128xf32>
    %dot_general3A = arith.constant dense<0.000000e+00> : vector<1264x128xf32>
    %dot_general3A_25 = tpu.matmul %div3A, %get3A_24, %dot_general3A {dimension_numbers = #tpu.dot_dimension_numbers<[1], [0], [0], [1], [0, 0, 1, 1], [], []>, precision = #tpu.contract_precision<fp32>, transpose_lhs_hint = false} : vector<1264x128xf32>, vector<128x128xf32>, vector<1264x128xf32> -> vector<1264x128xf32>
    %get3A_26 = arith.constant 0 : index
    %get3A_27 = vector.load %arg4[%get3A_26] : memref<128xf32, #tpu.memory_space<vmem>>, vector<128xf32>
    %broadcast_in_dim3A = vector.shape_cast %get3A_27 : vector<128xf32> to vector<1x128xf32>
    %add3A_28 = vector.broadcast %broadcast_in_dim3A : vector<1x128xf32> to vector<1264x128xf32>
    %add3A_29 = arith.addf %dot_general3A_25, %add3A_28 : vector<1264x128xf32>
    %integer_pow3A = arith.mulf %add3A_29, %add3A_29 : vector<1264x128xf32>
    %integer_pow3A_30 = arith.mulf %add3A_29, %integer_pow3A : vector<1264x128xf32>
    %mul3A = arith.constant 4.471500e-02 : f32
    %mul3A_31 = vector.broadcast %mul3A : f32 to vector<1264x128xf32>
    %mul3A_32 = arith.mulf %mul3A_31, %integer_pow3A_30 : vector<1264x128xf32>
    %add3A_33 = arith.addf %add3A_29, %mul3A_32 : vector<1264x128xf32>
    %mul3A_34 = arith.constant 0.797884583 : f32
    %mul3A_35 = vector.broadcast %mul3A_34 : f32 to vector<1264x128xf32>
    %mul3A_36 = arith.mulf %mul3A_35, %add3A_33 : vector<1264x128xf32>
    %tanh3A = math.tanh %mul3A_36 : vector<1264x128xf32>
    %add3A_37 = arith.constant 1.000000e+00 : f32
    %add3A_38 = vector.broadcast %add3A_37 : f32 to vector<1264x128xf32>
    %add3A_39 = arith.addf %add3A_38, %tanh3A : vector<1264x128xf32>
    %mul3A_40 = arith.constant 5.000000e-01 : f32
    %mul3A_41 = vector.broadcast %mul3A_40 : f32 to vector<1264x128xf32>
    %mul3A_42 = arith.mulf %mul3A_41, %add3A_39 : vector<1264x128xf32>
    %mul3A_43 = arith.mulf %add3A_29, %mul3A_42 : vector<1264x128xf32>
    %get3A_44 = arith.constant 0 : index
    %get3A_45 = arith.constant 0 : index
    %get3A_46 = vector.load %arg5[%get3A_44, %get3A_45] : memref<1264x128xf32, #tpu.memory_space<vmem>>, vector<1264x128xf32>
    %add3A_47 = arith.addf %mul3A_43, %get3A_46 : vector<1264x128xf32>
    %swap3A = arith.constant 0 : index
    %swap3A_48 = arith.constant 0 : index
    %swap3A_49 = vector.load %arg7[%swap3A, %swap3A_48] : memref<1264x128xf32, #tpu.memory_space<vmem>>, vector<1264x128xf32>
    tpu.vector_store %arg7[%swap3A, %swap3A_48], %add3A_47 {strides = array<i32>} : memref<1264x128xf32, #tpu.memory_space<vmem>>, vector<1264x128xf32>,
    %get3A_50 = arith.constant 0 : index
    %get3A_51 = arith.constant 0 : index
    %get3A_52 = vector.load %arg6[%get3A_50, %get3A_51] : memref<1264x128xf32, #tpu.memory_space<vmem>>, vector<1264x128xf32>
    %add3A_53 = arith.addf %get3A_52, %add3A_47 : vector<1264x128xf32>
    %swap3A_54 = arith.constant 0 : index
    %swap3A_55 = arith.constant 0 : index
    %swap3A_56 = vector.load %arg8[%swap3A_54, %swap3A_55] : memref<1264x128xf32, #tpu.memory_space<vmem>>, vector<1264x128xf32>
    tpu.vector_store %arg8[%swap3A_54, %swap3A_55], %add3A_53 {strides = array<i32>} : memref<1264x128xf32, #tpu.memory_space<vmem>>, vector<1264x128xf32>,
    return
  }
  func.func @transform_0(%arg0: i32) -> (i32, i32, i32) {
    %c0_i32 = arith.constant 0 : i32
    %c0_i32_0 = arith.constant 0 : i32
    %c0_i32_1 = arith.constant 0 : i32
    return %c0_i32, %arg0, %c0_i32_0 : i32, i32, i32
  }
  func.func @transform_1(%arg0: i32) -> (i32, i32, i32) {
    %c0_i32 = arith.constant 0 : i32
    %c0_i32_0 = arith.constant 0 : i32
    %c0_i32_1 = arith.constant 0 : i32
    return %c0_i32, %arg0, %c0_i32_0 : i32, i32, i32
  }
  func.func @transform_2(%arg0: i32) -> (i32, i32) {
    %c0_i32 = arith.constant 0 : i32
    %c0_i32_0 = arith.constant 0 : i32
    %c0_i32_1 = arith.constant 0 : i32
    return %c0_i32, %c0_i32_0 : i32, i32
  }
  func.func @transform_3(%arg0: i32) -> i32 {
    %c0_i32 = arith.constant 0 : i32
    %c0_i32_0 = arith.constant 0 : i32
    return %c0_i32 : i32
  }
  func.func @transform_4(%arg0: i32) -> (i32, i32) {
    %c0_i32 = arith.constant 0 : i32
    %c0_i32_0 = arith.constant 0 : i32
    return %arg0, %c0_i32 : i32, i32
  }
  func.func @transform_5(%arg0: i32) -> (i32, i32) {
    %c0_i32 = arith.constant 0 : i32
    %c0_i32_0 = arith.constant 0 : i32
    return %arg0, %c0_i32 : i32, i32
  }
  func.func @transform_6(%arg0: i32) -> (i32, i32) {
    %c0_i32 = arith.constant 0 : i32
    %c0_i32_0 = arith.constant 0 : i32
    return %arg0, %c0_i32 : i32, i32
  }
  func.func @transform_7(%arg0: i32) -> (i32, i32) {
    %c0_i32 = arith.constant 0 : i32
    %c0_i32_0 = arith.constant 0 : i32
    return %arg0, %c0_i32 : i32, i32
  }
}

module attributes {stable_mosaic.version = 14 : i64} {
  func.func @body(%arg0: memref<10112x128xf32, #tpu.memory_space<vmem>>, %arg1: memref<1x128xf32, #tpu.memory_space<vmem>>) attributes {dimension_semantics = [], scalar_prefetch = 0 : i64, scratch_operands = 0 : i64, tpu.core_type = #tpu.core_type<tc>} {
    %get3A = arith.constant 0 : index
    %get3A_0 = arith.constant 0 : index
    %get3A_1 = vector.load %arg0[%get3A, %get3A_0] : memref<10112x128xf32, #tpu.memory_space<vmem>>, vector<10000x128xf32>
    %reduce_sum3A = arith.constant dense<0.000000e+00> : vector<128xf32>
    %reduce_sum3A_2 = vector.multi_reduction <add>, %get3A_1, %reduce_sum3A [0] : vector<10000x128xf32> to vector<128xf32>
    %broadcast_in_dim3A = vector.shape_cast %reduce_sum3A_2 : vector<128xf32> to vector<1x128xf32>
    %mul3A = arith.constant 9.99999974E-5 : f32
    %mul3A_3 = vector.broadcast %mul3A : f32 to vector<1x128xf32>
    %mul3A_4 = arith.mulf %broadcast_in_dim3A, %mul3A_3 : vector<1x128xf32>
    %swap3A = arith.constant 0 : index
    %swap3A_5 = arith.constant 0 : index
    %swap3A_6 = vector.load %arg1[%swap3A, %swap3A_5] : memref<1x128xf32, #tpu.memory_space<vmem>>, vector<1x128xf32>
    tpu.vector_store %arg1[%swap3A, %swap3A_5], %mul3A_4 {strides = array<i32>} : memref<1x128xf32, #tpu.memory_space<vmem>>, vector<1x128xf32>,
    return
  }
}

</mosaic_0001>

<sc_bundles>
// kernel: kernel.18.cloned.1.call-start
scs
__scs_entry_jumppad:
0x0: {  	(pc) =	sbr.rel $0x88, $3  }
0x1: {  	(tag) =	ssettag $0x0;
	lr =	simm.s32 $0x1  }
0x2: {  	[smem:$0x3F98] =	sst lr;
	_ =	strace $0xD0000000  }
0x3: {  	_ = 	snop  }
0x4: {  	_ = 	snop  }
0x5: {  	_ = 	snop  }
0x6: {  	_ = 	snop  }
0x7: {  	_ = 	snop  }
__scs_overlays_trampoline_lowered:
0x8: {  	[smem:$0x3FA7] =	sst s0  }
0x9: {  	[smem:$0x3FA8] =	sst s1  }
0xa: {  	[smem:$0x3FA9] =	sst s2  }
0xb: {  	[smem:$0x3FAA] =	sst s3  }
0xc: {  	[smem:$0x3FAB] =	sst s4  }
0xd: {  	[smem:$0x3FAC] =	sst s5  }
0xe: {  	[smem:$0x3FAD] =	sst s6  }
0xf: {  	[smem:$0x3FAE] =	sst s7  }
0x10: {  	[smem:$0x3FAF] =	sst s8  }
0x11: {  	[smem:$0x3FB0] =	sst s9;
	s0 =	simm.s32 @!p0 $0x0  }
0x12: {  	s1 =	sld [smem:$0x3F96];
	s0 =	simm.s32 @p0 $0x1  }
0x13: {  	[smem:$0x3FB1] =	sst s0;
	s0 =	simm.s32 @!p1 $0x0  }
0x14: {  	s2 =	sld [smem:$0x3F95];
	s0 =	simm.s32 @p1 $0x1  }
0x15: {  	[smem:$0x3FB2] =	sst s0;
	s0 =	simm.s32 @!p2 $0x0  }
0x16: {  	s3 =	sld [smem:$0x3FDB];
	s0 =	simm.s32 @p2 $0x1  }
0x17: {  	s4 =	simm.s32 $0x1BF5;
	[smem:$0x3FB4] =	sst s0  }
0x18: {  	s0 =	sld [smem:$0x3F97];
	_ =	swait.ge [sflag:s4], $0x0  }
0x19: {  	s7 =	sld [smem:$0x3F98]  }
0x1a: {  	s8 =	sadd.s32 $0xFFFFE003, lr  }
0x1b: {  	s9 =	sadd.s32 $0xFFFFFEF7, lr;
	s5 =	simm.s32 $0xFFFFFFFF;
	p2 =	slt.u32 s8, $0xFFFFF086  }
0x1c: {  	p1 =	slt.u32 s9, $0xF7A;
	s5 =	simm.s32 @!p2 $0x0  }
0x1d: {  	s5 =	simm.s32 @p1 $0x1;
	p0 =	seq.s32 s7, s2  }
0x1e: {  	s7 =	smul.u32 @!p0 $0xF7A, s2;
	p2 =	seq.s32 @!p0 s5, $0x0  }
0x1f: {  	s9 =	smul.u32 $0xF7A, s1;
	s8 =	simm.s32 @!p0 $0x1BF5;
	p2 =	por !p2, p0  }
0x20: {  	[sflag:s8] =	ssyncset.s32 @!p0 $0xFFFFF086;
	s6 =	sadd.s32 @!p0 s3, s7;
	s7 =	simm.s32 @!p0 $0x108  }
0x21: {  	s3 =	sadd.s32 s3, s9;
	s6 =	sadd.s32 @!p0 $0x88, s6;
	s7 =	simm.s32 @p2 $0x1082  }
0x22: {  	[simem:s7], [sflag:s8] =	dma.local @!p0 [hbm:s6], $0xF7A  }
0x23: {  	s9 =	sor.u32 $0xD0000000, s2;
	s6 =	simm.s32 $0x108;
	_ =	swait.ge @!p0 [sflag:s8], $0x0  }
0x24: {  	s3 =	sadd.s32 $0x88, s3;
	s6 =	simm.s32 @!p1 $0x1082;
	[sflag:s4] =	ssyncset.s32 $0xFFFFF086  }
0x25: {  	[simem:s6], [sflag:s4] =	dma.local [hbm:s3], $0xF7A  }
0x26: {  	[smem:$0x3F98] =	sst s1;
	(tag) =	ssettag s2;
	_ =	strace s9  }
0x27: {  	s1 =	sld [smem:$0x3FA8]  }
0x28: {  	s2 =	sld [smem:$0x3FA9]  }
0x29: {  	s4 =	sld [smem:$0x3FAB]  }
0x2a: {  	p0 =	seq.s32 s5, $0x0;
	s5 =	sld [smem:$0x3FAC]  }
0x2b: {  	s6 =	sld [smem:$0x3FAD]  }
0x2c: {  	s7 =	sld [smem:$0x3FAE]  }
0x2d: {  	s3 =	simm.s32 $0x108;
	s8 =	sld [smem:$0x3FAF]  }
0x2e: {  	s3 =	simm.s32 @!p0 $0x1082;
	s9 =	sld [smem:$0x3FB0]  }
0x2f: {  	lr =	sadd.s32 s0, s3;
	s0 =	sld [smem:$0x3FA7]  }
0x30: {  	s3 =	sld [smem:$0x3FAA]  }
0x31: {  	[smem:$0x3FB3] =	sst s10  }
0x32: {  	s10 =	sld [smem:$0x3FB1];
	_ =	sdelay $0x3  }
0x33: {  	p0 =	seq.s32 s10, $0x1;
	s10 =	sld [smem:$0x3FB3];
	_ =	sdelay $0x3  }
0x34: {  	[smem:$0x3FB3] =	sst s10  }
0x35: {  	s10 =	sld [smem:$0x3FB2];
	_ =	sdelay $0x3  }
0x36: {  	p1 =	seq.s32 s10, $0x1;
	s10 =	sld [smem:$0x3FB3];
	_ =	sdelay $0x3  }
0x37: {  	[smem:$0x3FB3] =	sst s10  }
0x38: {  	s10 =	sld [smem:$0x3FB4]  }
0x39: {  	_ = 	snop;
	(pc) =	sbr.ind lr, $3  }
0x3a: {  	_ = 	snop  }
0x3b: {  	_ = 	snop  }
0x3c: {  	p2 =	seq.s32 s10, $0x1;
	s10 =	sld [smem:$0x3FB3]  }
0x3d: {  	_ =	shalt  }
0x3e: {  	_ =	shalt  }
0x3f: {  	_ =	shalt  }
0x40: {  	_ =	shalt  }
0x41: {  	_ =	shalt  }
0x42: {  	_ =	shalt  }
0x43: {  	_ =	shalt  }
0x44: {  	_ =	shalt  }
0x45: {  	_ =	shalt  }
0x46: {  	_ =	shalt  }
0x47: {  	_ =	shalt  }
0x48: {  	_ =	shalt  }
0x49: {  	_ =	shalt  }
0x4a: {  	_ =	shalt  }
0x4b: {  	_ =	shalt  }
0x4c: {  	_ =	shalt  }
0x4d: {  	_ =	shalt  }
0x4e: {  	_ =	shalt  }
0x4f: {  	_ =	shalt  }
0x50: {  	_ =	shalt  }
0x51: {  	_ =	shalt  }
0x52: {  	_ =	shalt  }
0x53: {  	_ =	shalt  }
0x54: {  	_ =	shalt  }
0x55: {  	_ =	shalt  }
0x56: {  	_ =	shalt  }
0x57: {  	_ =	shalt  }
0x58: {  	_ =	shalt  }
0x59: {  	_ =	shalt  }
0x5a: {  	_ =	shalt  }
0x5b: {  	_ =	shalt  }
0x5c: {  	_ =	shalt  }
0x5d: {  	_ =	shalt  }
0x5e: {  	_ =	shalt  }
0x5f: {  	_ =	shalt  }
0x60: {  	_ =	shalt  }
0x61: {  	_ =	shalt  }
0x62: {  	_ =	shalt  }
0x63: {  	_ =	shalt  }
0x64: {  	_ =	shalt  }
0x65: {  	_ =	shalt  }
0x66: {  	_ =	shalt  }
0x67: {  	_ =	shalt  }
0x68: {  	_ =	shalt  }
0x69: {  	_ =	shalt  }
0x6a: {  	_ =	shalt  }
0x6b: {  	_ =	shalt  }
0x6c: {  	_ =	shalt  }
0x6d: {  	_ =	shalt  }
0x6e: {  	_ =	shalt  }
0x6f: {  	_ =	shalt  }
0x70: {  	_ =	shalt  }
0x71: {  	_ =	shalt  }
0x72: {  	_ =	shalt  }
0x73: {  	_ =	shalt  }
0x74: {  	_ =	shalt  }
0x75: {  	_ =	shalt  }
0x76: {  	_ =	shalt  }
0x77: {  	_ =	shalt  }
0x78: {  	_ =	shalt  }
0x79: {  	_ =	shalt  }
0x7a: {  	_ =	shalt  }
0x7b: {  	_ =	shalt  }
0x7c: {  	_ =	shalt  }
0x7d: {  	_ =	shalt  }
0x7e: {  	_ =	shalt  }
0x7f: {  	_ =	shalt  }
0x80: {  	_ =	shalt  }
0x81: {  	_ =	shalt  }
0x82: {  	_ =	shalt  }
0x83: {  	_ =	shalt  }
0x84: {  	_ =	shalt  }
0x85: {  	_ =	shalt  }
0x86: {  	_ =	shalt  }
0x87: {  	_ =	shalt  }
.Lfunc_end0:
.L_simem_size_0:
called_computation_lowered:
.L_overlay_start_0:
0x88: {  	s2 =	sld [smem:$0x3FD9]  }
0x89: {  	s3 =	sld [smem:$0x3FFE];
	_ =	sdelay $0x1  }
0x8a: {  	s1 =	srdreg.scid  }
0x8b: {  	s0 =	sand.u32 $0x1, s1  }
0x8c: {  	s16 =	sshll.u32 s0, $0xA;
	s2 =	sadd.s32 s3, s2  }
0x8d: {  	s2 =	sadd.s32 s2, s16  }
0x8e: {  	[smem:$0x3FBF] =	sst s2  }
0x8f: {  	_ = 	snop  }
0x90: {  	(tm) =	ssettm $0x1  }
0x91: {  	s17 =	sld [smem:$0x3FFB];
	_ =	sdelay $0x3  }
0x92: {  	_ =	strace s17  }
0x93: {  	s2 =	sld [smem:$0x3FFC];
	_ =	sdelay $0x3  }
0x94: {  	_ =	strace s2  }
0x95: {  	s2 =	sld [smem:$0x3FFD];
	_ =	sdelay $0x3  }
0x96: {  	_ =	strace s2  }
0x97: {  	_ =	strace $0x8FFFFFFF  }
0x98: {  	s18 =	sld [smem:$0x3FDB];
	_ =	sdelay $0x1  }
0x99: {  	s19 =	simm.s32 $_scs_section_size  }
0x9a: {  	s4 =	simm.s32 $_size__tile_overlayer_lowered;
	s5 =	simm.s32 $_tile_overlayer_lowered  }
0x9b: {  	s22 =	simm.s32 $0x1BFF;
	s21 =	sshll.u32 s5, $0x1;
	s2 =	sadd.s32 s19, s18  }
0x9c: {  	s6 =	simm.s32 $0x0;
	s20 =	sshll.u32 s4, $0x1;
	s4 =	sadd.s32 s21, s2  }
0x9d: {  	[timem:s6], [sflag:s22] =	dma.local [hbm:s4], s20  }
0x9e: {  	_ =	swait.ge [sflag:s22], s20  }
0x9f: {  	s3 =	ssub.s32 $0x0, s20;
	[sflag:s22] =	ssyncset.done $0x0  }
0xa0: {  	[sflag:s22] =	ssyncadd.s32 s3;
	_ =	sdelay $0x1  }
0xa1: {  	s23 =	simm.s32 $0x1B8B  }
0xa2: {  	_ =	swait.ge [sflag:s23], $0x1  }
0xa3: {  	[sflag:s23] =	ssyncset.done $0x0  }
0xa4: {  	s25 =	simm.s32 $0x1B8E;
	s24 =	sld [smem:$0x3FFE];
	[sflag:s23] =	ssyncadd.s32 $0xFFFFFFFF  }
0xa5: {  	s26 =	simm.s32 $execute0_lowered;
	[smem:$0x3FD2] =	sst s25  }
0xa6: {  	s4 =	sshll.u32 s26, $0x1;
	_ =	strace $0x80000046;
	[dreg:$0x1] =	wrdreg $0xFFFFFFFF  }
0xa7: {  	s28 =	simm.s32 $_size_execute0_lowered;
	s2 =	sadd.s32 s2, s4;
	[dreg:$0x0] =	wrdreg $0x0  }
0xa8: {  	s4 =	sshll.u32 s28, $0x1;
	[dreg:$0x2] =	wrdreg s2  }
0xa9: {  	[dreg:$0x3] =	wrdreg s4  }
0xaa: {  	[dreg:$0x4] =	wrdreg $0xC0  }
0xab: {  	_ =	task [dreg:s6], $0x5FFFF  }
0xac: {  	[dreg:$0x1] =	wrdreg $0xFFFFFFFF  }
0xad: {  	[dreg:$0x0] =	wrdreg $0x60  }
0xae: {  	[dreg:$0x2] =	wrdreg s24  }
0xaf: {  	[dreg:$0x3] =	wrdreg $0x68000  }
0xb0: {  	[dreg:$0x4] =	wrdreg $0xA  }
0xb1: {  	_ =	task.clear_ibuf [dreg:s6], $0x5FFFF;
	_ =	strace $0x90000046  }
0xb2: {  	s29 =	simm.s32 $0xA;
	_ =	strace $0x80000048  }
0xb3: {  	_ =	swait.ge [sflag:s29], $0x1  }
0xb4: {  	[sflag:s29] =	ssyncadd.s32 $0xFFFFFFFF  }
0xb5: {  	_ =	strace $0x90000048  }
0xb6: {  	_ =	sfence  }
0xb7: {  	s30 =	sld [smem:$0x0];
	_ =	sdelay $0x2  }
0xb8: {  	s31 =	sshll.u32 s1, $0xD;
	s1 =	sshrl.u32 s1, $0x2  }
0xb9: {  	s3 =	sand.u32 $0x4000, s31;
	s1 =	sadd.s32 s1, s30  }
0xba: {  	s0 =	sor.u32 s3, s0;
	s1 =	sshll.u32 s1, $0x11  }
0xbb: {  	s0 =	sor.u32 s1, s0  }
0xbc: {  	s0 =	sadd.s32 $0x8F2B, s0  }
0xbd: {  	[sflag:s0] =	ssyncadd.remote.s32 $0x1  }
0xbe: {  	_ =	sfence.sel $0xFFFF  }
0xbf: {  	[dreg:$0x0] =	wrdreg $0xFFFFFFFF;
	(pc) =	sbr.abs _section_cstart, $3  }
0xc0: {  	[dreg:$0x1] =	wrdreg $0xFFFFFFFF  }
0xc1: {  	_ =	task.clear_ibuf [dreg:s6], $0x2FFFF;
	_ =	strace $0x9FFFFFFF  }
0xc2: {  	(tm) =	ssettm $0x7FFFFFFF  }
0xc3: {  	_ =	shalt  }
tec
execute0_lowered:
.L_overlay_start_1:
0x0: {  	(tag) =	ssettag $0x1  }
0x1: {  	s1 =	srdreg.scid;
	s7 =	rddreg [dreg:$0x0]  }
0x2: {  	s0 =	stileid.u32;
	s2 =	rddreg [dreg:$0x1]  }
0x3: {  	s3 =	simm.s32 $0x0;
	s13 =	simm.s32 $0x80;
	s14 =	simm.s32 $0x2780  }
0x4: {  	s15 =	simm.s32 $0x0;
	s6 =	sand.u32 $0x1, s1;
	s8 =	smul.u32 $0x5000, s0  }
0x5: {  	s30 =	sshll.u32 s0, $0x1;
	[smem:$0x7FF] =	sst s3;
	s10 =	smul.u32 $0x14000, s0  }
0x6: {  	s11 =	sshll.u32 s0, $0x6;
	s1 =	sor.u32 s6, s30;
	s5 =	smul.u32 $0x50000, s6  }
0x7: {  	s6 =	ssub.s32 $0x2, s6;
	s4 =	smul.u32 $0x4F0, s1;
	s1 =	rddreg [dreg:$0x2]  }
0x8: {  	_ =	strace $0x80000047;
	s31 =	sshrl.u32 s6, $0x1;
	s10 =	sshrl.u32 s10, $0x2  }
0x9: {  	s5 =	sadd.s32 s8, s5;
	s12 =	ssub.s32 s6, s31;
	s10 =	sadd.s32 s10, s2  }
0xa: {  	s6 =	sor.u32 $0x1C01, s11;
	s11 =	simm.s32 $0x1;
	s9 =	sadd.s32 s4, s7  }
0xb: {  	s4 =	sadd.s32 $0x11200, s7;
	s8 =	sshrl.u32 s5, $0x3;
	s5 =	sadd.s32 $0x11A00, s7  }
0xc: {  	s10 =	sshrl.u32 s10, $0x3;
	s8 =	sadd.s32 s8, s7;
	s7 =	sadd.s32 $0x7400, s9  }
0xd: {  	s9 =	smax.u32 s12, $0x1;
	s12 =	simm.s32 $0x2800;
	s8 =	sadd.s32 $0x14200, s8  }
.LBB2_1:
0xe: {  	[spmem:s10], [sflag:s6] =	dma.local [hbm:s5], $0xA00  }
0xf: {  	_ =	swait.ge [sflag:s11], $0xA00  }
0x10: {  	[sflag:s11] =	ssyncset.done $0x0  }
0x11: {  	[sflag:s11] =	ssyncadd.s32 $0xFFFFF600  }
0x12: {  	[tilespmem:s12], [sflag:$0x1] =	stream.linear.gather [hbm4b:s4+s3], $0x4000, $0x38;
	[tilespmem:$0xB800] =	vst v63  }
0x13: {  	_ =	swait.ge [sflag:s11], $0x4000  }
0x14: {  	[sflag:s11] =	ssyncset.done $0x0  }
0x15: {  	[sflag:s11] =	ssyncadd.s32 $0xFFFFC000  }
0x16: {  	[tilespmem:s3], [sflag:$0x1] =	stream.linear.gather [hbm4b:s7+s3], $0x2780, $0x38;
	[tilespmem:$0xB800] =	vst v63  }
0x17: {  	_ =	swait.ge [sflag:s11], $0x2780  }
0x18: {  	[sflag:s11] =	ssyncset.done $0x0  }
0x19: {  	[sflag:s11] =	ssyncadd.s32 $0xFFFFD880  }
0x1a: {  	s16 =	simm.s32 $0x0;
	[bflag:$0x0] =	sbarrier.arrive $0xFFFF  }
0x1b: {  	v0 =	vld [tilespmem:s16+$0x0];
	_ =	sdelay $0x4  }
0x1c: {  	[tilespmem:$0x2780] =	vst v0  }
0x1d: {  	v0 =	vld [tilespmem:s16+$0x10];
	_ =	sdelay $0x4  }
0x1e: {  	[tilespmem:$0x2790] =	vst v0  }
0x1f: {  	v0 =	vld [tilespmem:s16+$0x20];
	_ =	sdelay $0x4  }
0x20: {  	[tilespmem:$0x27A0] =	vst v0  }
0x21: {  	v0 =	vld [tilespmem:s16+$0x30];
	_ =	sdelay $0x4  }
0x22: {  	[tilespmem:$0x27B0] =	vst v0  }
0x23: {  	v0 =	vld [tilespmem:s16+$0x40];
	_ =	sdelay $0x4  }
0x24: {  	[tilespmem:$0x27C0] =	vst v0  }
0x25: {  	v0 =	vld [tilespmem:s16+$0x50];
	_ =	sdelay $0x4  }
0x26: {  	[tilespmem:$0x27D0] =	vst v0  }
0x27: {  	v0 =	vld [tilespmem:s16+$0x60];
	_ =	sdelay $0x4  }
0x28: {  	[tilespmem:$0x27E0] =	vst v0  }
0x29: {  	v0 =	vld [tilespmem:s16+$0x70];
	_ =	sdelay $0x4  }
0x2a: {  	[tilespmem:$0x27F0] =	vst v0  }
0x2b: {  	[spmem:s2] =	stream.indirect.scatter.add.f32 [tilespmem:s12], [sflag:$0x1], $0x80, s14, s13, $0xb8;
	[tilespmem:$0xB800] =	vst v63  }
0x2c: {  	_ =	swait.ge [sflag:s11], $0x4000  }
0x2d: {  	s18 =	simm.s32 $0x400;
	s16 =	simm.s32 $0x200;
	[sflag:s11] =	ssyncset.done $0x0  }
.LBB2_2:
0x2e: {  	s19 =	sshra.s32 s16, $0x2  }
0x2f: {  	[sflag:s11] =	ssyncadd.s32 $0xFFFFC000;
	s16 =	smov.u32 s18;
	s17 =	sadd.s32 $0x200, s18  }
0x30: {  	p0 =	sne.s32 s18, $0x9C00;
	v0 =	vld [tilespmem:s19+$0x0];
	_ =	sdelay $0x4  }
0x31: {  	[tilespmem:$0x2780] =	vst v0  }
0x32: {  	v0 =	vld [tilespmem:s19+$0x10];
	_ =	sdelay $0x4  }
0x33: {  	[tilespmem:$0x2790] =	vst v0  }
0x34: {  	v0 =	vld [tilespmem:s19+$0x20];
	_ =	sdelay $0x4  }
0x35: {  	[tilespmem:$0x27A0] =	vst v0  }
0x36: {  	v0 =	vld [tilespmem:s19+$0x30];
	_ =	sdelay $0x4  }
0x37: {  	[tilespmem:$0x27B0] =	vst v0  }
0x38: {  	v0 =	vld [tilespmem:s19+$0x40];
	_ =	sdelay $0x4  }
0x39: {  	[tilespmem:$0x27C0] =	vst v0  }
0x3a: {  	v0 =	vld [tilespmem:s19+$0x50];
	_ =	sdelay $0x4  }
0x3b: {  	[tilespmem:$0x27D0] =	vst v0  }
0x3c: {  	v0 =	vld [tilespmem:s19+$0x60];
	_ =	sdelay $0x4  }
0x3d: {  	[tilespmem:$0x27E0] =	vst v0  }
0x3e: {  	v0 =	vld [tilespmem:s19+$0x70];
	_ =	sdelay $0x3  }
.Ltmp0:
0x3f: {  	(pc) =	sbr.rel @p0 .LBB2_2-.Ltmp0, $4  }
0x40: {  	[tilespmem:$0x27F0] =	vst v0  }
0x41: {  	[spmem:s2] =	stream.indirect.scatter.add.f32 [tilespmem:s12], [sflag:$0x1], $0x80, s14, s13, $0xb8;
	[tilespmem:$0xB800] =	vst v63  }
0x42: {  	_ =	swait.ge [sflag:s11], $0x4000  }
0x43: {  	s18 =	smov.u32 s17;
	[sflag:s11] =	ssyncset.done $0x0  }
0x44: {  	s16 =	sshra.s32 s16, $0x2;
	[sflag:s11] =	ssyncadd.s32 $0xFFFFC000  }
0x45: {  	v0 =	vld [tilespmem:s16+$0x0];
	_ =	sdelay $0x4  }
0x46: {  	[tilespmem:$0x2780] =	vst v0  }
0x47: {  	v0 =	vld [tilespmem:s16+$0x10];
	_ =	sdelay $0x4  }
0x48: {  	[tilespmem:$0x2790] =	vst v0  }
0x49: {  	v0 =	vld [tilespmem:s16+$0x20];
	_ =	sdelay $0x4  }
0x4a: {  	[tilespmem:$0x27A0] =	vst v0  }
0x4b: {  	v0 =	vld [tilespmem:s16+$0x30];
	_ =	sdelay $0x4  }
0x4c: {  	[tilespmem:$0x27B0] =	vst v0  }
0x4d: {  	v0 =	vld [tilespmem:s16+$0x40];
	_ =	sdelay $0x4  }
0x4e: {  	[tilespmem:$0x27C0] =	vst v0  }
0x4f: {  	v0 =	vld [tilespmem:s16+$0x50];
	_ =	sdelay $0x4  }
0x50: {  	[tilespmem:$0x27D0] =	vst v0  }
0x51: {  	v0 =	vld [tilespmem:s16+$0x60];
	_ =	sdelay $0x4  }
0x52: {  	[tilespmem:$0x27E0] =	vst v0  }
0x53: {  	v0 =	vld [tilespmem:s16+$0x70];
	_ =	sdelay $0x4  }
0x54: {  	[tilespmem:$0x27F0] =	vst v0  }
0x55: {  	[spmem:s2] =	stream.indirect.scatter.add.f32 [tilespmem:s12], [sflag:$0x1], $0x80, s14, s13, $0xb8;
	[tilespmem:$0xB800] =	vst v63  }
0x56: {  	_ =	swait.ge [sflag:s11], $0x4000  }
0x57: {  	s15 =	sadd.s32 $0x1, s15;
	[sflag:s11] =	ssyncset.done $0x0  }
0x58: {  	p0 =	sne.s32 s15, s9;
	[sflag:s11] =	ssyncadd.s32 $0xFFFFC000  }
.Ltmp1:
0x59: {  	[bflag:$0x0] =	sbarrier.arrive $0xFFFF;
	(pc) =	sbr.rel @p0 .LBB2_1-.Ltmp1, $4  }
0x5a: {  	[hbm:s8], [sflag:s6] =	dma.local [spmem:s10], $0xA00  }
0x5b: {  	_ =	swait.ge [sflag:s11], $0xA00  }
0x5c: {  	[sflag:s11] =	ssyncset.done $0x0  }
0x5d: {  	[sflag:s11] =	ssyncadd.s32 $0xFFFFF600  }
0x5e: {  	_ =	sfence.sel $0x180000  }
0x5f: {  	[bflag:$0x0] =	sbarrier.arrive $0xFFFF  }
0x60: {  	p0 =	sne.s32 s0, $0x0;
	_ =	strace $0x90000047  }
0x61: {  	s0 =	sadd.s32 @!p0 $0x100000, s1;
	[bflag:$0x2] =	sbarrier.arrive $0xFFFF  }
0x62: {  	[sflag:s0] =	ssyncadd.tile.s32 @!p0 $0x1;
	_ =	shalt  }
.Lfunc_end2:
_tile_overlayer_lowered:
.L_overlay_start_2:
0x63: {  	(tag) =	ssettag $0x2  }
0x64: {  	s0 =	rddreg [dreg:$0x0];
	s2 =	stileid.u32  }
0x65: {  	s1 =	rddreg [dreg:$0x1];
	p0 =	sne.s32 s2, $0x0  }
0x66: {  	s3 =	rddreg [dreg:$0x2];
	[bflag:$0x3] =	sbarrier.arrive $0xFFFF;
	s2 =	simm.s32 @!p0 $0x1C01  }
0x67: {  	[timem:s3], [sflag:s2] =	dma.local @!p0 [hbm:s0], s1  }
0x68: {  	s0 =	simm.s32 @!p0 $0x1  }
0x69: {  	_ =	swait.ge @!p0 [sflag:s0], s1  }
0x6a: {  	s1 =	ssub.s32 @!p0 $0x0, s1;
	[sflag:s0] =	ssyncset.done @!p0 $0x0  }
0x6b: {  	[sflag:s0] =	ssyncadd.s32 @!p0 s1  }
0x6c: {  	[bflag:$0x3] =	sbarrier.arrive $0xFFFF  }
0x6d: {  	_ =	shalt  }

// kernel: kernel.21.cloned.1.call-start
scs
__scs_entry_jumppad:
0x0: {  	(pc) =	sbr.rel $0x88, $3  }
0x1: {  	(tag) =	ssettag $0x0;
	lr =	simm.s32 $0x1  }
0x2: {  	[smem:$0x3F98] =	sst lr;
	_ =	strace $0xD0000000  }
0x3: {  	_ = 	snop  }
0x4: {  	_ = 	snop  }
0x5: {  	_ = 	snop  }
0x6: {  	_ = 	snop  }
0x7: {  	_ = 	snop  }
__scs_overlays_trampoline_lowered:
0x8: {  	[smem:$0x3FA7] =	sst s0  }
0x9: {  	[smem:$0x3FA8] =	sst s1  }
0xa: {  	[smem:$0x3FA9] =	sst s2  }
0xb: {  	[smem:$0x3FAA] =	sst s3  }
0xc: {  	[smem:$0x3FAB] =	sst s4  }
0xd: {  	[smem:$0x3FAC] =	sst s5  }
0xe: {  	[smem:$0x3FAD] =	sst s6  }
0xf: {  	[smem:$0x3FAE] =	sst s7  }
0x10: {  	[smem:$0x3FAF] =	sst s8  }
0x11: {  	[smem:$0x3FB0] =	sst s9;
	s0 =	simm.s32 @!p0 $0x0  }
0x12: {  	s1 =	sld [smem:$0x3F96];
	s0 =	simm.s32 @p0 $0x1  }
0x13: {  	[smem:$0x3FB1] =	sst s0;
	s0 =	simm.s32 @!p1 $0x0  }
0x14: {  	s2 =	sld [smem:$0x3F95];
	s0 =	simm.s32 @p1 $0x1  }
0x15: {  	[smem:$0x3FB2] =	sst s0;
	s0 =	simm.s32 @!p2 $0x0  }
0x16: {  	s3 =	sld [smem:$0x3FDB];
	s0 =	simm.s32 @p2 $0x1  }
0x17: {  	s4 =	simm.s32 $0x1BF5;
	[smem:$0x3FB4] =	sst s0  }
0x18: {  	s0 =	sld [smem:$0x3F97];
	_ =	swait.ge [sflag:s4], $0x0  }
0x19: {  	s7 =	sld [smem:$0x3F98]  }
0x1a: {  	s8 =	sadd.s32 $0xFFFFE003, lr  }
0x1b: {  	s9 =	sadd.s32 $0xFFFFFEF7, lr;
	s5 =	simm.s32 $0xFFFFFFFF;
	p2 =	slt.u32 s8, $0xFFFFF086  }
0x1c: {  	p1 =	slt.u32 s9, $0xF7A;
	s5 =	simm.s32 @!p2 $0x0  }
0x1d: {  	s5 =	simm.s32 @p1 $0x1;
	p0 =	seq.s32 s7, s2  }
0x1e: {  	s7 =	smul.u32 @!p0 $0xF7A, s2;
	p2 =	seq.s32 @!p0 s5, $0x0  }
0x1f: {  	s9 =	smul.u32 $0xF7A, s1;
	s8 =	simm.s32 @!p0 $0x1BF5;
	p2 =	por !p2, p0  }
0x20: {  	[sflag:s8] =	ssyncset.s32 @!p0 $0xFFFFF086;
	s6 =	sadd.s32 @!p0 s3, s7;
	s7 =	simm.s32 @!p0 $0x108  }
0x21: {  	s3 =	sadd.s32 s3, s9;
	s6 =	sadd.s32 @!p0 $0x88, s6;
	s7 =	simm.s32 @p2 $0x1082  }
0x22: {  	[simem:s7], [sflag:s8] =	dma.local @!p0 [hbm:s6], $0xF7A  }
0x23: {  	s9 =	sor.u32 $0xD0000000, s2;
	s6 =	simm.s32 $0x108;
	_ =	swait.ge @!p0 [sflag:s8], $0x0  }
0x24: {  	s3 =	sadd.s32 $0x88, s3;
	s6 =	simm.s32 @!p1 $0x1082;
	[sflag:s4] =	ssyncset.s32 $0xFFFFF086  }
0x25: {  	[simem:s6], [sflag:s4] =	dma.local [hbm:s3], $0xF7A  }
0x26: {  	[smem:$0x3F98] =	sst s1;
	(tag) =	ssettag s2;
	_ =	strace s9  }
0x27: {  	s1 =	sld [smem:$0x3FA8]  }
0x28: {  	s2 =	sld [smem:$0x3FA9]  }
0x29: {  	s4 =	sld [smem:$0x3FAB]  }
0x2a: {  	p0 =	seq.s32 s5, $0x0;
	s5 =	sld [smem:$0x3FAC]  }
0x2b: {  	s6 =	sld [smem:$0x3FAD]  }
0x2c: {  	s7 =	sld [smem:$0x3FAE]  }
0x2d: {  	s3 =	simm.s32 $0x108;
	s8 =	sld [smem:$0x3FAF]  }
0x2e: {  	s3 =	simm.s32 @!p0 $0x1082;
	s9 =	sld [smem:$0x3FB0]  }
0x2f: {  	lr =	sadd.s32 s0, s3;
	s0 =	sld [smem:$0x3FA7]  }
0x30: {  	s3 =	sld [smem:$0x3FAA]  }
0x31: {  	[smem:$0x3FB3] =	sst s10  }
0x32: {  	s10 =	sld [smem:$0x3FB1];
	_ =	sdelay $0x3  }
0x33: {  	p0 =	seq.s32 s10, $0x1;
	s10 =	sld [smem:$0x3FB3];
	_ =	sdelay $0x3  }
0x34: {  	[smem:$0x3FB3] =	sst s10  }
0x35: {  	s10 =	sld [smem:$0x3FB2];
	_ =	sdelay $0x3  }
0x36: {  	p1 =	seq.s32 s10, $0x1;
	s10 =	sld [smem:$0x3FB3];
	_ =	sdelay $0x3  }
0x37: {  	[smem:$0x3FB3] =	sst s10  }
0x38: {  	s10 =	sld [smem:$0x3FB4]  }
0x39: {  	_ = 	snop;
	(pc) =	sbr.ind lr, $3  }
0x3a: {  	_ = 	snop  }
0x3b: {  	_ = 	snop  }
0x3c: {  	p2 =	seq.s32 s10, $0x1;
	s10 =	sld [smem:$0x3FB3]  }
0x3d: {  	_ =	shalt  }
0x3e: {  	_ =	shalt  }
0x3f: {  	_ =	shalt  }
0x40: {  	_ =	shalt  }
0x41: {  	_ =	shalt  }
0x42: {  	_ =	shalt  }
0x43: {  	_ =	shalt  }
0x44: {  	_ =	shalt  }
0x45: {  	_ =	shalt  }
0x46: {  	_ =	shalt  }
0x47: {  	_ =	shalt  }
0x48: {  	_ =	shalt  }
0x49: {  	_ =	shalt  }
0x4a: {  	_ =	shalt  }
0x4b: {  	_ =	shalt  }
0x4c: {  	_ =	shalt  }
0x4d: {  	_ =	shalt  }
0x4e: {  	_ =	shalt  }
0x4f: {  	_ =	shalt  }
0x50: {  	_ =	shalt  }
0x51: {  	_ =	shalt  }
0x52: {  	_ =	shalt  }
0x53: {  	_ =	shalt  }
0x54: {  	_ =	shalt  }
0x55: {  	_ =	shalt  }
0x56: {  	_ =	shalt  }
0x57: {  	_ =	shalt  }
0x58: {  	_ =	shalt  }
0x59: {  	_ =	shalt  }
0x5a: {  	_ =	shalt  }
0x5b: {  	_ =	shalt  }
0x5c: {  	_ =	shalt  }
0x5d: {  	_ =	shalt  }
0x5e: {  	_ =	shalt  }
0x5f: {  	_ =	shalt  }
0x60: {  	_ =	shalt  }
0x61: {  	_ =	shalt  }
0x62: {  	_ =	shalt  }
0x63: {  	_ =	shalt  }
0x64: {  	_ =	shalt  }
0x65: {  	_ =	shalt  }
0x66: {  	_ =	shalt  }
0x67: {  	_ =	shalt  }
0x68: {  	_ =	shalt  }
0x69: {  	_ =	shalt  }
0x6a: {  	_ =	shalt  }
0x6b: {  	_ =	shalt  }
0x6c: {  	_ =	shalt  }
0x6d: {  	_ =	shalt  }
0x6e: {  	_ =	shalt  }
0x6f: {  	_ =	shalt  }
0x70: {  	_ =	shalt  }
0x71: {  	_ =	shalt  }
0x72: {  	_ =	shalt  }
0x73: {  	_ =	shalt  }
0x74: {  	_ =	shalt  }
0x75: {  	_ =	shalt  }
0x76: {  	_ =	shalt  }
0x77: {  	_ =	shalt  }
0x78: {  	_ =	shalt  }
0x79: {  	_ =	shalt  }
0x7a: {  	_ =	shalt  }
0x7b: {  	_ =	shalt  }
0x7c: {  	_ =	shalt  }
0x7d: {  	_ =	shalt  }
0x7e: {  	_ =	shalt  }
0x7f: {  	_ =	shalt  }
0x80: {  	_ =	shalt  }
0x81: {  	_ =	shalt  }
0x82: {  	_ =	shalt  }
0x83: {  	_ =	shalt  }
0x84: {  	_ =	shalt  }
0x85: {  	_ =	shalt  }
0x86: {  	_ =	shalt  }
0x87: {  	_ =	shalt  }
.Lfunc_end0:
.L_simem_size_0:
called_computation.1_lowered:
.L_overlay_start_0:
0x88: {  	s2 =	sld [smem:$0x3FD9]  }
0x89: {  	s3 =	sld [smem:$0x3FFE];
	_ =	sdelay $0x1  }
0x8a: {  	s1 =	srdreg.scid  }
0x8b: {  	s0 =	sand.u32 $0x1, s1  }
0x8c: {  	s17 =	sshll.u32 s0, $0xA;
	s2 =	sadd.s32 s3, s2  }
0x8d: {  	s2 =	sadd.s32 s2, s17  }
0x8e: {  	[smem:$0x3FBF] =	sst s2  }
0x8f: {  	_ = 	snop  }
0x90: {  	(tm) =	ssettm $0x1  }
0x91: {  	s18 =	sld [smem:$0x3FFB];
	_ =	sdelay $0x3  }
0x92: {  	_ =	strace s18  }
0x93: {  	s2 =	sld [smem:$0x3FFC];
	_ =	sdelay $0x3  }
0x94: {  	_ =	strace s2  }
0x95: {  	s2 =	sld [smem:$0x3FFD];
	_ =	sdelay $0x3  }
0x96: {  	_ =	strace s2  }
0x97: {  	_ =	strace $0x8FFFFFFF  }
0x98: {  	s19 =	sld [smem:$0x3FDB];
	_ =	sdelay $0x1  }
0x99: {  	s20 =	simm.s32 $_scs_section_size  }
0x9a: {  	s4 =	simm.s32 $_size__tile_overlayer_lowered;
	s5 =	simm.s32 $_tile_overlayer_lowered  }
0x9b: {  	s6 =	simm.s32 $0x1BFF;
	s21 =	sshll.u32 s5, $0x1;
	s3 =	sadd.s32 s20, s19  }
0x9c: {  	s22 =	simm.s32 $0x0;
	s4 =	sshll.u32 s4, $0x1;
	s5 =	sadd.s32 s21, s3  }
0x9d: {  	[timem:s22], [sflag:s6] =	dma.local [hbm:s5], s4  }
0x9e: {  	_ =	swait.ge [sflag:s6], s4  }
0x9f: {  	s4 =	ssub.s32 $0x0, s4;
	[sflag:s6] =	ssyncset.done $0x0  }
0xa0: {  	[sflag:s6] =	ssyncadd.s32 s4;
	_ =	sdelay $0x1  }
0xa1: {  	s23 =	simm.s32 $0x1B8B  }
0xa2: {  	_ =	swait.ge [sflag:s23], $0x1  }
0xa3: {  	[sflag:s23] =	ssyncset.done $0x0  }
0xa4: {  	[sflag:s23] =	ssyncadd.s32 $0xFFFFFFFF  }
0xa5: {  	s4 =	sld [smem:$0x0]  }
0xa6: {  	s5 =	sand.u32 $0xFFFFFFFE, s1  }
0xa7: {  	p0 =	sne.s32 s1, s5  }
0xa8: {  	s5 =	sshll.u32 @p0 s5, $0xE  }
0xa9: {  	s5 =	sadd.s32 @p0 $0x11B8D, s5;
	s6 =	sshll.u32 @p0 s4, $0x11  }
0xaa: {  	s5 =	sor.u32 @p0 s6, s5  }
0xab: {  	[sflag:s5] =	ssyncadd.remote.s32 @p0 $0x1;
	_ =	sdelay $0x1  }
0xac: {  	s5 =	simm.s32 @p0 $0x1B8D  }
0xad: {  	_ =	swait.eq @p0 [sflag:s5], $0x1  }
0xae: {  	[sflag:s5] =	ssyncadd.s32 @p0 $0xFFFFFFFF  }
0xaf: {  	s6 =	sshll.u32 @!p0 s1, $0xE  }
0xb0: {  	s6 =	sor.u32 @!p0 $0x4000, s6;
	s5 =	simm.s32 @!p0 $0x1B8D  }
0xb1: {  	s4 =	sshll.u32 @!p0 s4, $0x11;
	s6 =	sadd.s32 @!p0 $0x11B8D, s6;
	_ =	swait.eq @!p0 [sflag:s5], $0x1  }
0xb2: {  	s4 =	sor.u32 @!p0 s4, s6;
	[sflag:s5] =	ssyncadd.s32 @!p0 $0xFFFFFFFF  }
0xb3: {  	s25 =	simm.s32 $0x1B8E;
	s24 =	sld [smem:$0x3FFE];
	[sflag:s4] =	ssyncadd.remote.s32 @!p0 $0x1  }
0xb4: {  	s26 =	simm.s32 $execute0_lowered;
	[smem:$0x3FD2] =	sst s25  }
0xb5: {  	s5 =	sshll.u32 s26, $0x1;
	_ =	strace $0x8000004C;
	[dreg:$0x1] =	wrdreg $0xFFFFFFFF  }
0xb6: {  	s28 =	simm.s32 $_size_execute0_lowered;
	s3 =	sadd.s32 s3, s5;
	[dreg:$0x0] =	wrdreg $0x0  }
0xb7: {  	s5 =	sshll.u32 s28, $0x1;
	[dreg:$0x2] =	wrdreg s3  }
0xb8: {  	[dreg:$0x3] =	wrdreg s5  }
0xb9: {  	[dreg:$0x4] =	wrdreg $0xC0  }
0xba: {  	_ =	task [dreg:s22], $0x5FFFF  }
0xbb: {  	[dreg:$0x1] =	wrdreg $0xFFFFFFFF  }
0xbc: {  	[dreg:$0x0] =	wrdreg $0x60  }
0xbd: {  	[dreg:$0x2] =	wrdreg s24  }
0xbe: {  	[dreg:$0x3] =	wrdreg $0x68000  }
0xbf: {  	[dreg:$0x4] =	wrdreg $0x9  }
0xc0: {  	_ =	task.clear_ibuf [dreg:s22], $0x5FFFF;
	_ =	strace $0x9000004C  }
0xc1: {  	s29 =	simm.s32 $0x9;
	_ =	strace $0x8000004E  }
0xc2: {  	_ =	swait.ge [sflag:s29], $0x1  }
0xc3: {  	[sflag:s29] =	ssyncadd.s32 $0xFFFFFFFF  }
0xc4: {  	_ =	strace $0x9000004E  }
0xc5: {  	_ =	sfence  }
0xc6: {  	s30 =	sld [smem:$0x0];
	_ =	sdelay $0x2  }
0xc7: {  	s31 =	sshll.u32 s1, $0xD;
	s1 =	sshrl.u32 s1, $0x2  }
0xc8: {  	s4 =	sand.u32 $0x4000, s31;
	s1 =	sadd.s32 s1, s30  }
0xc9: {  	s0 =	sor.u32 s4, s0;
	s1 =	sshll.u32 s1, $0x11  }
0xca: {  	s0 =	sor.u32 s1, s0  }
0xcb: {  	s0 =	sadd.s32 $0x8F2B, s0  }
0xcc: {  	[sflag:s0] =	ssyncadd.remote.s32 $0x1  }
0xcd: {  	_ =	sfence.sel $0xFFFF  }
0xce: {  	[dreg:$0x0] =	wrdreg $0xFFFFFFFF;
	(pc) =	sbr.abs _section_cstart, $3  }
0xcf: {  	[dreg:$0x1] =	wrdreg $0xFFFFFFFF  }
0xd0: {  	_ =	task.clear_ibuf [dreg:s22], $0x2FFFF;
	_ =	strace $0x9FFFFFFF  }
0xd1: {  	(tm) =	ssettm $0x7FFFFFFF  }
tec
execute0_lowered:
.L_overlay_start_1:
0x0: {  	(tag) =	ssettag $0x1  }
0x1: {  	s1 =	srdreg.scid;
	s7 =	rddreg [dreg:$0x0]  }
0x2: {  	s0 =	stileid.u32;
	s2 =	rddreg [dreg:$0x1]  }
0x3: {  	s3 =	simm.s32 $0x0;
	s13 =	simm.s32 $0x80;
	s14 =	simm.s32 $0x2780  }
0x4: {  	s15 =	simm.s32 $0x0;
	s6 =	sand.u32 $0x1, s1;
	s8 =	smul.u32 $0x13C00, s0  }
0x5: {  	s30 =	sshll.u32 s0, $0x1;
	[smem:$0x7FF] =	sst s3;
	s10 =	smul.u32 $0x4F000, s0  }
0x6: {  	s11 =	sshll.u32 s0, $0x6;
	s1 =	sor.u32 s6, s30;
	s5 =	smul.u32 $0x13C000, s6  }
0x7: {  	s6 =	ssub.s32 $0x2, s6;
	s4 =	smul.u32 $0x4F0, s1;
	s1 =	rddreg [dreg:$0x2]  }
0x8: {  	_ =	strace $0x8000004D;
	s31 =	sshrl.u32 s6, $0x1;
	s10 =	sshrl.u32 s10, $0x2  }
0x9: {  	s5 =	sadd.s32 s8, s5;
	s12 =	ssub.s32 s6, s31;
	s10 =	sadd.s32 s10, s2  }
0xa: {  	s6 =	sor.u32 $0x1C01, s11;
	s11 =	simm.s32 $0x1;
	s9 =	sadd.s32 s4, s7  }
0xb: {  	s4 =	sadd.s32 $0x11200, s7;
	s8 =	sshrl.u32 s5, $0x3;
	s5 =	sadd.s32 $0x11A00, s7  }
0xc: {  	s10 =	sshrl.u32 s10, $0x3;
	s8 =	sadd.s32 s8, s7;
	s7 =	sadd.s32 $0x28200, s9  }
0xd: {  	s9 =	smax.u32 s12, $0x1;
	s12 =	simm.s32 $0x2800;
	s8 =	sadd.s32 $0x6D800, s8  }
.LBB2_1:
0xe: {  	[spmem:s10], [sflag:s6] =	dma.local [hbm:s5], $0x2780  }
0xf: {  	_ =	swait.ge [sflag:s11], $0x2780  }
0x10: {  	[sflag:s11] =	ssyncset.done $0x0  }
0x11: {  	[sflag:s11] =	ssyncadd.s32 $0xFFFFD880  }
0x12: {  	[tilespmem:s12], [sflag:$0x1] =	stream.linear.gather [hbm4b:s4+s3], $0x4000, $0x38;
	[tilespmem:$0x1A400] =	vst v63  }
0x13: {  	_ =	swait.ge [sflag:s11], $0x4000  }
0x14: {  	[sflag:s11] =	ssyncset.done $0x0  }
0x15: {  	[sflag:s11] =	ssyncadd.s32 $0xFFFFC000  }
0x16: {  	[tilespmem:s3], [sflag:$0x1] =	stream.linear.gather [hbm4b:s7+s3], $0x2780, $0x38;
	[tilespmem:$0x1A400] =	vst v63  }
0x17: {  	_ =	swait.ge [sflag:s11], $0x2780  }
0x18: {  	[sflag:s11] =	ssyncset.done $0x0  }
0x19: {  	[sflag:s11] =	ssyncadd.s32 $0xFFFFD880  }
0x1a: {  	s16 =	simm.s32 $0x0;
	[bflag:$0x0] =	sbarrier.arrive $0xFFFF  }
0x1b: {  	v0 =	vld [tilespmem:s16+$0x0];
	_ =	sdelay $0x4  }
0x1c: {  	[tilespmem:$0x2780] =	vst v0  }
0x1d: {  	v0 =	vld [tilespmem:s16+$0x10];
	_ =	sdelay $0x4  }
0x1e: {  	[tilespmem:$0x2790] =	vst v0  }
0x1f: {  	v0 =	vld [tilespmem:s16+$0x20];
	_ =	sdelay $0x4  }
0x20: {  	[tilespmem:$0x27A0] =	vst v0  }
0x21: {  	v0 =	vld [tilespmem:s16+$0x30];
	_ =	sdelay $0x4  }
0x22: {  	[tilespmem:$0x27B0] =	vst v0  }
0x23: {  	v0 =	vld [tilespmem:s16+$0x40];
	_ =	sdelay $0x4  }
0x24: {  	[tilespmem:$0x27C0] =	vst v0  }
0x25: {  	v0 =	vld [tilespmem:s16+$0x50];
	_ =	sdelay $0x4  }
0x26: {  	[tilespmem:$0x27D0] =	vst v0  }
0x27: {  	v0 =	vld [tilespmem:s16+$0x60];
	_ =	sdelay $0x4  }
0x28: {  	[tilespmem:$0x27E0] =	vst v0  }
0x29: {  	v0 =	vld [tilespmem:s16+$0x70];
	_ =	sdelay $0x4  }
0x2a: {  	[tilespmem:$0x27F0] =	vst v0  }
0x2b: {  	[spmem:s2] =	stream.indirect.scatter.add.f32 [tilespmem:s12], [sflag:$0x1], $0x80, s14, s13, $0xb8;
	[tilespmem:$0x1A400] =	vst v63  }
0x2c: {  	_ =	swait.ge [sflag:s11], $0x4000  }
0x2d: {  	s18 =	simm.s32 $0x400;
	s16 =	simm.s32 $0x200;
	[sflag:s11] =	ssyncset.done $0x0  }
.LBB2_2:
0x2e: {  	s19 =	sshra.s32 s16, $0x2  }
0x2f: {  	[sflag:s11] =	ssyncadd.s32 $0xFFFFC000;
	s16 =	smov.u32 s18;
	s17 =	sadd.s32 $0x200, s18  }
0x30: {  	p0 =	sne.s32 s18, $0x9C00;
	v0 =	vld [tilespmem:s19+$0x0];
	_ =	sdelay $0x4  }
0x31: {  	[tilespmem:$0x2780] =	vst v0  }
0x32: {  	v0 =	vld [tilespmem:s19+$0x10];
	_ =	sdelay $0x4  }
0x33: {  	[tilespmem:$0x2790] =	vst v0  }
0x34: {  	v0 =	vld [tilespmem:s19+$0x20];
	_ =	sdelay $0x4  }
0x35: {  	[tilespmem:$0x27A0] =	vst v0  }
0x36: {  	v0 =	vld [tilespmem:s19+$0x30];
	_ =	sdelay $0x4  }
0x37: {  	[tilespmem:$0x27B0] =	vst v0  }
0x38: {  	v0 =	vld [tilespmem:s19+$0x40];
	_ =	sdelay $0x4  }
0x39: {  	[tilespmem:$0x27C0] =	vst v0  }
0x3a: {  	v0 =	vld [tilespmem:s19+$0x50];
	_ =	sdelay $0x4  }
0x3b: {  	[tilespmem:$0x27D0] =	vst v0  }
0x3c: {  	v0 =	vld [tilespmem:s19+$0x60];
	_ =	sdelay $0x4  }
0x3d: {  	[tilespmem:$0x27E0] =	vst v0  }
0x3e: {  	v0 =	vld [tilespmem:s19+$0x70];
	_ =	sdelay $0x3  }
.Ltmp0:
0x3f: {  	(pc) =	sbr.rel @p0 .LBB2_2-.Ltmp0, $4  }
0x40: {  	[tilespmem:$0x27F0] =	vst v0  }
0x41: {  	[spmem:s2] =	stream.indirect.scatter.add.f32 [tilespmem:s12], [sflag:$0x1], $0x80, s14, s13, $0xb8;
	[tilespmem:$0x1A400] =	vst v63  }
0x42: {  	_ =	swait.ge [sflag:s11], $0x4000  }
0x43: {  	s18 =	smov.u32 s17;
	[sflag:s11] =	ssyncset.done $0x0  }
0x44: {  	s16 =	sshra.s32 s16, $0x2;
	[sflag:s11] =	ssyncadd.s32 $0xFFFFC000  }
0x45: {  	v0 =	vld [tilespmem:s16+$0x0];
	_ =	sdelay $0x4  }
0x46: {  	[tilespmem:$0x2780] =	vst v0  }
0x47: {  	v0 =	vld [tilespmem:s16+$0x10];
	_ =	sdelay $0x4  }
0x48: {  	[tilespmem:$0x2790] =	vst v0  }
0x49: {  	v0 =	vld [tilespmem:s16+$0x20];
	_ =	sdelay $0x4  }
0x4a: {  	[tilespmem:$0x27A0] =	vst v0  }
0x4b: {  	v0 =	vld [tilespmem:s16+$0x30];
	_ =	sdelay $0x4  }
0x4c: {  	[tilespmem:$0x27B0] =	vst v0  }
0x4d: {  	v0 =	vld [tilespmem:s16+$0x40];
	_ =	sdelay $0x4  }
0x4e: {  	[tilespmem:$0x27C0] =	vst v0  }
0x4f: {  	v0 =	vld [tilespmem:s16+$0x50];
	_ =	sdelay $0x4  }
0x50: {  	[tilespmem:$0x27D0] =	vst v0  }
0x51: {  	v0 =	vld [tilespmem:s16+$0x60];
	_ =	sdelay $0x4  }
0x52: {  	[tilespmem:$0x27E0] =	vst v0  }
0x53: {  	v0 =	vld [tilespmem:s16+$0x70];
	_ =	sdelay $0x4  }
0x54: {  	[tilespmem:$0x27F0] =	vst v0  }
0x55: {  	[spmem:s2] =	stream.indirect.scatter.add.f32 [tilespmem:s12], [sflag:$0x1], $0x80, s14, s13, $0xb8;
	[tilespmem:$0x1A400] =	vst v63  }
0x56: {  	_ =	swait.ge [sflag:s11], $0x4000  }
0x57: {  	s15 =	sadd.s32 $0x1, s15;
	[sflag:s11] =	ssyncset.done $0x0  }
0x58: {  	p0 =	sne.s32 s15, s9;
	[sflag:s11] =	ssyncadd.s32 $0xFFFFC000  }
.Ltmp1:
0x59: {  	[bflag:$0x0] =	sbarrier.arrive $0xFFFF;
	(pc) =	sbr.rel @p0 .LBB2_1-.Ltmp1, $4  }
0x5a: {  	[hbm:s8], [sflag:s6] =	dma.local [spmem:s10], $0x2780  }
0x5b: {  	_ =	swait.ge [sflag:s11], $0x2780  }
0x5c: {  	[sflag:s11] =	ssyncset.done $0x0  }
0x5d: {  	[sflag:s11] =	ssyncadd.s32 $0xFFFFD880  }
0x5e: {  	_ =	sfence.sel $0x180000  }
0x5f: {  	[bflag:$0x0] =	sbarrier.arrive $0xFFFF  }
0x60: {  	p0 =	sne.s32 s0, $0x0;
	_ =	strace $0x9000004D  }
0x61: {  	s0 =	sadd.s32 @!p0 $0x100000, s1;
	[bflag:$0x2] =	sbarrier.arrive $0xFFFF  }
0x62: {  	[sflag:s0] =	ssyncadd.tile.s32 @!p0 $0x1;
	_ =	shalt  }
.Lfunc_end2:
_tile_overlayer_lowered:
.L_overlay_start_2:
0x63: {  	(tag) =	ssettag $0x2  }
0x64: {  	s0 =	rddreg [dreg:$0x0];
	s2 =	stileid.u32  }
0x65: {  	s1 =	rddreg [dreg:$0x1];
	p0 =	sne.s32 s2, $0x0  }
0x66: {  	s3 =	rddreg [dreg:$0x2];
	[bflag:$0x3] =	sbarrier.arrive $0xFFFF;
	s2 =	simm.s32 @!p0 $0x1C01  }
0x67: {  	[timem:s3], [sflag:s2] =	dma.local @!p0 [hbm:s0], s1  }
0x68: {  	s0 =	simm.s32 @!p0 $0x1  }
0x69: {  	_ =	swait.ge @!p0 [sflag:s0], s1  }
0x6a: {  	s1 =	ssub.s32 @!p0 $0x0, s1;
	[sflag:s0] =	ssyncset.done @!p0 $0x0  }
0x6b: {  	[sflag:s0] =	ssyncadd.s32 @!p0 s1  }
0x6c: {  	[bflag:$0x3] =	sbarrier.arrive $0xFFFF  }
0x6d: {  	_ =	shalt  }

// kernel: kernel.24.cloned.1.call-start
scs
__scs_entry_jumppad:
0x0: {  	(pc) =	sbr.rel $0x88, $3  }
0x1: {  	(tag) =	ssettag $0x0;
	lr =	simm.s32 $0x1  }
0x2: {  	[smem:$0x3F98] =	sst lr;
	_ =	strace $0xD0000000  }
0x3: {  	_ = 	snop  }
0x4: {  	_ = 	snop  }
0x5: {  	_ = 	snop  }
0x6: {  	_ = 	snop  }
0x7: {  	_ = 	snop  }
__scs_overlays_trampoline_lowered:
0x8: {  	[smem:$0x3FA7] =	sst s0  }
0x9: {  	[smem:$0x3FA8] =	sst s1  }
0xa: {  	[smem:$0x3FA9] =	sst s2  }
0xb: {  	[smem:$0x3FAA] =	sst s3  }
0xc: {  	[smem:$0x3FAB] =	sst s4  }
0xd: {  	[smem:$0x3FAC] =	sst s5  }
0xe: {  	[smem:$0x3FAD] =	sst s6  }
0xf: {  	[smem:$0x3FAE] =	sst s7  }
0x10: {  	[smem:$0x3FAF] =	sst s8  }
0x11: {  	[smem:$0x3FB0] =	sst s9;
	s0 =	simm.s32 @!p0 $0x0  }
0x12: {  	s1 =	sld [smem:$0x3F96];
	s0 =	simm.s32 @p0 $0x1  }
0x13: {  	[smem:$0x3FB1] =	sst s0;
	s0 =	simm.s32 @!p1 $0x0  }
0x14: {  	s2 =	sld [smem:$0x3F95];
	s0 =	simm.s32 @p1 $0x1  }
0x15: {  	[smem:$0x3FB2] =	sst s0;
	s0 =	simm.s32 @!p2 $0x0  }
0x16: {  	s3 =	sld [smem:$0x3FDB];
	s0 =	simm.s32 @p2 $0x1  }
0x17: {  	s4 =	simm.s32 $0x1BF5;
	[smem:$0x3FB4] =	sst s0  }
0x18: {  	s0 =	sld [smem:$0x3F97];
	_ =	swait.ge [sflag:s4], $0x0  }
0x19: {  	s7 =	sld [smem:$0x3F98]  }
0x1a: {  	s8 =	sadd.s32 $0xFFFFE003, lr  }
0x1b: {  	s9 =	sadd.s32 $0xFFFFFEF7, lr;
	s5 =	simm.s32 $0xFFFFFFFF;
	p2 =	slt.u32 s8, $0xFFFFF086  }
0x1c: {  	p1 =	slt.u32 s9, $0xF7A;
	s5 =	simm.s32 @!p2 $0x0  }
0x1d: {  	s5 =	simm.s32 @p1 $0x1;
	p0 =	seq.s32 s7, s2  }
0x1e: {  	s7 =	smul.u32 @!p0 $0xF7A, s2;
	p2 =	seq.s32 @!p0 s5, $0x0  }
0x1f: {  	s9 =	smul.u32 $0xF7A, s1;
	s8 =	simm.s32 @!p0 $0x1BF5;
	p2 =	por !p2, p0  }
0x20: {  	[sflag:s8] =	ssyncset.s32 @!p0 $0xFFFFF086;
	s6 =	sadd.s32 @!p0 s3, s7;
	s7 =	simm.s32 @!p0 $0x108  }
0x21: {  	s3 =	sadd.s32 s3, s9;
	s6 =	sadd.s32 @!p0 $0x88, s6;
	s7 =	simm.s32 @p2 $0x1082  }
0x22: {  	[simem:s7], [sflag:s8] =	dma.local @!p0 [hbm:s6], $0xF7A  }
0x23: {  	s9 =	sor.u32 $0xD0000000, s2;
	s6 =	simm.s32 $0x108;
	_ =	swait.ge @!p0 [sflag:s8], $0x0  }
0x24: {  	s3 =	sadd.s32 $0x88, s3;
	s6 =	simm.s32 @!p1 $0x1082;
	[sflag:s4] =	ssyncset.s32 $0xFFFFF086  }
0x25: {  	[simem:s6], [sflag:s4] =	dma.local [hbm:s3], $0xF7A  }
0x26: {  	[smem:$0x3F98] =	sst s1;
	(tag) =	ssettag s2;
	_ =	strace s9  }
0x27: {  	s1 =	sld [smem:$0x3FA8]  }
0x28: {  	s2 =	sld [smem:$0x3FA9]  }
0x29: {  	s4 =	sld [smem:$0x3FAB]  }
0x2a: {  	p0 =	seq.s32 s5, $0x0;
	s5 =	sld [smem:$0x3FAC]  }
0x2b: {  	s6 =	sld [smem:$0x3FAD]  }
0x2c: {  	s7 =	sld [smem:$0x3FAE]  }
0x2d: {  	s3 =	simm.s32 $0x108;
	s8 =	sld [smem:$0x3FAF]  }
0x2e: {  	s3 =	simm.s32 @!p0 $0x1082;
	s9 =	sld [smem:$0x3FB0]  }
0x2f: {  	lr =	sadd.s32 s0, s3;
	s0 =	sld [smem:$0x3FA7]  }
0x30: {  	s3 =	sld [smem:$0x3FAA]  }
0x31: {  	[smem:$0x3FB3] =	sst s10  }
0x32: {  	s10 =	sld [smem:$0x3FB1];
	_ =	sdelay $0x3  }
0x33: {  	p0 =	seq.s32 s10, $0x1;
	s10 =	sld [smem:$0x3FB3];
	_ =	sdelay $0x3  }
0x34: {  	[smem:$0x3FB3] =	sst s10  }
0x35: {  	s10 =	sld [smem:$0x3FB2];
	_ =	sdelay $0x3  }
0x36: {  	p1 =	seq.s32 s10, $0x1;
	s10 =	sld [smem:$0x3FB3];
	_ =	sdelay $0x3  }
0x37: {  	[smem:$0x3FB3] =	sst s10  }
0x38: {  	s10 =	sld [smem:$0x3FB4]  }
0x39: {  	_ = 	snop;
	(pc) =	sbr.ind lr, $3  }
0x3a: {  	_ = 	snop  }
0x3b: {  	_ = 	snop  }
0x3c: {  	p2 =	seq.s32 s10, $0x1;
	s10 =	sld [smem:$0x3FB3]  }
0x3d: {  	_ =	shalt  }
0x3e: {  	_ =	shalt  }
0x3f: {  	_ =	shalt  }
0x40: {  	_ =	shalt  }
0x41: {  	_ =	shalt  }
0x42: {  	_ =	shalt  }
0x43: {  	_ =	shalt  }
0x44: {  	_ =	shalt  }
0x45: {  	_ =	shalt  }
0x46: {  	_ =	shalt  }
0x47: {  	_ =	shalt  }
0x48: {  	_ =	shalt  }
0x49: {  	_ =	shalt  }
0x4a: {  	_ =	shalt  }
0x4b: {  	_ =	shalt  }
0x4c: {  	_ =	shalt  }
0x4d: {  	_ =	shalt  }
0x4e: {  	_ =	shalt  }
0x4f: {  	_ =	shalt  }
0x50: {  	_ =	shalt  }
0x51: {  	_ =	shalt  }
0x52: {  	_ =	shalt  }
0x53: {  	_ =	shalt  }
0x54: {  	_ =	shalt  }
0x55: {  	_ =	shalt  }
0x56: {  	_ =	shalt  }
0x57: {  	_ =	shalt  }
0x58: {  	_ =	shalt  }
0x59: {  	_ =	shalt  }
0x5a: {  	_ =	shalt  }
0x5b: {  	_ =	shalt  }
0x5c: {  	_ =	shalt  }
0x5d: {  	_ =	shalt  }
0x5e: {  	_ =	shalt  }
0x5f: {  	_ =	shalt  }
0x60: {  	_ =	shalt  }
0x61: {  	_ =	shalt  }
0x62: {  	_ =	shalt  }
0x63: {  	_ =	shalt  }
0x64: {  	_ =	shalt  }
0x65: {  	_ =	shalt  }
0x66: {  	_ =	shalt  }
0x67: {  	_ =	shalt  }
0x68: {  	_ =	shalt  }
0x69: {  	_ =	shalt  }
0x6a: {  	_ =	shalt  }
0x6b: {  	_ =	shalt  }
0x6c: {  	_ =	shalt  }
0x6d: {  	_ =	shalt  }
0x6e: {  	_ =	shalt  }
0x6f: {  	_ =	shalt  }
0x70: {  	_ =	shalt  }
0x71: {  	_ =	shalt  }
0x72: {  	_ =	shalt  }
0x73: {  	_ =	shalt  }
0x74: {  	_ =	shalt  }
0x75: {  	_ =	shalt  }
0x76: {  	_ =	shalt  }
0x77: {  	_ =	shalt  }
0x78: {  	_ =	shalt  }
0x79: {  	_ =	shalt  }
0x7a: {  	_ =	shalt  }
0x7b: {  	_ =	shalt  }
0x7c: {  	_ =	shalt  }
0x7d: {  	_ =	shalt  }
0x7e: {  	_ =	shalt  }
0x7f: {  	_ =	shalt  }
0x80: {  	_ =	shalt  }
0x81: {  	_ =	shalt  }
0x82: {  	_ =	shalt  }
0x83: {  	_ =	shalt  }
0x84: {  	_ =	shalt  }
0x85: {  	_ =	shalt  }
0x86: {  	_ =	shalt  }
0x87: {  	_ =	shalt  }
.Lfunc_end0:
.L_simem_size_0:
called_computation.2_lowered:
.L_overlay_start_0:
0x88: {  	s2 =	sld [smem:$0x3FD9]  }
0x89: {  	s3 =	sld [smem:$0x3FFE];
	_ =	sdelay $0x1  }
0x8a: {  	s1 =	srdreg.scid  }
0x8b: {  	s0 =	sand.u32 $0x1, s1  }
0x8c: {  	s17 =	sshll.u32 s0, $0xA;
	s2 =	sadd.s32 s3, s2  }
0x8d: {  	s2 =	sadd.s32 s2, s17  }
0x8e: {  	[smem:$0x3FBF] =	sst s2  }
0x8f: {  	_ = 	snop  }
0x90: {  	(tm) =	ssettm $0x1  }
0x91: {  	s18 =	sld [smem:$0x3FFB];
	_ =	sdelay $0x3  }
0x92: {  	_ =	strace s18  }
0x93: {  	s2 =	sld [smem:$0x3FFC];
	_ =	sdelay $0x3  }
0x94: {  	_ =	strace s2  }
0x95: {  	s2 =	sld [smem:$0x3FFD];
	_ =	sdelay $0x3  }
0x96: {  	_ =	strace s2  }
0x97: {  	_ =	strace $0x8FFFFFFF  }
0x98: {  	s19 =	sld [smem:$0x3FDB];
	_ =	sdelay $0x1  }
0x99: {  	s20 =	simm.s32 $_scs_section_size  }
0x9a: {  	s4 =	simm.s32 $_size__tile_overlayer_lowered;
	s5 =	simm.s32 $_tile_overlayer_lowered  }
0x9b: {  	s6 =	simm.s32 $0x1BFF;
	s21 =	sshll.u32 s5, $0x1;
	s3 =	sadd.s32 s20, s19  }
0x9c: {  	s22 =	simm.s32 $0x0;
	s4 =	sshll.u32 s4, $0x1;
	s5 =	sadd.s32 s21, s3  }
0x9d: {  	[timem:s22], [sflag:s6] =	dma.local [hbm:s5], s4  }
0x9e: {  	_ =	swait.ge [sflag:s6], s4  }
0x9f: {  	s4 =	ssub.s32 $0x0, s4;
	[sflag:s6] =	ssyncset.done $0x0  }
0xa0: {  	[sflag:s6] =	ssyncadd.s32 s4;
	_ =	sdelay $0x1  }
0xa1: {  	s23 =	simm.s32 $0x1B8B  }
0xa2: {  	_ =	swait.ge [sflag:s23], $0x1  }
0xa3: {  	[sflag:s23] =	ssyncset.done $0x0  }
0xa4: {  	[sflag:s23] =	ssyncadd.s32 $0xFFFFFFFF  }
0xa5: {  	s4 =	sld [smem:$0x0]  }
0xa6: {  	s5 =	sand.u32 $0xFFFFFFFE, s1  }
0xa7: {  	p0 =	sne.s32 s1, s5  }
0xa8: {  	s5 =	sshll.u32 @p0 s5, $0xE  }
0xa9: {  	s5 =	sadd.s32 @p0 $0x11B8D, s5;
	s6 =	sshll.u32 @p0 s4, $0x11  }
0xaa: {  	s5 =	sor.u32 @p0 s6, s5  }
0xab: {  	[sflag:s5] =	ssyncadd.remote.s32 @p0 $0x1;
	_ =	sdelay $0x1  }
0xac: {  	s5 =	simm.s32 @p0 $0x1B8D  }
0xad: {  	_ =	swait.eq @p0 [sflag:s5], $0x1  }
0xae: {  	[sflag:s5] =	ssyncadd.s32 @p0 $0xFFFFFFFF  }
0xaf: {  	s6 =	sshll.u32 @!p0 s1, $0xE  }
0xb0: {  	s6 =	sor.u32 @!p0 $0x4000, s6;
	s5 =	simm.s32 @!p0 $0x1B8D  }
0xb1: {  	s4 =	sshll.u32 @!p0 s4, $0x11;
	s6 =	sadd.s32 @!p0 $0x11B8D, s6;
	_ =	swait.eq @!p0 [sflag:s5], $0x1  }
0xb2: {  	s4 =	sor.u32 @!p0 s4, s6;
	[sflag:s5] =	ssyncadd.s32 @!p0 $0xFFFFFFFF  }
0xb3: {  	s25 =	simm.s32 $0x1B8E;
	s24 =	sld [smem:$0x3FFE];
	[sflag:s4] =	ssyncadd.remote.s32 @!p0 $0x1  }
0xb4: {  	s26 =	simm.s32 $execute0_lowered;
	[smem:$0x3FD2] =	sst s25  }
0xb5: {  	s5 =	sshll.u32 s26, $0x1;
	_ =	strace $0x80000049;
	[dreg:$0x1] =	wrdreg $0xFFFFFFFF  }
0xb6: {  	s28 =	simm.s32 $_size_execute0_lowered;
	s3 =	sadd.s32 s3, s5;
	[dreg:$0x0] =	wrdreg $0x0  }
0xb7: {  	s5 =	sshll.u32 s28, $0x1;
	[dreg:$0x2] =	wrdreg s3  }
0xb8: {  	[dreg:$0x3] =	wrdreg s5  }
0xb9: {  	[dreg:$0x4] =	wrdreg $0xC0  }
0xba: {  	_ =	task [dreg:s22], $0x5FFFF  }
0xbb: {  	[dreg:$0x1] =	wrdreg $0xFFFFFFFF  }
0xbc: {  	[dreg:$0x0] =	wrdreg $0x60  }
0xbd: {  	[dreg:$0x2] =	wrdreg s24  }
0xbe: {  	[dreg:$0x3] =	wrdreg $0x90000  }
0xbf: {  	[dreg:$0x4] =	wrdreg $0xB  }
0xc0: {  	_ =	task.clear_ibuf [dreg:s22], $0x5FFFF;
	_ =	strace $0x90000049  }
0xc1: {  	s29 =	simm.s32 $0xB;
	_ =	strace $0x8000004B  }
0xc2: {  	_ =	swait.ge [sflag:s29], $0x1  }
0xc3: {  	[sflag:s29] =	ssyncadd.s32 $0xFFFFFFFF  }
0xc4: {  	_ =	strace $0x9000004B  }
0xc5: {  	_ =	sfence  }
0xc6: {  	s30 =	sld [smem:$0x0];
	_ =	sdelay $0x2  }
0xc7: {  	s31 =	sshll.u32 s1, $0xD;
	s1 =	sshrl.u32 s1, $0x2  }
0xc8: {  	s4 =	sand.u32 $0x4000, s31;
	s1 =	sadd.s32 s1, s30  }
0xc9: {  	s0 =	sor.u32 s4, s0;
	s1 =	sshll.u32 s1, $0x11  }
0xca: {  	s0 =	sor.u32 s1, s0  }
0xcb: {  	s0 =	sadd.s32 $0x8F2B, s0  }
0xcc: {  	[sflag:s0] =	ssyncadd.remote.s32 $0x1  }
0xcd: {  	_ =	sfence.sel $0xFFFF  }
0xce: {  	[dreg:$0x0] =	wrdreg $0xFFFFFFFF;
	(pc) =	sbr.abs _section_cstart, $3  }
0xcf: {  	[dreg:$0x1] =	wrdreg $0xFFFFFFFF  }
0xd0: {  	_ =	task.clear_ibuf [dreg:s22], $0x2FFFF;
	_ =	strace $0x9FFFFFFF  }
0xd1: {  	(tm) =	ssettm $0x7FFFFFFF  }
tec
execute0_lowered:
.L_overlay_start_1:
0x0: {  	(tag) =	ssettag $0x1  }
0x1: {  	s1 =	srdreg.scid;
	s6 =	rddreg [dreg:$0x0]  }
0x2: {  	s0 =	stileid.u32;
	s2 =	rddreg [dreg:$0x1];
	s3 =	simm.s32 $0x0  }
0x3: {  	s14 =	simm.s32 $0x80;
	s15 =	simm.s32 $0x4F00;
	s16 =	simm.s32 $0x5000  }
0x4: {  	s17 =	simm.s32 $0x1;
	s18 =	simm.s32 $0x4F80;
	s19 =	simm.s32 $0x0  }
0x5: {  	s5 =	sand.u32 $0x1, s1;
	s24 =	sshll.u32 s0, $0x1;
	s9 =	smul.u32 $0x5000, s0  }
0x6: {  	[smem:$0x7FF] =	sst s3;
	s4 =	sadd.s32 $0x32000, s6;
	s28 =	smul.u32 $0x14000, s0  }
0x7: {  	s31 =	sshll.u32 s0, $0x6;
	s1 =	sor.u32 s5, s24;
	s8 =	smul.u32 $0x50000, s5  }
0x8: {  	s26 =	ssub.s32 $0x2, s5;
	s5 =	sadd.s32 $0x11A00, s6;
	s7 =	smul.u32 $0x4F0, s1  }
0x9: {  	s1 =	rddreg [dreg:$0x2];
	_ =	strace $0x8000004A;
	s29 =	sshrl.u32 s26, $0x1  }
0xa: {  	s30 =	sshrl.u32 s28, $0x2;
	s25 =	sadd.s32 s9, s8;
	s12 =	ssub.s32 s26, s29  }
0xb: {  	s13 =	sadd.s32 s30, s2;
	s10 =	sadd.s32 s7, s6;
	s7 =	sshrl.u32 s25, $0x3  }
0xc: {  	s11 =	sadd.s32 s7, s6;
	s6 =	sor.u32 $0x1C02, s31;
	s7 =	sadd.s32 $0x28200, s10  }
0xd: {  	s8 =	sadd.s32 $0x7400, s10;
	s10 =	smax.u32 s12, $0x1;
	s12 =	simm.s32 $0x2  }
0xe: {  	s9 =	sadd.s32 $0x59800, s11;
	s11 =	sshrl.u32 s13, $0x3;
	s13 =	simm.s32 $0x2780  }
.LBB2_1:
0xf: {  	[spmem:s11], [sflag:s6] =	dma.local [hbm:s5], $0xA00  }
0x10: {  	_ =	swait.ge [sflag:s12], $0xA00  }
0x11: {  	[sflag:s12] =	ssyncset.done $0x0  }
0x12: {  	[sflag:s12] =	ssyncadd.s32 $0xFFFFF600  }
0x13: {  	[tilespmem:s3], [sflag:$0x2] =	stream.linear.gather [hbm4b:s7+s3], $0x2780, $0x38;
	[tilespmem:$0xE000] =	vst v63  }
0x14: {  	_ =	swait.ge [sflag:s12], $0x2780  }
0x15: {  	[sflag:s12] =	ssyncset.done $0x0  }
0x16: {  	[sflag:s12] =	ssyncadd.s32 $0xFFFFD880  }
0x17: {  	[tilespmem:s13], [sflag:$0x2] =	stream.linear.gather [hbm4b:s8+s3], $0x2780, $0x38;
	[tilespmem:$0xE000] =	vst v63  }
0x18: {  	_ =	swait.ge [sflag:s12], $0x2780  }
0x19: {  	[sflag:s12] =	ssyncset.done $0x0  }
0x1a: {  	[sflag:s12] =	ssyncadd.s32 $0xFFFFD880  }
0x1b: {  	s20 =	simm.s32 $0x0;
	[bflag:$0x0] =	sbarrier.arrive $0xFFFF  }
0x1c: {  	v0 =	vld [tilespmem:s20+$0x0];
	_ =	sdelay $0x4  }
0x1d: {  	[tilespmem:$0x4F00] =	vst v0  }
0x1e: {  	v0 =	vld [tilespmem:s20+$0x10];
	_ =	sdelay $0x4  }
0x1f: {  	[tilespmem:$0x4F10] =	vst v0  }
0x20: {  	v0 =	vld [tilespmem:s20+$0x20];
	_ =	sdelay $0x4  }
0x21: {  	[tilespmem:$0x4F20] =	vst v0  }
0x22: {  	v0 =	vld [tilespmem:s20+$0x30];
	_ =	sdelay $0x4  }
0x23: {  	[tilespmem:$0x4F30] =	vst v0  }
0x24: {  	v0 =	vld [tilespmem:s20+$0x40];
	_ =	sdelay $0x4  }
0x25: {  	[tilespmem:$0x4F40] =	vst v0  }
0x26: {  	v0 =	vld [tilespmem:s20+$0x50];
	_ =	sdelay $0x4  }
0x27: {  	[tilespmem:$0x4F50] =	vst v0  }
0x28: {  	v0 =	vld [tilespmem:s20+$0x60];
	_ =	sdelay $0x4  }
0x29: {  	[tilespmem:$0x4F60] =	vst v0  }
0x2a: {  	v0 =	vld [tilespmem:s20+$0x70];
	_ =	sdelay $0x4  }
0x2b: {  	[tilespmem:$0x4F70] =	vst v0  }
0x2c: {  	v0 =	vld [tilespmem:s20+$0x2780];
	_ =	sdelay $0x4  }
0x2d: {  	[tilespmem:$0x4F80] =	vst v0  }
0x2e: {  	v0 =	vld [tilespmem:s20+$0x2790];
	_ =	sdelay $0x4  }
0x2f: {  	[tilespmem:$0x4F90] =	vst v0  }
0x30: {  	v0 =	vld [tilespmem:s20+$0x27A0];
	_ =	sdelay $0x4  }
0x31: {  	[tilespmem:$0x4FA0] =	vst v0  }
0x32: {  	v0 =	vld [tilespmem:s20+$0x27B0];
	_ =	sdelay $0x4  }
0x33: {  	[tilespmem:$0x4FB0] =	vst v0  }
0x34: {  	v0 =	vld [tilespmem:s20+$0x27C0];
	_ =	sdelay $0x4  }
0x35: {  	[tilespmem:$0x4FC0] =	vst v0  }
0x36: {  	v0 =	vld [tilespmem:s20+$0x27D0];
	_ =	sdelay $0x4  }
0x37: {  	[tilespmem:$0x4FD0] =	vst v0  }
0x38: {  	v0 =	vld [tilespmem:s20+$0x27E0];
	_ =	sdelay $0x4  }
0x39: {  	[tilespmem:$0x4FE0] =	vst v0  }
0x3a: {  	v0 =	vld [tilespmem:s20+$0x27F0];
	_ =	sdelay $0x4  }
0x3b: {  	[tilespmem:$0x4FF0] =	vst v0  }
0x3c: {  	[tilespmem:s16], [sflag:$0x1] =	stream.indirect.gather [hbm4b:s4+s14], $0x80, s15, s14, $0xb8;
	[tilespmem:$0xE000] =	vst v63  }
0x3d: {  	_ =	swait.ge [sflag:s17], $0x4000  }
0x3e: {  	[sflag:s17] =	ssyncset.done $0x0  }
0x3f: {  	[sflag:s17] =	ssyncadd.s32 $0xFFFFC000  }
0x40: {  	[spmem:s2] =	stream.indirect.scatter.add.f32 [tilespmem:s16], [sflag:$0x2], $0x80, s18, s14, $0xb8;
	[tilespmem:$0xE000] =	vst v63  }
0x41: {  	_ =	swait.ge [sflag:s12], $0x4000  }
0x42: {  	s23 =	simm.s32 $0x400;
	s20 =	simm.s32 $0x200;
	[sflag:s12] =	ssyncset.done $0x0  }
.LBB2_2:
0x43: {  	s22 =	sshra.s32 s20, $0x2  }
0x44: {  	[sflag:s12] =	ssyncadd.s32 $0xFFFFC000;
	s20 =	smov.u32 s23;
	s21 =	sadd.s32 $0x200, s23  }
0x45: {  	p0 =	sne.s32 s23, $0x9C00;
	v0 =	vld [tilespmem:s22+$0x0];
	_ =	sdelay $0x4  }
0x46: {  	[tilespmem:$0x4F00] =	vst v0  }
0x47: {  	v0 =	vld [tilespmem:s22+$0x10];
	_ =	sdelay $0x4  }
0x48: {  	[tilespmem:$0x4F10] =	vst v0  }
0x49: {  	v0 =	vld [tilespmem:s22+$0x20];
	_ =	sdelay $0x4  }
0x4a: {  	[tilespmem:$0x4F20] =	vst v0  }
0x4b: {  	v0 =	vld [tilespmem:s22+$0x30];
	_ =	sdelay $0x4  }
0x4c: {  	[tilespmem:$0x4F30] =	vst v0  }
0x4d: {  	v0 =	vld [tilespmem:s22+$0x40];
	_ =	sdelay $0x4  }
0x4e: {  	[tilespmem:$0x4F40] =	vst v0  }
0x4f: {  	v0 =	vld [tilespmem:s22+$0x50];
	_ =	sdelay $0x4  }
0x50: {  	[tilespmem:$0x4F50] =	vst v0  }
0x51: {  	v0 =	vld [tilespmem:s22+$0x60];
	_ =	sdelay $0x4  }
0x52: {  	[tilespmem:$0x4F60] =	vst v0  }
0x53: {  	v0 =	vld [tilespmem:s22+$0x70];
	_ =	sdelay $0x4  }
0x54: {  	[tilespmem:$0x4F70] =	vst v0  }
0x55: {  	v0 =	vld [tilespmem:s22+$0x2780];
	_ =	sdelay $0x4  }
0x56: {  	[tilespmem:$0x4F80] =	vst v0  }
0x57: {  	v0 =	vld [tilespmem:s22+$0x2790];
	_ =	sdelay $0x4  }
0x58: {  	[tilespmem:$0x4F90] =	vst v0  }
0x59: {  	v0 =	vld [tilespmem:s22+$0x27A0];
	_ =	sdelay $0x4  }
0x5a: {  	[tilespmem:$0x4FA0] =	vst v0  }
0x5b: {  	v0 =	vld [tilespmem:s22+$0x27B0];
	_ =	sdelay $0x4  }
0x5c: {  	[tilespmem:$0x4FB0] =	vst v0  }
0x5d: {  	v0 =	vld [tilespmem:s22+$0x27C0];
	_ =	sdelay $0x4  }
0x5e: {  	[tilespmem:$0x4FC0] =	vst v0  }
0x5f: {  	v0 =	vld [tilespmem:s22+$0x27D0];
	_ =	sdelay $0x4  }
0x60: {  	[tilespmem:$0x4FD0] =	vst v0  }
0x61: {  	v0 =	vld [tilespmem:s22+$0x27E0];
	_ =	sdelay $0x4  }
0x62: {  	[tilespmem:$0x4FE0] =	vst v0  }
0x63: {  	v0 =	vld [tilespmem:s22+$0x27F0];
	_ =	sdelay $0x4  }
0x64: {  	[tilespmem:$0x4FF0] =	vst v0  }
0x65: {  	[tilespmem:s16], [sflag:$0x1] =	stream.indirect.gather [hbm4b:s4+s14], $0x80, s15, s14, $0xb8;
	[tilespmem:$0xE000] =	vst v63  }
0x66: {  	_ =	swait.ge [sflag:s17], $0x4000  }
.Ltmp0:
0x67: {  	[sflag:s17] =	ssyncset.done $0x0;
	(pc) =	sbr.rel @p0 .LBB2_2-.Ltmp0, $4  }
0x68: {  	[sflag:s17] =	ssyncadd.s32 $0xFFFFC000  }
0x69: {  	[spmem:s2] =	stream.indirect.scatter.add.f32 [tilespmem:s16], [sflag:$0x2], $0x80, s18, s14, $0xb8;
	[tilespmem:$0xE000] =	vst v63  }
0x6a: {  	_ =	swait.ge [sflag:s12], $0x4000  }
0x6b: {  	s23 =	smov.u32 s21;
	[sflag:s12] =	ssyncset.done $0x0  }
0x6c: {  	s20 =	sshra.s32 s20, $0x2;
	[sflag:s12] =	ssyncadd.s32 $0xFFFFC000  }
0x6d: {  	v0 =	vld [tilespmem:s20+$0x0];
	_ =	sdelay $0x4  }
0x6e: {  	[tilespmem:$0x4F00] =	vst v0  }
0x6f: {  	v0 =	vld [tilespmem:s20+$0x10];
	_ =	sdelay $0x4  }
0x70: {  	[tilespmem:$0x4F10] =	vst v0  }
0x71: {  	v0 =	vld [tilespmem:s20+$0x20];
	_ =	sdelay $0x4  }
0x72: {  	[tilespmem:$0x4F20] =	vst v0  }
0x73: {  	v0 =	vld [tilespmem:s20+$0x30];
	_ =	sdelay $0x4  }
0x74: {  	[tilespmem:$0x4F30] =	vst v0  }
0x75: {  	v0 =	vld [tilespmem:s20+$0x40];
	_ =	sdelay $0x4  }
0x76: {  	[tilespmem:$0x4F40] =	vst v0  }
0x77: {  	v0 =	vld [tilespmem:s20+$0x50];
	_ =	sdelay $0x4  }
0x78: {  	[tilespmem:$0x4F50] =	vst v0  }
0x79: {  	v0 =	vld [tilespmem:s20+$0x60];
	_ =	sdelay $0x4  }
0x7a: {  	[tilespmem:$0x4F60] =	vst v0  }
0x7b: {  	v0 =	vld [tilespmem:s20+$0x70];
	_ =	sdelay $0x4  }
0x7c: {  	[tilespmem:$0x4F70] =	vst v0  }
0x7d: {  	v0 =	vld [tilespmem:s20+$0x2780];
	_ =	sdelay $0x4  }
0x7e: {  	[tilespmem:$0x4F80] =	vst v0  }
0x7f: {  	v0 =	vld [tilespmem:s20+$0x2790];
	_ =	sdelay $0x4  }
0x80: {  	[tilespmem:$0x4F90] =	vst v0  }
0x81: {  	v0 =	vld [tilespmem:s20+$0x27A0];
	_ =	sdelay $0x4  }
0x82: {  	[tilespmem:$0x4FA0] =	vst v0  }
0x83: {  	v0 =	vld [tilespmem:s20+$0x27B0];
	_ =	sdelay $0x4  }
0x84: {  	[tilespmem:$0x4FB0] =	vst v0  }
0x85: {  	v0 =	vld [tilespmem:s20+$0x27C0];
	_ =	sdelay $0x4  }
0x86: {  	[tilespmem:$0x4FC0] =	vst v0  }
0x87: {  	v0 =	vld [tilespmem:s20+$0x27D0];
	_ =	sdelay $0x4  }
0x88: {  	[tilespmem:$0x4FD0] =	vst v0  }
0x89: {  	v0 =	vld [tilespmem:s20+$0x27E0];
	_ =	sdelay $0x4  }
0x8a: {  	[tilespmem:$0x4FE0] =	vst v0  }
0x8b: {  	v0 =	vld [tilespmem:s20+$0x27F0];
	_ =	sdelay $0x4  }
0x8c: {  	[tilespmem:$0x4FF0] =	vst v0  }
0x8d: {  	[tilespmem:s16], [sflag:$0x1] =	stream.indirect.gather [hbm4b:s4+s14], $0x80, s15, s14, $0xb8;
	[tilespmem:$0xE000] =	vst v63  }
0x8e: {  	_ =	swait.ge [sflag:s17], $0x4000  }
0x8f: {  	[sflag:s17] =	ssyncset.done $0x0  }
0x90: {  	[sflag:s17] =	ssyncadd.s32 $0xFFFFC000  }
0x91: {  	[spmem:s2] =	stream.indirect.scatter.add.f32 [tilespmem:s16], [sflag:$0x2], $0x80, s18, s14, $0xb8;
	[tilespmem:$0xE000] =	vst v63  }
0x92: {  	_ =	swait.ge [sflag:s12], $0x4000  }
0x93: {  	s19 =	sadd.s32 $0x1, s19;
	[sflag:s12] =	ssyncset.done $0x0  }
0x94: {  	p0 =	sne.s32 s19, s10;
	[sflag:s12] =	ssyncadd.s32 $0xFFFFC000  }
.Ltmp1:
0x95: {  	[bflag:$0x0] =	sbarrier.arrive $0xFFFF;
	(pc) =	sbr.rel @p0 .LBB2_1-.Ltmp1, $4  }
0x96: {  	[hbm:s9], [sflag:s6] =	dma.local [spmem:s11], $0xA00  }
0x97: {  	_ =	swait.ge [sflag:s12], $0xA00  }
0x98: {  	[sflag:s12] =	ssyncset.done $0x0  }
0x99: {  	[sflag:s12] =	ssyncadd.s32 $0xFFFFF600  }
0x9a: {  	_ =	sfence.sel $0x180000  }
0x9b: {  	[bflag:$0x0] =	sbarrier.arrive $0xFFFF  }
0x9c: {  	p0 =	sne.s32 s0, $0x0;
	_ =	strace $0x9000004A  }
0x9d: {  	s0 =	sadd.s32 @!p0 $0x100000, s1;
	[bflag:$0x2] =	sbarrier.arrive $0xFFFF  }
0x9e: {  	[sflag:s0] =	ssyncadd.tile.s32 @!p0 $0x1;
	_ =	shalt  }
.Lfunc_end2:
_tile_overlayer_lowered:
.L_overlay_start_2:
0x9f: {  	(tag) =	ssettag $0x2  }
0xa0: {  	s0 =	rddreg [dreg:$0x0];
	s2 =	stileid.u32  }
0xa1: {  	s1 =	rddreg [dreg:$0x1];
	p0 =	sne.s32 s2, $0x0  }
0xa2: {  	s3 =	rddreg [dreg:$0x2];
	[bflag:$0x3] =	sbarrier.arrive $0xFFFF;
	s2 =	simm.s32 @!p0 $0x1C02  }
0xa3: {  	[timem:s3], [sflag:s2] =	dma.local @!p0 [hbm:s0], s1  }
0xa4: {  	s0 =	simm.s32 @!p0 $0x2  }
0xa5: {  	_ =	swait.ge @!p0 [sflag:s0], s1  }
0xa6: {  	s1 =	ssub.s32 @!p0 $0x0, s1;
	[sflag:s0] =	ssyncset.done @!p0 $0x0  }
0xa7: {  	[sflag:s0] =	ssyncadd.s32 @!p0 s1  }
0xa8: {  	[bflag:$0x3] =	sbarrier.arrive $0xFFFF  }
0xa9: {  	_ =	shalt  }

// kernel: kernel.27.cloned.1.call-start
scs
__scs_entry_jumppad:
0x0: {  	(pc) =	sbr.rel $0x88, $3  }
0x1: {  	(tag) =	ssettag $0x0;
	lr =	simm.s32 $0x1  }
0x2: {  	[smem:$0x3F98] =	sst lr;
	_ =	strace $0xD0000000  }
0x3: {  	_ = 	snop  }
0x4: {  	_ = 	snop  }
0x5: {  	_ = 	snop  }
0x6: {  	_ = 	snop  }
0x7: {  	_ = 	snop  }
__scs_overlays_trampoline_lowered:
0x8: {  	[smem:$0x3FA7] =	sst s0  }
0x9: {  	[smem:$0x3FA8] =	sst s1  }
0xa: {  	[smem:$0x3FA9] =	sst s2  }
0xb: {  	[smem:$0x3FAA] =	sst s3  }
0xc: {  	[smem:$0x3FAB] =	sst s4  }
0xd: {  	[smem:$0x3FAC] =	sst s5  }
0xe: {  	[smem:$0x3FAD] =	sst s6  }
0xf: {  	[smem:$0x3FAE] =	sst s7  }
0x10: {  	[smem:$0x3FAF] =	sst s8  }
0x11: {  	[smem:$0x3FB0] =	sst s9;
	s0 =	simm.s32 @!p0 $0x0  }
0x12: {  	s1 =	sld [smem:$0x3F96];
	s0 =	simm.s32 @p0 $0x1  }
0x13: {  	[smem:$0x3FB1] =	sst s0;
	s0 =	simm.s32 @!p1 $0x0  }
0x14: {  	s2 =	sld [smem:$0x3F95];
	s0 =	simm.s32 @p1 $0x1  }
0x15: {  	[smem:$0x3FB2] =	sst s0;
	s0 =	simm.s32 @!p2 $0x0  }
0x16: {  	s3 =	sld [smem:$0x3FDB];
	s0 =	simm.s32 @p2 $0x1  }
0x17: {  	s4 =	simm.s32 $0x1BF5;
	[smem:$0x3FB4] =	sst s0  }
0x18: {  	s0 =	sld [smem:$0x3F97];
	_ =	swait.ge [sflag:s4], $0x0  }
0x19: {  	s7 =	sld [smem:$0x3F98]  }
0x1a: {  	s8 =	sadd.s32 $0xFFFFE003, lr  }
0x1b: {  	s9 =	sadd.s32 $0xFFFFFEF7, lr;
	s5 =	simm.s32 $0xFFFFFFFF;
	p2 =	slt.u32 s8, $0xFFFFF086  }
0x1c: {  	p1 =	slt.u32 s9, $0xF7A;
	s5 =	simm.s32 @!p2 $0x0  }
0x1d: {  	s5 =	simm.s32 @p1 $0x1;
	p0 =	seq.s32 s7, s2  }
0x1e: {  	s7 =	smul.u32 @!p0 $0xF7A, s2;
	p2 =	seq.s32 @!p0 s5, $0x0  }
0x1f: {  	s9 =	smul.u32 $0xF7A, s1;
	s8 =	simm.s32 @!p0 $0x1BF5;
	p2 =	por !p2, p0  }
0x20: {  	[sflag:s8] =	ssyncset.s32 @!p0 $0xFFFFF086;
	s6 =	sadd.s32 @!p0 s3, s7;
	s7 =	simm.s32 @!p0 $0x108  }
0x21: {  	s3 =	sadd.s32 s3, s9;
	s6 =	sadd.s32 @!p0 $0x88, s6;
	s7 =	simm.s32 @p2 $0x1082  }
0x22: {  	[simem:s7], [sflag:s8] =	dma.local @!p0 [hbm:s6], $0xF7A  }
0x23: {  	s9 =	sor.u32 $0xD0000000, s2;
	s6 =	simm.s32 $0x108;
	_ =	swait.ge @!p0 [sflag:s8], $0x0  }
0x24: {  	s3 =	sadd.s32 $0x88, s3;
	s6 =	simm.s32 @!p1 $0x1082;
	[sflag:s4] =	ssyncset.s32 $0xFFFFF086  }
0x25: {  	[simem:s6], [sflag:s4] =	dma.local [hbm:s3], $0xF7A  }
0x26: {  	[smem:$0x3F98] =	sst s1;
	(tag) =	ssettag s2;
	_ =	strace s9  }
0x27: {  	s1 =	sld [smem:$0x3FA8]  }
0x28: {  	s2 =	sld [smem:$0x3FA9]  }
0x29: {  	s4 =	sld [smem:$0x3FAB]  }
0x2a: {  	p0 =	seq.s32 s5, $0x0;
	s5 =	sld [smem:$0x3FAC]  }
0x2b: {  	s6 =	sld [smem:$0x3FAD]  }
0x2c: {  	s7 =	sld [smem:$0x3FAE]  }
0x2d: {  	s3 =	simm.s32 $0x108;
	s8 =	sld [smem:$0x3FAF]  }
0x2e: {  	s3 =	simm.s32 @!p0 $0x1082;
	s9 =	sld [smem:$0x3FB0]  }
0x2f: {  	lr =	sadd.s32 s0, s3;
	s0 =	sld [smem:$0x3FA7]  }
0x30: {  	s3 =	sld [smem:$0x3FAA]  }
0x31: {  	[smem:$0x3FB3] =	sst s10  }
0x32: {  	s10 =	sld [smem:$0x3FB1];
	_ =	sdelay $0x3  }
0x33: {  	p0 =	seq.s32 s10, $0x1;
	s10 =	sld [smem:$0x3FB3];
	_ =	sdelay $0x3  }
0x34: {  	[smem:$0x3FB3] =	sst s10  }
0x35: {  	s10 =	sld [smem:$0x3FB2];
	_ =	sdelay $0x3  }
0x36: {  	p1 =	seq.s32 s10, $0x1;
	s10 =	sld [smem:$0x3FB3];
	_ =	sdelay $0x3  }
0x37: {  	[smem:$0x3FB3] =	sst s10  }
0x38: {  	s10 =	sld [smem:$0x3FB4]  }
0x39: {  	_ = 	snop;
	(pc) =	sbr.ind lr, $3  }
0x3a: {  	_ = 	snop  }
0x3b: {  	_ = 	snop  }
0x3c: {  	p2 =	seq.s32 s10, $0x1;
	s10 =	sld [smem:$0x3FB3]  }
0x3d: {  	_ =	shalt  }
0x3e: {  	_ =	shalt  }
0x3f: {  	_ =	shalt  }
0x40: {  	_ =	shalt  }
0x41: {  	_ =	shalt  }
0x42: {  	_ =	shalt  }
0x43: {  	_ =	shalt  }
0x44: {  	_ =	shalt  }
0x45: {  	_ =	shalt  }
0x46: {  	_ =	shalt  }
0x47: {  	_ =	shalt  }
0x48: {  	_ =	shalt  }
0x49: {  	_ =	shalt  }
0x4a: {  	_ =	shalt  }
0x4b: {  	_ =	shalt  }
0x4c: {  	_ =	shalt  }
0x4d: {  	_ =	shalt  }
0x4e: {  	_ =	shalt  }
0x4f: {  	_ =	shalt  }
0x50: {  	_ =	shalt  }
0x51: {  	_ =	shalt  }
0x52: {  	_ =	shalt  }
0x53: {  	_ =	shalt  }
0x54: {  	_ =	shalt  }
0x55: {  	_ =	shalt  }
0x56: {  	_ =	shalt  }
0x57: {  	_ =	shalt  }
0x58: {  	_ =	shalt  }
0x59: {  	_ =	shalt  }
0x5a: {  	_ =	shalt  }
0x5b: {  	_ =	shalt  }
0x5c: {  	_ =	shalt  }
0x5d: {  	_ =	shalt  }
0x5e: {  	_ =	shalt  }
0x5f: {  	_ =	shalt  }
0x60: {  	_ =	shalt  }
0x61: {  	_ =	shalt  }
0x62: {  	_ =	shalt  }
0x63: {  	_ =	shalt  }
0x64: {  	_ =	shalt  }
0x65: {  	_ =	shalt  }
0x66: {  	_ =	shalt  }
0x67: {  	_ =	shalt  }
0x68: {  	_ =	shalt  }
0x69: {  	_ =	shalt  }
0x6a: {  	_ =	shalt  }
0x6b: {  	_ =	shalt  }
0x6c: {  	_ =	shalt  }
0x6d: {  	_ =	shalt  }
0x6e: {  	_ =	shalt  }
0x6f: {  	_ =	shalt  }
0x70: {  	_ =	shalt  }
0x71: {  	_ =	shalt  }
0x72: {  	_ =	shalt  }
0x73: {  	_ =	shalt  }
0x74: {  	_ =	shalt  }
0x75: {  	_ =	shalt  }
0x76: {  	_ =	shalt  }
0x77: {  	_ =	shalt  }
0x78: {  	_ =	shalt  }
0x79: {  	_ =	shalt  }
0x7a: {  	_ =	shalt  }
0x7b: {  	_ =	shalt  }
0x7c: {  	_ =	shalt  }
0x7d: {  	_ =	shalt  }
0x7e: {  	_ =	shalt  }
0x7f: {  	_ =	shalt  }
0x80: {  	_ =	shalt  }
0x81: {  	_ =	shalt  }
0x82: {  	_ =	shalt  }
0x83: {  	_ =	shalt  }
0x84: {  	_ =	shalt  }
0x85: {  	_ =	shalt  }
0x86: {  	_ =	shalt  }
0x87: {  	_ =	shalt  }
.Lfunc_end0:
.L_simem_size_0:
called_computation.3_lowered:
.L_overlay_start_0:
0x88: {  	s2 =	sld [smem:$0x3FD9]  }
0x89: {  	s3 =	sld [smem:$0x3FFE];
	_ =	sdelay $0x1  }
0x8a: {  	s1 =	srdreg.scid  }
0x8b: {  	s0 =	sand.u32 $0x1, s1  }
0x8c: {  	s17 =	sshll.u32 s0, $0xA;
	s2 =	sadd.s32 s3, s2  }
0x8d: {  	s2 =	sadd.s32 s2, s17  }
0x8e: {  	[smem:$0x3FBF] =	sst s2  }
0x8f: {  	_ = 	snop  }
0x90: {  	(tm) =	ssettm $0x1  }
0x91: {  	s18 =	sld [smem:$0x3FFB];
	_ =	sdelay $0x3  }
0x92: {  	_ =	strace s18  }
0x93: {  	s2 =	sld [smem:$0x3FFC];
	_ =	sdelay $0x3  }
0x94: {  	_ =	strace s2  }
0x95: {  	s2 =	sld [smem:$0x3FFD];
	_ =	sdelay $0x3  }
0x96: {  	_ =	strace s2  }
0x97: {  	_ =	strace $0x8FFFFFFF  }
0x98: {  	s19 =	sld [smem:$0x3FDB];
	_ =	sdelay $0x1  }
0x99: {  	s20 =	simm.s32 $_scs_section_size  }
0x9a: {  	s4 =	simm.s32 $_size__tile_overlayer_lowered;
	s5 =	simm.s32 $_tile_overlayer_lowered  }
0x9b: {  	s6 =	simm.s32 $0x1BFF;
	s21 =	sshll.u32 s5, $0x1;
	s3 =	sadd.s32 s20, s19  }
0x9c: {  	s22 =	simm.s32 $0x0;
	s4 =	sshll.u32 s4, $0x1;
	s5 =	sadd.s32 s21, s3  }
0x9d: {  	[timem:s22], [sflag:s6] =	dma.local [hbm:s5], s4  }
0x9e: {  	_ =	swait.ge [sflag:s6], s4  }
0x9f: {  	s4 =	ssub.s32 $0x0, s4;
	[sflag:s6] =	ssyncset.done $0x0  }
0xa0: {  	[sflag:s6] =	ssyncadd.s32 s4;
	_ =	sdelay $0x1  }
0xa1: {  	s23 =	simm.s32 $0x1B8B  }
0xa2: {  	_ =	swait.ge [sflag:s23], $0x1  }
0xa3: {  	[sflag:s23] =	ssyncset.done $0x0  }
0xa4: {  	[sflag:s23] =	ssyncadd.s32 $0xFFFFFFFF  }
0xa5: {  	s4 =	sld [smem:$0x0]  }
0xa6: {  	s5 =	sand.u32 $0xFFFFFFFE, s1  }
0xa7: {  	p0 =	sne.s32 s1, s5  }
0xa8: {  	s5 =	sshll.u32 @p0 s5, $0xE  }
0xa9: {  	s5 =	sadd.s32 @p0 $0x11B8D, s5;
	s6 =	sshll.u32 @p0 s4, $0x11  }
0xaa: {  	s5 =	sor.u32 @p0 s6, s5  }
0xab: {  	[sflag:s5] =	ssyncadd.remote.s32 @p0 $0x1;
	_ =	sdelay $0x1  }
0xac: {  	s5 =	simm.s32 @p0 $0x1B8D  }
0xad: {  	_ =	swait.eq @p0 [sflag:s5], $0x1  }
0xae: {  	[sflag:s5] =	ssyncadd.s32 @p0 $0xFFFFFFFF  }
0xaf: {  	s6 =	sshll.u32 @!p0 s1, $0xE  }
0xb0: {  	s6 =	sor.u32 @!p0 $0x4000, s6;
	s5 =	simm.s32 @!p0 $0x1B8D  }
0xb1: {  	s4 =	sshll.u32 @!p0 s4, $0x11;
	s6 =	sadd.s32 @!p0 $0x11B8D, s6;
	_ =	swait.eq @!p0 [sflag:s5], $0x1  }
0xb2: {  	s4 =	sor.u32 @!p0 s4, s6;
	[sflag:s5] =	ssyncadd.s32 @!p0 $0xFFFFFFFF  }
0xb3: {  	s25 =	simm.s32 $0x1B8E;
	s24 =	sld [smem:$0x3FFE];
	[sflag:s4] =	ssyncadd.remote.s32 @!p0 $0x1  }
0xb4: {  	s26 =	simm.s32 $execute0_lowered;
	[smem:$0x3FD2] =	sst s25  }
0xb5: {  	s5 =	sshll.u32 s26, $0x1;
	_ =	strace $0x8000004F;
	[dreg:$0x1] =	wrdreg $0xFFFFFFFF  }
0xb6: {  	s28 =	simm.s32 $_size_execute0_lowered;
	s3 =	sadd.s32 s3, s5;
	[dreg:$0x0] =	wrdreg $0x0  }
0xb7: {  	s5 =	sshll.u32 s28, $0x1;
	[dreg:$0x2] =	wrdreg s3  }
0xb8: {  	[dreg:$0x3] =	wrdreg s5  }
0xb9: {  	[dreg:$0x4] =	wrdreg $0xC0  }
0xba: {  	_ =	task [dreg:s22], $0x5FFFF  }
0xbb: {  	[dreg:$0x1] =	wrdreg $0xFFFFFFFF  }
0xbc: {  	[dreg:$0x0] =	wrdreg $0x60  }
0xbd: {  	[dreg:$0x2] =	wrdreg s24  }
0xbe: {  	[dreg:$0x3] =	wrdreg $0x90000  }
0xbf: {  	[dreg:$0x4] =	wrdreg $0xA  }
0xc0: {  	_ =	task.clear_ibuf [dreg:s22], $0x5FFFF;
	_ =	strace $0x9000004F  }
0xc1: {  	s29 =	simm.s32 $0xA;
	_ =	strace $0x80000051  }
0xc2: {  	_ =	swait.ge [sflag:s29], $0x1  }
0xc3: {  	[sflag:s29] =	ssyncadd.s32 $0xFFFFFFFF  }
0xc4: {  	_ =	strace $0x90000051  }
0xc5: {  	_ =	sfence  }
0xc6: {  	s30 =	sld [smem:$0x0];
	_ =	sdelay $0x2  }
0xc7: {  	s31 =	sshll.u32 s1, $0xD;
	s1 =	sshrl.u32 s1, $0x2  }
0xc8: {  	s4 =	sand.u32 $0x4000, s31;
	s1 =	sadd.s32 s1, s30  }
0xc9: {  	s0 =	sor.u32 s4, s0;
	s1 =	sshll.u32 s1, $0x11  }
0xca: {  	s0 =	sor.u32 s1, s0  }
0xcb: {  	s0 =	sadd.s32 $0x8F2B, s0  }
0xcc: {  	[sflag:s0] =	ssyncadd.remote.s32 $0x1  }
0xcd: {  	_ =	sfence.sel $0xFFFF  }
0xce: {  	[dreg:$0x0] =	wrdreg $0xFFFFFFFF;
	(pc) =	sbr.abs _section_cstart, $3  }
0xcf: {  	[dreg:$0x1] =	wrdreg $0xFFFFFFFF  }
0xd0: {  	_ =	task.clear_ibuf [dreg:s22], $0x2FFFF;
	_ =	strace $0x9FFFFFFF  }
0xd1: {  	(tm) =	ssettm $0x7FFFFFFF  }
tec
execute0_lowered:
.L_overlay_start_1:
0x0: {  	(tag) =	ssettag $0x1  }
0x1: {  	s1 =	srdreg.scid;
	s6 =	rddreg [dreg:$0x0]  }
0x2: {  	s0 =	stileid.u32;
	s2 =	rddreg [dreg:$0x1];
	s3 =	simm.s32 $0x0  }
0x3: {  	s14 =	simm.s32 $0x80;
	s15 =	simm.s32 $0x4F00;
	s16 =	simm.s32 $0x5000  }
0x4: {  	s17 =	simm.s32 $0x1;
	s18 =	simm.s32 $0x4F80;
	s19 =	simm.s32 $0x0  }
0x5: {  	s5 =	sand.u32 $0x1, s1;
	s24 =	sshll.u32 s0, $0x1;
	s9 =	smul.u32 $0x13C00, s0  }
0x6: {  	[smem:$0x7FF] =	sst s3;
	s4 =	sadd.s32 $0x59800, s6;
	s28 =	smul.u32 $0x4F000, s0  }
0x7: {  	s31 =	sshll.u32 s0, $0x6;
	s1 =	sor.u32 s5, s24;
	s8 =	smul.u32 $0x13C000, s5  }
0x8: {  	s26 =	ssub.s32 $0x2, s5;
	s5 =	sadd.s32 $0x11A00, s6;
	s7 =	smul.u32 $0x4F0, s1  }
0x9: {  	s1 =	rddreg [dreg:$0x2];
	_ =	strace $0x80000050;
	s29 =	sshrl.u32 s26, $0x1  }
0xa: {  	s30 =	sshrl.u32 s28, $0x2;
	s25 =	sadd.s32 s9, s8;
	s12 =	ssub.s32 s26, s29  }
0xb: {  	s13 =	sadd.s32 s30, s2;
	s10 =	sadd.s32 s7, s6;
	s7 =	sshrl.u32 s25, $0x3  }
0xc: {  	s11 =	sadd.s32 s7, s6;
	s6 =	sor.u32 $0x1C02, s31;
	s7 =	sadd.s32 $0x7400, s10  }
0xd: {  	s8 =	sadd.s32 $0x28200, s10;
	s10 =	smax.u32 s12, $0x1;
	s12 =	simm.s32 $0x2  }
0xe: {  	s9 =	sadd.s32 $0xBC800, s11;
	s11 =	sshrl.u32 s13, $0x3;
	s13 =	simm.s32 $0x2780  }
.LBB2_1:
0xf: {  	[spmem:s11], [sflag:s6] =	dma.local [hbm:s5], $0x2780  }
0x10: {  	_ =	swait.ge [sflag:s12], $0x2780  }
0x11: {  	[sflag:s12] =	ssyncset.done $0x0  }
0x12: {  	[sflag:s12] =	ssyncadd.s32 $0xFFFFD880  }
0x13: {  	[tilespmem:s3], [sflag:$0x2] =	stream.linear.gather [hbm4b:s7+s3], $0x2780, $0x38;
	[tilespmem:$0x1CC00] =	vst v63  }
0x14: {  	_ =	swait.ge [sflag:s12], $0x2780  }
0x15: {  	[sflag:s12] =	ssyncset.done $0x0  }
0x16: {  	[sflag:s12] =	ssyncadd.s32 $0xFFFFD880  }
0x17: {  	[tilespmem:s13], [sflag:$0x2] =	stream.linear.gather [hbm4b:s8+s3], $0x2780, $0x38;
	[tilespmem:$0x1CC00] =	vst v63  }
0x18: {  	_ =	swait.ge [sflag:s12], $0x2780  }
0x19: {  	[sflag:s12] =	ssyncset.done $0x0  }
0x1a: {  	[sflag:s12] =	ssyncadd.s32 $0xFFFFD880  }
0x1b: {  	s20 =	simm.s32 $0x0;
	[bflag:$0x0] =	sbarrier.arrive $0xFFFF  }
0x1c: {  	v0 =	vld [tilespmem:s20+$0x0];
	_ =	sdelay $0x4  }
0x1d: {  	[tilespmem:$0x4F00] =	vst v0  }
0x1e: {  	v0 =	vld [tilespmem:s20+$0x10];
	_ =	sdelay $0x4  }
0x1f: {  	[tilespmem:$0x4F10] =	vst v0  }
0x20: {  	v0 =	vld [tilespmem:s20+$0x20];
	_ =	sdelay $0x4  }
0x21: {  	[tilespmem:$0x4F20] =	vst v0  }
0x22: {  	v0 =	vld [tilespmem:s20+$0x30];
	_ =	sdelay $0x4  }
0x23: {  	[tilespmem:$0x4F30] =	vst v0  }
0x24: {  	v0 =	vld [tilespmem:s20+$0x40];
	_ =	sdelay $0x4  }
0x25: {  	[tilespmem:$0x4F40] =	vst v0  }
0x26: {  	v0 =	vld [tilespmem:s20+$0x50];
	_ =	sdelay $0x4  }
0x27: {  	[tilespmem:$0x4F50] =	vst v0  }
0x28: {  	v0 =	vld [tilespmem:s20+$0x60];
	_ =	sdelay $0x4  }
0x29: {  	[tilespmem:$0x4F60] =	vst v0  }
0x2a: {  	v0 =	vld [tilespmem:s20+$0x70];
	_ =	sdelay $0x4  }
0x2b: {  	[tilespmem:$0x4F70] =	vst v0  }
0x2c: {  	v0 =	vld [tilespmem:s20+$0x2780];
	_ =	sdelay $0x4  }
0x2d: {  	[tilespmem:$0x4F80] =	vst v0  }
0x2e: {  	v0 =	vld [tilespmem:s20+$0x2790];
	_ =	sdelay $0x4  }
0x2f: {  	[tilespmem:$0x4F90] =	vst v0  }
0x30: {  	v0 =	vld [tilespmem:s20+$0x27A0];
	_ =	sdelay $0x4  }
0x31: {  	[tilespmem:$0x4FA0] =	vst v0  }
0x32: {  	v0 =	vld [tilespmem:s20+$0x27B0];
	_ =	sdelay $0x4  }
0x33: {  	[tilespmem:$0x4FB0] =	vst v0  }
0x34: {  	v0 =	vld [tilespmem:s20+$0x27C0];
	_ =	sdelay $0x4  }
0x35: {  	[tilespmem:$0x4FC0] =	vst v0  }
0x36: {  	v0 =	vld [tilespmem:s20+$0x27D0];
	_ =	sdelay $0x4  }
0x37: {  	[tilespmem:$0x4FD0] =	vst v0  }
0x38: {  	v0 =	vld [tilespmem:s20+$0x27E0];
	_ =	sdelay $0x4  }
0x39: {  	[tilespmem:$0x4FE0] =	vst v0  }
0x3a: {  	v0 =	vld [tilespmem:s20+$0x27F0];
	_ =	sdelay $0x4  }
0x3b: {  	[tilespmem:$0x4FF0] =	vst v0  }
0x3c: {  	[tilespmem:s16], [sflag:$0x1] =	stream.indirect.gather [hbm4b:s4+s14], $0x80, s15, s14, $0xb8;
	[tilespmem:$0x1CC00] =	vst v63  }
0x3d: {  	_ =	swait.ge [sflag:s17], $0x4000  }
0x3e: {  	[sflag:s17] =	ssyncset.done $0x0  }
0x3f: {  	[sflag:s17] =	ssyncadd.s32 $0xFFFFC000  }
0x40: {  	[spmem:s2] =	stream.indirect.scatter.add.f32 [tilespmem:s16], [sflag:$0x2], $0x80, s18, s14, $0xb8;
	[tilespmem:$0x1CC00] =	vst v63  }
0x41: {  	_ =	swait.ge [sflag:s12], $0x4000  }
0x42: {  	s23 =	simm.s32 $0x400;
	s20 =	simm.s32 $0x200;
	[sflag:s12] =	ssyncset.done $0x0  }
.LBB2_2:
0x43: {  	s22 =	sshra.s32 s20, $0x2  }
0x44: {  	[sflag:s12] =	ssyncadd.s32 $0xFFFFC000;
	s20 =	smov.u32 s23;
	s21 =	sadd.s32 $0x200, s23  }
0x45: {  	p0 =	sne.s32 s23, $0x9C00;
	v0 =	vld [tilespmem:s22+$0x0];
	_ =	sdelay $0x4  }
0x46: {  	[tilespmem:$0x4F00] =	vst v0  }
0x47: {  	v0 =	vld [tilespmem:s22+$0x10];
	_ =	sdelay $0x4  }
0x48: {  	[tilespmem:$0x4F10] =	vst v0  }
0x49: {  	v0 =	vld [tilespmem:s22+$0x20];
	_ =	sdelay $0x4  }
0x4a: {  	[tilespmem:$0x4F20] =	vst v0  }
0x4b: {  	v0 =	vld [tilespmem:s22+$0x30];
	_ =	sdelay $0x4  }
0x4c: {  	[tilespmem:$0x4F30] =	vst v0  }
0x4d: {  	v0 =	vld [tilespmem:s22+$0x40];
	_ =	sdelay $0x4  }
0x4e: {  	[tilespmem:$0x4F40] =	vst v0  }
0x4f: {  	v0 =	vld [tilespmem:s22+$0x50];
	_ =	sdelay $0x4  }
0x50: {  	[tilespmem:$0x4F50] =	vst v0  }
0x51: {  	v0 =	vld [tilespmem:s22+$0x60];
	_ =	sdelay $0x4  }
0x52: {  	[tilespmem:$0x4F60] =	vst v0  }
0x53: {  	v0 =	vld [tilespmem:s22+$0x70];
	_ =	sdelay $0x4  }
0x54: {  	[tilespmem:$0x4F70] =	vst v0  }
0x55: {  	v0 =	vld [tilespmem:s22+$0x2780];
	_ =	sdelay $0x4  }
0x56: {  	[tilespmem:$0x4F80] =	vst v0  }
0x57: {  	v0 =	vld [tilespmem:s22+$0x2790];
	_ =	sdelay $0x4  }
0x58: {  	[tilespmem:$0x4F90] =	vst v0  }
0x59: {  	v0 =	vld [tilespmem:s22+$0x27A0];
	_ =	sdelay $0x4  }
0x5a: {  	[tilespmem:$0x4FA0] =	vst v0  }
0x5b: {  	v0 =	vld [tilespmem:s22+$0x27B0];
	_ =	sdelay $0x4  }
0x5c: {  	[tilespmem:$0x4FB0] =	vst v0  }
0x5d: {  	v0 =	vld [tilespmem:s22+$0x27C0];
	_ =	sdelay $0x4  }
0x5e: {  	[tilespmem:$0x4FC0] =	vst v0  }
0x5f: {  	v0 =	vld [tilespmem:s22+$0x27D0];
	_ =	sdelay $0x4  }
0x60: {  	[tilespmem:$0x4FD0] =	vst v0  }
0x61: {  	v0 =	vld [tilespmem:s22+$0x27E0];
	_ =	sdelay $0x4  }
0x62: {  	[tilespmem:$0x4FE0] =	vst v0  }
0x63: {  	v0 =	vld [tilespmem:s22+$0x27F0];
	_ =	sdelay $0x4  }
0x64: {  	[tilespmem:$0x4FF0] =	vst v0  }
0x65: {  	[tilespmem:s16], [sflag:$0x1] =	stream.indirect.gather [hbm4b:s4+s14], $0x80, s15, s14, $0xb8;
	[tilespmem:$0x1CC00] =	vst v63  }
0x66: {  	_ =	swait.ge [sflag:s17], $0x4000  }
.Ltmp0:
0x67: {  	[sflag:s17] =	ssyncset.done $0x0;
	(pc) =	sbr.rel @p0 .LBB2_2-.Ltmp0, $4  }
0x68: {  	[sflag:s17] =	ssyncadd.s32 $0xFFFFC000  }
0x69: {  	[spmem:s2] =	stream.indirect.scatter.add.f32 [tilespmem:s16], [sflag:$0x2], $0x80, s18, s14, $0xb8;
	[tilespmem:$0x1CC00] =	vst v63  }
0x6a: {  	_ =	swait.ge [sflag:s12], $0x4000  }
0x6b: {  	s23 =	smov.u32 s21;
	[sflag:s12] =	ssyncset.done $0x0  }
0x6c: {  	s20 =	sshra.s32 s20, $0x2;
	[sflag:s12] =	ssyncadd.s32 $0xFFFFC000  }
0x6d: {  	v0 =	vld [tilespmem:s20+$0x0];
	_ =	sdelay $0x4  }
0x6e: {  	[tilespmem:$0x4F00] =	vst v0  }
0x6f: {  	v0 =	vld [tilespmem:s20+$0x10];
	_ =	sdelay $0x4  }
0x70: {  	[tilespmem:$0x4F10] =	vst v0  }
0x71: {  	v0 =	vld [tilespmem:s20+$0x20];
	_ =	sdelay $0x4  }
0x72: {  	[tilespmem:$0x4F20] =	vst v0  }
0x73: {  	v0 =	vld [tilespmem:s20+$0x30];
	_ =	sdelay $0x4  }
0x74: {  	[tilespmem:$0x4F30] =	vst v0  }
0x75: {  	v0 =	vld [tilespmem:s20+$0x40];
	_ =	sdelay $0x4  }
0x76: {  	[tilespmem:$0x4F40] =	vst v0  }
0x77: {  	v0 =	vld [tilespmem:s20+$0x50];
	_ =	sdelay $0x4  }
0x78: {  	[tilespmem:$0x4F50] =	vst v0  }
0x79: {  	v0 =	vld [tilespmem:s20+$0x60];
	_ =	sdelay $0x4  }
0x7a: {  	[tilespmem:$0x4F60] =	vst v0  }
0x7b: {  	v0 =	vld [tilespmem:s20+$0x70];
	_ =	sdelay $0x4  }
0x7c: {  	[tilespmem:$0x4F70] =	vst v0  }
0x7d: {  	v0 =	vld [tilespmem:s20+$0x2780];
	_ =	sdelay $0x4  }
0x7e: {  	[tilespmem:$0x4F80] =	vst v0  }
0x7f: {  	v0 =	vld [tilespmem:s20+$0x2790];
	_ =	sdelay $0x4  }
0x80: {  	[tilespmem:$0x4F90] =	vst v0  }
0x81: {  	v0 =	vld [tilespmem:s20+$0x27A0];
	_ =	sdelay $0x4  }
0x82: {  	[tilespmem:$0x4FA0] =	vst v0  }
0x83: {  	v0 =	vld [tilespmem:s20+$0x27B0];
	_ =	sdelay $0x4  }
0x84: {  	[tilespmem:$0x4FB0] =	vst v0  }
0x85: {  	v0 =	vld [tilespmem:s20+$0x27C0];
	_ =	sdelay $0x4  }
0x86: {  	[tilespmem:$0x4FC0] =	vst v0  }
0x87: {  	v0 =	vld [tilespmem:s20+$0x27D0];
	_ =	sdelay $0x4  }
0x88: {  	[tilespmem:$0x4FD0] =	vst v0  }
0x89: {  	v0 =	vld [tilespmem:s20+$0x27E0];
	_ =	sdelay $0x4  }
0x8a: {  	[tilespmem:$0x4FE0] =	vst v0  }
0x8b: {  	v0 =	vld [tilespmem:s20+$0x27F0];
	_ =	sdelay $0x4  }
0x8c: {  	[tilespmem:$0x4FF0] =	vst v0  }
0x8d: {  	[tilespmem:s16], [sflag:$0x1] =	stream.indirect.gather [hbm4b:s4+s14], $0x80, s15, s14, $0xb8;
	[tilespmem:$0x1CC00] =	vst v63  }
0x8e: {  	_ =	swait.ge [sflag:s17], $0x4000  }
0x8f: {  	[sflag:s17] =	ssyncset.done $0x0  }
0x90: {  	[sflag:s17] =	ssyncadd.s32 $0xFFFFC000  }
0x91: {  	[spmem:s2] =	stream.indirect.scatter.add.f32 [tilespmem:s16], [sflag:$0x2], $0x80, s18, s14, $0xb8;
	[tilespmem:$0x1CC00] =	vst v63  }
0x92: {  	_ =	swait.ge [sflag:s12], $0x4000  }
0x93: {  	s19 =	sadd.s32 $0x1, s19;
	[sflag:s12] =	ssyncset.done $0x0  }
0x94: {  	p0 =	sne.s32 s19, s10;
	[sflag:s12] =	ssyncadd.s32 $0xFFFFC000  }
.Ltmp1:
0x95: {  	[bflag:$0x0] =	sbarrier.arrive $0xFFFF;
	(pc) =	sbr.rel @p0 .LBB2_1-.Ltmp1, $4  }
0x96: {  	[hbm:s9], [sflag:s6] =	dma.local [spmem:s11], $0x2780  }
0x97: {  	_ =	swait.ge [sflag:s12], $0x2780  }
0x98: {  	[sflag:s12] =	ssyncset.done $0x0  }
0x99: {  	[sflag:s12] =	ssyncadd.s32 $0xFFFFD880  }
0x9a: {  	_ =	sfence.sel $0x180000  }
0x9b: {  	[bflag:$0x0] =	sbarrier.arrive $0xFFFF  }
0x9c: {  	p0 =	sne.s32 s0, $0x0;
	_ =	strace $0x90000050  }
0x9d: {  	s0 =	sadd.s32 @!p0 $0x100000, s1;
	[bflag:$0x2] =	sbarrier.arrive $0xFFFF  }
0x9e: {  	[sflag:s0] =	ssyncadd.tile.s32 @!p0 $0x1;
	_ =	shalt  }
.Lfunc_end2:
_tile_overlayer_lowered:
.L_overlay_start_2:
0x9f: {  	(tag) =	ssettag $0x2  }
0xa0: {  	s0 =	rddreg [dreg:$0x0];
	s2 =	stileid.u32  }
0xa1: {  	s1 =	rddreg [dreg:$0x1];
	p0 =	sne.s32 s2, $0x0  }
0xa2: {  	s3 =	rddreg [dreg:$0x2];
	[bflag:$0x3] =	sbarrier.arrive $0xFFFF;
	s2 =	simm.s32 @!p0 $0x1C02  }
0xa3: {  	[timem:s3], [sflag:s2] =	dma.local @!p0 [hbm:s0], s1  }
0xa4: {  	s0 =	simm.s32 @!p0 $0x2  }
0xa5: {  	_ =	swait.ge @!p0 [sflag:s0], s1  }
0xa6: {  	s1 =	ssub.s32 @!p0 $0x0, s1;
	[sflag:s0] =	ssyncset.done @!p0 $0x0  }
0xa7: {  	[sflag:s0] =	ssyncadd.s32 @!p0 s1  }
0xa8: {  	[bflag:$0x3] =	sbarrier.arrive $0xFFFF  }
0xa9: {  	_ =	shalt  }

// kernel: kernel.30.cloned.1.call-start
scs
__scs_entry_jumppad:
0x0: {  	(pc) =	sbr.rel $0x88, $3  }
0x1: {  	(tag) =	ssettag $0x0;
	lr =	simm.s32 $0x1  }
0x2: {  	[smem:$0x3F98] =	sst lr;
	_ =	strace $0xD0000000  }
0x3: {  	_ = 	snop  }
0x4: {  	_ = 	snop  }
0x5: {  	_ = 	snop  }
0x6: {  	_ = 	snop  }
0x7: {  	_ = 	snop  }
__scs_overlays_trampoline_lowered:
0x8: {  	[smem:$0x3FA7] =	sst s0  }
0x9: {  	[smem:$0x3FA8] =	sst s1  }
0xa: {  	[smem:$0x3FA9] =	sst s2  }
0xb: {  	[smem:$0x3FAA] =	sst s3  }
0xc: {  	[smem:$0x3FAB] =	sst s4  }
0xd: {  	[smem:$0x3FAC] =	sst s5  }
0xe: {  	[smem:$0x3FAD] =	sst s6  }
0xf: {  	[smem:$0x3FAE] =	sst s7  }
0x10: {  	[smem:$0x3FAF] =	sst s8  }
0x11: {  	[smem:$0x3FB0] =	sst s9;
	s0 =	simm.s32 @!p0 $0x0  }
0x12: {  	s1 =	sld [smem:$0x3F96];
	s0 =	simm.s32 @p0 $0x1  }
0x13: {  	[smem:$0x3FB1] =	sst s0;
	s0 =	simm.s32 @!p1 $0x0  }
0x14: {  	s2 =	sld [smem:$0x3F95];
	s0 =	simm.s32 @p1 $0x1  }
0x15: {  	[smem:$0x3FB2] =	sst s0;
	s0 =	simm.s32 @!p2 $0x0  }
0x16: {  	s3 =	sld [smem:$0x3FDB];
	s0 =	simm.s32 @p2 $0x1  }
0x17: {  	s4 =	simm.s32 $0x1BF5;
	[smem:$0x3FB4] =	sst s0  }
0x18: {  	s0 =	sld [smem:$0x3F97];
	_ =	swait.ge [sflag:s4], $0x0  }
0x19: {  	s7 =	sld [smem:$0x3F98]  }
0x1a: {  	s8 =	sadd.s32 $0xFFFFE003, lr  }
0x1b: {  	s9 =	sadd.s32 $0xFFFFFEF7, lr;
	s5 =	simm.s32 $0xFFFFFFFF;
	p2 =	slt.u32 s8, $0xFFFFF086  }
0x1c: {  	p1 =	slt.u32 s9, $0xF7A;
	s5 =	simm.s32 @!p2 $0x0  }
0x1d: {  	s5 =	simm.s32 @p1 $0x1;
	p0 =	seq.s32 s7, s2  }
0x1e: {  	s7 =	smul.u32 @!p0 $0xF7A, s2;
	p2 =	seq.s32 @!p0 s5, $0x0  }
0x1f: {  	s9 =	smul.u32 $0xF7A, s1;
	s8 =	simm.s32 @!p0 $0x1BF5;
	p2 =	por !p2, p0  }
0x20: {  	[sflag:s8] =	ssyncset.s32 @!p0 $0xFFFFF086;
	s6 =	sadd.s32 @!p0 s3, s7;
	s7 =	simm.s32 @!p0 $0x108  }
0x21: {  	s3 =	sadd.s32 s3, s9;
	s6 =	sadd.s32 @!p0 $0x88, s6;
	s7 =	simm.s32 @p2 $0x1082  }
0x22: {  	[simem:s7], [sflag:s8] =	dma.local @!p0 [hbm:s6], $0xF7A  }
0x23: {  	s9 =	sor.u32 $0xD0000000, s2;
	s6 =	simm.s32 $0x108;
	_ =	swait.ge @!p0 [sflag:s8], $0x0  }
0x24: {  	s3 =	sadd.s32 $0x88, s3;
	s6 =	simm.s32 @!p1 $0x1082;
	[sflag:s4] =	ssyncset.s32 $0xFFFFF086  }
0x25: {  	[simem:s6], [sflag:s4] =	dma.local [hbm:s3], $0xF7A  }
0x26: {  	[smem:$0x3F98] =	sst s1;
	(tag) =	ssettag s2;
	_ =	strace s9  }
0x27: {  	s1 =	sld [smem:$0x3FA8]  }
0x28: {  	s2 =	sld [smem:$0x3FA9]  }
0x29: {  	s4 =	sld [smem:$0x3FAB]  }
0x2a: {  	p0 =	seq.s32 s5, $0x0;
	s5 =	sld [smem:$0x3FAC]  }
0x2b: {  	s6 =	sld [smem:$0x3FAD]  }
0x2c: {  	s7 =	sld [smem:$0x3FAE]  }
0x2d: {  	s3 =	simm.s32 $0x108;
	s8 =	sld [smem:$0x3FAF]  }
0x2e: {  	s3 =	simm.s32 @!p0 $0x1082;
	s9 =	sld [smem:$0x3FB0]  }
0x2f: {  	lr =	sadd.s32 s0, s3;
	s0 =	sld [smem:$0x3FA7]  }
0x30: {  	s3 =	sld [smem:$0x3FAA]  }
0x31: {  	[smem:$0x3FB3] =	sst s10  }
0x32: {  	s10 =	sld [smem:$0x3FB1];
	_ =	sdelay $0x3  }
0x33: {  	p0 =	seq.s32 s10, $0x1;
	s10 =	sld [smem:$0x3FB3];
	_ =	sdelay $0x3  }
0x34: {  	[smem:$0x3FB3] =	sst s10  }
0x35: {  	s10 =	sld [smem:$0x3FB2];
	_ =	sdelay $0x3  }
0x36: {  	p1 =	seq.s32 s10, $0x1;
	s10 =	sld [smem:$0x3FB3];
	_ =	sdelay $0x3  }
0x37: {  	[smem:$0x3FB3] =	sst s10  }
0x38: {  	s10 =	sld [smem:$0x3FB4]  }
0x39: {  	_ = 	snop;
	(pc) =	sbr.ind lr, $3  }
0x3a: {  	_ = 	snop  }
0x3b: {  	_ = 	snop  }
0x3c: {  	p2 =	seq.s32 s10, $0x1;
	s10 =	sld [smem:$0x3FB3]  }
0x3d: {  	_ =	shalt  }
0x3e: {  	_ =	shalt  }
0x3f: {  	_ =	shalt  }
0x40: {  	_ =	shalt  }
0x41: {  	_ =	shalt  }
0x42: {  	_ =	shalt  }
0x43: {  	_ =	shalt  }
0x44: {  	_ =	shalt  }
0x45: {  	_ =	shalt  }
0x46: {  	_ =	shalt  }
0x47: {  	_ =	shalt  }
0x48: {  	_ =	shalt  }
0x49: {  	_ =	shalt  }
0x4a: {  	_ =	shalt  }
0x4b: {  	_ =	shalt  }
0x4c: {  	_ =	shalt  }
0x4d: {  	_ =	shalt  }
0x4e: {  	_ =	shalt  }
0x4f: {  	_ =	shalt  }
0x50: {  	_ =	shalt  }
0x51: {  	_ =	shalt  }
0x52: {  	_ =	shalt  }
0x53: {  	_ =	shalt  }
0x54: {  	_ =	shalt  }
0x55: {  	_ =	shalt  }
0x56: {  	_ =	shalt  }
0x57: {  	_ =	shalt  }
0x58: {  	_ =	shalt  }
0x59: {  	_ =	shalt  }
0x5a: {  	_ =	shalt  }
0x5b: {  	_ =	shalt  }
0x5c: {  	_ =	shalt  }
0x5d: {  	_ =	shalt  }
0x5e: {  	_ =	shalt  }
0x5f: {  	_ =	shalt  }
0x60: {  	_ =	shalt  }
0x61: {  	_ =	shalt  }
0x62: {  	_ =	shalt  }
0x63: {  	_ =	shalt  }
0x64: {  	_ =	shalt  }
0x65: {  	_ =	shalt  }
0x66: {  	_ =	shalt  }
0x67: {  	_ =	shalt  }
0x68: {  	_ =	shalt  }
0x69: {  	_ =	shalt  }
0x6a: {  	_ =	shalt  }
0x6b: {  	_ =	shalt  }
0x6c: {  	_ =	shalt  }
0x6d: {  	_ =	shalt  }
0x6e: {  	_ =	shalt  }
0x6f: {  	_ =	shalt  }
0x70: {  	_ =	shalt  }
0x71: {  	_ =	shalt  }
0x72: {  	_ =	shalt  }
0x73: {  	_ =	shalt  }
0x74: {  	_ =	shalt  }
0x75: {  	_ =	shalt  }
0x76: {  	_ =	shalt  }
0x77: {  	_ =	shalt  }
0x78: {  	_ =	shalt  }
0x79: {  	_ =	shalt  }
0x7a: {  	_ =	shalt  }
0x7b: {  	_ =	shalt  }
0x7c: {  	_ =	shalt  }
0x7d: {  	_ =	shalt  }
0x7e: {  	_ =	shalt  }
0x7f: {  	_ =	shalt  }
0x80: {  	_ =	shalt  }
0x81: {  	_ =	shalt  }
0x82: {  	_ =	shalt  }
0x83: {  	_ =	shalt  }
0x84: {  	_ =	shalt  }
0x85: {  	_ =	shalt  }
0x86: {  	_ =	shalt  }
0x87: {  	_ =	shalt  }
.Lfunc_end0:
.L_simem_size_0:
called_computation.4_lowered:
.L_overlay_start_0:
0x88: {  	s2 =	sld [smem:$0x3FD9]  }
0x89: {  	s3 =	sld [smem:$0x3FFE];
	_ =	sdelay $0x1  }
0x8a: {  	s1 =	srdreg.scid  }
0x8b: {  	s0 =	sand.u32 $0x1, s1  }
0x8c: {  	s16 =	sshll.u32 s0, $0xA;
	s2 =	sadd.s32 s3, s2  }
0x8d: {  	s2 =	sadd.s32 s2, s16  }
0x8e: {  	[smem:$0x3FBF] =	sst s2  }
0x8f: {  	_ = 	snop  }
0x90: {  	(tm) =	ssettm $0x1  }
0x91: {  	s17 =	sld [smem:$0x3FFB];
	_ =	sdelay $0x3  }
0x92: {  	_ =	strace s17  }
0x93: {  	s2 =	sld [smem:$0x3FFC];
	_ =	sdelay $0x3  }
0x94: {  	_ =	strace s2  }
0x95: {  	s2 =	sld [smem:$0x3FFD];
	_ =	sdelay $0x3  }
0x96: {  	_ =	strace s2  }
0x97: {  	_ =	strace $0x8FFFFFFF  }
0x98: {  	s18 =	sld [smem:$0x3FDB];
	_ =	sdelay $0x1  }
0x99: {  	s19 =	simm.s32 $_scs_section_size  }
0x9a: {  	s4 =	simm.s32 $_size__tile_overlayer_lowered;
	s5 =	simm.s32 $_tile_overlayer_lowered  }
0x9b: {  	s22 =	simm.s32 $0x1BFF;
	s21 =	sshll.u32 s5, $0x1;
	s2 =	sadd.s32 s19, s18  }
0x9c: {  	s6 =	simm.s32 $0x0;
	s20 =	sshll.u32 s4, $0x1;
	s4 =	sadd.s32 s21, s2  }
0x9d: {  	[timem:s6], [sflag:s22] =	dma.local [hbm:s4], s20  }
0x9e: {  	_ =	swait.ge [sflag:s22], s20  }
0x9f: {  	s3 =	ssub.s32 $0x0, s20;
	[sflag:s22] =	ssyncset.done $0x0  }
0xa0: {  	[sflag:s22] =	ssyncadd.s32 s3;
	_ =	sdelay $0x1  }
0xa1: {  	s23 =	simm.s32 $0x1B8B  }
0xa2: {  	_ =	swait.ge [sflag:s23], $0x1  }
0xa3: {  	[sflag:s23] =	ssyncset.done $0x0  }
0xa4: {  	s25 =	simm.s32 $0x1B8E;
	s24 =	sld [smem:$0x3FFE];
	[sflag:s23] =	ssyncadd.s32 $0xFFFFFFFF  }
0xa5: {  	s26 =	simm.s32 $execute0_lowered;
	[smem:$0x3FD2] =	sst s25  }
0xa6: {  	s4 =	sshll.u32 s26, $0x1;
	_ =	strace $0x80000052;
	[dreg:$0x1] =	wrdreg $0xFFFFFFFF  }
0xa7: {  	s28 =	simm.s32 $_size_execute0_lowered;
	s2 =	sadd.s32 s2, s4;
	[dreg:$0x0] =	wrdreg $0x0  }
0xa8: {  	s4 =	sshll.u32 s28, $0x1;
	[dreg:$0x2] =	wrdreg s2  }
0xa9: {  	[dreg:$0x3] =	wrdreg s4  }
0xaa: {  	[dreg:$0x4] =	wrdreg $0xC0  }
0xab: {  	_ =	task [dreg:s6], $0x5FFFF  }
0xac: {  	[dreg:$0x1] =	wrdreg $0xFFFFFFFF  }
0xad: {  	[dreg:$0x0] =	wrdreg $0x60  }
0xae: {  	[dreg:$0x2] =	wrdreg s24  }
0xaf: {  	[dreg:$0x3] =	wrdreg $0x90000  }
0xb0: {  	[dreg:$0x4] =	wrdreg $0x9  }
0xb1: {  	_ =	task.clear_ibuf [dreg:s6], $0x5FFFF;
	_ =	strace $0x90000052  }
0xb2: {  	s29 =	simm.s32 $0x9;
	_ =	strace $0x80000054  }
0xb3: {  	_ =	swait.ge [sflag:s29], $0x1  }
0xb4: {  	[sflag:s29] =	ssyncadd.s32 $0xFFFFFFFF  }
0xb5: {  	_ =	strace $0x90000054  }
0xb6: {  	_ =	sfence  }
0xb7: {  	s30 =	sld [smem:$0x0];
	_ =	sdelay $0x2  }
0xb8: {  	s31 =	sshll.u32 s1, $0xD;
	s1 =	sshrl.u32 s1, $0x2  }
0xb9: {  	s3 =	sand.u32 $0x4000, s31;
	s1 =	sadd.s32 s1, s30  }
0xba: {  	s0 =	sor.u32 s3, s0;
	s1 =	sshll.u32 s1, $0x11  }
0xbb: {  	s0 =	sor.u32 s1, s0  }
0xbc: {  	s0 =	sadd.s32 $0x8F2B, s0  }
0xbd: {  	[sflag:s0] =	ssyncadd.remote.s32 $0x1  }
0xbe: {  	_ =	sfence.sel $0xFFFF  }
0xbf: {  	[dreg:$0x0] =	wrdreg $0xFFFFFFFF;
	(pc) =	sbr.abs _section_cstart, $3  }
0xc0: {  	[dreg:$0x1] =	wrdreg $0xFFFFFFFF  }
0xc1: {  	_ =	task.clear_ibuf [dreg:s6], $0x2FFFF;
	_ =	strace $0x9FFFFFFF  }
0xc2: {  	(tm) =	ssettm $0x7FFFFFFF  }
0xc3: {  	_ =	shalt  }
tec
execute0_lowered:
.L_overlay_start_1:
0x0: {  	(tag) =	ssettag $0x1  }
0x1: {  	s1 =	srdreg.scid;
	s6 =	rddreg [dreg:$0x0]  }
0x2: {  	s0 =	stileid.u32;
	s2 =	rddreg [dreg:$0x1];
	s3 =	simm.s32 $0x0  }
0x3: {  	s14 =	simm.s32 $0x80;
	s15 =	simm.s32 $0x4F00;
	s16 =	simm.s32 $0x5000  }
0x4: {  	s17 =	simm.s32 $0x1;
	s18 =	simm.s32 $0x4F80;
	s19 =	simm.s32 $0x0  }
0x5: {  	s5 =	sand.u32 $0x1, s1;
	s24 =	sshll.u32 s0, $0x1;
	s9 =	smul.u32 $0x5000, s0  }
0x6: {  	[smem:$0x7FF] =	sst s3;
	s4 =	sadd.s32 $0x32000, s6;
	s28 =	smul.u32 $0x14000, s0  }
0x7: {  	s31 =	sshll.u32 s0, $0x6;
	s1 =	sor.u32 s5, s24;
	s8 =	smul.u32 $0x50000, s5  }
0x8: {  	s26 =	ssub.s32 $0x2, s5;
	s5 =	sadd.s32 $0x11A00, s6;
	s7 =	smul.u32 $0x4F0, s1  }
0x9: {  	s1 =	rddreg [dreg:$0x2];
	_ =	strace $0x80000053;
	s29 =	sshrl.u32 s26, $0x1  }
0xa: {  	s30 =	sshrl.u32 s28, $0x2;
	s25 =	sadd.s32 s9, s8;
	s12 =	ssub.s32 s26, s29  }
0xb: {  	s13 =	sadd.s32 s30, s2;
	s10 =	sadd.s32 s7, s6;
	s7 =	sshrl.u32 s25, $0x3  }
0xc: {  	s11 =	sadd.s32 s7, s6;
	s6 =	sor.u32 $0x1C02, s31;
	s7 =	sadd.s32 $0x28200, s10  }
0xd: {  	s8 =	sadd.s32 $0x7400, s10;
	s10 =	smax.u32 s12, $0x1;
	s12 =	simm.s32 $0x2  }
0xe: {  	s9 =	sadd.s32 $0x59800, s11;
	s11 =	sshrl.u32 s13, $0x3;
	s13 =	simm.s32 $0x2780  }
.LBB2_1:
0xf: {  	[spmem:s11], [sflag:s6] =	dma.local [hbm:s5], $0xA00  }
0x10: {  	_ =	swait.ge [sflag:s12], $0xA00  }
0x11: {  	[sflag:s12] =	ssyncset.done $0x0  }
0x12: {  	[sflag:s12] =	ssyncadd.s32 $0xFFFFF600  }
0x13: {  	[tilespmem:s3], [sflag:$0x2] =	stream.linear.gather [hbm4b:s7+s3], $0x2780, $0x38;
	[tilespmem:$0xE000] =	vst v63  }
0x14: {  	_ =	swait.ge [sflag:s12], $0x2780  }
0x15: {  	[sflag:s12] =	ssyncset.done $0x0  }
0x16: {  	[sflag:s12] =	ssyncadd.s32 $0xFFFFD880  }
0x17: {  	[tilespmem:s13], [sflag:$0x2] =	stream.linear.gather [hbm4b:s8+s3], $0x2780, $0x38;
	[tilespmem:$0xE000] =	vst v63  }
0x18: {  	_ =	swait.ge [sflag:s12], $0x2780  }
0x19: {  	[sflag:s12] =	ssyncset.done $0x0  }
0x1a: {  	[sflag:s12] =	ssyncadd.s32 $0xFFFFD880  }
0x1b: {  	s20 =	simm.s32 $0x0;
	[bflag:$0x0] =	sbarrier.arrive $0xFFFF  }
0x1c: {  	v0 =	vld [tilespmem:s20+$0x0];
	_ =	sdelay $0x4  }
0x1d: {  	[tilespmem:$0x4F00] =	vst v0  }
0x1e: {  	v0 =	vld [tilespmem:s20+$0x10];
	_ =	sdelay $0x4  }
0x1f: {  	[tilespmem:$0x4F10] =	vst v0  }
0x20: {  	v0 =	vld [tilespmem:s20+$0x20];
	_ =	sdelay $0x4  }
0x21: {  	[tilespmem:$0x4F20] =	vst v0  }
0x22: {  	v0 =	vld [tilespmem:s20+$0x30];
	_ =	sdelay $0x4  }
0x23: {  	[tilespmem:$0x4F30] =	vst v0  }
0x24: {  	v0 =	vld [tilespmem:s20+$0x40];
	_ =	sdelay $0x4  }
0x25: {  	[tilespmem:$0x4F40] =	vst v0  }
0x26: {  	v0 =	vld [tilespmem:s20+$0x50];
	_ =	sdelay $0x4  }
0x27: {  	[tilespmem:$0x4F50] =	vst v0  }
0x28: {  	v0 =	vld [tilespmem:s20+$0x60];
	_ =	sdelay $0x4  }
0x29: {  	[tilespmem:$0x4F60] =	vst v0  }
0x2a: {  	v0 =	vld [tilespmem:s20+$0x70];
	_ =	sdelay $0x4  }
0x2b: {  	[tilespmem:$0x4F70] =	vst v0  }
0x2c: {  	v0 =	vld [tilespmem:s20+$0x2780];
	_ =	sdelay $0x4  }
0x2d: {  	[tilespmem:$0x4F80] =	vst v0  }
0x2e: {  	v0 =	vld [tilespmem:s20+$0x2790];
	_ =	sdelay $0x4  }
0x2f: {  	[tilespmem:$0x4F90] =	vst v0  }
0x30: {  	v0 =	vld [tilespmem:s20+$0x27A0];
	_ =	sdelay $0x4  }
0x31: {  	[tilespmem:$0x4FA0] =	vst v0  }
0x32: {  	v0 =	vld [tilespmem:s20+$0x27B0];
	_ =	sdelay $0x4  }
0x33: {  	[tilespmem:$0x4FB0] =	vst v0  }
0x34: {  	v0 =	vld [tilespmem:s20+$0x27C0];
	_ =	sdelay $0x4  }
0x35: {  	[tilespmem:$0x4FC0] =	vst v0  }
0x36: {  	v0 =	vld [tilespmem:s20+$0x27D0];
	_ =	sdelay $0x4  }
0x37: {  	[tilespmem:$0x4FD0] =	vst v0  }
0x38: {  	v0 =	vld [tilespmem:s20+$0x27E0];
	_ =	sdelay $0x4  }
0x39: {  	[tilespmem:$0x4FE0] =	vst v0  }
0x3a: {  	v0 =	vld [tilespmem:s20+$0x27F0];
	_ =	sdelay $0x4  }
0x3b: {  	[tilespmem:$0x4FF0] =	vst v0  }
0x3c: {  	[tilespmem:s16], [sflag:$0x1] =	stream.indirect.gather [hbm4b:s4+s14], $0x80, s15, s14, $0xb8;
	[tilespmem:$0xE000] =	vst v63  }
0x3d: {  	_ =	swait.ge [sflag:s17], $0x4000  }
0x3e: {  	[sflag:s17] =	ssyncset.done $0x0  }
0x3f: {  	[sflag:s17] =	ssyncadd.s32 $0xFFFFC000  }
0x40: {  	[spmem:s2] =	stream.indirect.scatter.add.f32 [tilespmem:s16], [sflag:$0x2], $0x80, s18, s14, $0xb8;
	[tilespmem:$0xE000] =	vst v63  }
0x41: {  	_ =	swait.ge [sflag:s12], $0x4000  }
0x42: {  	s23 =	simm.s32 $0x400;
	s20 =	simm.s32 $0x200;
	[sflag:s12] =	ssyncset.done $0x0  }
.LBB2_2:
0x43: {  	s22 =	sshra.s32 s20, $0x2  }
0x44: {  	[sflag:s12] =	ssyncadd.s32 $0xFFFFC000;
	s20 =	smov.u32 s23;
	s21 =	sadd.s32 $0x200, s23  }
0x45: {  	p0 =	sne.s32 s23, $0x9C00;
	v0 =	vld [tilespmem:s22+$0x0];
	_ =	sdelay $0x4  }
0x46: {  	[tilespmem:$0x4F00] =	vst v0  }
0x47: {  	v0 =	vld [tilespmem:s22+$0x10];
	_ =	sdelay $0x4  }
0x48: {  	[tilespmem:$0x4F10] =	vst v0  }
0x49: {  	v0 =	vld [tilespmem:s22+$0x20];
	_ =	sdelay $0x4  }
0x4a: {  	[tilespmem:$0x4F20] =	vst v0  }
0x4b: {  	v0 =	vld [tilespmem:s22+$0x30];
	_ =	sdelay $0x4  }
0x4c: {  	[tilespmem:$0x4F30] =	vst v0  }
0x4d: {  	v0 =	vld [tilespmem:s22+$0x40];
	_ =	sdelay $0x4  }
0x4e: {  	[tilespmem:$0x4F40] =	vst v0  }
0x4f: {  	v0 =	vld [tilespmem:s22+$0x50];
	_ =	sdelay $0x4  }
0x50: {  	[tilespmem:$0x4F50] =	vst v0  }
0x51: {  	v0 =	vld [tilespmem:s22+$0x60];
	_ =	sdelay $0x4  }
0x52: {  	[tilespmem:$0x4F60] =	vst v0  }
0x53: {  	v0 =	vld [tilespmem:s22+$0x70];
	_ =	sdelay $0x4  }
0x54: {  	[tilespmem:$0x4F70] =	vst v0  }
0x55: {  	v0 =	vld [tilespmem:s22+$0x2780];
	_ =	sdelay $0x4  }
0x56: {  	[tilespmem:$0x4F80] =	vst v0  }
0x57: {  	v0 =	vld [tilespmem:s22+$0x2790];
	_ =	sdelay $0x4  }
0x58: {  	[tilespmem:$0x4F90] =	vst v0  }
0x59: {  	v0 =	vld [tilespmem:s22+$0x27A0];
	_ =	sdelay $0x4  }
0x5a: {  	[tilespmem:$0x4FA0] =	vst v0  }
0x5b: {  	v0 =	vld [tilespmem:s22+$0x27B0];
	_ =	sdelay $0x4  }
0x5c: {  	[tilespmem:$0x4FB0] =	vst v0  }
0x5d: {  	v0 =	vld [tilespmem:s22+$0x27C0];
	_ =	sdelay $0x4  }
0x5e: {  	[tilespmem:$0x4FC0] =	vst v0  }
0x5f: {  	v0 =	vld [tilespmem:s22+$0x27D0];
	_ =	sdelay $0x4  }
0x60: {  	[tilespmem:$0x4FD0] =	vst v0  }
0x61: {  	v0 =	vld [tilespmem:s22+$0x27E0];
	_ =	sdelay $0x4  }
0x62: {  	[tilespmem:$0x4FE0] =	vst v0  }
0x63: {  	v0 =	vld [tilespmem:s22+$0x27F0];
	_ =	sdelay $0x4  }
0x64: {  	[tilespmem:$0x4FF0] =	vst v0  }
0x65: {  	[tilespmem:s16], [sflag:$0x1] =	stream.indirect.gather [hbm4b:s4+s14], $0x80, s15, s14, $0xb8;
	[tilespmem:$0xE000] =	vst v63  }
0x66: {  	_ =	swait.ge [sflag:s17], $0x4000  }
.Ltmp0:
0x67: {  	[sflag:s17] =	ssyncset.done $0x0;
	(pc) =	sbr.rel @p0 .LBB2_2-.Ltmp0, $4  }
0x68: {  	[sflag:s17] =	ssyncadd.s32 $0xFFFFC000  }
0x69: {  	[spmem:s2] =	stream.indirect.scatter.add.f32 [tilespmem:s16], [sflag:$0x2], $0x80, s18, s14, $0xb8;
	[tilespmem:$0xE000] =	vst v63  }
0x6a: {  	_ =	swait.ge [sflag:s12], $0x4000  }
0x6b: {  	s23 =	smov.u32 s21;
	[sflag:s12] =	ssyncset.done $0x0  }
0x6c: {  	s20 =	sshra.s32 s20, $0x2;
	[sflag:s12] =	ssyncadd.s32 $0xFFFFC000  }
0x6d: {  	v0 =	vld [tilespmem:s20+$0x0];
	_ =	sdelay $0x4  }
0x6e: {  	[tilespmem:$0x4F00] =	vst v0  }
0x6f: {  	v0 =	vld [tilespmem:s20+$0x10];
	_ =	sdelay $0x4  }
0x70: {  	[tilespmem:$0x4F10] =	vst v0  }
0x71: {  	v0 =	vld [tilespmem:s20+$0x20];
	_ =	sdelay $0x4  }
0x72: {  	[tilespmem:$0x4F20] =	vst v0  }
0x73: {  	v0 =	vld [tilespmem:s20+$0x30];
	_ =	sdelay $0x4  }
0x74: {  	[tilespmem:$0x4F30] =	vst v0  }
0x75: {  	v0 =	vld [tilespmem:s20+$0x40];
	_ =	sdelay $0x4  }
0x76: {  	[tilespmem:$0x4F40] =	vst v0  }
0x77: {  	v0 =	vld [tilespmem:s20+$0x50];
	_ =	sdelay $0x4  }
0x78: {  	[tilespmem:$0x4F50] =	vst v0  }
0x79: {  	v0 =	vld [tilespmem:s20+$0x60];
	_ =	sdelay $0x4  }
0x7a: {  	[tilespmem:$0x4F60] =	vst v0  }
0x7b: {  	v0 =	vld [tilespmem:s20+$0x70];
	_ =	sdelay $0x4  }
0x7c: {  	[tilespmem:$0x4F70] =	vst v0  }
0x7d: {  	v0 =	vld [tilespmem:s20+$0x2780];
	_ =	sdelay $0x4  }
0x7e: {  	[tilespmem:$0x4F80] =	vst v0  }
0x7f: {  	v0 =	vld [tilespmem:s20+$0x2790];
	_ =	sdelay $0x4  }
0x80: {  	[tilespmem:$0x4F90] =	vst v0  }
0x81: {  	v0 =	vld [tilespmem:s20+$0x27A0];
	_ =	sdelay $0x4  }
0x82: {  	[tilespmem:$0x4FA0] =	vst v0  }
0x83: {  	v0 =	vld [tilespmem:s20+$0x27B0];
	_ =	sdelay $0x4  }
0x84: {  	[tilespmem:$0x4FB0] =	vst v0  }
0x85: {  	v0 =	vld [tilespmem:s20+$0x27C0];
	_ =	sdelay $0x4  }
0x86: {  	[tilespmem:$0x4FC0] =	vst v0  }
0x87: {  	v0 =	vld [tilespmem:s20+$0x27D0];
	_ =	sdelay $0x4  }
0x88: {  	[tilespmem:$0x4FD0] =	vst v0  }
0x89: {  	v0 =	vld [tilespmem:s20+$0x27E0];
	_ =	sdelay $0x4  }
0x8a: {  	[tilespmem:$0x4FE0] =	vst v0  }
0x8b: {  	v0 =	vld [tilespmem:s20+$0x27F0];
	_ =	sdelay $0x4  }
0x8c: {  	[tilespmem:$0x4FF0] =	vst v0  }
0x8d: {  	[tilespmem:s16], [sflag:$0x1] =	stream.indirect.gather [hbm4b:s4+s14], $0x80, s15, s14, $0xb8;
	[tilespmem:$0xE000] =	vst v63  }
0x8e: {  	_ =	swait.ge [sflag:s17], $0x4000  }
0x8f: {  	[sflag:s17] =	ssyncset.done $0x0  }
0x90: {  	[sflag:s17] =	ssyncadd.s32 $0xFFFFC000  }
0x91: {  	[spmem:s2] =	stream.indirect.scatter.add.f32 [tilespmem:s16], [sflag:$0x2], $0x80, s18, s14, $0xb8;
	[tilespmem:$0xE000] =	vst v63  }
0x92: {  	_ =	swait.ge [sflag:s12], $0x4000  }
0x93: {  	s19 =	sadd.s32 $0x1, s19;
	[sflag:s12] =	ssyncset.done $0x0  }
0x94: {  	p0 =	sne.s32 s19, s10;
	[sflag:s12] =	ssyncadd.s32 $0xFFFFC000  }
.Ltmp1:
0x95: {  	[bflag:$0x0] =	sbarrier.arrive $0xFFFF;
	(pc) =	sbr.rel @p0 .LBB2_1-.Ltmp1, $4  }
0x96: {  	[hbm:s9], [sflag:s6] =	dma.local [spmem:s11], $0xA00  }
0x97: {  	_ =	swait.ge [sflag:s12], $0xA00  }
0x98: {  	[sflag:s12] =	ssyncset.done $0x0  }
0x99: {  	[sflag:s12] =	ssyncadd.s32 $0xFFFFF600  }
0x9a: {  	_ =	sfence.sel $0x180000  }
0x9b: {  	[bflag:$0x0] =	sbarrier.arrive $0xFFFF  }
0x9c: {  	p0 =	sne.s32 s0, $0x0;
	_ =	strace $0x90000053  }
0x9d: {  	s0 =	sadd.s32 @!p0 $0x100000, s1;
	[bflag:$0x2] =	sbarrier.arrive $0xFFFF  }
0x9e: {  	[sflag:s0] =	ssyncadd.tile.s32 @!p0 $0x1;
	_ =	shalt  }
.Lfunc_end2:
_tile_overlayer_lowered:
.L_overlay_start_2:
0x9f: {  	(tag) =	ssettag $0x2  }
0xa0: {  	s0 =	rddreg [dreg:$0x0];
	s2 =	stileid.u32  }
0xa1: {  	s1 =	rddreg [dreg:$0x1];
	p0 =	sne.s32 s2, $0x0  }
0xa2: {  	s3 =	rddreg [dreg:$0x2];
	[bflag:$0x3] =	sbarrier.arrive $0xFFFF;
	s2 =	simm.s32 @!p0 $0x1C02  }
0xa3: {  	[timem:s3], [sflag:s2] =	dma.local @!p0 [hbm:s0], s1  }
0xa4: {  	s0 =	simm.s32 @!p0 $0x2  }
0xa5: {  	_ =	swait.ge @!p0 [sflag:s0], s1  }
0xa6: {  	s1 =	ssub.s32 @!p0 $0x0, s1;
	[sflag:s0] =	ssyncset.done @!p0 $0x0  }
0xa7: {  	[sflag:s0] =	ssyncadd.s32 @!p0 s1  }
0xa8: {  	[bflag:$0x3] =	sbarrier.arrive $0xFFFF  }
0xa9: {  	_ =	shalt  }

// kernel: kernel.33.cloned.1.call-start
scs
__scs_entry_jumppad:
0x0: {  	(pc) =	sbr.rel $0x88, $3  }
0x1: {  	(tag) =	ssettag $0x0;
	lr =	simm.s32 $0x1  }
0x2: {  	[smem:$0x3F98] =	sst lr;
	_ =	strace $0xD0000000  }
0x3: {  	_ = 	snop  }
0x4: {  	_ = 	snop  }
0x5: {  	_ = 	snop  }
0x6: {  	_ = 	snop  }
0x7: {  	_ = 	snop  }
__scs_overlays_trampoline_lowered:
0x8: {  	[smem:$0x3FA7] =	sst s0  }
0x9: {  	[smem:$0x3FA8] =	sst s1  }
0xa: {  	[smem:$0x3FA9] =	sst s2  }
0xb: {  	[smem:$0x3FAA] =	sst s3  }
0xc: {  	[smem:$0x3FAB] =	sst s4  }
0xd: {  	[smem:$0x3FAC] =	sst s5  }
0xe: {  	[smem:$0x3FAD] =	sst s6  }
0xf: {  	[smem:$0x3FAE] =	sst s7  }
0x10: {  	[smem:$0x3FAF] =	sst s8  }
0x11: {  	[smem:$0x3FB0] =	sst s9;
	s0 =	simm.s32 @!p0 $0x0  }
0x12: {  	s1 =	sld [smem:$0x3F96];
	s0 =	simm.s32 @p0 $0x1  }
0x13: {  	[smem:$0x3FB1] =	sst s0;
	s0 =	simm.s32 @!p1 $0x0  }
0x14: {  	s2 =	sld [smem:$0x3F95];
	s0 =	simm.s32 @p1 $0x1  }
0x15: {  	[smem:$0x3FB2] =	sst s0;
	s0 =	simm.s32 @!p2 $0x0  }
0x16: {  	s3 =	sld [smem:$0x3FDB];
	s0 =	simm.s32 @p2 $0x1  }
0x17: {  	s4 =	simm.s32 $0x1BF5;
	[smem:$0x3FB4] =	sst s0  }
0x18: {  	s0 =	sld [smem:$0x3F97];
	_ =	swait.ge [sflag:s4], $0x0  }
0x19: {  	s7 =	sld [smem:$0x3F98]  }
0x1a: {  	s8 =	sadd.s32 $0xFFFFE003, lr  }
0x1b: {  	s9 =	sadd.s32 $0xFFFFFEF7, lr;
	s5 =	simm.s32 $0xFFFFFFFF;
	p2 =	slt.u32 s8, $0xFFFFF086  }
0x1c: {  	p1 =	slt.u32 s9, $0xF7A;
	s5 =	simm.s32 @!p2 $0x0  }
0x1d: {  	s5 =	simm.s32 @p1 $0x1;
	p0 =	seq.s32 s7, s2  }
0x1e: {  	s7 =	smul.u32 @!p0 $0xF7A, s2;
	p2 =	seq.s32 @!p0 s5, $0x0  }
0x1f: {  	s9 =	smul.u32 $0xF7A, s1;
	s8 =	simm.s32 @!p0 $0x1BF5;
	p2 =	por !p2, p0  }
0x20: {  	[sflag:s8] =	ssyncset.s32 @!p0 $0xFFFFF086;
	s6 =	sadd.s32 @!p0 s3, s7;
	s7 =	simm.s32 @!p0 $0x108  }
0x21: {  	s3 =	sadd.s32 s3, s9;
	s6 =	sadd.s32 @!p0 $0x88, s6;
	s7 =	simm.s32 @p2 $0x1082  }
0x22: {  	[simem:s7], [sflag:s8] =	dma.local @!p0 [hbm:s6], $0xF7A  }
0x23: {  	s9 =	sor.u32 $0xD0000000, s2;
	s6 =	simm.s32 $0x108;
	_ =	swait.ge @!p0 [sflag:s8], $0x0  }
0x24: {  	s3 =	sadd.s32 $0x88, s3;
	s6 =	simm.s32 @!p1 $0x1082;
	[sflag:s4] =	ssyncset.s32 $0xFFFFF086  }
0x25: {  	[simem:s6], [sflag:s4] =	dma.local [hbm:s3], $0xF7A  }
0x26: {  	[smem:$0x3F98] =	sst s1;
	(tag) =	ssettag s2;
	_ =	strace s9  }
0x27: {  	s1 =	sld [smem:$0x3FA8]  }
0x28: {  	s2 =	sld [smem:$0x3FA9]  }
0x29: {  	s4 =	sld [smem:$0x3FAB]  }
0x2a: {  	p0 =	seq.s32 s5, $0x0;
	s5 =	sld [smem:$0x3FAC]  }
0x2b: {  	s6 =	sld [smem:$0x3FAD]  }
0x2c: {  	s7 =	sld [smem:$0x3FAE]  }
0x2d: {  	s3 =	simm.s32 $0x108;
	s8 =	sld [smem:$0x3FAF]  }
0x2e: {  	s3 =	simm.s32 @!p0 $0x1082;
	s9 =	sld [smem:$0x3FB0]  }
0x2f: {  	lr =	sadd.s32 s0, s3;
	s0 =	sld [smem:$0x3FA7]  }
0x30: {  	s3 =	sld [smem:$0x3FAA]  }
0x31: {  	[smem:$0x3FB3] =	sst s10  }
0x32: {  	s10 =	sld [smem:$0x3FB1];
	_ =	sdelay $0x3  }
0x33: {  	p0 =	seq.s32 s10, $0x1;
	s10 =	sld [smem:$0x3FB3];
	_ =	sdelay $0x3  }
0x34: {  	[smem:$0x3FB3] =	sst s10  }
0x35: {  	s10 =	sld [smem:$0x3FB2];
	_ =	sdelay $0x3  }
0x36: {  	p1 =	seq.s32 s10, $0x1;
	s10 =	sld [smem:$0x3FB3];
	_ =	sdelay $0x3  }
0x37: {  	[smem:$0x3FB3] =	sst s10  }
0x38: {  	s10 =	sld [smem:$0x3FB4]  }
0x39: {  	_ = 	snop;
	(pc) =	sbr.ind lr, $3  }
0x3a: {  	_ = 	snop  }
0x3b: {  	_ = 	snop  }
0x3c: {  	p2 =	seq.s32 s10, $0x1;
	s10 =	sld [smem:$0x3FB3]  }
0x3d: {  	_ =	shalt  }
0x3e: {  	_ =	shalt  }
0x3f: {  	_ =	shalt  }
0x40: {  	_ =	shalt  }
0x41: {  	_ =	shalt  }
0x42: {  	_ =	shalt  }
0x43: {  	_ =	shalt  }
0x44: {  	_ =	shalt  }
0x45: {  	_ =	shalt  }
0x46: {  	_ =	shalt  }
0x47: {  	_ =	shalt  }
0x48: {  	_ =	shalt  }
0x49: {  	_ =	shalt  }
0x4a: {  	_ =	shalt  }
0x4b: {  	_ =	shalt  }
0x4c: {  	_ =	shalt  }
0x4d: {  	_ =	shalt  }
0x4e: {  	_ =	shalt  }
0x4f: {  	_ =	shalt  }
0x50: {  	_ =	shalt  }
0x51: {  	_ =	shalt  }
0x52: {  	_ =	shalt  }
0x53: {  	_ =	shalt  }
0x54: {  	_ =	shalt  }
0x55: {  	_ =	shalt  }
0x56: {  	_ =	shalt  }
0x57: {  	_ =	shalt  }
0x58: {  	_ =	shalt  }
0x59: {  	_ =	shalt  }
0x5a: {  	_ =	shalt  }
0x5b: {  	_ =	shalt  }
0x5c: {  	_ =	shalt  }
0x5d: {  	_ =	shalt  }
0x5e: {  	_ =	shalt  }
0x5f: {  	_ =	shalt  }
0x60: {  	_ =	shalt  }
0x61: {  	_ =	shalt  }
0x62: {  	_ =	shalt  }
0x63: {  	_ =	shalt  }
0x64: {  	_ =	shalt  }
0x65: {  	_ =	shalt  }
0x66: {  	_ =	shalt  }
0x67: {  	_ =	shalt  }
0x68: {  	_ =	shalt  }
0x69: {  	_ =	shalt  }
0x6a: {  	_ =	shalt  }
0x6b: {  	_ =	shalt  }
0x6c: {  	_ =	shalt  }
0x6d: {  	_ =	shalt  }
0x6e: {  	_ =	shalt  }
0x6f: {  	_ =	shalt  }
0x70: {  	_ =	shalt  }
0x71: {  	_ =	shalt  }
0x72: {  	_ =	shalt  }
0x73: {  	_ =	shalt  }
0x74: {  	_ =	shalt  }
0x75: {  	_ =	shalt  }
0x76: {  	_ =	shalt  }
0x77: {  	_ =	shalt  }
0x78: {  	_ =	shalt  }
0x79: {  	_ =	shalt  }
0x7a: {  	_ =	shalt  }
0x7b: {  	_ =	shalt  }
0x7c: {  	_ =	shalt  }
0x7d: {  	_ =	shalt  }
0x7e: {  	_ =	shalt  }
0x7f: {  	_ =	shalt  }
0x80: {  	_ =	shalt  }
0x81: {  	_ =	shalt  }
0x82: {  	_ =	shalt  }
0x83: {  	_ =	shalt  }
0x84: {  	_ =	shalt  }
0x85: {  	_ =	shalt  }
0x86: {  	_ =	shalt  }
0x87: {  	_ =	shalt  }
.Lfunc_end0:
.L_simem_size_0:
called_computation.5_lowered:
.L_overlay_start_0:
0x88: {  	s2 =	sld [smem:$0x3FD9]  }
0x89: {  	s3 =	sld [smem:$0x3FFE];
	_ =	sdelay $0x1  }
0x8a: {  	s1 =	srdreg.scid  }
0x8b: {  	s0 =	sand.u32 $0x1, s1  }
0x8c: {  	s16 =	sshll.u32 s0, $0xA;
	s2 =	sadd.s32 s3, s2  }
0x8d: {  	s2 =	sadd.s32 s2, s16  }
0x8e: {  	[smem:$0x3FBF] =	sst s2  }
0x8f: {  	_ = 	snop  }
0x90: {  	(tm) =	ssettm $0x1  }
0x91: {  	s17 =	sld [smem:$0x3FFB];
	_ =	sdelay $0x3  }
0x92: {  	_ =	strace s17  }
0x93: {  	s2 =	sld [smem:$0x3FFC];
	_ =	sdelay $0x3  }
0x94: {  	_ =	strace s2  }
0x95: {  	s2 =	sld [smem:$0x3FFD];
	_ =	sdelay $0x3  }
0x96: {  	_ =	strace s2  }
0x97: {  	_ =	strace $0x8FFFFFFF  }
0x98: {  	s18 =	sld [smem:$0x3FDB];
	_ =	sdelay $0x1  }
0x99: {  	s19 =	simm.s32 $_scs_section_size  }
0x9a: {  	s4 =	simm.s32 $_size__tile_overlayer_lowered;
	s5 =	simm.s32 $_tile_overlayer_lowered  }
0x9b: {  	s22 =	simm.s32 $0x1BFF;
	s21 =	sshll.u32 s5, $0x1;
	s2 =	sadd.s32 s19, s18  }
0x9c: {  	s6 =	simm.s32 $0x0;
	s20 =	sshll.u32 s4, $0x1;
	s4 =	sadd.s32 s21, s2  }
0x9d: {  	[timem:s6], [sflag:s22] =	dma.local [hbm:s4], s20  }
0x9e: {  	_ =	swait.ge [sflag:s22], s20  }
0x9f: {  	s3 =	ssub.s32 $0x0, s20;
	[sflag:s22] =	ssyncset.done $0x0  }
0xa0: {  	[sflag:s22] =	ssyncadd.s32 s3;
	_ =	sdelay $0x1  }
0xa1: {  	s23 =	simm.s32 $0x1B8B  }
0xa2: {  	_ =	swait.ge [sflag:s23], $0x1  }
0xa3: {  	[sflag:s23] =	ssyncset.done $0x0  }
0xa4: {  	s25 =	simm.s32 $0x1B8E;
	s24 =	sld [smem:$0x3FFE];
	[sflag:s23] =	ssyncadd.s32 $0xFFFFFFFF  }
0xa5: {  	s26 =	simm.s32 $execute0_lowered;
	[smem:$0x3FD2] =	sst s25  }
0xa6: {  	s4 =	sshll.u32 s26, $0x1;
	_ =	strace $0x80000055;
	[dreg:$0x1] =	wrdreg $0xFFFFFFFF  }
0xa7: {  	s28 =	simm.s32 $_size_execute0_lowered;
	s2 =	sadd.s32 s2, s4;
	[dreg:$0x0] =	wrdreg $0x0  }
0xa8: {  	s4 =	sshll.u32 s28, $0x1;
	[dreg:$0x2] =	wrdreg s2  }
0xa9: {  	[dreg:$0x3] =	wrdreg s4  }
0xaa: {  	[dreg:$0x4] =	wrdreg $0xC0  }
0xab: {  	_ =	task [dreg:s6], $0x5FFFF  }
0xac: {  	[dreg:$0x1] =	wrdreg $0xFFFFFFFF  }
0xad: {  	[dreg:$0x0] =	wrdreg $0x60  }
0xae: {  	[dreg:$0x2] =	wrdreg s24  }
0xaf: {  	[dreg:$0x3] =	wrdreg $0x90000  }
0xb0: {  	[dreg:$0x4] =	wrdreg $0x9  }
0xb1: {  	_ =	task.clear_ibuf [dreg:s6], $0x5FFFF;
	_ =	strace $0x90000055  }
0xb2: {  	s29 =	simm.s32 $0x9;
	_ =	strace $0x80000057  }
0xb3: {  	_ =	swait.ge [sflag:s29], $0x1  }
0xb4: {  	[sflag:s29] =	ssyncadd.s32 $0xFFFFFFFF  }
0xb5: {  	_ =	strace $0x90000057  }
0xb6: {  	_ =	sfence  }
0xb7: {  	s30 =	sld [smem:$0x0];
	_ =	sdelay $0x2  }
0xb8: {  	s31 =	sshll.u32 s1, $0xD;
	s1 =	sshrl.u32 s1, $0x2  }
0xb9: {  	s3 =	sand.u32 $0x4000, s31;
	s1 =	sadd.s32 s1, s30  }
0xba: {  	s0 =	sor.u32 s3, s0;
	s1 =	sshll.u32 s1, $0x11  }
0xbb: {  	s0 =	sor.u32 s1, s0  }
0xbc: {  	s0 =	sadd.s32 $0x8F2B, s0  }
0xbd: {  	[sflag:s0] =	ssyncadd.remote.s32 $0x1  }
0xbe: {  	_ =	sfence.sel $0xFFFF  }
0xbf: {  	[dreg:$0x0] =	wrdreg $0xFFFFFFFF;
	(pc) =	sbr.abs _section_cstart, $3  }
0xc0: {  	[dreg:$0x1] =	wrdreg $0xFFFFFFFF  }
0xc1: {  	_ =	task.clear_ibuf [dreg:s6], $0x2FFFF;
	_ =	strace $0x9FFFFFFF  }
0xc2: {  	(tm) =	ssettm $0x7FFFFFFF  }
0xc3: {  	_ =	shalt  }
tec
execute0_lowered:
.L_overlay_start_1:
0x0: {  	(tag) =	ssettag $0x1  }
0x1: {  	s1 =	srdreg.scid;
	s6 =	rddreg [dreg:$0x0]  }
0x2: {  	s0 =	stileid.u32;
	s2 =	rddreg [dreg:$0x1];
	s3 =	simm.s32 $0x0  }
0x3: {  	s14 =	simm.s32 $0x80;
	s15 =	simm.s32 $0x4F00;
	s16 =	simm.s32 $0x5000  }
0x4: {  	s17 =	simm.s32 $0x1;
	s18 =	simm.s32 $0x4F80;
	s19 =	simm.s32 $0x0  }
0x5: {  	s5 =	sand.u32 $0x1, s1;
	s24 =	sshll.u32 s0, $0x1;
	s9 =	smul.u32 $0x13C00, s0  }
0x6: {  	[smem:$0x7FF] =	sst s3;
	s4 =	sadd.s32 $0x14200, s6;
	s28 =	smul.u32 $0x4F000, s0  }
0x7: {  	s31 =	sshll.u32 s0, $0x6;
	s1 =	sor.u32 s5, s24;
	s8 =	smul.u32 $0x13C000, s5  }
0x8: {  	s26 =	ssub.s32 $0x2, s5;
	s5 =	sadd.s32 $0x11A00, s6;
	s7 =	smul.u32 $0x4F0, s1  }
0x9: {  	s1 =	rddreg [dreg:$0x2];
	_ =	strace $0x80000056;
	s29 =	sshrl.u32 s26, $0x1  }
0xa: {  	s30 =	sshrl.u32 s28, $0x2;
	s25 =	sadd.s32 s9, s8;
	s12 =	ssub.s32 s26, s29  }
0xb: {  	s13 =	sadd.s32 s30, s2;
	s10 =	sadd.s32 s7, s6;
	s7 =	sshrl.u32 s25, $0x3  }
0xc: {  	s11 =	sadd.s32 s7, s6;
	s6 =	sor.u32 $0x1C02, s31;
	s7 =	sadd.s32 $0x7400, s10  }
0xd: {  	s8 =	sadd.s32 $0x28200, s10;
	s10 =	smax.u32 s12, $0x1;
	s12 =	simm.s32 $0x2  }
0xe: {  	s9 =	sadd.s32 $0xE4000, s11;
	s11 =	sshrl.u32 s13, $0x3;
	s13 =	simm.s32 $0x2780  }
.LBB2_1:
0xf: {  	[spmem:s11], [sflag:s6] =	dma.local [hbm:s5], $0x2780  }
0x10: {  	_ =	swait.ge [sflag:s12], $0x2780  }
0x11: {  	[sflag:s12] =	ssyncset.done $0x0  }
0x12: {  	[sflag:s12] =	ssyncadd.s32 $0xFFFFD880  }
0x13: {  	[tilespmem:s3], [sflag:$0x2] =	stream.linear.gather [hbm4b:s7+s3], $0x2780, $0x38;
	[tilespmem:$0x1CC00] =	vst v63  }
0x14: {  	_ =	swait.ge [sflag:s12], $0x2780  }
0x15: {  	[sflag:s12] =	ssyncset.done $0x0  }
0x16: {  	[sflag:s12] =	ssyncadd.s32 $0xFFFFD880  }
0x17: {  	[tilespmem:s13], [sflag:$0x2] =	stream.linear.gather [hbm4b:s8+s3], $0x2780, $0x38;
	[tilespmem:$0x1CC00] =	vst v63  }
0x18: {  	_ =	swait.ge [sflag:s12], $0x2780  }
0x19: {  	[sflag:s12] =	ssyncset.done $0x0  }
0x1a: {  	[sflag:s12] =	ssyncadd.s32 $0xFFFFD880  }
0x1b: {  	s20 =	simm.s32 $0x0;
	[bflag:$0x0] =	sbarrier.arrive $0xFFFF  }
0x1c: {  	v0 =	vld [tilespmem:s20+$0x0];
	_ =	sdelay $0x4  }
0x1d: {  	[tilespmem:$0x4F00] =	vst v0  }
0x1e: {  	v0 =	vld [tilespmem:s20+$0x10];
	_ =	sdelay $0x4  }
0x1f: {  	[tilespmem:$0x4F10] =	vst v0  }
0x20: {  	v0 =	vld [tilespmem:s20+$0x20];
	_ =	sdelay $0x4  }
0x21: {  	[tilespmem:$0x4F20] =	vst v0  }
0x22: {  	v0 =	vld [tilespmem:s20+$0x30];
	_ =	sdelay $0x4  }
0x23: {  	[tilespmem:$0x4F30] =	vst v0  }
0x24: {  	v0 =	vld [tilespmem:s20+$0x40];
	_ =	sdelay $0x4  }
0x25: {  	[tilespmem:$0x4F40] =	vst v0  }
0x26: {  	v0 =	vld [tilespmem:s20+$0x50];
	_ =	sdelay $0x4  }
0x27: {  	[tilespmem:$0x4F50] =	vst v0  }
0x28: {  	v0 =	vld [tilespmem:s20+$0x60];
	_ =	sdelay $0x4  }
0x29: {  	[tilespmem:$0x4F60] =	vst v0  }
0x2a: {  	v0 =	vld [tilespmem:s20+$0x70];
	_ =	sdelay $0x4  }
0x2b: {  	[tilespmem:$0x4F70] =	vst v0  }
0x2c: {  	v0 =	vld [tilespmem:s20+$0x2780];
	_ =	sdelay $0x4  }
0x2d: {  	[tilespmem:$0x4F80] =	vst v0  }
0x2e: {  	v0 =	vld [tilespmem:s20+$0x2790];
	_ =	sdelay $0x4  }
0x2f: {  	[tilespmem:$0x4F90] =	vst v0  }
0x30: {  	v0 =	vld [tilespmem:s20+$0x27A0];
	_ =	sdelay $0x4  }
0x31: {  	[tilespmem:$0x4FA0] =	vst v0  }
0x32: {  	v0 =	vld [tilespmem:s20+$0x27B0];
	_ =	sdelay $0x4  }
0x33: {  	[tilespmem:$0x4FB0] =	vst v0  }
0x34: {  	v0 =	vld [tilespmem:s20+$0x27C0];
	_ =	sdelay $0x4  }
0x35: {  	[tilespmem:$0x4FC0] =	vst v0  }
0x36: {  	v0 =	vld [tilespmem:s20+$0x27D0];
	_ =	sdelay $0x4  }
0x37: {  	[tilespmem:$0x4FD0] =	vst v0  }
0x38: {  	v0 =	vld [tilespmem:s20+$0x27E0];
	_ =	sdelay $0x4  }
0x39: {  	[tilespmem:$0x4FE0] =	vst v0  }
0x3a: {  	v0 =	vld [tilespmem:s20+$0x27F0];
	_ =	sdelay $0x4  }
0x3b: {  	[tilespmem:$0x4FF0] =	vst v0  }
0x3c: {  	[tilespmem:s16], [sflag:$0x1] =	stream.indirect.gather [hbm4b:s4+s14], $0x80, s15, s14, $0xb8;
	[tilespmem:$0x1CC00] =	vst v63  }
0x3d: {  	_ =	swait.ge [sflag:s17], $0x4000  }
0x3e: {  	[sflag:s17] =	ssyncset.done $0x0  }
0x3f: {  	[sflag:s17] =	ssyncadd.s32 $0xFFFFC000  }
0x40: {  	[spmem:s2] =	stream.indirect.scatter.add.f32 [tilespmem:s16], [sflag:$0x2], $0x80, s18, s14, $0xb8;
	[tilespmem:$0x1CC00] =	vst v63  }
0x41: {  	_ =	swait.ge [sflag:s12], $0x4000  }
0x42: {  	s23 =	simm.s32 $0x400;
	s20 =	simm.s32 $0x200;
	[sflag:s12] =	ssyncset.done $0x0  }
.LBB2_2:
0x43: {  	s22 =	sshra.s32 s20, $0x2  }
0x44: {  	[sflag:s12] =	ssyncadd.s32 $0xFFFFC000;
	s20 =	smov.u32 s23;
	s21 =	sadd.s32 $0x200, s23  }
0x45: {  	p0 =	sne.s32 s23, $0x9C00;
	v0 =	vld [tilespmem:s22+$0x0];
	_ =	sdelay $0x4  }
0x46: {  	[tilespmem:$0x4F00] =	vst v0  }
0x47: {  	v0 =	vld [tilespmem:s22+$0x10];
	_ =	sdelay $0x4  }
0x48: {  	[tilespmem:$0x4F10] =	vst v0  }
0x49: {  	v0 =	vld [tilespmem:s22+$0x20];
	_ =	sdelay $0x4  }
0x4a: {  	[tilespmem:$0x4F20] =	vst v0  }
0x4b: {  	v0 =	vld [tilespmem:s22+$0x30];
	_ =	sdelay $0x4  }
0x4c: {  	[tilespmem:$0x4F30] =	vst v0  }
0x4d: {  	v0 =	vld [tilespmem:s22+$0x40];
	_ =	sdelay $0x4  }
0x4e: {  	[tilespmem:$0x4F40] =	vst v0  }
0x4f: {  	v0 =	vld [tilespmem:s22+$0x50];
	_ =	sdelay $0x4  }
0x50: {  	[tilespmem:$0x4F50] =	vst v0  }
0x51: {  	v0 =	vld [tilespmem:s22+$0x60];
	_ =	sdelay $0x4  }
0x52: {  	[tilespmem:$0x4F60] =	vst v0  }
0x53: {  	v0 =	vld [tilespmem:s22+$0x70];
	_ =	sdelay $0x4  }
0x54: {  	[tilespmem:$0x4F70] =	vst v0  }
0x55: {  	v0 =	vld [tilespmem:s22+$0x2780];
	_ =	sdelay $0x4  }
0x56: {  	[tilespmem:$0x4F80] =	vst v0  }
0x57: {  	v0 =	vld [tilespmem:s22+$0x2790];
	_ =	sdelay $0x4  }
0x58: {  	[tilespmem:$0x4F90] =	vst v0  }
0x59: {  	v0 =	vld [tilespmem:s22+$0x27A0];
	_ =	sdelay $0x4  }
0x5a: {  	[tilespmem:$0x4FA0] =	vst v0  }
0x5b: {  	v0 =	vld [tilespmem:s22+$0x27B0];
	_ =	sdelay $0x4  }
0x5c: {  	[tilespmem:$0x4FB0] =	vst v0  }
0x5d: {  	v0 =	vld [tilespmem:s22+$0x27C0];
	_ =	sdelay $0x4  }
0x5e: {  	[tilespmem:$0x4FC0] =	vst v0  }
0x5f: {  	v0 =	vld [tilespmem:s22+$0x27D0];
	_ =	sdelay $0x4  }
0x60: {  	[tilespmem:$0x4FD0] =	vst v0  }
0x61: {  	v0 =	vld [tilespmem:s22+$0x27E0];
	_ =	sdelay $0x4  }
0x62: {  	[tilespmem:$0x4FE0] =	vst v0  }
0x63: {  	v0 =	vld [tilespmem:s22+$0x27F0];
	_ =	sdelay $0x4  }
0x64: {  	[tilespmem:$0x4FF0] =	vst v0  }
0x65: {  	[tilespmem:s16], [sflag:$0x1] =	stream.indirect.gather [hbm4b:s4+s14], $0x80, s15, s14, $0xb8;
	[tilespmem:$0x1CC00] =	vst v63  }
0x66: {  	_ =	swait.ge [sflag:s17], $0x4000  }
.Ltmp0:
0x67: {  	[sflag:s17] =	ssyncset.done $0x0;
	(pc) =	sbr.rel @p0 .LBB2_2-.Ltmp0, $4  }
0x68: {  	[sflag:s17] =	ssyncadd.s32 $0xFFFFC000  }
0x69: {  	[spmem:s2] =	stream.indirect.scatter.add.f32 [tilespmem:s16], [sflag:$0x2], $0x80, s18, s14, $0xb8;
	[tilespmem:$0x1CC00] =	vst v63  }
0x6a: {  	_ =	swait.ge [sflag:s12], $0x4000  }
0x6b: {  	s23 =	smov.u32 s21;
	[sflag:s12] =	ssyncset.done $0x0  }
0x6c: {  	s20 =	sshra.s32 s20, $0x2;
	[sflag:s12] =	ssyncadd.s32 $0xFFFFC000  }
0x6d: {  	v0 =	vld [tilespmem:s20+$0x0];
	_ =	sdelay $0x4  }
0x6e: {  	[tilespmem:$0x4F00] =	vst v0  }
0x6f: {  	v0 =	vld [tilespmem:s20+$0x10];
	_ =	sdelay $0x4  }
0x70: {  	[tilespmem:$0x4F10] =	vst v0  }
0x71: {  	v0 =	vld [tilespmem:s20+$0x20];
	_ =	sdelay $0x4  }
0x72: {  	[tilespmem:$0x4F20] =	vst v0  }
0x73: {  	v0 =	vld [tilespmem:s20+$0x30];
	_ =	sdelay $0x4  }
0x74: {  	[tilespmem:$0x4F30] =	vst v0  }
0x75: {  	v0 =	vld [tilespmem:s20+$0x40];
	_ =	sdelay $0x4  }
0x76: {  	[tilespmem:$0x4F40] =	vst v0  }
0x77: {  	v0 =	vld [tilespmem:s20+$0x50];
	_ =	sdelay $0x4  }
0x78: {  	[tilespmem:$0x4F50] =	vst v0  }
0x79: {  	v0 =	vld [tilespmem:s20+$0x60];
	_ =	sdelay $0x4  }
0x7a: {  	[tilespmem:$0x4F60] =	vst v0  }
0x7b: {  	v0 =	vld [tilespmem:s20+$0x70];
	_ =	sdelay $0x4  }
0x7c: {  	[tilespmem:$0x4F70] =	vst v0  }
0x7d: {  	v0 =	vld [tilespmem:s20+$0x2780];
	_ =	sdelay $0x4  }
0x7e: {  	[tilespmem:$0x4F80] =	vst v0  }
0x7f: {  	v0 =	vld [tilespmem:s20+$0x2790];
	_ =	sdelay $0x4  }
0x80: {  	[tilespmem:$0x4F90] =	vst v0  }
0x81: {  	v0 =	vld [tilespmem:s20+$0x27A0];
	_ =	sdelay $0x4  }
0x82: {  	[tilespmem:$0x4FA0] =	vst v0  }
0x83: {  	v0 =	vld [tilespmem:s20+$0x27B0];
	_ =	sdelay $0x4  }
0x84: {  	[tilespmem:$0x4FB0] =	vst v0  }
0x85: {  	v0 =	vld [tilespmem:s20+$0x27C0];
	_ =	sdelay $0x4  }
0x86: {  	[tilespmem:$0x4FC0] =	vst v0  }
0x87: {  	v0 =	vld [tilespmem:s20+$0x27D0];
	_ =	sdelay $0x4  }
0x88: {  	[tilespmem:$0x4FD0] =	vst v0  }
0x89: {  	v0 =	vld [tilespmem:s20+$0x27E0];
	_ =	sdelay $0x4  }
0x8a: {  	[tilespmem:$0x4FE0] =	vst v0  }
0x8b: {  	v0 =	vld [tilespmem:s20+$0x27F0];
	_ =	sdelay $0x4  }
0x8c: {  	[tilespmem:$0x4FF0] =	vst v0  }
0x8d: {  	[tilespmem:s16], [sflag:$0x1] =	stream.indirect.gather [hbm4b:s4+s14], $0x80, s15, s14, $0xb8;
	[tilespmem:$0x1CC00] =	vst v63  }
0x8e: {  	_ =	swait.ge [sflag:s17], $0x4000  }
0x8f: {  	[sflag:s17] =	ssyncset.done $0x0  }
0x90: {  	[sflag:s17] =	ssyncadd.s32 $0xFFFFC000  }
0x91: {  	[spmem:s2] =	stream.indirect.scatter.add.f32 [tilespmem:s16], [sflag:$0x2], $0x80, s18, s14, $0xb8;
	[tilespmem:$0x1CC00] =	vst v63  }
0x92: {  	_ =	swait.ge [sflag:s12], $0x4000  }
0x93: {  	s19 =	sadd.s32 $0x1, s19;
	[sflag:s12] =	ssyncset.done $0x0  }
0x94: {  	p0 =	sne.s32 s19, s10;
	[sflag:s12] =	ssyncadd.s32 $0xFFFFC000  }
.Ltmp1:
0x95: {  	[bflag:$0x0] =	sbarrier.arrive $0xFFFF;
	(pc) =	sbr.rel @p0 .LBB2_1-.Ltmp1, $4  }
0x96: {  	[hbm:s9], [sflag:s6] =	dma.local [spmem:s11], $0x2780  }
0x97: {  	_ =	swait.ge [sflag:s12], $0x2780  }
0x98: {  	[sflag:s12] =	ssyncset.done $0x0  }
0x99: {  	[sflag:s12] =	ssyncadd.s32 $0xFFFFD880  }
0x9a: {  	_ =	sfence.sel $0x180000  }
0x9b: {  	[bflag:$0x0] =	sbarrier.arrive $0xFFFF  }
0x9c: {  	p0 =	sne.s32 s0, $0x0;
	_ =	strace $0x90000056  }
0x9d: {  	s0 =	sadd.s32 @!p0 $0x100000, s1;
	[bflag:$0x2] =	sbarrier.arrive $0xFFFF  }
0x9e: {  	[sflag:s0] =	ssyncadd.tile.s32 @!p0 $0x1;
	_ =	shalt  }
.Lfunc_end2:
_tile_overlayer_lowered:
.L_overlay_start_2:
0x9f: {  	(tag) =	ssettag $0x2  }
0xa0: {  	s0 =	rddreg [dreg:$0x0];
	s2 =	stileid.u32  }
0xa1: {  	s1 =	rddreg [dreg:$0x1];
	p0 =	sne.s32 s2, $0x0  }
0xa2: {  	s3 =	rddreg [dreg:$0x2];
	[bflag:$0x3] =	sbarrier.arrive $0xFFFF;
	s2 =	simm.s32 @!p0 $0x1C02  }
0xa3: {  	[timem:s3], [sflag:s2] =	dma.local @!p0 [hbm:s0], s1  }
0xa4: {  	s0 =	simm.s32 @!p0 $0x2  }
0xa5: {  	_ =	swait.ge @!p0 [sflag:s0], s1  }
0xa6: {  	s1 =	ssub.s32 @!p0 $0x0, s1;
	[sflag:s0] =	ssyncset.done @!p0 $0x0  }
0xa7: {  	[sflag:s0] =	ssyncadd.s32 @!p0 s1  }
0xa8: {  	[bflag:$0x3] =	sbarrier.arrive $0xFFFF  }
0xa9: {  	_ =	shalt  }

// kernel: kernel.36.cloned.1.call-start
scs
__scs_entry_jumppad:
0x0: {  	(pc) =	sbr.rel $0x88, $3  }
0x1: {  	(tag) =	ssettag $0x0;
	lr =	simm.s32 $0x1  }
0x2: {  	[smem:$0x3F98] =	sst lr;
	_ =	strace $0xD0000000  }
0x3: {  	_ = 	snop  }
0x4: {  	_ = 	snop  }
0x5: {  	_ = 	snop  }
0x6: {  	_ = 	snop  }
0x7: {  	_ = 	snop  }
__scs_overlays_trampoline_lowered:
0x8: {  	[smem:$0x3FA7] =	sst s0  }
0x9: {  	[smem:$0x3FA8] =	sst s1  }
0xa: {  	[smem:$0x3FA9] =	sst s2  }
0xb: {  	[smem:$0x3FAA] =	sst s3  }
0xc: {  	[smem:$0x3FAB] =	sst s4  }
0xd: {  	[smem:$0x3FAC] =	sst s5  }
0xe: {  	[smem:$0x3FAD] =	sst s6  }
0xf: {  	[smem:$0x3FAE] =	sst s7  }
0x10: {  	[smem:$0x3FAF] =	sst s8  }
0x11: {  	[smem:$0x3FB0] =	sst s9;
	s0 =	simm.s32 @!p0 $0x0  }
0x12: {  	s1 =	sld [smem:$0x3F96];
	s0 =	simm.s32 @p0 $0x1  }
0x13: {  	[smem:$0x3FB1] =	sst s0;
	s0 =	simm.s32 @!p1 $0x0  }
0x14: {  	s2 =	sld [smem:$0x3F95];
	s0 =	simm.s32 @p1 $0x1  }
0x15: {  	[smem:$0x3FB2] =	sst s0;
	s0 =	simm.s32 @!p2 $0x0  }
0x16: {  	s3 =	sld [smem:$0x3FDB];
	s0 =	simm.s32 @p2 $0x1  }
0x17: {  	s4 =	simm.s32 $0x1BF5;
	[smem:$0x3FB4] =	sst s0  }
0x18: {  	s0 =	sld [smem:$0x3F97];
	_ =	swait.ge [sflag:s4], $0x0  }
0x19: {  	s7 =	sld [smem:$0x3F98]  }
0x1a: {  	s8 =	sadd.s32 $0xFFFFE003, lr  }
0x1b: {  	s9 =	sadd.s32 $0xFFFFFEF7, lr;
	s5 =	simm.s32 $0xFFFFFFFF;
	p2 =	slt.u32 s8, $0xFFFFF086  }
0x1c: {  	p1 =	slt.u32 s9, $0xF7A;
	s5 =	simm.s32 @!p2 $0x0  }
0x1d: {  	s5 =	simm.s32 @p1 $0x1;
	p0 =	seq.s32 s7, s2  }
0x1e: {  	s7 =	smul.u32 @!p0 $0xF7A, s2;
	p2 =	seq.s32 @!p0 s5, $0x0  }
0x1f: {  	s9 =	smul.u32 $0xF7A, s1;
	s8 =	simm.s32 @!p0 $0x1BF5;
	p2 =	por !p2, p0  }
0x20: {  	[sflag:s8] =	ssyncset.s32 @!p0 $0xFFFFF086;
	s6 =	sadd.s32 @!p0 s3, s7;
	s7 =	simm.s32 @!p0 $0x108  }
0x21: {  	s3 =	sadd.s32 s3, s9;
	s6 =	sadd.s32 @!p0 $0x88, s6;
	s7 =	simm.s32 @p2 $0x1082  }
0x22: {  	[simem:s7], [sflag:s8] =	dma.local @!p0 [hbm:s6], $0xF7A  }
0x23: {  	s9 =	sor.u32 $0xD0000000, s2;
	s6 =	simm.s32 $0x108;
	_ =	swait.ge @!p0 [sflag:s8], $0x0  }
0x24: {  	s3 =	sadd.s32 $0x88, s3;
	s6 =	simm.s32 @!p1 $0x1082;
	[sflag:s4] =	ssyncset.s32 $0xFFFFF086  }
0x25: {  	[simem:s6], [sflag:s4] =	dma.local [hbm:s3], $0xF7A  }
0x26: {  	[smem:$0x3F98] =	sst s1;
	(tag) =	ssettag s2;
	_ =	strace s9  }
0x27: {  	s1 =	sld [smem:$0x3FA8]  }
0x28: {  	s2 =	sld [smem:$0x3FA9]  }
0x29: {  	s4 =	sld [smem:$0x3FAB]  }
0x2a: {  	p0 =	seq.s32 s5, $0x0;
	s5 =	sld [smem:$0x3FAC]  }
0x2b: {  	s6 =	sld [smem:$0x3FAD]  }
0x2c: {  	s7 =	sld [smem:$0x3FAE]  }
0x2d: {  	s3 =	simm.s32 $0x108;
	s8 =	sld [smem:$0x3FAF]  }
0x2e: {  	s3 =	simm.s32 @!p0 $0x1082;
	s9 =	sld [smem:$0x3FB0]  }
0x2f: {  	lr =	sadd.s32 s0, s3;
	s0 =	sld [smem:$0x3FA7]  }
0x30: {  	s3 =	sld [smem:$0x3FAA]  }
0x31: {  	[smem:$0x3FB3] =	sst s10  }
0x32: {  	s10 =	sld [smem:$0x3FB1];
	_ =	sdelay $0x3  }
0x33: {  	p0 =	seq.s32 s10, $0x1;
	s10 =	sld [smem:$0x3FB3];
	_ =	sdelay $0x3  }
0x34: {  	[smem:$0x3FB3] =	sst s10  }
0x35: {  	s10 =	sld [smem:$0x3FB2];
	_ =	sdelay $0x3  }
0x36: {  	p1 =	seq.s32 s10, $0x1;
	s10 =	sld [smem:$0x3FB3];
	_ =	sdelay $0x3  }
0x37: {  	[smem:$0x3FB3] =	sst s10  }
0x38: {  	s10 =	sld [smem:$0x3FB4]  }
0x39: {  	_ = 	snop;
	(pc) =	sbr.ind lr, $3  }
0x3a: {  	_ = 	snop  }
0x3b: {  	_ = 	snop  }
0x3c: {  	p2 =	seq.s32 s10, $0x1;
	s10 =	sld [smem:$0x3FB3]  }
0x3d: {  	_ =	shalt  }
0x3e: {  	_ =	shalt  }
0x3f: {  	_ =	shalt  }
0x40: {  	_ =	shalt  }
0x41: {  	_ =	shalt  }
0x42: {  	_ =	shalt  }
0x43: {  	_ =	shalt  }
0x44: {  	_ =	shalt  }
0x45: {  	_ =	shalt  }
0x46: {  	_ =	shalt  }
0x47: {  	_ =	shalt  }
0x48: {  	_ =	shalt  }
0x49: {  	_ =	shalt  }
0x4a: {  	_ =	shalt  }
0x4b: {  	_ =	shalt  }
0x4c: {  	_ =	shalt  }
0x4d: {  	_ =	shalt  }
0x4e: {  	_ =	shalt  }
0x4f: {  	_ =	shalt  }
0x50: {  	_ =	shalt  }
0x51: {  	_ =	shalt  }
0x52: {  	_ =	shalt  }
0x53: {  	_ =	shalt  }
0x54: {  	_ =	shalt  }
0x55: {  	_ =	shalt  }
0x56: {  	_ =	shalt  }
0x57: {  	_ =	shalt  }
0x58: {  	_ =	shalt  }
0x59: {  	_ =	shalt  }
0x5a: {  	_ =	shalt  }
0x5b: {  	_ =	shalt  }
0x5c: {  	_ =	shalt  }
0x5d: {  	_ =	shalt  }
0x5e: {  	_ =	shalt  }
0x5f: {  	_ =	shalt  }
0x60: {  	_ =	shalt  }
0x61: {  	_ =	shalt  }
0x62: {  	_ =	shalt  }
0x63: {  	_ =	shalt  }
0x64: {  	_ =	shalt  }
0x65: {  	_ =	shalt  }
0x66: {  	_ =	shalt  }
0x67: {  	_ =	shalt  }
0x68: {  	_ =	shalt  }
0x69: {  	_ =	shalt  }
0x6a: {  	_ =	shalt  }
0x6b: {  	_ =	shalt  }
0x6c: {  	_ =	shalt  }
0x6d: {  	_ =	shalt  }
0x6e: {  	_ =	shalt  }
0x6f: {  	_ =	shalt  }
0x70: {  	_ =	shalt  }
0x71: {  	_ =	shalt  }
0x72: {  	_ =	shalt  }
0x73: {  	_ =	shalt  }
0x74: {  	_ =	shalt  }
0x75: {  	_ =	shalt  }
0x76: {  	_ =	shalt  }
0x77: {  	_ =	shalt  }
0x78: {  	_ =	shalt  }
0x79: {  	_ =	shalt  }
0x7a: {  	_ =	shalt  }
0x7b: {  	_ =	shalt  }
0x7c: {  	_ =	shalt  }
0x7d: {  	_ =	shalt  }
0x7e: {  	_ =	shalt  }
0x7f: {  	_ =	shalt  }
0x80: {  	_ =	shalt  }
0x81: {  	_ =	shalt  }
0x82: {  	_ =	shalt  }
0x83: {  	_ =	shalt  }
0x84: {  	_ =	shalt  }
0x85: {  	_ =	shalt  }
0x86: {  	_ =	shalt  }
0x87: {  	_ =	shalt  }
.Lfunc_end0:
.L_simem_size_0:
called_computation.6_lowered:
.L_overlay_start_0:
0x88: {  	s2 =	sld [smem:$0x3FD9]  }
0x89: {  	s3 =	sld [smem:$0x3FFE];
	_ =	sdelay $0x1  }
0x8a: {  	s1 =	srdreg.scid  }
0x8b: {  	s0 =	sand.u32 $0x1, s1  }
0x8c: {  	s16 =	sshll.u32 s0, $0xA;
	s2 =	sadd.s32 s3, s2  }
0x8d: {  	s2 =	sadd.s32 s2, s16  }
0x8e: {  	[smem:$0x3FBF] =	sst s2  }
0x8f: {  	_ = 	snop  }
0x90: {  	(tm) =	ssettm $0x1  }
0x91: {  	s17 =	sld [smem:$0x3FFB];
	_ =	sdelay $0x3  }
0x92: {  	_ =	strace s17  }
0x93: {  	s2 =	sld [smem:$0x3FFC];
	_ =	sdelay $0x3  }
0x94: {  	_ =	strace s2  }
0x95: {  	s2 =	sld [smem:$0x3FFD];
	_ =	sdelay $0x3  }
0x96: {  	_ =	strace s2  }
0x97: {  	_ =	strace $0x8FFFFFFF  }
0x98: {  	s18 =	sld [smem:$0x3FDB];
	_ =	sdelay $0x1  }
0x99: {  	s19 =	simm.s32 $_scs_section_size  }
0x9a: {  	s4 =	simm.s32 $_size__tile_overlayer_lowered;
	s5 =	simm.s32 $_tile_overlayer_lowered  }
0x9b: {  	s22 =	simm.s32 $0x1BFF;
	s21 =	sshll.u32 s5, $0x1;
	s2 =	sadd.s32 s19, s18  }
0x9c: {  	s6 =	simm.s32 $0x0;
	s20 =	sshll.u32 s4, $0x1;
	s4 =	sadd.s32 s21, s2  }
0x9d: {  	[timem:s6], [sflag:s22] =	dma.local [hbm:s4], s20  }
0x9e: {  	_ =	swait.ge [sflag:s22], s20  }
0x9f: {  	s3 =	ssub.s32 $0x0, s20;
	[sflag:s22] =	ssyncset.done $0x0  }
0xa0: {  	[sflag:s22] =	ssyncadd.s32 s3;
	_ =	sdelay $0x1  }
0xa1: {  	s23 =	simm.s32 $0x1B8B  }
0xa2: {  	_ =	swait.ge [sflag:s23], $0x1  }
0xa3: {  	[sflag:s23] =	ssyncset.done $0x0  }
0xa4: {  	s25 =	simm.s32 $0x1B8E;
	s24 =	sld [smem:$0x3FFE];
	[sflag:s23] =	ssyncadd.s32 $0xFFFFFFFF  }
0xa5: {  	s26 =	simm.s32 $execute0_lowered;
	[smem:$0x3FD2] =	sst s25  }
0xa6: {  	s4 =	sshll.u32 s26, $0x1;
	_ =	strace $0x80000058;
	[dreg:$0x1] =	wrdreg $0xFFFFFFFF  }
0xa7: {  	s28 =	simm.s32 $_size_execute0_lowered;
	s2 =	sadd.s32 s2, s4;
	[dreg:$0x0] =	wrdreg $0x0  }
0xa8: {  	s4 =	sshll.u32 s28, $0x1;
	[dreg:$0x2] =	wrdreg s2  }
0xa9: {  	[dreg:$0x3] =	wrdreg s4  }
0xaa: {  	[dreg:$0x4] =	wrdreg $0xC0  }
0xab: {  	_ =	task [dreg:s6], $0x5FFFF  }
0xac: {  	[dreg:$0x1] =	wrdreg $0xFFFFFFFF  }
0xad: {  	[dreg:$0x0] =	wrdreg $0x60  }
0xae: {  	[dreg:$0x2] =	wrdreg s24  }
0xaf: {  	[dreg:$0x3] =	wrdreg $0x90000  }
0xb0: {  	[dreg:$0x4] =	wrdreg $0x9  }
0xb1: {  	_ =	task.clear_ibuf [dreg:s6], $0x5FFFF;
	_ =	strace $0x90000058  }
0xb2: {  	s29 =	simm.s32 $0x9;
	_ =	strace $0x8000005A  }
0xb3: {  	_ =	swait.ge [sflag:s29], $0x1  }
0xb4: {  	[sflag:s29] =	ssyncadd.s32 $0xFFFFFFFF  }
0xb5: {  	_ =	strace $0x9000005A  }
0xb6: {  	_ =	sfence  }
0xb7: {  	s30 =	sld [smem:$0x0];
	_ =	sdelay $0x2  }
0xb8: {  	s31 =	sshll.u32 s1, $0xD;
	s1 =	sshrl.u32 s1, $0x2  }
0xb9: {  	s3 =	sand.u32 $0x4000, s31;
	s1 =	sadd.s32 s1, s30  }
0xba: {  	s0 =	sor.u32 s3, s0;
	s1 =	sshll.u32 s1, $0x11  }
0xbb: {  	s0 =	sor.u32 s1, s0  }
0xbc: {  	s0 =	sadd.s32 $0x8F2B, s0  }
0xbd: {  	[sflag:s0] =	ssyncadd.remote.s32 $0x1  }
0xbe: {  	_ =	sfence.sel $0xFFFF  }
0xbf: {  	[dreg:$0x0] =	wrdreg $0xFFFFFFFF;
	(pc) =	sbr.abs _section_cstart, $3  }
0xc0: {  	[dreg:$0x1] =	wrdreg $0xFFFFFFFF  }
0xc1: {  	_ =	task.clear_ibuf [dreg:s6], $0x2FFFF;
	_ =	strace $0x9FFFFFFF  }
0xc2: {  	(tm) =	ssettm $0x7FFFFFFF  }
0xc3: {  	_ =	shalt  }
tec
execute0_lowered:
.L_overlay_start_1:
0x0: {  	(tag) =	ssettag $0x1  }
0x1: {  	s1 =	srdreg.scid;
	s6 =	rddreg [dreg:$0x0]  }
0x2: {  	s0 =	stileid.u32;
	s2 =	rddreg [dreg:$0x1];
	s3 =	simm.s32 $0x0  }
0x3: {  	s14 =	simm.s32 $0x80;
	s15 =	simm.s32 $0x4F00;
	s16 =	simm.s32 $0x5000  }
0x4: {  	s17 =	simm.s32 $0x1;
	s18 =	simm.s32 $0x4F80;
	s19 =	simm.s32 $0x0  }
0x5: {  	s5 =	sand.u32 $0x1, s1;
	s24 =	sshll.u32 s0, $0x1;
	s9 =	smul.u32 $0x5000, s0  }
0x6: {  	[smem:$0x7FF] =	sst s3;
	s4 =	sadd.s32 $0x32000, s6;
	s28 =	smul.u32 $0x14000, s0  }
0x7: {  	s31 =	sshll.u32 s0, $0x6;
	s1 =	sor.u32 s5, s24;
	s8 =	smul.u32 $0x50000, s5  }
0x8: {  	s26 =	ssub.s32 $0x2, s5;
	s5 =	sadd.s32 $0x11A00, s6;
	s7 =	smul.u32 $0x4F0, s1  }
0x9: {  	s1 =	rddreg [dreg:$0x2];
	_ =	strace $0x80000059;
	s29 =	sshrl.u32 s26, $0x1  }
0xa: {  	s30 =	sshrl.u32 s28, $0x2;
	s25 =	sadd.s32 s9, s8;
	s12 =	ssub.s32 s26, s29  }
0xb: {  	s13 =	sadd.s32 s30, s2;
	s10 =	sadd.s32 s7, s6;
	s7 =	sshrl.u32 s25, $0x3  }
0xc: {  	s11 =	sadd.s32 s7, s6;
	s6 =	sor.u32 $0x1C02, s31;
	s7 =	sadd.s32 $0x28200, s10  }
0xd: {  	s8 =	sadd.s32 $0x7400, s10;
	s10 =	smax.u32 s12, $0x1;
	s12 =	simm.s32 $0x2  }
0xe: {  	s9 =	sadd.s32 $0x14200, s11;
	s11 =	sshrl.u32 s13, $0x3;
	s13 =	simm.s32 $0x2780  }
.LBB2_1:
0xf: {  	[spmem:s11], [sflag:s6] =	dma.local [hbm:s5], $0xA00  }
0x10: {  	_ =	swait.ge [sflag:s12], $0xA00  }
0x11: {  	[sflag:s12] =	ssyncset.done $0x0  }
0x12: {  	[sflag:s12] =	ssyncadd.s32 $0xFFFFF600  }
0x13: {  	[tilespmem:s3], [sflag:$0x2] =	stream.linear.gather [hbm4b:s7+s3], $0x2780, $0x38;
	[tilespmem:$0xE000] =	vst v63  }
0x14: {  	_ =	swait.ge [sflag:s12], $0x2780  }
0x15: {  	[sflag:s12] =	ssyncset.done $0x0  }
0x16: {  	[sflag:s12] =	ssyncadd.s32 $0xFFFFD880  }
0x17: {  	[tilespmem:s13], [sflag:$0x2] =	stream.linear.gather [hbm4b:s8+s3], $0x2780, $0x38;
	[tilespmem:$0xE000] =	vst v63  }
0x18: {  	_ =	swait.ge [sflag:s12], $0x2780  }
0x19: {  	[sflag:s12] =	ssyncset.done $0x0  }
0x1a: {  	[sflag:s12] =	ssyncadd.s32 $0xFFFFD880  }
0x1b: {  	s20 =	simm.s32 $0x0;
	[bflag:$0x0] =	sbarrier.arrive $0xFFFF  }
0x1c: {  	v0 =	vld [tilespmem:s20+$0x0];
	_ =	sdelay $0x4  }
0x1d: {  	[tilespmem:$0x4F00] =	vst v0  }
0x1e: {  	v0 =	vld [tilespmem:s20+$0x10];
	_ =	sdelay $0x4  }
0x1f: {  	[tilespmem:$0x4F10] =	vst v0  }
0x20: {  	v0 =	vld [tilespmem:s20+$0x20];
	_ =	sdelay $0x4  }
0x21: {  	[tilespmem:$0x4F20] =	vst v0  }
0x22: {  	v0 =	vld [tilespmem:s20+$0x30];
	_ =	sdelay $0x4  }
0x23: {  	[tilespmem:$0x4F30] =	vst v0  }
0x24: {  	v0 =	vld [tilespmem:s20+$0x40];
	_ =	sdelay $0x4  }
0x25: {  	[tilespmem:$0x4F40] =	vst v0  }
0x26: {  	v0 =	vld [tilespmem:s20+$0x50];
	_ =	sdelay $0x4  }
0x27: {  	[tilespmem:$0x4F50] =	vst v0  }
0x28: {  	v0 =	vld [tilespmem:s20+$0x60];
	_ =	sdelay $0x4  }
0x29: {  	[tilespmem:$0x4F60] =	vst v0  }
0x2a: {  	v0 =	vld [tilespmem:s20+$0x70];
	_ =	sdelay $0x4  }
0x2b: {  	[tilespmem:$0x4F70] =	vst v0  }
0x2c: {  	v0 =	vld [tilespmem:s20+$0x2780];
	_ =	sdelay $0x4  }
0x2d: {  	[tilespmem:$0x4F80] =	vst v0  }
0x2e: {  	v0 =	vld [tilespmem:s20+$0x2790];
	_ =	sdelay $0x4  }
0x2f: {  	[tilespmem:$0x4F90] =	vst v0  }
0x30: {  	v0 =	vld [tilespmem:s20+$0x27A0];
	_ =	sdelay $0x4  }
0x31: {  	[tilespmem:$0x4FA0] =	vst v0  }
0x32: {  	v0 =	vld [tilespmem:s20+$0x27B0];
	_ =	sdelay $0x4  }
0x33: {  	[tilespmem:$0x4FB0] =	vst v0  }
0x34: {  	v0 =	vld [tilespmem:s20+$0x27C0];
	_ =	sdelay $0x4  }
0x35: {  	[tilespmem:$0x4FC0] =	vst v0  }
0x36: {  	v0 =	vld [tilespmem:s20+$0x27D0];
	_ =	sdelay $0x4  }
0x37: {  	[tilespmem:$0x4FD0] =	vst v0  }
0x38: {  	v0 =	vld [tilespmem:s20+$0x27E0];
	_ =	sdelay $0x4  }
0x39: {  	[tilespmem:$0x4FE0] =	vst v0  }
0x3a: {  	v0 =	vld [tilespmem:s20+$0x27F0];
	_ =	sdelay $0x4  }
0x3b: {  	[tilespmem:$0x4FF0] =	vst v0  }
0x3c: {  	[tilespmem:s16], [sflag:$0x1] =	stream.indirect.gather [hbm4b:s4+s14], $0x80, s15, s14, $0xb8;
	[tilespmem:$0xE000] =	vst v63  }
0x3d: {  	_ =	swait.ge [sflag:s17], $0x4000  }
0x3e: {  	[sflag:s17] =	ssyncset.done $0x0  }
0x3f: {  	[sflag:s17] =	ssyncadd.s32 $0xFFFFC000  }
0x40: {  	[spmem:s2] =	stream.indirect.scatter.add.f32 [tilespmem:s16], [sflag:$0x2], $0x80, s18, s14, $0xb8;
	[tilespmem:$0xE000] =	vst v63  }
0x41: {  	_ =	swait.ge [sflag:s12], $0x4000  }
0x42: {  	s23 =	simm.s32 $0x400;
	s20 =	simm.s32 $0x200;
	[sflag:s12] =	ssyncset.done $0x0  }
.LBB2_2:
0x43: {  	s22 =	sshra.s32 s20, $0x2  }
0x44: {  	[sflag:s12] =	ssyncadd.s32 $0xFFFFC000;
	s20 =	smov.u32 s23;
	s21 =	sadd.s32 $0x200, s23  }
0x45: {  	p0 =	sne.s32 s23, $0x9C00;
	v0 =	vld [tilespmem:s22+$0x0];
	_ =	sdelay $0x4  }
0x46: {  	[tilespmem:$0x4F00] =	vst v0  }
0x47: {  	v0 =	vld [tilespmem:s22+$0x10];
	_ =	sdelay $0x4  }
0x48: {  	[tilespmem:$0x4F10] =	vst v0  }
0x49: {  	v0 =	vld [tilespmem:s22+$0x20];
	_ =	sdelay $0x4  }
0x4a: {  	[tilespmem:$0x4F20] =	vst v0  }
0x4b: {  	v0 =	vld [tilespmem:s22+$0x30];
	_ =	sdelay $0x4  }
0x4c: {  	[tilespmem:$0x4F30] =	vst v0  }
0x4d: {  	v0 =	vld [tilespmem:s22+$0x40];
	_ =	sdelay $0x4  }
0x4e: {  	[tilespmem:$0x4F40] =	vst v0  }
0x4f: {  	v0 =	vld [tilespmem:s22+$0x50];
	_ =	sdelay $0x4  }
0x50: {  	[tilespmem:$0x4F50] =	vst v0  }
0x51: {  	v0 =	vld [tilespmem:s22+$0x60];
	_ =	sdelay $0x4  }
0x52: {  	[tilespmem:$0x4F60] =	vst v0  }
0x53: {  	v0 =	vld [tilespmem:s22+$0x70];
	_ =	sdelay $0x4  }
0x54: {  	[tilespmem:$0x4F70] =	vst v0  }
0x55: {  	v0 =	vld [tilespmem:s22+$0x2780];
	_ =	sdelay $0x4  }
0x56: {  	[tilespmem:$0x4F80] =	vst v0  }
0x57: {  	v0 =	vld [tilespmem:s22+$0x2790];
	_ =	sdelay $0x4  }
0x58: {  	[tilespmem:$0x4F90] =	vst v0  }
0x59: {  	v0 =	vld [tilespmem:s22+$0x27A0];
	_ =	sdelay $0x4  }
0x5a: {  	[tilespmem:$0x4FA0] =	vst v0  }
0x5b: {  	v0 =	vld [tilespmem:s22+$0x27B0];
	_ =	sdelay $0x4  }
0x5c: {  	[tilespmem:$0x4FB0] =	vst v0  }
0x5d: {  	v0 =	vld [tilespmem:s22+$0x27C0];
	_ =	sdelay $0x4  }
0x5e: {  	[tilespmem:$0x4FC0] =	vst v0  }
0x5f: {  	v0 =	vld [tilespmem:s22+$0x27D0];
	_ =	sdelay $0x4  }
0x60: {  	[tilespmem:$0x4FD0] =	vst v0  }
0x61: {  	v0 =	vld [tilespmem:s22+$0x27E0];
	_ =	sdelay $0x4  }
0x62: {  	[tilespmem:$0x4FE0] =	vst v0  }
0x63: {  	v0 =	vld [tilespmem:s22+$0x27F0];
	_ =	sdelay $0x4  }
0x64: {  	[tilespmem:$0x4FF0] =	vst v0  }
0x65: {  	[tilespmem:s16], [sflag:$0x1] =	stream.indirect.gather [hbm4b:s4+s14], $0x80, s15, s14, $0xb8;
	[tilespmem:$0xE000] =	vst v63  }
0x66: {  	_ =	swait.ge [sflag:s17], $0x4000  }
.Ltmp0:
0x67: {  	[sflag:s17] =	ssyncset.done $0x0;
	(pc) =	sbr.rel @p0 .LBB2_2-.Ltmp0, $4  }
0x68: {  	[sflag:s17] =	ssyncadd.s32 $0xFFFFC000  }
0x69: {  	[spmem:s2] =	stream.indirect.scatter.add.f32 [tilespmem:s16], [sflag:$0x2], $0x80, s18, s14, $0xb8;
	[tilespmem:$0xE000] =	vst v63  }
0x6a: {  	_ =	swait.ge [sflag:s12], $0x4000  }
0x6b: {  	s23 =	smov.u32 s21;
	[sflag:s12] =	ssyncset.done $0x0  }
0x6c: {  	s20 =	sshra.s32 s20, $0x2;
	[sflag:s12] =	ssyncadd.s32 $0xFFFFC000  }
0x6d: {  	v0 =	vld [tilespmem:s20+$0x0];
	_ =	sdelay $0x4  }
0x6e: {  	[tilespmem:$0x4F00] =	vst v0  }
0x6f: {  	v0 =	vld [tilespmem:s20+$0x10];
	_ =	sdelay $0x4  }
0x70: {  	[tilespmem:$0x4F10] =	vst v0  }
0x71: {  	v0 =	vld [tilespmem:s20+$0x20];
	_ =	sdelay $0x4  }
0x72: {  	[tilespmem:$0x4F20] =	vst v0  }
0x73: {  	v0 =	vld [tilespmem:s20+$0x30];
	_ =	sdelay $0x4  }
0x74: {  	[tilespmem:$0x4F30] =	vst v0  }
0x75: {  	v0 =	vld [tilespmem:s20+$0x40];
	_ =	sdelay $0x4  }
0x76: {  	[tilespmem:$0x4F40] =	vst v0  }
0x77: {  	v0 =	vld [tilespmem:s20+$0x50];
	_ =	sdelay $0x4  }
0x78: {  	[tilespmem:$0x4F50] =	vst v0  }
0x79: {  	v0 =	vld [tilespmem:s20+$0x60];
	_ =	sdelay $0x4  }
0x7a: {  	[tilespmem:$0x4F60] =	vst v0  }
0x7b: {  	v0 =	vld [tilespmem:s20+$0x70];
	_ =	sdelay $0x4  }
0x7c: {  	[tilespmem:$0x4F70] =	vst v0  }
0x7d: {  	v0 =	vld [tilespmem:s20+$0x2780];
	_ =	sdelay $0x4  }
0x7e: {  	[tilespmem:$0x4F80] =	vst v0  }
0x7f: {  	v0 =	vld [tilespmem:s20+$0x2790];
	_ =	sdelay $0x4  }
0x80: {  	[tilespmem:$0x4F90] =	vst v0  }
0x81: {  	v0 =	vld [tilespmem:s20+$0x27A0];
	_ =	sdelay $0x4  }
0x82: {  	[tilespmem:$0x4FA0] =	vst v0  }
0x83: {  	v0 =	vld [tilespmem:s20+$0x27B0];
	_ =	sdelay $0x4  }
0x84: {  	[tilespmem:$0x4FB0] =	vst v0  }
0x85: {  	v0 =	vld [tilespmem:s20+$0x27C0];
	_ =	sdelay $0x4  }
0x86: {  	[tilespmem:$0x4FC0] =	vst v0  }
0x87: {  	v0 =	vld [tilespmem:s20+$0x27D0];
	_ =	sdelay $0x4  }
0x88: {  	[tilespmem:$0x4FD0] =	vst v0  }
0x89: {  	v0 =	vld [tilespmem:s20+$0x27E0];
	_ =	sdelay $0x4  }
0x8a: {  	[tilespmem:$0x4FE0] =	vst v0  }
0x8b: {  	v0 =	vld [tilespmem:s20+$0x27F0];
	_ =	sdelay $0x4  }
0x8c: {  	[tilespmem:$0x4FF0] =	vst v0  }
0x8d: {  	[tilespmem:s16], [sflag:$0x1] =	stream.indirect.gather [hbm4b:s4+s14], $0x80, s15, s14, $0xb8;
	[tilespmem:$0xE000] =	vst v63  }
0x8e: {  	_ =	swait.ge [sflag:s17], $0x4000  }
0x8f: {  	[sflag:s17] =	ssyncset.done $0x0  }
0x90: {  	[sflag:s17] =	ssyncadd.s32 $0xFFFFC000  }
0x91: {  	[spmem:s2] =	stream.indirect.scatter.add.f32 [tilespmem:s16], [sflag:$0x2], $0x80, s18, s14, $0xb8;
	[tilespmem:$0xE000] =	vst v63  }
0x92: {  	_ =	swait.ge [sflag:s12], $0x4000  }
0x93: {  	s19 =	sadd.s32 $0x1, s19;
	[sflag:s12] =	ssyncset.done $0x0  }
0x94: {  	p0 =	sne.s32 s19, s10;
	[sflag:s12] =	ssyncadd.s32 $0xFFFFC000  }
.Ltmp1:
0x95: {  	[bflag:$0x0] =	sbarrier.arrive $0xFFFF;
	(pc) =	sbr.rel @p0 .LBB2_1-.Ltmp1, $4  }
0x96: {  	[hbm:s9], [sflag:s6] =	dma.local [spmem:s11], $0xA00  }
0x97: {  	_ =	swait.ge [sflag:s12], $0xA00  }
0x98: {  	[sflag:s12] =	ssyncset.done $0x0  }
0x99: {  	[sflag:s12] =	ssyncadd.s32 $0xFFFFF600  }
0x9a: {  	_ =	sfence.sel $0x180000  }
0x9b: {  	[bflag:$0x0] =	sbarrier.arrive $0xFFFF  }
0x9c: {  	p0 =	sne.s32 s0, $0x0;
	_ =	strace $0x90000059  }
0x9d: {  	s0 =	sadd.s32 @!p0 $0x100000, s1;
	[bflag:$0x2] =	sbarrier.arrive $0xFFFF  }
0x9e: {  	[sflag:s0] =	ssyncadd.tile.s32 @!p0 $0x1;
	_ =	shalt  }
.Lfunc_end2:
_tile_overlayer_lowered:
.L_overlay_start_2:
0x9f: {  	(tag) =	ssettag $0x2  }
0xa0: {  	s0 =	rddreg [dreg:$0x0];
	s2 =	stileid.u32  }
0xa1: {  	s1 =	rddreg [dreg:$0x1];
	p0 =	sne.s32 s2, $0x0  }
0xa2: {  	s3 =	rddreg [dreg:$0x2];
	[bflag:$0x3] =	sbarrier.arrive $0xFFFF;
	s2 =	simm.s32 @!p0 $0x1C02  }
0xa3: {  	[timem:s3], [sflag:s2] =	dma.local @!p0 [hbm:s0], s1  }
0xa4: {  	s0 =	simm.s32 @!p0 $0x2  }
0xa5: {  	_ =	swait.ge @!p0 [sflag:s0], s1  }
0xa6: {  	s1 =	ssub.s32 @!p0 $0x0, s1;
	[sflag:s0] =	ssyncset.done @!p0 $0x0  }
0xa7: {  	[sflag:s0] =	ssyncadd.s32 @!p0 s1  }
0xa8: {  	[bflag:$0x3] =	sbarrier.arrive $0xFFFF  }
0xa9: {  	_ =	shalt  }

// kernel: kernel.39.cloned.1.call-start
scs
__scs_entry_jumppad:
0x0: {  	(pc) =	sbr.rel $0x88, $3  }
0x1: {  	(tag) =	ssettag $0x0;
	lr =	simm.s32 $0x1  }
0x2: {  	[smem:$0x3F98] =	sst lr;
	_ =	strace $0xD0000000  }
0x3: {  	_ = 	snop  }
0x4: {  	_ = 	snop  }
0x5: {  	_ = 	snop  }
0x6: {  	_ = 	snop  }
0x7: {  	_ = 	snop  }
__scs_overlays_trampoline_lowered:
0x8: {  	[smem:$0x3FA7] =	sst s0  }
0x9: {  	[smem:$0x3FA8] =	sst s1  }
0xa: {  	[smem:$0x3FA9] =	sst s2  }
0xb: {  	[smem:$0x3FAA] =	sst s3  }
0xc: {  	[smem:$0x3FAB] =	sst s4  }
0xd: {  	[smem:$0x3FAC] =	sst s5  }
0xe: {  	[smem:$0x3FAD] =	sst s6  }
0xf: {  	[smem:$0x3FAE] =	sst s7  }
0x10: {  	[smem:$0x3FAF] =	sst s8  }
0x11: {  	[smem:$0x3FB0] =	sst s9;
	s0 =	simm.s32 @!p0 $0x0  }
0x12: {  	s1 =	sld [smem:$0x3F96];
	s0 =	simm.s32 @p0 $0x1  }
0x13: {  	[smem:$0x3FB1] =	sst s0;
	s0 =	simm.s32 @!p1 $0x0  }
0x14: {  	s2 =	sld [smem:$0x3F95];
	s0 =	simm.s32 @p1 $0x1  }
0x15: {  	[smem:$0x3FB2] =	sst s0;
	s0 =	simm.s32 @!p2 $0x0  }
0x16: {  	s3 =	sld [smem:$0x3FDB];
	s0 =	simm.s32 @p2 $0x1  }
0x17: {  	s4 =	simm.s32 $0x1BF5;
	[smem:$0x3FB4] =	sst s0  }
0x18: {  	s0 =	sld [smem:$0x3F97];
	_ =	swait.ge [sflag:s4], $0x0  }
0x19: {  	s7 =	sld [smem:$0x3F98]  }
0x1a: {  	s8 =	sadd.s32 $0xFFFFE003, lr  }
0x1b: {  	s9 =	sadd.s32 $0xFFFFFEF7, lr;
	s5 =	simm.s32 $0xFFFFFFFF;
	p2 =	slt.u32 s8, $0xFFFFF086  }
0x1c: {  	p1 =	slt.u32 s9, $0xF7A;
	s5 =	simm.s32 @!p2 $0x0  }
0x1d: {  	s5 =	simm.s32 @p1 $0x1;
	p0 =	seq.s32 s7, s2  }
0x1e: {  	s7 =	smul.u32 @!p0 $0xF7A, s2;
	p2 =	seq.s32 @!p0 s5, $0x0  }
0x1f: {  	s9 =	smul.u32 $0xF7A, s1;
	s8 =	simm.s32 @!p0 $0x1BF5;
	p2 =	por !p2, p0  }
0x20: {  	[sflag:s8] =	ssyncset.s32 @!p0 $0xFFFFF086;
	s6 =	sadd.s32 @!p0 s3, s7;
	s7 =	simm.s32 @!p0 $0x108  }
0x21: {  	s3 =	sadd.s32 s3, s9;
	s6 =	sadd.s32 @!p0 $0x88, s6;
	s7 =	simm.s32 @p2 $0x1082  }
0x22: {  	[simem:s7], [sflag:s8] =	dma.local @!p0 [hbm:s6], $0xF7A  }
0x23: {  	s9 =	sor.u32 $0xD0000000, s2;
	s6 =	simm.s32 $0x108;
	_ =	swait.ge @!p0 [sflag:s8], $0x0  }
0x24: {  	s3 =	sadd.s32 $0x88, s3;
	s6 =	simm.s32 @!p1 $0x1082;
	[sflag:s4] =	ssyncset.s32 $0xFFFFF086  }
0x25: {  	[simem:s6], [sflag:s4] =	dma.local [hbm:s3], $0xF7A  }
0x26: {  	[smem:$0x3F98] =	sst s1;
	(tag) =	ssettag s2;
	_ =	strace s9  }
0x27: {  	s1 =	sld [smem:$0x3FA8]  }
0x28: {  	s2 =	sld [smem:$0x3FA9]  }
0x29: {  	s4 =	sld [smem:$0x3FAB]  }
0x2a: {  	p0 =	seq.s32 s5, $0x0;
	s5 =	sld [smem:$0x3FAC]  }
0x2b: {  	s6 =	sld [smem:$0x3FAD]  }
0x2c: {  	s7 =	sld [smem:$0x3FAE]  }
0x2d: {  	s3 =	simm.s32 $0x108;
	s8 =	sld [smem:$0x3FAF]  }
0x2e: {  	s3 =	simm.s32 @!p0 $0x1082;
	s9 =	sld [smem:$0x3FB0]  }
0x2f: {  	lr =	sadd.s32 s0, s3;
	s0 =	sld [smem:$0x3FA7]  }
0x30: {  	s3 =	sld [smem:$0x3FAA]  }
0x31: {  	[smem:$0x3FB3] =	sst s10  }
0x32: {  	s10 =	sld [smem:$0x3FB1];
	_ =	sdelay $0x3  }
0x33: {  	p0 =	seq.s32 s10, $0x1;
	s10 =	sld [smem:$0x3FB3];
	_ =	sdelay $0x3  }
0x34: {  	[smem:$0x3FB3] =	sst s10  }
0x35: {  	s10 =	sld [smem:$0x3FB2];
	_ =	sdelay $0x3  }
0x36: {  	p1 =	seq.s32 s10, $0x1;
	s10 =	sld [smem:$0x3FB3];
	_ =	sdelay $0x3  }
0x37: {  	[smem:$0x3FB3] =	sst s10  }
0x38: {  	s10 =	sld [smem:$0x3FB4]  }
0x39: {  	_ = 	snop;
	(pc) =	sbr.ind lr, $3  }
0x3a: {  	_ = 	snop  }
0x3b: {  	_ = 	snop  }
0x3c: {  	p2 =	seq.s32 s10, $0x1;
	s10 =	sld [smem:$0x3FB3]  }
0x3d: {  	_ =	shalt  }
0x3e: {  	_ =	shalt  }
0x3f: {  	_ =	shalt  }
0x40: {  	_ =	shalt  }
0x41: {  	_ =	shalt  }
0x42: {  	_ =	shalt  }
0x43: {  	_ =	shalt  }
0x44: {  	_ =	shalt  }
0x45: {  	_ =	shalt  }
0x46: {  	_ =	shalt  }
0x47: {  	_ =	shalt  }
0x48: {  	_ =	shalt  }
0x49: {  	_ =	shalt  }
0x4a: {  	_ =	shalt  }
0x4b: {  	_ =	shalt  }
0x4c: {  	_ =	shalt  }
0x4d: {  	_ =	shalt  }
0x4e: {  	_ =	shalt  }
0x4f: {  	_ =	shalt  }
0x50: {  	_ =	shalt  }
0x51: {  	_ =	shalt  }
0x52: {  	_ =	shalt  }
0x53: {  	_ =	shalt  }
0x54: {  	_ =	shalt  }
0x55: {  	_ =	shalt  }
0x56: {  	_ =	shalt  }
0x57: {  	_ =	shalt  }
0x58: {  	_ =	shalt  }
0x59: {  	_ =	shalt  }
0x5a: {  	_ =	shalt  }
0x5b: {  	_ =	shalt  }
0x5c: {  	_ =	shalt  }
0x5d: {  	_ =	shalt  }
0x5e: {  	_ =	shalt  }
0x5f: {  	_ =	shalt  }
0x60: {  	_ =	shalt  }
0x61: {  	_ =	shalt  }
0x62: {  	_ =	shalt  }
0x63: {  	_ =	shalt  }
0x64: {  	_ =	shalt  }
0x65: {  	_ =	shalt  }
0x66: {  	_ =	shalt  }
0x67: {  	_ =	shalt  }
0x68: {  	_ =	shalt  }
0x69: {  	_ =	shalt  }
0x6a: {  	_ =	shalt  }
0x6b: {  	_ =	shalt  }
0x6c: {  	_ =	shalt  }
0x6d: {  	_ =	shalt  }
0x6e: {  	_ =	shalt  }
0x6f: {  	_ =	shalt  }
0x70: {  	_ =	shalt  }
0x71: {  	_ =	shalt  }
0x72: {  	_ =	shalt  }
0x73: {  	_ =	shalt  }
0x74: {  	_ =	shalt  }
0x75: {  	_ =	shalt  }
0x76: {  	_ =	shalt  }
0x77: {  	_ =	shalt  }
0x78: {  	_ =	shalt  }
0x79: {  	_ =	shalt  }
0x7a: {  	_ =	shalt  }
0x7b: {  	_ =	shalt  }
0x7c: {  	_ =	shalt  }
0x7d: {  	_ =	shalt  }
0x7e: {  	_ =	shalt  }
0x7f: {  	_ =	shalt  }
0x80: {  	_ =	shalt  }
0x81: {  	_ =	shalt  }
0x82: {  	_ =	shalt  }
0x83: {  	_ =	shalt  }
0x84: {  	_ =	shalt  }
0x85: {  	_ =	shalt  }
0x86: {  	_ =	shalt  }
0x87: {  	_ =	shalt  }
.Lfunc_end0:
.L_simem_size_0:
called_computation.7_lowered:
.L_overlay_start_0:
0x88: {  	s2 =	sld [smem:$0x3FD9]  }
0x89: {  	s3 =	sld [smem:$0x3FFE];
	_ =	sdelay $0x1  }
0x8a: {  	s1 =	srdreg.scid  }
0x8b: {  	s0 =	sand.u32 $0x1, s1  }
0x8c: {  	s16 =	sshll.u32 s0, $0xA;
	s2 =	sadd.s32 s3, s2  }
0x8d: {  	s2 =	sadd.s32 s2, s16  }
0x8e: {  	[smem:$0x3FBF] =	sst s2  }
0x8f: {  	_ = 	snop  }
0x90: {  	(tm) =	ssettm $0x1  }
0x91: {  	s17 =	sld [smem:$0x3FFB];
	_ =	sdelay $0x3  }
0x92: {  	_ =	strace s17  }
0x93: {  	s2 =	sld [smem:$0x3FFC];
	_ =	sdelay $0x3  }
0x94: {  	_ =	strace s2  }
0x95: {  	s2 =	sld [smem:$0x3FFD];
	_ =	sdelay $0x3  }
0x96: {  	_ =	strace s2  }
0x97: {  	_ =	strace $0x8FFFFFFF  }
0x98: {  	s18 =	sld [smem:$0x3FDB];
	_ =	sdelay $0x1  }
0x99: {  	s19 =	simm.s32 $_scs_section_size  }
0x9a: {  	s4 =	simm.s32 $_size__tile_overlayer_lowered;
	s5 =	simm.s32 $_tile_overlayer_lowered  }
0x9b: {  	s22 =	simm.s32 $0x1BFF;
	s21 =	sshll.u32 s5, $0x1;
	s2 =	sadd.s32 s19, s18  }
0x9c: {  	s6 =	simm.s32 $0x0;
	s20 =	sshll.u32 s4, $0x1;
	s4 =	sadd.s32 s21, s2  }
0x9d: {  	[timem:s6], [sflag:s22] =	dma.local [hbm:s4], s20  }
0x9e: {  	_ =	swait.ge [sflag:s22], s20  }
0x9f: {  	s3 =	ssub.s32 $0x0, s20;
	[sflag:s22] =	ssyncset.done $0x0  }
0xa0: {  	[sflag:s22] =	ssyncadd.s32 s3;
	_ =	sdelay $0x1  }
0xa1: {  	s23 =	simm.s32 $0x1B8B  }
0xa2: {  	_ =	swait.ge [sflag:s23], $0x1  }
0xa3: {  	[sflag:s23] =	ssyncset.done $0x0  }
0xa4: {  	s25 =	simm.s32 $0x1B8E;
	s24 =	sld [smem:$0x3FFE];
	[sflag:s23] =	ssyncadd.s32 $0xFFFFFFFF  }
0xa5: {  	s26 =	simm.s32 $execute0_lowered;
	[smem:$0x3FD2] =	sst s25  }
0xa6: {  	s4 =	sshll.u32 s26, $0x1;
	_ =	strace $0x8000005B;
	[dreg:$0x1] =	wrdreg $0xFFFFFFFF  }
0xa7: {  	s28 =	simm.s32 $_size_execute0_lowered;
	s2 =	sadd.s32 s2, s4;
	[dreg:$0x0] =	wrdreg $0x0  }
0xa8: {  	s4 =	sshll.u32 s28, $0x1;
	[dreg:$0x2] =	wrdreg s2  }
0xa9: {  	[dreg:$0x3] =	wrdreg s4  }
0xaa: {  	[dreg:$0x4] =	wrdreg $0xC0  }
0xab: {  	_ =	task [dreg:s6], $0x5FFFF  }
0xac: {  	[dreg:$0x1] =	wrdreg $0xFFFFFFFF  }
0xad: {  	[dreg:$0x0] =	wrdreg $0x60  }
0xae: {  	[dreg:$0x2] =	wrdreg s24  }
0xaf: {  	[dreg:$0x3] =	wrdreg $0x90000  }
0xb0: {  	[dreg:$0x4] =	wrdreg $0x9  }
0xb1: {  	_ =	task.clear_ibuf [dreg:s6], $0x5FFFF;
	_ =	strace $0x9000005B  }
0xb2: {  	s29 =	simm.s32 $0x9;
	_ =	strace $0x8000005D  }
0xb3: {  	_ =	swait.ge [sflag:s29], $0x1  }
0xb4: {  	[sflag:s29] =	ssyncadd.s32 $0xFFFFFFFF  }
0xb5: {  	_ =	strace $0x9000005D  }
0xb6: {  	_ =	sfence  }
0xb7: {  	s30 =	sld [smem:$0x0];
	_ =	sdelay $0x2  }
0xb8: {  	s31 =	sshll.u32 s1, $0xD;
	s1 =	sshrl.u32 s1, $0x2  }
0xb9: {  	s3 =	sand.u32 $0x4000, s31;
	s1 =	sadd.s32 s1, s30  }
0xba: {  	s0 =	sor.u32 s3, s0;
	s1 =	sshll.u32 s1, $0x11  }
0xbb: {  	s0 =	sor.u32 s1, s0  }
0xbc: {  	s0 =	sadd.s32 $0x8F2B, s0  }
0xbd: {  	[sflag:s0] =	ssyncadd.remote.s32 $0x1  }
0xbe: {  	_ =	sfence.sel $0xFFFF  }
0xbf: {  	[dreg:$0x0] =	wrdreg $0xFFFFFFFF;
	(pc) =	sbr.abs _section_cstart, $3  }
0xc0: {  	[dreg:$0x1] =	wrdreg $0xFFFFFFFF  }
0xc1: {  	_ =	task.clear_ibuf [dreg:s6], $0x2FFFF;
	_ =	strace $0x9FFFFFFF  }
0xc2: {  	(tm) =	ssettm $0x7FFFFFFF  }
0xc3: {  	_ =	shalt  }
tec
execute0_lowered:
.L_overlay_start_1:
0x0: {  	(tag) =	ssettag $0x1  }
0x1: {  	s1 =	srdreg.scid;
	s6 =	rddreg [dreg:$0x0]  }
0x2: {  	s0 =	stileid.u32;
	s2 =	rddreg [dreg:$0x1];
	s3 =	simm.s32 $0x0  }
0x3: {  	s14 =	simm.s32 $0x80;
	s15 =	simm.s32 $0x4F00;
	s16 =	simm.s32 $0x5000  }
0x4: {  	s17 =	simm.s32 $0x1;
	s18 =	simm.s32 $0x4F80;
	s19 =	simm.s32 $0x0  }
0x5: {  	s5 =	sand.u32 $0x1, s1;
	s24 =	sshll.u32 s0, $0x1;
	s9 =	smul.u32 $0x13C00, s0  }
0x6: {  	[smem:$0x7FF] =	sst s3;
	s4 =	sadd.s32 $0x14200, s6;
	s28 =	smul.u32 $0x4F000, s0  }
0x7: {  	s31 =	sshll.u32 s0, $0x6;
	s1 =	sor.u32 s5, s24;
	s8 =	smul.u32 $0x13C000, s5  }
0x8: {  	s26 =	ssub.s32 $0x2, s5;
	s5 =	sadd.s32 $0x11A00, s6;
	s7 =	smul.u32 $0x4F0, s1  }
0x9: {  	s1 =	rddreg [dreg:$0x2];
	_ =	strace $0x8000005C;
	s29 =	sshrl.u32 s26, $0x1  }
0xa: {  	s30 =	sshrl.u32 s28, $0x2;
	s25 =	sadd.s32 s9, s8;
	s12 =	ssub.s32 s26, s29  }
0xb: {  	s13 =	sadd.s32 s30, s2;
	s10 =	sadd.s32 s7, s6;
	s7 =	sshrl.u32 s25, $0x3  }
0xc: {  	s11 =	sadd.s32 s7, s6;
	s6 =	sor.u32 $0x1C02, s31;
	s7 =	sadd.s32 $0x7400, s10  }
0xd: {  	s8 =	sadd.s32 $0x28200, s10;
	s10 =	smax.u32 s12, $0x1;
	s12 =	simm.s32 $0x2  }
0xe: {  	s9 =	sadd.s32 $0xBC800, s11;
	s11 =	sshrl.u32 s13, $0x3;
	s13 =	simm.s32 $0x2780  }
.LBB2_1:
0xf: {  	[spmem:s11], [sflag:s6] =	dma.local [hbm:s5], $0x2780  }
0x10: {  	_ =	swait.ge [sflag:s12], $0x2780  }
0x11: {  	[sflag:s12] =	ssyncset.done $0x0  }
0x12: {  	[sflag:s12] =	ssyncadd.s32 $0xFFFFD880  }
0x13: {  	[tilespmem:s3], [sflag:$0x2] =	stream.linear.gather [hbm4b:s7+s3], $0x2780, $0x38;
	[tilespmem:$0x1CC00] =	vst v63  }
0x14: {  	_ =	swait.ge [sflag:s12], $0x2780  }
0x15: {  	[sflag:s12] =	ssyncset.done $0x0  }
0x16: {  	[sflag:s12] =	ssyncadd.s32 $0xFFFFD880  }
0x17: {  	[tilespmem:s13], [sflag:$0x2] =	stream.linear.gather [hbm4b:s8+s3], $0x2780, $0x38;
	[tilespmem:$0x1CC00] =	vst v63  }
0x18: {  	_ =	swait.ge [sflag:s12], $0x2780  }
0x19: {  	[sflag:s12] =	ssyncset.done $0x0  }
0x1a: {  	[sflag:s12] =	ssyncadd.s32 $0xFFFFD880  }
0x1b: {  	s20 =	simm.s32 $0x0;
	[bflag:$0x0] =	sbarrier.arrive $0xFFFF  }
0x1c: {  	v0 =	vld [tilespmem:s20+$0x0];
	_ =	sdelay $0x4  }
0x1d: {  	[tilespmem:$0x4F00] =	vst v0  }
0x1e: {  	v0 =	vld [tilespmem:s20+$0x10];
	_ =	sdelay $0x4  }
0x1f: {  	[tilespmem:$0x4F10] =	vst v0  }
0x20: {  	v0 =	vld [tilespmem:s20+$0x20];
	_ =	sdelay $0x4  }
0x21: {  	[tilespmem:$0x4F20] =	vst v0  }
0x22: {  	v0 =	vld [tilespmem:s20+$0x30];
	_ =	sdelay $0x4  }
0x23: {  	[tilespmem:$0x4F30] =	vst v0  }
0x24: {  	v0 =	vld [tilespmem:s20+$0x40];
	_ =	sdelay $0x4  }
0x25: {  	[tilespmem:$0x4F40] =	vst v0  }
0x26: {  	v0 =	vld [tilespmem:s20+$0x50];
	_ =	sdelay $0x4  }
0x27: {  	[tilespmem:$0x4F50] =	vst v0  }
0x28: {  	v0 =	vld [tilespmem:s20+$0x60];
	_ =	sdelay $0x4  }
0x29: {  	[tilespmem:$0x4F60] =	vst v0  }
0x2a: {  	v0 =	vld [tilespmem:s20+$0x70];
	_ =	sdelay $0x4  }
0x2b: {  	[tilespmem:$0x4F70] =	vst v0  }
0x2c: {  	v0 =	vld [tilespmem:s20+$0x2780];
	_ =	sdelay $0x4  }
0x2d: {  	[tilespmem:$0x4F80] =	vst v0  }
0x2e: {  	v0 =	vld [tilespmem:s20+$0x2790];
	_ =	sdelay $0x4  }
0x2f: {  	[tilespmem:$0x4F90] =	vst v0  }
0x30: {  	v0 =	vld [tilespmem:s20+$0x27A0];
	_ =	sdelay $0x4  }
0x31: {  	[tilespmem:$0x4FA0] =	vst v0  }
0x32: {  	v0 =	vld [tilespmem:s20+$0x27B0];
	_ =	sdelay $0x4  }
0x33: {  	[tilespmem:$0x4FB0] =	vst v0  }
0x34: {  	v0 =	vld [tilespmem:s20+$0x27C0];
	_ =	sdelay $0x4  }
0x35: {  	[tilespmem:$0x4FC0] =	vst v0  }
0x36: {  	v0 =	vld [tilespmem:s20+$0x27D0];
	_ =	sdelay $0x4  }
0x37: {  	[tilespmem:$0x4FD0] =	vst v0  }
0x38: {  	v0 =	vld [tilespmem:s20+$0x27E0];
	_ =	sdelay $0x4  }
0x39: {  	[tilespmem:$0x4FE0] =	vst v0  }
0x3a: {  	v0 =	vld [tilespmem:s20+$0x27F0];
	_ =	sdelay $0x4  }
0x3b: {  	[tilespmem:$0x4FF0] =	vst v0  }
0x3c: {  	[tilespmem:s16], [sflag:$0x1] =	stream.indirect.gather [hbm4b:s4+s14], $0x80, s15, s14, $0xb8;
	[tilespmem:$0x1CC00] =	vst v63  }
0x3d: {  	_ =	swait.ge [sflag:s17], $0x4000  }
0x3e: {  	[sflag:s17] =	ssyncset.done $0x0  }
0x3f: {  	[sflag:s17] =	ssyncadd.s32 $0xFFFFC000  }
0x40: {  	[spmem:s2] =	stream.indirect.scatter.add.f32 [tilespmem:s16], [sflag:$0x2], $0x80, s18, s14, $0xb8;
	[tilespmem:$0x1CC00] =	vst v63  }
0x41: {  	_ =	swait.ge [sflag:s12], $0x4000  }
0x42: {  	s23 =	simm.s32 $0x400;
	s20 =	simm.s32 $0x200;
	[sflag:s12] =	ssyncset.done $0x0  }
.LBB2_2:
0x43: {  	s22 =	sshra.s32 s20, $0x2  }
0x44: {  	[sflag:s12] =	ssyncadd.s32 $0xFFFFC000;
	s20 =	smov.u32 s23;
	s21 =	sadd.s32 $0x200, s23  }
0x45: {  	p0 =	sne.s32 s23, $0x9C00;
	v0 =	vld [tilespmem:s22+$0x0];
	_ =	sdelay $0x4  }
0x46: {  	[tilespmem:$0x4F00] =	vst v0  }
0x47: {  	v0 =	vld [tilespmem:s22+$0x10];
	_ =	sdelay $0x4  }
0x48: {  	[tilespmem:$0x4F10] =	vst v0  }
0x49: {  	v0 =	vld [tilespmem:s22+$0x20];
	_ =	sdelay $0x4  }
0x4a: {  	[tilespmem:$0x4F20] =	vst v0  }
0x4b: {  	v0 =	vld [tilespmem:s22+$0x30];
	_ =	sdelay $0x4  }
0x4c: {  	[tilespmem:$0x4F30] =	vst v0  }
0x4d: {  	v0 =	vld [tilespmem:s22+$0x40];
	_ =	sdelay $0x4  }
0x4e: {  	[tilespmem:$0x4F40] =	vst v0  }
0x4f: {  	v0 =	vld [tilespmem:s22+$0x50];
	_ =	sdelay $0x4  }
0x50: {  	[tilespmem:$0x4F50] =	vst v0  }
0x51: {  	v0 =	vld [tilespmem:s22+$0x60];
	_ =	sdelay $0x4  }
0x52: {  	[tilespmem:$0x4F60] =	vst v0  }
0x53: {  	v0 =	vld [tilespmem:s22+$0x70];
	_ =	sdelay $0x4  }
0x54: {  	[tilespmem:$0x4F70] =	vst v0  }
0x55: {  	v0 =	vld [tilespmem:s22+$0x2780];
	_ =	sdelay $0x4  }
0x56: {  	[tilespmem:$0x4F80] =	vst v0  }
0x57: {  	v0 =	vld [tilespmem:s22+$0x2790];
	_ =	sdelay $0x4  }
0x58: {  	[tilespmem:$0x4F90] =	vst v0  }
0x59: {  	v0 =	vld [tilespmem:s22+$0x27A0];
	_ =	sdelay $0x4  }
0x5a: {  	[tilespmem:$0x4FA0] =	vst v0  }
0x5b: {  	v0 =	vld [tilespmem:s22+$0x27B0];
	_ =	sdelay $0x4  }
0x5c: {  	[tilespmem:$0x4FB0] =	vst v0  }
0x5d: {  	v0 =	vld [tilespmem:s22+$0x27C0];
	_ =	sdelay $0x4  }
0x5e: {  	[tilespmem:$0x4FC0] =	vst v0  }
0x5f: {  	v0 =	vld [tilespmem:s22+$0x27D0];
	_ =	sdelay $0x4  }
0x60: {  	[tilespmem:$0x4FD0] =	vst v0  }
0x61: {  	v0 =	vld [tilespmem:s22+$0x27E0];
	_ =	sdelay $0x4  }
0x62: {  	[tilespmem:$0x4FE0] =	vst v0  }
0x63: {  	v0 =	vld [tilespmem:s22+$0x27F0];
	_ =	sdelay $0x4  }
0x64: {  	[tilespmem:$0x4FF0] =	vst v0  }
0x65: {  	[tilespmem:s16], [sflag:$0x1] =	stream.indirect.gather [hbm4b:s4+s14], $0x80, s15, s14, $0xb8;
	[tilespmem:$0x1CC00] =	vst v63  }
0x66: {  	_ =	swait.ge [sflag:s17], $0x4000  }
.Ltmp0:
0x67: {  	[sflag:s17] =	ssyncset.done $0x0;
	(pc) =	sbr.rel @p0 .LBB2_2-.Ltmp0, $4  }
0x68: {  	[sflag:s17] =	ssyncadd.s32 $0xFFFFC000  }
0x69: {  	[spmem:s2] =	stream.indirect.scatter.add.f32 [tilespmem:s16], [sflag:$0x2], $0x80, s18, s14, $0xb8;
	[tilespmem:$0x1CC00] =	vst v63  }
0x6a: {  	_ =	swait.ge [sflag:s12], $0x4000  }
0x6b: {  	s23 =	smov.u32 s21;
	[sflag:s12] =	ssyncset.done $0x0  }
0x6c: {  	s20 =	sshra.s32 s20, $0x2;
	[sflag:s12] =	ssyncadd.s32 $0xFFFFC000  }
0x6d: {  	v0 =	vld [tilespmem:s20+$0x0];
	_ =	sdelay $0x4  }
0x6e: {  	[tilespmem:$0x4F00] =	vst v0  }
0x6f: {  	v0 =	vld [tilespmem:s20+$0x10];
	_ =	sdelay $0x4  }
0x70: {  	[tilespmem:$0x4F10] =	vst v0  }
0x71: {  	v0 =	vld [tilespmem:s20+$0x20];
	_ =	sdelay $0x4  }
0x72: {  	[tilespmem:$0x4F20] =	vst v0  }
0x73: {  	v0 =	vld [tilespmem:s20+$0x30];
	_ =	sdelay $0x4  }
0x74: {  	[tilespmem:$0x4F30] =	vst v0  }
0x75: {  	v0 =	vld [tilespmem:s20+$0x40];
	_ =	sdelay $0x4  }
0x76: {  	[tilespmem:$0x4F40] =	vst v0  }
0x77: {  	v0 =	vld [tilespmem:s20+$0x50];
	_ =	sdelay $0x4  }
0x78: {  	[tilespmem:$0x4F50] =	vst v0  }
0x79: {  	v0 =	vld [tilespmem:s20+$0x60];
	_ =	sdelay $0x4  }
0x7a: {  	[tilespmem:$0x4F60] =	vst v0  }
0x7b: {  	v0 =	vld [tilespmem:s20+$0x70];
	_ =	sdelay $0x4  }
0x7c: {  	[tilespmem:$0x4F70] =	vst v0  }
0x7d: {  	v0 =	vld [tilespmem:s20+$0x2780];
	_ =	sdelay $0x4  }
0x7e: {  	[tilespmem:$0x4F80] =	vst v0  }
0x7f: {  	v0 =	vld [tilespmem:s20+$0x2790];
	_ =	sdelay $0x4  }
0x80: {  	[tilespmem:$0x4F90] =	vst v0  }
0x81: {  	v0 =	vld [tilespmem:s20+$0x27A0];
	_ =	sdelay $0x4  }
0x82: {  	[tilespmem:$0x4FA0] =	vst v0  }
0x83: {  	v0 =	vld [tilespmem:s20+$0x27B0];
	_ =	sdelay $0x4  }
0x84: {  	[tilespmem:$0x4FB0] =	vst v0  }
0x85: {  	v0 =	vld [tilespmem:s20+$0x27C0];
	_ =	sdelay $0x4  }
0x86: {  	[tilespmem:$0x4FC0] =	vst v0  }
0x87: {  	v0 =	vld [tilespmem:s20+$0x27D0];
	_ =	sdelay $0x4  }
0x88: {  	[tilespmem:$0x4FD0] =	vst v0  }
0x89: {  	v0 =	vld [tilespmem:s20+$0x27E0];
	_ =	sdelay $0x4  }
0x8a: {  	[tilespmem:$0x4FE0] =	vst v0  }
0x8b: {  	v0 =	vld [tilespmem:s20+$0x27F0];
	_ =	sdelay $0x4  }
0x8c: {  	[tilespmem:$0x4FF0] =	vst v0  }
0x8d: {  	[tilespmem:s16], [sflag:$0x1] =	stream.indirect.gather [hbm4b:s4+s14], $0x80, s15, s14, $0xb8;
	[tilespmem:$0x1CC00] =	vst v63  }
0x8e: {  	_ =	swait.ge [sflag:s17], $0x4000  }
0x8f: {  	[sflag:s17] =	ssyncset.done $0x0  }
0x90: {  	[sflag:s17] =	ssyncadd.s32 $0xFFFFC000  }
0x91: {  	[spmem:s2] =	stream.indirect.scatter.add.f32 [tilespmem:s16], [sflag:$0x2], $0x80, s18, s14, $0xb8;
	[tilespmem:$0x1CC00] =	vst v63  }
0x92: {  	_ =	swait.ge [sflag:s12], $0x4000  }
0x93: {  	s19 =	sadd.s32 $0x1, s19;
	[sflag:s12] =	ssyncset.done $0x0  }
0x94: {  	p0 =	sne.s32 s19, s10;
	[sflag:s12] =	ssyncadd.s32 $0xFFFFC000  }
.Ltmp1:
0x95: {  	[bflag:$0x0] =	sbarrier.arrive $0xFFFF;
	(pc) =	sbr.rel @p0 .LBB2_1-.Ltmp1, $4  }
0x96: {  	[hbm:s9], [sflag:s6] =	dma.local [spmem:s11], $0x2780  }
0x97: {  	_ =	swait.ge [sflag:s12], $0x2780  }
0x98: {  	[sflag:s12] =	ssyncset.done $0x0  }
0x99: {  	[sflag:s12] =	ssyncadd.s32 $0xFFFFD880  }
0x9a: {  	_ =	sfence.sel $0x180000  }
0x9b: {  	[bflag:$0x0] =	sbarrier.arrive $0xFFFF  }
0x9c: {  	p0 =	sne.s32 s0, $0x0;
	_ =	strace $0x9000005C  }
0x9d: {  	s0 =	sadd.s32 @!p0 $0x100000, s1;
	[bflag:$0x2] =	sbarrier.arrive $0xFFFF  }
0x9e: {  	[sflag:s0] =	ssyncadd.tile.s32 @!p0 $0x1;
	_ =	shalt  }
.Lfunc_end2:
_tile_overlayer_lowered:
.L_overlay_start_2:
0x9f: {  	(tag) =	ssettag $0x2  }
0xa0: {  	s0 =	rddreg [dreg:$0x0];
	s2 =	stileid.u32  }
0xa1: {  	s1 =	rddreg [dreg:$0x1];
	p0 =	sne.s32 s2, $0x0  }
0xa2: {  	s3 =	rddreg [dreg:$0x2];
	[bflag:$0x3] =	sbarrier.arrive $0xFFFF;
	s2 =	simm.s32 @!p0 $0x1C02  }
0xa3: {  	[timem:s3], [sflag:s2] =	dma.local @!p0 [hbm:s0], s1  }
0xa4: {  	s0 =	simm.s32 @!p0 $0x2  }
0xa5: {  	_ =	swait.ge @!p0 [sflag:s0], s1  }
0xa6: {  	s1 =	ssub.s32 @!p0 $0x0, s1;
	[sflag:s0] =	ssyncset.done @!p0 $0x0  }
0xa7: {  	[sflag:s0] =	ssyncadd.s32 @!p0 s1  }
0xa8: {  	[bflag:$0x3] =	sbarrier.arrive $0xFFFF  }
0xa9: {  	_ =	shalt  }

</sc_bundles>
